<compile_context>
chip_gen: v7x
topology: tpu7x:2x2x1
jax: 0.10.2.dev20260603
libtpu: 0.0.44.dev20260713+nightly
codegen_flags: <defaults>
</compile_context>

<pallas_src>
import functools

import jax
import jax.numpy as jnp
from jax import lax
from jax.experimental import pallas as pl
from jax.experimental.pallas import tpu as pltpu
from jax.experimental.pallas import tpu_sc as plsc

N = 10000
E = 320000
D = 128
EPS = 1e-5

W = 128
NWIN = E // W
NCORES = 2
NSUB = 16
NWORK = NCORES * NSUB
RCHUNK = 80
NCHUNK = N // RCHUNK

_MESH = plsc.VectorSubcoreMesh(core_axis_name="c", subcore_axis_name="s")


@functools.partial(
    pl.kernel,
    out_type=jax.ShapeDtypeStruct((NCORES, N), jnp.float32),
    mesh=_MESH,
    scratch_types=[
        pltpu.VMEM_SHARED((N,), jnp.float32),
        pltpu.VMEM((N,), jnp.float32),
        pltpu.VMEM((W,), jnp.float32),
        pltpu.VMEM((2, W), jnp.int32),
        pltpu.SemaphoreType.DMA,
        pltpu.SemaphoreType.DMA,
    ],
)
def _sc_degree(col_hbm, zeros_hbm, ones_hbm, deg_hbm, dacc, zbuf, ones_v,
               cidx2, isem0, isem1):
    c = lax.axis_index("c")
    s = lax.axis_index("s")
    w = c * NSUB + s

    @pl.when(s == 0)
    def _():
        pltpu.sync_copy(zeros_hbm, zbuf)
        pltpu.sync_copy(zbuf, dacc)
    pltpu.sync_copy(ones_hbm, ones_v)
    plsc.subcore_barrier()

    nfull = NWIN // NWORK
    npair = nfull // 2

    def eb(j):
        return (w + j * NWORK) * W

    pltpu.sync_copy(col_hbm.at[pl.ds(eb(0), W)], cidx2.at[0])

    @pl.loop(0, npair)
    def _(r):
        pltpu.async_copy(col_hbm.at[pl.ds(eb(2 * r + 1), W)], cidx2.at[1],
                         isem1)
        pltpu.sync_copy(ones_v, dacc.at[cidx2.at[0]], add=True)

        @pl.when(r < npair - 1)
        def _():
            pltpu.async_copy(col_hbm.at[pl.ds(eb(2 * r + 2), W)], cidx2.at[0],
                             isem0)

        pltpu.make_async_copy(col_hbm.at[pl.ds(0, W)], cidx2.at[1],
                              isem1).wait()
        pltpu.sync_copy(ones_v, dacc.at[cidx2.at[1]], add=True)

        @pl.when(r < npair - 1)
        def _():
            pltpu.make_async_copy(col_hbm.at[pl.ds(0, W)], cidx2.at[0],
                                  isem0).wait()

    @pl.when(w < NWIN - nfull * NWORK)
    def _():
        pltpu.sync_copy(col_hbm.at[pl.ds((nfull * NWORK + w) * W, W)],
                        cidx2.at[0])
        pltpu.sync_copy(ones_v, dacc.at[cidx2.at[0]], add=True)

    plsc.subcore_barrier()

    @pl.when(s == 0)
    def _():
        pltpu.sync_copy(dacc, deg_hbm.at[c])


WPW = 80
IB = 8
NBATCH = WPW // IB
NPAD = N + 16


@functools.partial(
    pl.kernel,
    out_type=jax.ShapeDtypeStruct((NCORES, NPAD, D), jnp.float32),
    mesh=_MESH,
    scratch_types=[
        pltpu.VMEM_SHARED((NPAD, D), jnp.float32),
        pltpu.VMEM((2, W, D), jnp.float32),
        pltpu.VMEM((2, IB, W), jnp.int32),
        pltpu.VMEM((2, IB, W), jnp.int32),
        pltpu.SemaphoreType.DMA,
        pltpu.SemaphoreType.DMA,
        pltpu.SemaphoreType.DMA,
        pltpu.SemaphoreType.DMA,
        pltpu.SemaphoreType.DMA,
    ],
)
def _sc_mp(h_hbm, row_hbm, col_hbm, zeros_hbm, out_hbm, acc, rows2, cidxb,
           ridxb, g0, g1, s0, s1, isem):
    gsem = [g0, g1]
    ssem = [s0, s1]
    c = lax.axis_index("c")
    s = lax.axis_index("s")
    w = c * NSUB + s
    wb = w * WPW

    pltpu.sync_copy(zeros_hbm, rows2.at[0])

    @pl.loop(0, (NCHUNK + NSUB - 1) // NSUB)
    def _(t):
        ck = s + t * NSUB

        @pl.when(ck < NCHUNK)
        def _():
            pltpu.sync_copy(rows2.at[0, pl.ds(0, RCHUNK)],
                            acc.at[pl.ds(ck * RCHUNK, RCHUNK)])

    @pl.when(s == 0)
    def _():
        pltpu.sync_copy(rows2.at[0, pl.ds(0, NPAD - N)],
                        acc.at[pl.ds(N, NPAD - N)])

    plsc.subcore_barrier()

    def load_batch_idx(kdyn, pp):
        pltpu.async_copy(col_hbm.at[pl.ds(wb + kdyn * IB, IB)],
                         cidxb.at[pp], isem)
        pltpu.async_copy(row_hbm.at[pl.ds(wb + kdyn * IB, IB)],
                         ridxb.at[pp], isem)

    def wait_batch_idx(kdyn, pp):
        pltpu.make_async_copy(col_hbm.at[pl.ds(wb + kdyn * IB, IB)],
                              cidxb.at[pp], isem).wait()
        pltpu.make_async_copy(row_hbm.at[pl.ds(wb + kdyn * IB, IB)],
                              ridxb.at[pp], isem).wait()

    def start_gather(pp, i, b):
        pltpu.async_copy(acc.at[cidxb.at[pp, i]], rows2.at[b], gsem[b])

    def wait_gather(pp, i, b):
        pltpu.make_async_copy(acc.at[cidxb.at[pp, i]], rows2.at[b],
                              gsem[b]).wait()

    def start_scatter(b, pp, i):
        pltpu.async_copy(rows2.at[b], acc.at[ridxb.at[pp, i]], ssem[b],
                         add=True)

    def wait_scatter(b, pp, i):
        pltpu.make_async_copy(rows2.at[b], acc.at[ridxb.at[pp, i]],
                              ssem[b]).wait()

    pltpu.sync_copy(col_hbm.at[pl.ds(wb, IB)], cidxb.at[0])
    pltpu.sync_copy(row_hbm.at[pl.ds(wb, IB)], ridxb.at[0])
    start_gather(0, 0, 0)

    @pl.loop(0, NBATCH // 2)
    def _(m):
        for kk in range(2):
            k = 2 * m + kk
            P = kk
            PN = 1 - kk
            for i in range(IB):
                b = i % 2

                wait_gather(P, i, b)
                start_scatter(b, P, i)

                if i == 2:
                    if kk == 0:
                        load_batch_idx(k + 1, PN)
                    else:
                        @pl.when(m < NBATCH // 2 - 1)
                        def _(k=k, PN=PN):
                            load_batch_idx(k + 1, PN)

                if i < IB - 1:
                    if i == 0:
                        if kk == 0:
                            @pl.when(m > 0)
                            def _(PN=PN):
                                wait_scatter(1, PN, IB - 1)
                        else:
                            wait_scatter(1, PN, IB - 1)
                    else:
                        wait_scatter(1 - b, P, i - 1)
                    start_gather(P, i + 1, 1 - b)
                else:
                    def cross(b=b, P=P, PN=PN, k=k, i=i):
                        wait_scatter(1 - b, P, i - 1)
                        wait_batch_idx(k + 1, PN)
                        start_gather(PN, 0, 1 - b)
                    if kk == 0:
                        cross()
                    else:
                        @pl.when(m < NBATCH // 2 - 1)
                        def _(cross=cross):
                            cross()

    wait_scatter(0, 1, IB - 2)
    wait_scatter(1, 1, IB - 1)

    plsc.subcore_barrier()

    @pl.loop(0, (NCHUNK + NSUB - 1) // NSUB)
    def _(t):
        ck = s + t * NSUB

        @pl.when(ck < NCHUNK)
        def _():
            pltpu.sync_copy(acc.at[pl.ds(ck * RCHUNK, RCHUNK)],
                            out_hbm.at[c, pl.ds(ck * RCHUNK, RCHUNK)])


_BLK = 2000


def _bn_gelu(h, g, be):
    mu = jnp.mean(h, axis=1, keepdims=True)
    var = jnp.mean((h - mu) ** 2, axis=1, keepdims=True)
    h = (h - mu) * lax.rsqrt(var + EPS)
    h = h * g + be
    return 0.5 * h * (1.0 + lax.erf(h * (2.0 ** -0.5)))


def _tc_dense1_body(x_ref, wt_ref, b_ref, g_ref, be_ref, o_ref):
    h = lax.dot_general(x_ref[...], wt_ref[...], (((1,), (0,)), ((), ())),
                        precision=lax.Precision.HIGHEST,
                        preferred_element_type=jnp.float32)
    h = h + b_ref[...]
    o_ref[...] = _bn_gelu(h, g_ref[...], be_ref[...])


def _tc_scale_body(h_ref, degp_ref, hp_ref, dis_ref):
    deg = degp_ref[0] + degp_ref[1]
    dis = lax.rsqrt(deg)
    dis_ref[...] = dis
    hp_ref[...] = h_ref[...] * dis


def _tc_layer2_body(acc_ref, dis_ref, wt_ref, b_ref, g_ref, be_ref, o_ref):
    dis = dis_ref[...]
    a = (acc_ref[0] + acc_ref[1]) * dis
    h = lax.dot_general(a, wt_ref[...], (((1,), (0,)), ((), ())),
                        precision=lax.Precision.HIGHEST,
                        preferred_element_type=jnp.float32)
    h = h + b_ref[...]
    o_ref[...] = _bn_gelu(h, g_ref[...], be_ref[...]) * dis


def _tc_final_body(acc_ref, dis_ref, o_ref):
    o_ref[...] = (acc_ref[0] + acc_ref[1]) * dis_ref[...]


def _row_spec(r, cdim):
    return pl.BlockSpec((r, cdim), lambda i: (i, 0))


def _full_spec(shape):
    return pl.BlockSpec(shape, lambda i: tuple(0 for _ in shape))


def _tc_dense1(x, w1t, b1, g1, be1):
    return pl.pallas_call(
        _tc_dense1_body,
        grid=(N // _BLK,),
        in_specs=[_row_spec(_BLK, D), _full_spec((D, D)), _full_spec((1, D)),
                  _row_spec(_BLK, 1), _row_spec(_BLK, 1)],
        out_specs=_row_spec(_BLK, D),
        out_shape=jax.ShapeDtypeStruct((N, D), jnp.float32),
    )(x, w1t, b1, g1, be1)


def _tc_scale(h, degp):
    return pl.pallas_call(
        _tc_scale_body,
        grid=(N // _BLK,),
        in_specs=[_row_spec(_BLK, D),
                  pl.BlockSpec((NCORES, _BLK, 1), lambda i: (0, i, 0))],
        out_specs=[_row_spec(_BLK, D), _row_spec(_BLK, 1)],
        out_shape=[jax.ShapeDtypeStruct((N, D), jnp.float32),
                   jax.ShapeDtypeStruct((N, 1), jnp.float32)],
    )(h, degp)


def _tc_layer2(accp, dis, w2t, b2, g2, be2):
    return pl.pallas_call(
        _tc_layer2_body,
        grid=(N // _BLK,),
        in_specs=[pl.BlockSpec((NCORES, _BLK, D), lambda i: (0, i, 0)),
                  _row_spec(_BLK, 1), _full_spec((D, D)), _full_spec((1, D)),
                  _row_spec(_BLK, 1), _row_spec(_BLK, 1)],
        out_specs=_row_spec(_BLK, D),
        out_shape=jax.ShapeDtypeStruct((N, D), jnp.float32),
    )(accp, dis, w2t, b2, g2, be2)


def _tc_final(accp, dis):
    return pl.pallas_call(
        _tc_final_body,
        grid=(N // _BLK,),
        in_specs=[pl.BlockSpec((NCORES, _BLK, D), lambda i: (0, i, 0)),
                  _row_spec(_BLK, 1)],
        out_specs=_row_spec(_BLK, D),
        out_shape=jax.ShapeDtypeStruct((N, D), jnp.float32),
    )(accp, dis)


def _window_layout(idx, pad_vals):
    nfull = NWIN // NWORK
    win = idx.reshape(NWIN, W)
    main = win[: NWORK * nfull].reshape(NWORK, nfull, W)
    pad = jnp.broadcast_to(pad_vals, (NWORK, 1, W)).astype(jnp.int32)
    extra = jnp.concatenate(
        [win[NWORK * nfull:],
         jnp.broadcast_to(pad_vals, (NWORK - (NWIN - NWORK * nfull), W))],
        axis=0).astype(jnp.int32)[:, None, :]
    return jnp.concatenate([main, extra, pad], axis=1).reshape(NWORK * WPW, W)


def kernel(x, W1, b1, g1, be1, W2, b2, g2, be2, edge_index):
    xs = x[0]
    row = edge_index[0]
    col = edge_index[1]
    zeros2d = jnp.zeros((W, D), jnp.float32)
    zeros1d = jnp.zeros((N,), jnp.float32)
    ones1d = jnp.ones((W,), jnp.float32)
    lane = jnp.arange(W, dtype=jnp.int32)
    col_l = _window_layout(col, lane)
    row_l = _window_layout(row, N + (lane % (NPAD - N)))

    degp = _sc_degree(col, zeros1d, ones1d)
    h1 = _tc_dense1(xs, W1.T, b1.reshape(1, D), g1.reshape(N, 1),
                    be1.reshape(N, 1))
    h1p, dis = _tc_scale(h1, degp.reshape(NCORES, N, 1))
    accp1 = _sc_mp(h1p, row_l, col_l, zeros2d)
    h2p = _tc_layer2(accp1, dis, W2.T, b2.reshape(1, D), g2.reshape(N, 1),
                     be2.reshape(N, 1))
    accp2 = _sc_mp(h2p, row_l, col_l, zeros2d)
    out = _tc_final(accp2, dis)
    return out[None]

# --- scband reference (transcript-rebuilt; emitter-appended) ---
"""Pipeline reference for scband-gcn-4140348474048 (READ-ONLY COPY).

The authoritative reference and input builder live on the scoring server;
editing this copy changes nothing except your own understanding.
"""

import jax, jax.numpy as jnp
import numpy as np

N = 10000
E = 320000
D = 128
EPS = 1e-5


def setup_inputs(seed: int = 0) -> dict:
    key = jax.random.key(seed)
    ks = jax.random.split(key, 10)
    x = jax.random.normal(ks[0], (1, N, D), dtype=jnp.float32)
    edge_index = jax.random.randint(ks[1], (2, E), 0, N, dtype=jnp.int32)
    # layer 1 params (Linear D->D, BatchNorm1d over node dim)
    W1 = jax.random.normal(ks[2], (D, D), dtype=jnp.float32) * 0.05
    b1 = jax.random.normal(ks[3], (D,), dtype=jnp.float32) * 0.05
    g1 = jnp.ones((N,), dtype=jnp.float32)
    be1 = jnp.zeros((N,), dtype=jnp.float32)
    # layer 2 params
    W2 = jax.random.normal(ks[4], (D, D), dtype=jnp.float32) * 0.05
    b2 = jax.random.normal(ks[5], (D,), dtype=jnp.float32) * 0.05
    g2 = jnp.ones((N,), dtype=jnp.float32)
    be2 = jnp.zeros((N,), dtype=jnp.float32)
    return {"x": x, "W1": W1, "b1": b1, "g1": g1, "be1": be1,
            "W2": W2, "b2": b2, "g2": g2, "be2": be2,
            "edge_index": edge_index}


def _gcn_layer(h, W, b, g, be, row, col, norm):
    # dropout is identity at inference
    h = h @ W.T + b
    # BatchNorm1d(num_features=node_num): input [B, C=N, L=D], normalize per node over (B, L)
    mean = jnp.mean(h, axis=(0, 2), keepdims=True)
    var = jnp.var(h, axis=(0, 2), keepdims=True)
    h = (h - mean) / jnp.sqrt(var + EPS)
    h = h * g[None, :, None] + be[None, :, None]
    h = jax.nn.gelu(h, approximate=False)
    # message passing: gather src (edge_index[1]), scale, scatter-add to dst (edge_index[0])
    msg = h[:, col, :] * norm
    out = jnp.zeros_like(h).at[:, row, :].add(msg)
    return out


def reference(x, W1, b1, g1, be1, W2, b2, g2, be2, edge_index):
    row = edge_index[0]
    col = edge_index[1]
    deg = jnp.zeros((N,), dtype=jnp.float32).at[col].add(1.0)
    deg_inv_sqrt = deg ** (-0.5)
    norm = (deg_inv_sqrt[row] * deg_inv_sqrt[col])[None, :, None]
    h = _gcn_layer(x, W1, b1, g1, be1, row, col, norm)
    h = _gcn_layer(h, W2, b2, g2, be2, row, col, norm)
    return h

if __name__ == "__main__":
    import jax
    _d = setup_inputs()
    print(jax.jit(kernel)(*tuple(_d.values())))

</pallas_src>

<mosaic_0001>
#map = affine_map<(d0, d1) -> (0)>
#map1 = affine_map<(d0, d1) -> (0, 0)>
module attributes {stable_mosaic.version = 14 : i64} {
  func.func @_sc_degree(%arg0: i32, %arg1: i32, %arg2: memref<320000xi32, #tpu.memory_space<hbm>>, %arg3: memref<10000xf32, #tpu.memory_space<hbm>>, %arg4: memref<128xf32, #tpu.memory_space<hbm>>, %arg5: memref<2x10000xf32, #tpu.memory_space<hbm>>, %arg6: memref<10000xf32, #tpu.memory_space<vmem_shared>>, %arg7: memref<10000xf32, #tpu.memory_space<vmem>>, %arg8: memref<128xf32, #tpu.memory_space<vmem>>, %arg9: memref<2x128xi32, #tpu.memory_space<vmem>>, %arg10: memref<!tpu.dma_semaphore, #tpu.memory_space<semaphore_mem>>, %arg11: memref<!tpu.dma_semaphore, #tpu.memory_space<semaphore_mem>>) attributes {dimension_semantics = [#tpu.dimension_semantics<core_parallel>, #tpu.dimension_semantics<subcore_parallel>], iteration_bounds = array<i64: 2, 16>, scalar_prefetch = 0 : i64, scratch_operands = 6 : i64, tpu.core_type = #tpu.core_type<sc_vector_subcore>, window_params = [{transform_indices = #map}, {transform_indices = #map}, {transform_indices = #map}, {transform_indices = #map1}]} {
    %mul3A = arith.constant 16 : i32
    %mul3A_0 = arith.muli %arg0, %mul3A : i32
    %add3A = arith.addi %mul3A_0, %arg1 : i32
    %eq3A = arith.constant 0 : i32
    %eq3A_1 = arith.cmpi eq, %arg1, %eq3A : i32
    %convert_element_type3A = arith.extui %eq3A_1 : i1 to i32
    %cond3A = arith.constant 0 : i32
    %cond3A_2 = arith.cmpi ne, %convert_element_type3A, %cond3A : i32
    scf.if %cond3A_2 {
      "tpu.region"() ({
        %run_scoped3A_21 = tpu.sem_alloc : memref<!tpu.dma_semaphore, #tpu.memory_space<semaphore_mem>>
        tpu.enqueue_dma source(%arg3 : memref<10000xf32, #tpu.memory_space<hbm>>) target(%arg7 : memref<10000xf32, #tpu.memory_space<vmem>>) target_semaphore(%run_scoped3A_21 : memref<!tpu.dma_semaphore, #tpu.memory_space<semaphore_mem>>)
        tpu.wait_dma2 semaphore(%run_scoped3A_21 : memref<!tpu.dma_semaphore, #tpu.memory_space<semaphore_mem>>) src(%arg3 : memref<10000xf32, #tpu.memory_space<hbm>>) dst(%arg7 : memref<10000xf32, #tpu.memory_space<vmem>>)
        tpu.yield
      }) : () -> ()
      "tpu.region"() ({
        %run_scoped3A_21 = tpu.sem_alloc : memref<!tpu.dma_semaphore, #tpu.memory_space<semaphore_mem>>
        tpu.enqueue_dma source(%arg7 : memref<10000xf32, #tpu.memory_space<vmem>>) target(%arg6 : memref<10000xf32, #tpu.memory_space<vmem_shared>>) target_semaphore(%run_scoped3A_21 : memref<!tpu.dma_semaphore, #tpu.memory_space<semaphore_mem>>)
        tpu.wait_dma2 semaphore(%run_scoped3A_21 : memref<!tpu.dma_semaphore, #tpu.memory_space<semaphore_mem>>) src(%arg7 : memref<10000xf32, #tpu.memory_space<vmem>>) dst(%arg6 : memref<10000xf32, #tpu.memory_space<vmem_shared>>)
        tpu.yield
      }) : () -> ()
    } else {
    }
    "tpu.region"() ({
      %run_scoped3A_21 = tpu.sem_alloc : memref<!tpu.dma_semaphore, #tpu.memory_space<semaphore_mem>>
      tpu.enqueue_dma source(%arg4 : memref<128xf32, #tpu.memory_space<hbm>>) target(%arg8 : memref<128xf32, #tpu.memory_space<vmem>>) target_semaphore(%run_scoped3A_21 : memref<!tpu.dma_semaphore, #tpu.memory_space<semaphore_mem>>)
      tpu.wait_dma2 semaphore(%run_scoped3A_21 : memref<!tpu.dma_semaphore, #tpu.memory_space<semaphore_mem>>) src(%arg4 : memref<128xf32, #tpu.memory_space<hbm>>) dst(%arg8 : memref<128xf32, #tpu.memory_space<vmem>>)
      tpu.yield
    }) : () -> ()
    %barrier3A = arith.constant 0 : index
    tpu.barrier barrier_id(%barrier3A)
    %add3A_3 = arith.constant 0 : i32
    %add3A_4 = arith.addi %add3A, %add3A_3 : i32
    %mul3A_5 = arith.constant 128 : i32
    %mul3A_6 = arith.muli %add3A_4, %mul3A_5 : i32
    %run_scoped3A = arith.constant 0 : i32
    "tpu.region"() ({
      %run_scoped3A_21 = tpu.sem_alloc : memref<!tpu.dma_semaphore, #tpu.memory_space<semaphore_mem>>
      %dma_start3A = arith.constant 0 : i32
      %dma_start3A_22 = tpu.memref_slice %arg9[%run_scoped3A, %dma_start3A] : memref<2x128xi32, #tpu.memory_space<vmem>> -> memref<1x128xi32, #tpu.memory_space<vmem>>
      %dma_start3A_23 = tpu.memref_squeeze %dma_start3A_22 : memref<1x128xi32, #tpu.memory_space<vmem>> -> memref<128xi32, #tpu.memory_space<vmem>>
      %dma_start3A_24 = tpu.memref_slice %arg2[%mul3A_6] : memref<320000xi32, #tpu.memory_space<hbm>> -> memref<128xi32, #tpu.memory_space<hbm>>
      %dma_start3A_25 = arith.constant 0 : i32
      %dma_start3A_26 = tpu.memref_slice %arg9[%run_scoped3A, %dma_start3A_25] : memref<2x128xi32, #tpu.memory_space<vmem>> -> memref<1x128xi32, #tpu.memory_space<vmem>>
      %dma_start3A_27 = tpu.memref_squeeze %dma_start3A_26 : memref<1x128xi32, #tpu.memory_space<vmem>> -> memref<128xi32, #tpu.memory_space<vmem>>
      %dma_start3A_28 = tpu.memref_slice %arg2[%mul3A_6] : memref<320000xi32, #tpu.memory_space<hbm>> -> memref<128xi32, #tpu.memory_space<hbm>>
      tpu.enqueue_dma source(%dma_start3A_28 : memref<128xi32, #tpu.memory_space<hbm>>) target(%dma_start3A_27 : memref<128xi32, #tpu.memory_space<vmem>>) target_semaphore(%run_scoped3A_21 : memref<!tpu.dma_semaphore, #tpu.memory_space<semaphore_mem>>)
      %dma_wait3A = arith.constant 0 : i32
      %dma_wait3A_29 = tpu.memref_slice %arg9[%run_scoped3A, %dma_wait3A] : memref<2x128xi32, #tpu.memory_space<vmem>> -> memref<1x128xi32, #tpu.memory_space<vmem>>
      %dma_wait3A_30 = tpu.memref_squeeze %dma_wait3A_29 : memref<1x128xi32, #tpu.memory_space<vmem>> -> memref<128xi32, #tpu.memory_space<vmem>>
      %dma_wait3A_31 = tpu.memref_slice %arg2[%mul3A_6] : memref<320000xi32, #tpu.memory_space<hbm>> -> memref<128xi32, #tpu.memory_space<hbm>>
      %dma_wait3A_32 = arith.constant 0 : i32
      %dma_wait3A_33 = tpu.memref_slice %arg9[%run_scoped3A, %dma_wait3A_32] : memref<2x128xi32, #tpu.memory_space<vmem>> -> memref<1x128xi32, #tpu.memory_space<vmem>>
      %dma_wait3A_34 = tpu.memref_squeeze %dma_wait3A_33 : memref<1x128xi32, #tpu.memory_space<vmem>> -> memref<128xi32, #tpu.memory_space<vmem>>
      %dma_wait3A_35 = tpu.memref_slice %arg2[%mul3A_6] : memref<320000xi32, #tpu.memory_space<hbm>> -> memref<128xi32, #tpu.memory_space<hbm>>
      tpu.wait_dma2 semaphore(%run_scoped3A_21 : memref<!tpu.dma_semaphore, #tpu.memory_space<semaphore_mem>>) src(%dma_wait3A_35 : memref<128xi32, #tpu.memory_space<hbm>>) dst(%dma_wait3A_34 : memref<128xi32, #tpu.memory_space<vmem>>)
      tpu.yield
    }) : () -> ()
    %scan3A = arith.constant 0 : i32
    %scan3A_7 = arith.constant 39 : i32
    %scan3A_8 = arith.addi %scan3A, %scan3A_7 : i32
    %scan3A_9 = arith.constant 1 : i32
    scf.for %scan3A_21 = %scan3A to %scan3A_8 step %scan3A_9  : i32 {
      %mul3A_22 = arith.constant 1 : i32
      %mul3A_23 = arith.muli %scan3A_21, %mul3A_22 : i32
      %add3A_24 = arith.constant 0 : i32
      %add3A_25 = arith.addi %add3A_24, %mul3A_23 : i32
      %mul3A_26 = arith.constant 2 : i32
      %mul3A_27 = arith.muli %mul3A_26, %add3A_25 : i32
      %add3A_28 = arith.constant 1 : i32
      %add3A_29 = arith.addi %mul3A_27, %add3A_28 : i32
      %mul3A_30 = arith.constant 32 : i32
      %mul3A_31 = arith.muli %add3A_29, %mul3A_30 : i32
      %add3A_32 = arith.addi %add3A, %mul3A_31 : i32
      %mul3A_33 = arith.constant 128 : i32
      %mul3A_34 = arith.muli %add3A_32, %mul3A_33 : i32
      %dma_start3A = arith.constant 1 : i32
      %dma_start3A_35 = arith.constant 0 : i32
      %dma_start3A_36 = tpu.memref_slice %arg9[%dma_start3A, %dma_start3A_35] : memref<2x128xi32, #tpu.memory_space<vmem>> -> memref<1x128xi32, #tpu.memory_space<vmem>>
      %dma_start3A_37 = tpu.memref_squeeze %dma_start3A_36 : memref<1x128xi32, #tpu.memory_space<vmem>> -> memref<128xi32, #tpu.memory_space<vmem>>
      %dma_start3A_38 = tpu.memref_slice %arg2[%mul3A_34] : memref<320000xi32, #tpu.memory_space<hbm>> -> memref<128xi32, #tpu.memory_space<hbm>>
      %dma_start3A_39 = arith.constant 0 : i32
      %dma_start3A_40 = tpu.memref_slice %arg9[%dma_start3A, %dma_start3A_39] : memref<2x128xi32, #tpu.memory_space<vmem>> -> memref<1x128xi32, #tpu.memory_space<vmem>>
      %dma_start3A_41 = tpu.memref_squeeze %dma_start3A_40 : memref<1x128xi32, #tpu.memory_space<vmem>> -> memref<128xi32, #tpu.memory_space<vmem>>
      %dma_start3A_42 = tpu.memref_slice %arg2[%mul3A_34] : memref<320000xi32, #tpu.memory_space<hbm>> -> memref<128xi32, #tpu.memory_space<hbm>>
      tpu.enqueue_dma source(%dma_start3A_42 : memref<128xi32, #tpu.memory_space<hbm>>) target(%dma_start3A_41 : memref<128xi32, #tpu.memory_space<vmem>>) target_semaphore(%arg11 : memref<!tpu.dma_semaphore, #tpu.memory_space<semaphore_mem>>)
      %run_scoped3A_43 = arith.constant 0 : i32
      "tpu.region"() ({
        %run_scoped3A_65 = tpu.sem_alloc : memref<!tpu.dma_semaphore, #tpu.memory_space<semaphore_mem>>
        %dma_start3A_66 = arith.constant 0 : i32
        %dma_start3A_67 = tpu.memref_slice %arg9[%run_scoped3A_43, %dma_start3A_66] : memref<2x128xi32, #tpu.memory_space<vmem>> -> memref<1x128xi32, #tpu.memory_space<vmem>>
        %dma_start3A_68 = tpu.memref_squeeze %dma_start3A_67 : memref<1x128xi32, #tpu.memory_space<vmem>> -> memref<128xi32, #tpu.memory_space<vmem>>
        %dma_start3A_69 = arith.constant 0 : i32
        %dma_start3A_70 = tpu.memref_slice %arg6[%dma_start3A_69] : memref<10000xf32, #tpu.memory_space<vmem_shared>> -> memref<10000xf32, #tpu.memory_space<vmem_shared>>
        tpu.enqueue_indirect_dma source(%arg8 : memref<128xf32, #tpu.memory_space<vmem>>) target(%dma_start3A_70 : memref<10000xf32, #tpu.memory_space<vmem_shared>>) offsets(%dma_start3A_68 : memref<128xi32, #tpu.memory_space<vmem>>) semaphore(%run_scoped3A_65 : memref<!tpu.dma_semaphore, #tpu.memory_space<semaphore_mem>>) {add = true}
        %dma_wait3A_71 = arith.constant 0 : i32
        %dma_wait3A_72 = tpu.memref_slice %arg9[%run_scoped3A_43, %dma_wait3A_71] : memref<2x128xi32, #tpu.memory_space<vmem>> -> memref<1x128xi32, #tpu.memory_space<vmem>>
        %dma_wait3A_73 = tpu.memref_squeeze %dma_wait3A_72 : memref<1x128xi32, #tpu.memory_space<vmem>> -> memref<128xi32, #tpu.memory_space<vmem>>
        %dma_wait3A_74 = arith.constant 0 : i32
        %dma_wait3A_75 = tpu.memref_slice %arg6[%dma_wait3A_74] : memref<10000xf32, #tpu.memory_space<vmem_shared>> -> memref<10000xf32, #tpu.memory_space<vmem_shared>>
        tpu.wait_indirect_dma semaphore(%run_scoped3A_65 : memref<!tpu.dma_semaphore, #tpu.memory_space<semaphore_mem>>) src(%arg8 : memref<128xf32, #tpu.memory_space<vmem>>) dst(%dma_wait3A_75 : memref<10000xf32, #tpu.memory_space<vmem_shared>>)
        tpu.yield
      }) : () -> ()
      %lt3A_44 = arith.constant 38 : i32
      %lt3A_45 = arith.cmpi slt, %add3A_25, %lt3A_44 : i32
      %convert_element_type3A_46 = arith.extui %lt3A_45 : i1 to i32
      %cond3A_47 = arith.constant 0 : i32
      %cond3A_48 = arith.cmpi ne, %convert_element_type3A_46, %cond3A_47 : i32
      scf.if %cond3A_48 {
        %mul3A_65 = arith.constant 2 : i32
        %mul3A_66 = arith.muli %mul3A_65, %add3A_25 : i32
        %add3A_67 = arith.constant 2 : i32
        %add3A_68 = arith.addi %mul3A_66, %add3A_67 : i32
        %mul3A_69 = arith.constant 32 : i32
        %mul3A_70 = arith.muli %add3A_68, %mul3A_69 : i32
        %add3A_71 = arith.addi %add3A, %mul3A_70 : i32
        %mul3A_72 = arith.constant 128 : i32
        %mul3A_73 = arith.muli %add3A_71, %mul3A_72 : i32
        %dma_start3A_74 = arith.constant 0 : i32
        %dma_start3A_75 = arith.constant 0 : i32
        %dma_start3A_76 = tpu.memref_slice %arg9[%dma_start3A_74, %dma_start3A_75] : memref<2x128xi32, #tpu.memory_space<vmem>> -> memref<1x128xi32, #tpu.memory_space<vmem>>
        %dma_start3A_77 = tpu.memref_squeeze %dma_start3A_76 : memref<1x128xi32, #tpu.memory_space<vmem>> -> memref<128xi32, #tpu.memory_space<vmem>>
        %dma_start3A_78 = tpu.memref_slice %arg2[%mul3A_73] : memref<320000xi32, #tpu.memory_space<hbm>> -> memref<128xi32, #tpu.memory_space<hbm>>
        %dma_start3A_79 = arith.constant 0 : i32
        %dma_start3A_80 = tpu.memref_slice %arg9[%dma_start3A_74, %dma_start3A_79] : memref<2x128xi32, #tpu.memory_space<vmem>> -> memref<1x128xi32, #tpu.memory_space<vmem>>
        %dma_start3A_81 = tpu.memref_squeeze %dma_start3A_80 : memref<1x128xi32, #tpu.memory_space<vmem>> -> memref<128xi32, #tpu.memory_space<vmem>>
        %dma_start3A_82 = tpu.memref_slice %arg2[%mul3A_73] : memref<320000xi32, #tpu.memory_space<hbm>> -> memref<128xi32, #tpu.memory_space<hbm>>
        tpu.enqueue_dma source(%dma_start3A_82 : memref<128xi32, #tpu.memory_space<hbm>>) target(%dma_start3A_81 : memref<128xi32, #tpu.memory_space<vmem>>) target_semaphore(%arg10 : memref<!tpu.dma_semaphore, #tpu.memory_space<semaphore_mem>>)
      } else {
      }
      %dma_wait3A = arith.constant 1 : i32
      %dma_wait3A_49 = arith.constant 0 : i32
      %dma_wait3A_50 = tpu.memref_slice %arg9[%dma_wait3A, %dma_wait3A_49] : memref<2x128xi32, #tpu.memory_space<vmem>> -> memref<1x128xi32, #tpu.memory_space<vmem>>
      %dma_wait3A_51 = tpu.memref_squeeze %dma_wait3A_50 : memref<1x128xi32, #tpu.memory_space<vmem>> -> memref<128xi32, #tpu.memory_space<vmem>>
      %dma_wait3A_52 = arith.constant 0 : i32
      %dma_wait3A_53 = tpu.memref_slice %arg2[%dma_wait3A_52] : memref<320000xi32, #tpu.memory_space<hbm>> -> memref<128xi32, #tpu.memory_space<hbm>>
      %dma_wait3A_54 = arith.constant 0 : i32
      %dma_wait3A_55 = tpu.memref_slice %arg9[%dma_wait3A, %dma_wait3A_54] : memref<2x128xi32, #tpu.memory_space<vmem>> -> memref<1x128xi32, #tpu.memory_space<vmem>>
      %dma_wait3A_56 = tpu.memref_squeeze %dma_wait3A_55 : memref<1x128xi32, #tpu.memory_space<vmem>> -> memref<128xi32, #tpu.memory_space<vmem>>
      %dma_wait3A_57 = arith.constant 0 : i32
      %dma_wait3A_58 = tpu.memref_slice %arg2[%dma_wait3A_57] : memref<320000xi32, #tpu.memory_space<hbm>> -> memref<128xi32, #tpu.memory_space<hbm>>
      tpu.wait_dma2 semaphore(%arg11 : memref<!tpu.dma_semaphore, #tpu.memory_space<semaphore_mem>>) src(%dma_wait3A_58 : memref<128xi32, #tpu.memory_space<hbm>>) dst(%dma_wait3A_56 : memref<128xi32, #tpu.memory_space<vmem>>)
      %run_scoped3A_59 = arith.constant 1 : i32
      "tpu.region"() ({
        %run_scoped3A_65 = tpu.sem_alloc : memref<!tpu.dma_semaphore, #tpu.memory_space<semaphore_mem>>
        %dma_start3A_66 = arith.constant 0 : i32
        %dma_start3A_67 = tpu.memref_slice %arg9[%run_scoped3A_59, %dma_start3A_66] : memref<2x128xi32, #tpu.memory_space<vmem>> -> memref<1x128xi32, #tpu.memory_space<vmem>>
        %dma_start3A_68 = tpu.memref_squeeze %dma_start3A_67 : memref<1x128xi32, #tpu.memory_space<vmem>> -> memref<128xi32, #tpu.memory_space<vmem>>
        %dma_start3A_69 = arith.constant 0 : i32
        %dma_start3A_70 = tpu.memref_slice %arg6[%dma_start3A_69] : memref<10000xf32, #tpu.memory_space<vmem_shared>> -> memref<10000xf32, #tpu.memory_space<vmem_shared>>
        tpu.enqueue_indirect_dma source(%arg8 : memref<128xf32, #tpu.memory_space<vmem>>) target(%dma_start3A_70 : memref<10000xf32, #tpu.memory_space<vmem_shared>>) offsets(%dma_start3A_68 : memref<128xi32, #tpu.memory_space<vmem>>) semaphore(%run_scoped3A_65 : memref<!tpu.dma_semaphore, #tpu.memory_space<semaphore_mem>>) {add = true}
        %dma_wait3A_71 = arith.constant 0 : i32
        %dma_wait3A_72 = tpu.memref_slice %arg9[%run_scoped3A_59, %dma_wait3A_71] : memref<2x128xi32, #tpu.memory_space<vmem>> -> memref<1x128xi32, #tpu.memory_space<vmem>>
        %dma_wait3A_73 = tpu.memref_squeeze %dma_wait3A_72 : memref<1x128xi32, #tpu.memory_space<vmem>> -> memref<128xi32, #tpu.memory_space<vmem>>
        %dma_wait3A_74 = arith.constant 0 : i32
        %dma_wait3A_75 = tpu.memref_slice %arg6[%dma_wait3A_74] : memref<10000xf32, #tpu.memory_space<vmem_shared>> -> memref<10000xf32, #tpu.memory_space<vmem_shared>>
        tpu.wait_indirect_dma semaphore(%run_scoped3A_65 : memref<!tpu.dma_semaphore, #tpu.memory_space<semaphore_mem>>) src(%arg8 : memref<128xf32, #tpu.memory_space<vmem>>) dst(%dma_wait3A_75 : memref<10000xf32, #tpu.memory_space<vmem_shared>>)
        tpu.yield
      }) : () -> ()
      %lt3A_60 = arith.constant 38 : i32
      %lt3A_61 = arith.cmpi slt, %add3A_25, %lt3A_60 : i32
      %convert_element_type3A_62 = arith.extui %lt3A_61 : i1 to i32
      %cond3A_63 = arith.constant 0 : i32
      %cond3A_64 = arith.cmpi ne, %convert_element_type3A_62, %cond3A_63 : i32
      scf.if %cond3A_64 {
        %dma_wait3A_65 = arith.constant 0 : i32
        %dma_wait3A_66 = arith.constant 0 : i32
        %dma_wait3A_67 = tpu.memref_slice %arg9[%dma_wait3A_65, %dma_wait3A_66] : memref<2x128xi32, #tpu.memory_space<vmem>> -> memref<1x128xi32, #tpu.memory_space<vmem>>
        %dma_wait3A_68 = tpu.memref_squeeze %dma_wait3A_67 : memref<1x128xi32, #tpu.memory_space<vmem>> -> memref<128xi32, #tpu.memory_space<vmem>>
        %dma_wait3A_69 = arith.constant 0 : i32
        %dma_wait3A_70 = tpu.memref_slice %arg2[%dma_wait3A_69] : memref<320000xi32, #tpu.memory_space<hbm>> -> memref<128xi32, #tpu.memory_space<hbm>>
        %dma_wait3A_71 = arith.constant 0 : i32
        %dma_wait3A_72 = tpu.memref_slice %arg9[%dma_wait3A_65, %dma_wait3A_71] : memref<2x128xi32, #tpu.memory_space<vmem>> -> memref<1x128xi32, #tpu.memory_space<vmem>>
        %dma_wait3A_73 = tpu.memref_squeeze %dma_wait3A_72 : memref<1x128xi32, #tpu.memory_space<vmem>> -> memref<128xi32, #tpu.memory_space<vmem>>
        %dma_wait3A_74 = arith.constant 0 : i32
        %dma_wait3A_75 = tpu.memref_slice %arg2[%dma_wait3A_74] : memref<320000xi32, #tpu.memory_space<hbm>> -> memref<128xi32, #tpu.memory_space<hbm>>
        tpu.wait_dma2 semaphore(%arg10 : memref<!tpu.dma_semaphore, #tpu.memory_space<semaphore_mem>>) src(%dma_wait3A_75 : memref<128xi32, #tpu.memory_space<hbm>>) dst(%dma_wait3A_73 : memref<128xi32, #tpu.memory_space<vmem>>)
      } else {
      }
    }
    %scan3A_10 = arith.constant 39 : i32
    %lt3A = arith.constant 4 : i32
    %lt3A_11 = arith.cmpi slt, %add3A, %lt3A : i32
    %convert_element_type3A_12 = arith.extui %lt3A_11 : i1 to i32
    %cond3A_13 = arith.constant 0 : i32
    %cond3A_14 = arith.cmpi ne, %convert_element_type3A_12, %cond3A_13 : i32
    scf.if %cond3A_14 {
      %add3A_21 = arith.constant 2496 : i32
      %add3A_22 = arith.addi %add3A_21, %add3A : i32
      %mul3A_23 = arith.constant 128 : i32
      %mul3A_24 = arith.muli %add3A_22, %mul3A_23 : i32
      %run_scoped3A_25 = arith.constant 0 : i32
      "tpu.region"() ({
        %run_scoped3A_27 = tpu.sem_alloc : memref<!tpu.dma_semaphore, #tpu.memory_space<semaphore_mem>>
        %dma_start3A = arith.constant 0 : i32
        %dma_start3A_28 = tpu.memref_slice %arg9[%run_scoped3A_25, %dma_start3A] : memref<2x128xi32, #tpu.memory_space<vmem>> -> memref<1x128xi32, #tpu.memory_space<vmem>>
        %dma_start3A_29 = tpu.memref_squeeze %dma_start3A_28 : memref<1x128xi32, #tpu.memory_space<vmem>> -> memref<128xi32, #tpu.memory_space<vmem>>
        %dma_start3A_30 = tpu.memref_slice %arg2[%mul3A_24] : memref<320000xi32, #tpu.memory_space<hbm>> -> memref<128xi32, #tpu.memory_space<hbm>>
        %dma_start3A_31 = arith.constant 0 : i32
        %dma_start3A_32 = tpu.memref_slice %arg9[%run_scoped3A_25, %dma_start3A_31] : memref<2x128xi32, #tpu.memory_space<vmem>> -> memref<1x128xi32, #tpu.memory_space<vmem>>
        %dma_start3A_33 = tpu.memref_squeeze %dma_start3A_32 : memref<1x128xi32, #tpu.memory_space<vmem>> -> memref<128xi32, #tpu.memory_space<vmem>>
        %dma_start3A_34 = tpu.memref_slice %arg2[%mul3A_24] : memref<320000xi32, #tpu.memory_space<hbm>> -> memref<128xi32, #tpu.memory_space<hbm>>
        tpu.enqueue_dma source(%dma_start3A_34 : memref<128xi32, #tpu.memory_space<hbm>>) target(%dma_start3A_33 : memref<128xi32, #tpu.memory_space<vmem>>) target_semaphore(%run_scoped3A_27 : memref<!tpu.dma_semaphore, #tpu.memory_space<semaphore_mem>>)
        %dma_wait3A = arith.constant 0 : i32
        %dma_wait3A_35 = tpu.memref_slice %arg9[%run_scoped3A_25, %dma_wait3A] : memref<2x128xi32, #tpu.memory_space<vmem>> -> memref<1x128xi32, #tpu.memory_space<vmem>>
        %dma_wait3A_36 = tpu.memref_squeeze %dma_wait3A_35 : memref<1x128xi32, #tpu.memory_space<vmem>> -> memref<128xi32, #tpu.memory_space<vmem>>
        %dma_wait3A_37 = tpu.memref_slice %arg2[%mul3A_24] : memref<320000xi32, #tpu.memory_space<hbm>> -> memref<128xi32, #tpu.memory_space<hbm>>
        %dma_wait3A_38 = arith.constant 0 : i32
        %dma_wait3A_39 = tpu.memref_slice %arg9[%run_scoped3A_25, %dma_wait3A_38] : memref<2x128xi32, #tpu.memory_space<vmem>> -> memref<1x128xi32, #tpu.memory_space<vmem>>
        %dma_wait3A_40 = tpu.memref_squeeze %dma_wait3A_39 : memref<1x128xi32, #tpu.memory_space<vmem>> -> memref<128xi32, #tpu.memory_space<vmem>>
        %dma_wait3A_41 = tpu.memref_slice %arg2[%mul3A_24] : memref<320000xi32, #tpu.memory_space<hbm>> -> memref<128xi32, #tpu.memory_space<hbm>>
        tpu.wait_dma2 semaphore(%run_scoped3A_27 : memref<!tpu.dma_semaphore, #tpu.memory_space<semaphore_mem>>) src(%dma_wait3A_41 : memref<128xi32, #tpu.memory_space<hbm>>) dst(%dma_wait3A_40 : memref<128xi32, #tpu.memory_space<vmem>>)
        tpu.yield
      }) : () -> ()
      %run_scoped3A_26 = arith.constant 0 : i32
      "tpu.region"() ({
        %run_scoped3A_27 = tpu.sem_alloc : memref<!tpu.dma_semaphore, #tpu.memory_space<semaphore_mem>>
        %dma_start3A = arith.constant 0 : i32
        %dma_start3A_28 = tpu.memref_slice %arg9[%run_scoped3A_26, %dma_start3A] : memref<2x128xi32, #tpu.memory_space<vmem>> -> memref<1x128xi32, #tpu.memory_space<vmem>>
        %dma_start3A_29 = tpu.memref_squeeze %dma_start3A_28 : memref<1x128xi32, #tpu.memory_space<vmem>> -> memref<128xi32, #tpu.memory_space<vmem>>
        %dma_start3A_30 = arith.constant 0 : i32
        %dma_start3A_31 = tpu.memref_slice %arg6[%dma_start3A_30] : memref<10000xf32, #tpu.memory_space<vmem_shared>> -> memref<10000xf32, #tpu.memory_space<vmem_shared>>
        tpu.enqueue_indirect_dma source(%arg8 : memref<128xf32, #tpu.memory_space<vmem>>) target(%dma_start3A_31 : memref<10000xf32, #tpu.memory_space<vmem_shared>>) offsets(%dma_start3A_29 : memref<128xi32, #tpu.memory_space<vmem>>) semaphore(%run_scoped3A_27 : memref<!tpu.dma_semaphore, #tpu.memory_space<semaphore_mem>>) {add = true}
        %dma_wait3A = arith.constant 0 : i32
        %dma_wait3A_32 = tpu.memref_slice %arg9[%run_scoped3A_26, %dma_wait3A] : memref<2x128xi32, #tpu.memory_space<vmem>> -> memref<1x128xi32, #tpu.memory_space<vmem>>
        %dma_wait3A_33 = tpu.memref_squeeze %dma_wait3A_32 : memref<1x128xi32, #tpu.memory_space<vmem>> -> memref<128xi32, #tpu.memory_space<vmem>>
        %dma_wait3A_34 = arith.constant 0 : i32
        %dma_wait3A_35 = tpu.memref_slice %arg6[%dma_wait3A_34] : memref<10000xf32, #tpu.memory_space<vmem_shared>> -> memref<10000xf32, #tpu.memory_space<vmem_shared>>
        tpu.wait_indirect_dma semaphore(%run_scoped3A_27 : memref<!tpu.dma_semaphore, #tpu.memory_space<semaphore_mem>>) src(%arg8 : memref<128xf32, #tpu.memory_space<vmem>>) dst(%dma_wait3A_35 : memref<10000xf32, #tpu.memory_space<vmem_shared>>)
        tpu.yield
      }) : () -> ()
    } else {
    }
    %barrier3A_15 = arith.constant 0 : index
    tpu.barrier barrier_id(%barrier3A_15)
    %eq3A_16 = arith.constant 0 : i32
    %eq3A_17 = arith.cmpi eq, %arg1, %eq3A_16 : i32
    %convert_element_type3A_18 = arith.extui %eq3A_17 : i1 to i32
    %cond3A_19 = arith.constant 0 : i32
    %cond3A_20 = arith.cmpi ne, %convert_element_type3A_18, %cond3A_19 : i32
    scf.if %cond3A_20 {
      "tpu.region"() ({
        %run_scoped3A_21 = tpu.sem_alloc : memref<!tpu.dma_semaphore, #tpu.memory_space<semaphore_mem>>
        %dma_start3A = arith.constant 0 : i32
        %dma_start3A_22 = tpu.memref_slice %arg5[%arg0, %dma_start3A] : memref<2x10000xf32, #tpu.memory_space<hbm>> -> memref<1x10000xf32, #tpu.memory_space<hbm>>
        %dma_start3A_23 = tpu.memref_squeeze %dma_start3A_22 : memref<1x10000xf32, #tpu.memory_space<hbm>> -> memref<10000xf32, #tpu.memory_space<hbm>>
        tpu.enqueue_dma source(%arg6 : memref<10000xf32, #tpu.memory_space<vmem_shared>>) target(%dma_start3A_23 : memref<10000xf32, #tpu.memory_space<hbm>>) target_semaphore(%run_scoped3A_21 : memref<!tpu.dma_semaphore, #tpu.memory_space<semaphore_mem>>)
        %dma_wait3A = arith.constant 0 : i32
        %dma_wait3A_24 = tpu.memref_slice %arg5[%arg0, %dma_wait3A] : memref<2x10000xf32, #tpu.memory_space<hbm>> -> memref<1x10000xf32, #tpu.memory_space<hbm>>
        %dma_wait3A_25 = tpu.memref_squeeze %dma_wait3A_24 : memref<1x10000xf32, #tpu.memory_space<hbm>> -> memref<10000xf32, #tpu.memory_space<hbm>>
        tpu.wait_dma2 semaphore(%run_scoped3A_21 : memref<!tpu.dma_semaphore, #tpu.memory_space<semaphore_mem>>) src(%arg6 : memref<10000xf32, #tpu.memory_space<vmem_shared>>) dst(%dma_wait3A_25 : memref<10000xf32, #tpu.memory_space<hbm>>)
        tpu.yield
      }) : () -> ()
    } else {
    }
    return
  }
}

#map = affine_map<(d0, d1) -> (0, 0)>
#map1 = affine_map<(d0, d1) -> (0, 0, 0)>
module attributes {stable_mosaic.version = 14 : i64} {
  func.func @_sc_mp(%arg0: i32, %arg1: i32, %arg2: memref<10000x128xf32, #tpu.memory_space<hbm>>, %arg3: memref<2560x128xi32, #tpu.memory_space<hbm>>, %arg4: memref<2560x128xi32, #tpu.memory_space<hbm>>, %arg5: memref<128x128xf32, #tpu.memory_space<hbm>>, %arg6: memref<2x10016x128xf32, #tpu.memory_space<hbm>>, %arg7: memref<10016x128xf32, #tpu.memory_space<vmem_shared>>, %arg8: memref<2x128x128xf32, #tpu.memory_space<vmem>>, %arg9: memref<2x8x128xi32, #tpu.memory_space<vmem>>, %arg10: memref<2x8x128xi32, #tpu.memory_space<vmem>>, %arg11: memref<!tpu.dma_semaphore, #tpu.memory_space<semaphore_mem>>, %arg12: memref<!tpu.dma_semaphore, #tpu.memory_space<semaphore_mem>>, %arg13: memref<!tpu.dma_semaphore, #tpu.memory_space<semaphore_mem>>, %arg14: memref<!tpu.dma_semaphore, #tpu.memory_space<semaphore_mem>>, %arg15: memref<!tpu.dma_semaphore, #tpu.memory_space<semaphore_mem>>) attributes {dimension_semantics = [#tpu.dimension_semantics<core_parallel>, #tpu.dimension_semantics<subcore_parallel>], iteration_bounds = array<i64: 2, 16>, scalar_prefetch = 0 : i64, scratch_operands = 9 : i64, tpu.core_type = #tpu.core_type<sc_vector_subcore>, window_params = [{transform_indices = #map}, {transform_indices = #map}, {transform_indices = #map}, {transform_indices = #map}, {transform_indices = #map1}]} {
    %mul3A = arith.constant 16 : i32
    %mul3A_0 = arith.muli %arg0, %mul3A : i32
    %add3A = arith.addi %mul3A_0, %arg1 : i32
    %mul3A_1 = arith.constant 80 : i32
    %mul3A_2 = arith.muli %add3A, %mul3A_1 : i32
    %run_scoped3A = arith.constant 0 : i32
    "tpu.region"() ({
      %run_scoped3A_59 = tpu.sem_alloc : memref<!tpu.dma_semaphore, #tpu.memory_space<semaphore_mem>>
      %dma_start3A_60 = arith.constant 0 : i32
      %dma_start3A_61 = arith.constant 0 : i32
      %dma_start3A_62 = tpu.memref_slice %arg8[%run_scoped3A, %dma_start3A_60, %dma_start3A_61] : memref<2x128x128xf32, #tpu.memory_space<vmem>> -> memref<1x128x128xf32, #tpu.memory_space<vmem>>
      %dma_start3A_63 = tpu.memref_squeeze %dma_start3A_62 : memref<1x128x128xf32, #tpu.memory_space<vmem>> -> memref<128x128xf32, #tpu.memory_space<vmem>>
      %dma_start3A_64 = arith.constant 0 : i32
      %dma_start3A_65 = arith.constant 0 : i32
      %dma_start3A_66 = tpu.memref_slice %arg8[%run_scoped3A, %dma_start3A_64, %dma_start3A_65] : memref<2x128x128xf32, #tpu.memory_space<vmem>> -> memref<1x128x128xf32, #tpu.memory_space<vmem>>
      %dma_start3A_67 = tpu.memref_squeeze %dma_start3A_66 : memref<1x128x128xf32, #tpu.memory_space<vmem>> -> memref<128x128xf32, #tpu.memory_space<vmem>>
      tpu.enqueue_dma source(%arg5 : memref<128x128xf32, #tpu.memory_space<hbm>>) target(%dma_start3A_67 : memref<128x128xf32, #tpu.memory_space<vmem>>) target_semaphore(%run_scoped3A_59 : memref<!tpu.dma_semaphore, #tpu.memory_space<semaphore_mem>>)
      %dma_wait3A_68 = arith.constant 0 : i32
      %dma_wait3A_69 = arith.constant 0 : i32
      %dma_wait3A_70 = tpu.memref_slice %arg8[%run_scoped3A, %dma_wait3A_68, %dma_wait3A_69] : memref<2x128x128xf32, #tpu.memory_space<vmem>> -> memref<1x128x128xf32, #tpu.memory_space<vmem>>
      %dma_wait3A_71 = tpu.memref_squeeze %dma_wait3A_70 : memref<1x128x128xf32, #tpu.memory_space<vmem>> -> memref<128x128xf32, #tpu.memory_space<vmem>>
      %dma_wait3A_72 = arith.constant 0 : i32
      %dma_wait3A_73 = arith.constant 0 : i32
      %dma_wait3A_74 = tpu.memref_slice %arg8[%run_scoped3A, %dma_wait3A_72, %dma_wait3A_73] : memref<2x128x128xf32, #tpu.memory_space<vmem>> -> memref<1x128x128xf32, #tpu.memory_space<vmem>>
      %dma_wait3A_75 = tpu.memref_squeeze %dma_wait3A_74 : memref<1x128x128xf32, #tpu.memory_space<vmem>> -> memref<128x128xf32, #tpu.memory_space<vmem>>
      tpu.wait_dma2 semaphore(%run_scoped3A_59 : memref<!tpu.dma_semaphore, #tpu.memory_space<semaphore_mem>>) src(%arg5 : memref<128x128xf32, #tpu.memory_space<hbm>>) dst(%dma_wait3A_75 : memref<128x128xf32, #tpu.memory_space<vmem>>)
      tpu.yield
    }) : () -> ()
    %scan3A = arith.constant 0 : i32
    %scan3A_3 = arith.constant 8 : i32
    %scan3A_4 = arith.addi %scan3A, %scan3A_3 : i32
    %scan3A_5 = arith.constant 1 : i32
    scf.for %scan3A_59 = %scan3A to %scan3A_4 step %scan3A_5  : i32 {
      %mul3A_60 = arith.constant 1 : i32
      %mul3A_61 = arith.muli %scan3A_59, %mul3A_60 : i32
      %add3A_62 = arith.constant 0 : i32
      %add3A_63 = arith.addi %add3A_62, %mul3A_61 : i32
      %mul3A_64 = arith.constant 16 : i32
      %mul3A_65 = arith.muli %add3A_63, %mul3A_64 : i32
      %add3A_66 = arith.addi %arg1, %mul3A_65 : i32
      %lt3A = arith.constant 125 : i32
      %lt3A_67 = arith.cmpi slt, %add3A_66, %lt3A : i32
      %convert_element_type3A_68 = arith.extui %lt3A_67 : i1 to i32
      %cond3A_69 = arith.constant 0 : i32
      %cond3A_70 = arith.cmpi ne, %convert_element_type3A_68, %cond3A_69 : i32
      scf.if %cond3A_70 {
        %mul3A_71 = arith.constant 80 : i32
        %mul3A_72 = arith.muli %add3A_66, %mul3A_71 : i32
        %run_scoped3A_73 = arith.constant 0 : i32
        "tpu.region"() ({
          %run_scoped3A_74 = tpu.sem_alloc : memref<!tpu.dma_semaphore, #tpu.memory_space<semaphore_mem>>
          %dma_start3A_75 = arith.constant 0 : i32
          %dma_start3A_76 = arith.constant 0 : i32
          %dma_start3A_77 = tpu.memref_slice %arg8[%run_scoped3A_73, %dma_start3A_75, %dma_start3A_76] : memref<2x128x128xf32, #tpu.memory_space<vmem>> -> memref<1x80x128xf32, #tpu.memory_space<vmem>>
          %dma_start3A_78 = tpu.memref_squeeze %dma_start3A_77 : memref<1x80x128xf32, #tpu.memory_space<vmem>> -> memref<80x128xf32, #tpu.memory_space<vmem>>
          %dma_start3A_79 = arith.constant 0 : i32
          %dma_start3A_80 = tpu.memref_slice %arg7[%mul3A_72, %dma_start3A_79] : memref<10016x128xf32, #tpu.memory_space<vmem_shared>> -> memref<80x128xf32, #tpu.memory_space<vmem_shared>>
          %dma_start3A_81 = arith.constant 0 : i32
          %dma_start3A_82 = tpu.memref_slice %arg7[%mul3A_72, %dma_start3A_81] : memref<10016x128xf32, #tpu.memory_space<vmem_shared>> -> memref<80x128xf32, #tpu.memory_space<vmem_shared>>
          %dma_start3A_83 = arith.constant 0 : i32
          %dma_start3A_84 = arith.constant 0 : i32
          %dma_start3A_85 = tpu.memref_slice %arg8[%run_scoped3A_73, %dma_start3A_83, %dma_start3A_84] : memref<2x128x128xf32, #tpu.memory_space<vmem>> -> memref<1x80x128xf32, #tpu.memory_space<vmem>>
          %dma_start3A_86 = tpu.memref_squeeze %dma_start3A_85 : memref<1x80x128xf32, #tpu.memory_space<vmem>> -> memref<80x128xf32, #tpu.memory_space<vmem>>
          tpu.enqueue_dma source(%dma_start3A_86 : memref<80x128xf32, #tpu.memory_space<vmem>>) target(%dma_start3A_82 : memref<80x128xf32, #tpu.memory_space<vmem_shared>>) target_semaphore(%run_scoped3A_74 : memref<!tpu.dma_semaphore, #tpu.memory_space<semaphore_mem>>)
          %dma_wait3A_87 = arith.constant 0 : i32
          %dma_wait3A_88 = arith.constant 0 : i32
          %dma_wait3A_89 = tpu.memref_slice %arg8[%run_scoped3A_73, %dma_wait3A_87, %dma_wait3A_88] : memref<2x128x128xf32, #tpu.memory_space<vmem>> -> memref<1x80x128xf32, #tpu.memory_space<vmem>>
          %dma_wait3A_90 = tpu.memref_squeeze %dma_wait3A_89 : memref<1x80x128xf32, #tpu.memory_space<vmem>> -> memref<80x128xf32, #tpu.memory_space<vmem>>
          %dma_wait3A_91 = arith.constant 0 : i32
          %dma_wait3A_92 = tpu.memref_slice %arg7[%mul3A_72, %dma_wait3A_91] : memref<10016x128xf32, #tpu.memory_space<vmem_shared>> -> memref<80x128xf32, #tpu.memory_space<vmem_shared>>
          %dma_wait3A_93 = arith.constant 0 : i32
          %dma_wait3A_94 = tpu.memref_slice %arg7[%mul3A_72, %dma_wait3A_93] : memref<10016x128xf32, #tpu.memory_space<vmem_shared>> -> memref<80x128xf32, #tpu.memory_space<vmem_shared>>
          %dma_wait3A_95 = arith.constant 0 : i32
          %dma_wait3A_96 = arith.constant 0 : i32
          %dma_wait3A_97 = tpu.memref_slice %arg8[%run_scoped3A_73, %dma_wait3A_95, %dma_wait3A_96] : memref<2x128x128xf32, #tpu.memory_space<vmem>> -> memref<1x80x128xf32, #tpu.memory_space<vmem>>
          %dma_wait3A_98 = tpu.memref_squeeze %dma_wait3A_97 : memref<1x80x128xf32, #tpu.memory_space<vmem>> -> memref<80x128xf32, #tpu.memory_space<vmem>>
          tpu.wait_dma2 semaphore(%run_scoped3A_74 : memref<!tpu.dma_semaphore, #tpu.memory_space<semaphore_mem>>) src(%dma_wait3A_98 : memref<80x128xf32, #tpu.memory_space<vmem>>) dst(%dma_wait3A_94 : memref<80x128xf32, #tpu.memory_space<vmem_shared>>)
          tpu.yield
        }) : () -> ()
      } else {
      }
    }
    %scan3A_6 = arith.constant 8 : i32
    %eq3A = arith.constant 0 : i32
    %eq3A_7 = arith.cmpi eq, %arg1, %eq3A : i32
    %convert_element_type3A = arith.extui %eq3A_7 : i1 to i32
    %cond3A = arith.constant 0 : i32
    %cond3A_8 = arith.cmpi ne, %convert_element_type3A, %cond3A : i32
    scf.if %cond3A_8 {
      %run_scoped3A_59 = arith.constant 0 : i32
      "tpu.region"() ({
        %run_scoped3A_60 = tpu.sem_alloc : memref<!tpu.dma_semaphore, #tpu.memory_space<semaphore_mem>>
        %dma_start3A_61 = arith.constant 0 : i32
        %dma_start3A_62 = arith.constant 0 : i32
        %dma_start3A_63 = tpu.memref_slice %arg8[%run_scoped3A_59, %dma_start3A_61, %dma_start3A_62] : memref<2x128x128xf32, #tpu.memory_space<vmem>> -> memref<1x16x128xf32, #tpu.memory_space<vmem>>
        %dma_start3A_64 = tpu.memref_squeeze %dma_start3A_63 : memref<1x16x128xf32, #tpu.memory_space<vmem>> -> memref<16x128xf32, #tpu.memory_space<vmem>>
        %dma_start3A_65 = arith.constant 10000 : i32
        %dma_start3A_66 = arith.constant 0 : i32
        %dma_start3A_67 = tpu.memref_slice %arg7[%dma_start3A_65, %dma_start3A_66] : memref<10016x128xf32, #tpu.memory_space<vmem_shared>> -> memref<16x128xf32, #tpu.memory_space<vmem_shared>>
        %dma_start3A_68 = arith.constant 10000 : i32
        %dma_start3A_69 = arith.constant 0 : i32
        %dma_start3A_70 = tpu.memref_slice %arg7[%dma_start3A_68, %dma_start3A_69] : memref<10016x128xf32, #tpu.memory_space<vmem_shared>> -> memref<16x128xf32, #tpu.memory_space<vmem_shared>>
        %dma_start3A_71 = arith.constant 0 : i32
        %dma_start3A_72 = arith.constant 0 : i32
        %dma_start3A_73 = tpu.memref_slice %arg8[%run_scoped3A_59, %dma_start3A_71, %dma_start3A_72] : memref<2x128x128xf32, #tpu.memory_space<vmem>> -> memref<1x16x128xf32, #tpu.memory_space<vmem>>
        %dma_start3A_74 = tpu.memref_squeeze %dma_start3A_73 : memref<1x16x128xf32, #tpu.memory_space<vmem>> -> memref<16x128xf32, #tpu.memory_space<vmem>>
        tpu.enqueue_dma source(%dma_start3A_74 : memref<16x128xf32, #tpu.memory_space<vmem>>) target(%dma_start3A_70 : memref<16x128xf32, #tpu.memory_space<vmem_shared>>) target_semaphore(%run_scoped3A_60 : memref<!tpu.dma_semaphore, #tpu.memory_space<semaphore_mem>>)
        %dma_wait3A_75 = arith.constant 0 : i32
        %dma_wait3A_76 = arith.constant 0 : i32
        %dma_wait3A_77 = tpu.memref_slice %arg8[%run_scoped3A_59, %dma_wait3A_75, %dma_wait3A_76] : memref<2x128x128xf32, #tpu.memory_space<vmem>> -> memref<1x16x128xf32, #tpu.memory_space<vmem>>
        %dma_wait3A_78 = tpu.memref_squeeze %dma_wait3A_77 : memref<1x16x128xf32, #tpu.memory_space<vmem>> -> memref<16x128xf32, #tpu.memory_space<vmem>>
        %dma_wait3A_79 = arith.constant 10000 : i32
        %dma_wait3A_80 = arith.constant 0 : i32
        %dma_wait3A_81 = tpu.memref_slice %arg7[%dma_wait3A_79, %dma_wait3A_80] : memref<10016x128xf32, #tpu.memory_space<vmem_shared>> -> memref<16x128xf32, #tpu.memory_space<vmem_shared>>
        %dma_wait3A_82 = arith.constant 10000 : i32
        %dma_wait3A_83 = arith.constant 0 : i32
        %dma_wait3A_84 = tpu.memref_slice %arg7[%dma_wait3A_82, %dma_wait3A_83] : memref<10016x128xf32, #tpu.memory_space<vmem_shared>> -> memref<16x128xf32, #tpu.memory_space<vmem_shared>>
        %dma_wait3A_85 = arith.constant 0 : i32
        %dma_wait3A_86 = arith.constant 0 : i32
        %dma_wait3A_87 = tpu.memref_slice %arg8[%run_scoped3A_59, %dma_wait3A_85, %dma_wait3A_86] : memref<2x128x128xf32, #tpu.memory_space<vmem>> -> memref<1x16x128xf32, #tpu.memory_space<vmem>>
        %dma_wait3A_88 = tpu.memref_squeeze %dma_wait3A_87 : memref<1x16x128xf32, #tpu.memory_space<vmem>> -> memref<16x128xf32, #tpu.memory_space<vmem>>
        tpu.wait_dma2 semaphore(%run_scoped3A_60 : memref<!tpu.dma_semaphore, #tpu.memory_space<semaphore_mem>>) src(%dma_wait3A_88 : memref<16x128xf32, #tpu.memory_space<vmem>>) dst(%dma_wait3A_84 : memref<16x128xf32, #tpu.memory_space<vmem_shared>>)
        tpu.yield
      }) : () -> ()
    } else {
    }
    %barrier3A = arith.constant 0 : index
    tpu.barrier barrier_id(%barrier3A)
    %run_scoped3A_9 = arith.constant 0 : i32
    "tpu.region"() ({
      %run_scoped3A_59 = tpu.sem_alloc : memref<!tpu.dma_semaphore, #tpu.memory_space<semaphore_mem>>
      %dma_start3A_60 = arith.constant 0 : i32
      %dma_start3A_61 = arith.constant 0 : i32
      %dma_start3A_62 = tpu.memref_slice %arg9[%run_scoped3A_9, %dma_start3A_60, %dma_start3A_61] : memref<2x8x128xi32, #tpu.memory_space<vmem>> -> memref<1x8x128xi32, #tpu.memory_space<vmem>>
      %dma_start3A_63 = tpu.memref_squeeze %dma_start3A_62 : memref<1x8x128xi32, #tpu.memory_space<vmem>> -> memref<8x128xi32, #tpu.memory_space<vmem>>
      %dma_start3A_64 = arith.constant 0 : i32
      %dma_start3A_65 = tpu.memref_slice %arg4[%mul3A_2, %dma_start3A_64] : memref<2560x128xi32, #tpu.memory_space<hbm>> -> memref<8x128xi32, #tpu.memory_space<hbm>>
      %dma_start3A_66 = arith.constant 0 : i32
      %dma_start3A_67 = arith.constant 0 : i32
      %dma_start3A_68 = tpu.memref_slice %arg9[%run_scoped3A_9, %dma_start3A_66, %dma_start3A_67] : memref<2x8x128xi32, #tpu.memory_space<vmem>> -> memref<1x8x128xi32, #tpu.memory_space<vmem>>
      %dma_start3A_69 = tpu.memref_squeeze %dma_start3A_68 : memref<1x8x128xi32, #tpu.memory_space<vmem>> -> memref<8x128xi32, #tpu.memory_space<vmem>>
      %dma_start3A_70 = arith.constant 0 : i32
      %dma_start3A_71 = tpu.memref_slice %arg4[%mul3A_2, %dma_start3A_70] : memref<2560x128xi32, #tpu.memory_space<hbm>> -> memref<8x128xi32, #tpu.memory_space<hbm>>
      tpu.enqueue_dma source(%dma_start3A_71 : memref<8x128xi32, #tpu.memory_space<hbm>>) target(%dma_start3A_69 : memref<8x128xi32, #tpu.memory_space<vmem>>) target_semaphore(%run_scoped3A_59 : memref<!tpu.dma_semaphore, #tpu.memory_space<semaphore_mem>>)
      %dma_wait3A_72 = arith.constant 0 : i32
      %dma_wait3A_73 = arith.constant 0 : i32
      %dma_wait3A_74 = tpu.memref_slice %arg9[%run_scoped3A_9, %dma_wait3A_72, %dma_wait3A_73] : memref<2x8x128xi32, #tpu.memory_space<vmem>> -> memref<1x8x128xi32, #tpu.memory_space<vmem>>
      %dma_wait3A_75 = tpu.memref_squeeze %dma_wait3A_74 : memref<1x8x128xi32, #tpu.memory_space<vmem>> -> memref<8x128xi32, #tpu.memory_space<vmem>>
      %dma_wait3A_76 = arith.constant 0 : i32
      %dma_wait3A_77 = tpu.memref_slice %arg4[%mul3A_2, %dma_wait3A_76] : memref<2560x128xi32, #tpu.memory_space<hbm>> -> memref<8x128xi32, #tpu.memory_space<hbm>>
      %dma_wait3A_78 = arith.constant 0 : i32
      %dma_wait3A_79 = arith.constant 0 : i32
      %dma_wait3A_80 = tpu.memref_slice %arg9[%run_scoped3A_9, %dma_wait3A_78, %dma_wait3A_79] : memref<2x8x128xi32, #tpu.memory_space<vmem>> -> memref<1x8x128xi32, #tpu.memory_space<vmem>>
      %dma_wait3A_81 = tpu.memref_squeeze %dma_wait3A_80 : memref<1x8x128xi32, #tpu.memory_space<vmem>> -> memref<8x128xi32, #tpu.memory_space<vmem>>
      %dma_wait3A_82 = arith.constant 0 : i32
      %dma_wait3A_83 = tpu.memref_slice %arg4[%mul3A_2, %dma_wait3A_82] : memref<2560x128xi32, #tpu.memory_space<hbm>> -> memref<8x128xi32, #tpu.memory_space<hbm>>
      tpu.wait_dma2 semaphore(%run_scoped3A_59 : memref<!tpu.dma_semaphore, #tpu.memory_space<semaphore_mem>>) src(%dma_wait3A_83 : memref<8x128xi32, #tpu.memory_space<hbm>>) dst(%dma_wait3A_81 : memref<8x128xi32, #tpu.memory_space<vmem>>)
      tpu.yield
    }) : () -> ()
    %run_scoped3A_10 = arith.constant 0 : i32
    "tpu.region"() ({
      %run_scoped3A_59 = tpu.sem_alloc : memref<!tpu.dma_semaphore, #tpu.memory_space<semaphore_mem>>
      %dma_start3A_60 = arith.constant 0 : i32
      %dma_start3A_61 = arith.constant 0 : i32
      %dma_start3A_62 = tpu.memref_slice %arg10[%run_scoped3A_10, %dma_start3A_60, %dma_start3A_61] : memref<2x8x128xi32, #tpu.memory_space<vmem>> -> memref<1x8x128xi32, #tpu.memory_space<vmem>>
      %dma_start3A_63 = tpu.memref_squeeze %dma_start3A_62 : memref<1x8x128xi32, #tpu.memory_space<vmem>> -> memref<8x128xi32, #tpu.memory_space<vmem>>
      %dma_start3A_64 = arith.constant 0 : i32
      %dma_start3A_65 = tpu.memref_slice %arg3[%mul3A_2, %dma_start3A_64] : memref<2560x128xi32, #tpu.memory_space<hbm>> -> memref<8x128xi32, #tpu.memory_space<hbm>>
      %dma_start3A_66 = arith.constant 0 : i32
      %dma_start3A_67 = arith.constant 0 : i32
      %dma_start3A_68 = tpu.memref_slice %arg10[%run_scoped3A_10, %dma_start3A_66, %dma_start3A_67] : memref<2x8x128xi32, #tpu.memory_space<vmem>> -> memref<1x8x128xi32, #tpu.memory_space<vmem>>
      %dma_start3A_69 = tpu.memref_squeeze %dma_start3A_68 : memref<1x8x128xi32, #tpu.memory_space<vmem>> -> memref<8x128xi32, #tpu.memory_space<vmem>>
      %dma_start3A_70 = arith.constant 0 : i32
      %dma_start3A_71 = tpu.memref_slice %arg3[%mul3A_2, %dma_start3A_70] : memref<2560x128xi32, #tpu.memory_space<hbm>> -> memref<8x128xi32, #tpu.memory_space<hbm>>
      tpu.enqueue_dma source(%dma_start3A_71 : memref<8x128xi32, #tpu.memory_space<hbm>>) target(%dma_start3A_69 : memref<8x128xi32, #tpu.memory_space<vmem>>) target_semaphore(%run_scoped3A_59 : memref<!tpu.dma_semaphore, #tpu.memory_space<semaphore_mem>>)
      %dma_wait3A_72 = arith.constant 0 : i32
      %dma_wait3A_73 = arith.constant 0 : i32
      %dma_wait3A_74 = tpu.memref_slice %arg10[%run_scoped3A_10, %dma_wait3A_72, %dma_wait3A_73] : memref<2x8x128xi32, #tpu.memory_space<vmem>> -> memref<1x8x128xi32, #tpu.memory_space<vmem>>
      %dma_wait3A_75 = tpu.memref_squeeze %dma_wait3A_74 : memref<1x8x128xi32, #tpu.memory_space<vmem>> -> memref<8x128xi32, #tpu.memory_space<vmem>>
      %dma_wait3A_76 = arith.constant 0 : i32
      %dma_wait3A_77 = tpu.memref_slice %arg3[%mul3A_2, %dma_wait3A_76] : memref<2560x128xi32, #tpu.memory_space<hbm>> -> memref<8x128xi32, #tpu.memory_space<hbm>>
      %dma_wait3A_78 = arith.constant 0 : i32
      %dma_wait3A_79 = arith.constant 0 : i32
      %dma_wait3A_80 = tpu.memref_slice %arg10[%run_scoped3A_10, %dma_wait3A_78, %dma_wait3A_79] : memref<2x8x128xi32, #tpu.memory_space<vmem>> -> memref<1x8x128xi32, #tpu.memory_space<vmem>>
      %dma_wait3A_81 = tpu.memref_squeeze %dma_wait3A_80 : memref<1x8x128xi32, #tpu.memory_space<vmem>> -> memref<8x128xi32, #tpu.memory_space<vmem>>
      %dma_wait3A_82 = arith.constant 0 : i32
      %dma_wait3A_83 = tpu.memref_slice %arg3[%mul3A_2, %dma_wait3A_82] : memref<2560x128xi32, #tpu.memory_space<hbm>> -> memref<8x128xi32, #tpu.memory_space<hbm>>
      tpu.wait_dma2 semaphore(%run_scoped3A_59 : memref<!tpu.dma_semaphore, #tpu.memory_space<semaphore_mem>>) src(%dma_wait3A_83 : memref<8x128xi32, #tpu.memory_space<hbm>>) dst(%dma_wait3A_81 : memref<8x128xi32, #tpu.memory_space<vmem>>)
      tpu.yield
    }) : () -> ()
    %dma_start3A = arith.constant 0 : i32
    %dma_start3A_11 = arith.constant 0 : i32
    %dma_start3A_12 = arith.constant 0 : i32
    %dma_start3A_13 = arith.constant 0 : i32
    %dma_start3A_14 = arith.constant 0 : i32
    %dma_start3A_15 = tpu.memref_slice %arg8[%dma_start3A_12, %dma_start3A_13, %dma_start3A_14] : memref<2x128x128xf32, #tpu.memory_space<vmem>> -> memref<1x128x128xf32, #tpu.memory_space<vmem>>
    %dma_start3A_16 = tpu.memref_squeeze %dma_start3A_15 : memref<1x128x128xf32, #tpu.memory_space<vmem>> -> memref<128x128xf32, #tpu.memory_space<vmem>>
    %dma_start3A_17 = arith.constant 0 : i32
    %dma_start3A_18 = tpu.memref_slice %arg9[%dma_start3A, %dma_start3A_11, %dma_start3A_17] : memref<2x8x128xi32, #tpu.memory_space<vmem>> -> memref<1x1x128xi32, #tpu.memory_space<vmem>>
    %dma_start3A_19 = tpu.memref_squeeze %dma_start3A_18 : memref<1x1x128xi32, #tpu.memory_space<vmem>> -> memref<128xi32, #tpu.memory_space<vmem>>
    %dma_start3A_20 = arith.constant 0 : i32
    %dma_start3A_21 = arith.constant 0 : i32
    %dma_start3A_22 = tpu.memref_slice %arg7[%dma_start3A_20, %dma_start3A_21] : memref<10016x128xf32, #tpu.memory_space<vmem_shared>> -> memref<10016x128xf32, #tpu.memory_space<vmem_shared>>
    tpu.enqueue_indirect_dma source(%dma_start3A_22 : memref<10016x128xf32, #tpu.memory_space<vmem_shared>>) target(%dma_start3A_16 : memref<128x128xf32, #tpu.memory_space<vmem>>) offsets(%dma_start3A_19 : memref<128xi32, #tpu.memory_space<vmem>>) semaphore(%arg11 : memref<!tpu.dma_semaphore, #tpu.memory_space<semaphore_mem>>)
    %scan3A_23 = arith.constant 0 : i32
    %scan3A_24 = arith.constant 5 : i32
    %scan3A_25 = arith.addi %scan3A_23, %scan3A_24 : i32
    %scan3A_26 = arith.constant 1 : i32
    scf.for %scan3A_59 = %scan3A_23 to %scan3A_25 step %scan3A_26  : i32 {
      %mul3A_60 = arith.constant 1 : i32
      %mul3A_61 = arith.muli %scan3A_59, %mul3A_60 : i32
      %add3A_62 = arith.constant 0 : i32
      %add3A_63 = arith.addi %add3A_62, %mul3A_61 : i32
      %mul3A_64 = arith.constant 2 : i32
      %mul3A_65 = arith.muli %mul3A_64, %add3A_63 : i32
      %add3A_66 = arith.constant 0 : i32
      %add3A_67 = arith.addi %mul3A_65, %add3A_66 : i32
      %dma_wait3A_68 = arith.constant 0 : i32
      %dma_wait3A_69 = arith.constant 0 : i32
      %dma_wait3A_70 = arith.constant 0 : i32
      %dma_wait3A_71 = arith.constant 0 : i32
      %dma_wait3A_72 = arith.constant 0 : i32
      %dma_wait3A_73 = tpu.memref_slice %arg8[%dma_wait3A_70, %dma_wait3A_71, %dma_wait3A_72] : memref<2x128x128xf32, #tpu.memory_space<vmem>> -> memref<1x128x128xf32, #tpu.memory_space<vmem>>
      %dma_wait3A_74 = tpu.memref_squeeze %dma_wait3A_73 : memref<1x128x128xf32, #tpu.memory_space<vmem>> -> memref<128x128xf32, #tpu.memory_space<vmem>>
      %dma_wait3A_75 = arith.constant 0 : i32
      %dma_wait3A_76 = tpu.memref_slice %arg9[%dma_wait3A_68, %dma_wait3A_69, %dma_wait3A_75] : memref<2x8x128xi32, #tpu.memory_space<vmem>> -> memref<1x1x128xi32, #tpu.memory_space<vmem>>
      %dma_wait3A_77 = tpu.memref_squeeze %dma_wait3A_76 : memref<1x1x128xi32, #tpu.memory_space<vmem>> -> memref<128xi32, #tpu.memory_space<vmem>>
      %dma_wait3A_78 = arith.constant 0 : i32
      %dma_wait3A_79 = arith.constant 0 : i32
      %dma_wait3A_80 = tpu.memref_slice %arg7[%dma_wait3A_78, %dma_wait3A_79] : memref<10016x128xf32, #tpu.memory_space<vmem_shared>> -> memref<10016x128xf32, #tpu.memory_space<vmem_shared>>
      tpu.wait_indirect_dma semaphore(%arg11 : memref<!tpu.dma_semaphore, #tpu.memory_space<semaphore_mem>>) src(%dma_wait3A_80 : memref<10016x128xf32, #tpu.memory_space<vmem_shared>>) dst(%dma_wait3A_74 : memref<128x128xf32, #tpu.memory_space<vmem>>)
      %dma_start3A_81 = arith.constant 0 : i32
      %dma_start3A_82 = arith.constant 0 : i32
      %dma_start3A_83 = arith.constant 0 : i32
      %dma_start3A_84 = arith.constant 0 : i32
      %dma_start3A_85 = arith.constant 0 : i32
      %dma_start3A_86 = tpu.memref_slice %arg8[%dma_start3A_81, %dma_start3A_84, %dma_start3A_85] : memref<2x128x128xf32, #tpu.memory_space<vmem>> -> memref<1x128x128xf32, #tpu.memory_space<vmem>>
      %dma_start3A_87 = tpu.memref_squeeze %dma_start3A_86 : memref<1x128x128xf32, #tpu.memory_space<vmem>> -> memref<128x128xf32, #tpu.memory_space<vmem>>
      %dma_start3A_88 = arith.constant 0 : i32
      %dma_start3A_89 = tpu.memref_slice %arg10[%dma_start3A_82, %dma_start3A_83, %dma_start3A_88] : memref<2x8x128xi32, #tpu.memory_space<vmem>> -> memref<1x1x128xi32, #tpu.memory_space<vmem>>
      %dma_start3A_90 = tpu.memref_squeeze %dma_start3A_89 : memref<1x1x128xi32, #tpu.memory_space<vmem>> -> memref<128xi32, #tpu.memory_space<vmem>>
      %dma_start3A_91 = arith.constant 0 : i32
      %dma_start3A_92 = arith.constant 0 : i32
      %dma_start3A_93 = tpu.memref_slice %arg7[%dma_start3A_91, %dma_start3A_92] : memref<10016x128xf32, #tpu.memory_space<vmem_shared>> -> memref<10016x128xf32, #tpu.memory_space<vmem_shared>>
      tpu.enqueue_indirect_dma source(%dma_start3A_87 : memref<128x128xf32, #tpu.memory_space<vmem>>) target(%dma_start3A_93 : memref<10016x128xf32, #tpu.memory_space<vmem_shared>>) offsets(%dma_start3A_90 : memref<128xi32, #tpu.memory_space<vmem>>) semaphore(%arg13 : memref<!tpu.dma_semaphore, #tpu.memory_space<semaphore_mem>>) {add = true}
      %gt3A = arith.constant 0 : i32
      %gt3A_94 = arith.cmpi sgt, %add3A_63, %gt3A : i32
      %convert_element_type3A_95 = arith.extui %gt3A_94 : i1 to i32
      %cond3A_96 = arith.constant 0 : i32
      %cond3A_97 = arith.cmpi ne, %convert_element_type3A_95, %cond3A_96 : i32
      scf.if %cond3A_97 {
        %dma_wait3A_946 = arith.constant 1 : i32
        %dma_wait3A_947 = arith.constant 1 : i32
        %dma_wait3A_948 = arith.constant 7 : i32
        %dma_wait3A_949 = arith.constant 0 : i32
        %dma_wait3A_950 = arith.constant 0 : i32
        %dma_wait3A_951 = tpu.memref_slice %arg8[%dma_wait3A_946, %dma_wait3A_949, %dma_wait3A_950] : memref<2x128x128xf32, #tpu.memory_space<vmem>> -> memref<1x128x128xf32, #tpu.memory_space<vmem>>
        %dma_wait3A_952 = tpu.memref_squeeze %dma_wait3A_951 : memref<1x128x128xf32, #tpu.memory_space<vmem>> -> memref<128x128xf32, #tpu.memory_space<vmem>>
        %dma_wait3A_953 = arith.constant 0 : i32
        %dma_wait3A_954 = tpu.memref_slice %arg10[%dma_wait3A_947, %dma_wait3A_948, %dma_wait3A_953] : memref<2x8x128xi32, #tpu.memory_space<vmem>> -> memref<1x1x128xi32, #tpu.memory_space<vmem>>
        %dma_wait3A_955 = tpu.memref_squeeze %dma_wait3A_954 : memref<1x1x128xi32, #tpu.memory_space<vmem>> -> memref<128xi32, #tpu.memory_space<vmem>>
        %dma_wait3A_956 = arith.constant 0 : i32
        %dma_wait3A_957 = arith.constant 0 : i32
        %dma_wait3A_958 = tpu.memref_slice %arg7[%dma_wait3A_956, %dma_wait3A_957] : memref<10016x128xf32, #tpu.memory_space<vmem_shared>> -> memref<10016x128xf32, #tpu.memory_space<vmem_shared>>
        tpu.wait_indirect_dma semaphore(%arg14 : memref<!tpu.dma_semaphore, #tpu.memory_space<semaphore_mem>>) src(%dma_wait3A_952 : memref<128x128xf32, #tpu.memory_space<vmem>>) dst(%dma_wait3A_958 : memref<10016x128xf32, #tpu.memory_space<vmem_shared>>)
      } else {
      }
      %dma_start3A_98 = arith.constant 0 : i32
      %dma_start3A_99 = arith.constant 1 : i32
      %dma_start3A_100 = arith.constant 1 : i32
      %dma_start3A_101 = arith.constant 0 : i32
      %dma_start3A_102 = arith.constant 0 : i32
      %dma_start3A_103 = tpu.memref_slice %arg8[%dma_start3A_100, %dma_start3A_101, %dma_start3A_102] : memref<2x128x128xf32, #tpu.memory_space<vmem>> -> memref<1x128x128xf32, #tpu.memory_space<vmem>>
      %dma_start3A_104 = tpu.memref_squeeze %dma_start3A_103 : memref<1x128x128xf32, #tpu.memory_space<vmem>> -> memref<128x128xf32, #tpu.memory_space<vmem>>
      %dma_start3A_105 = arith.constant 0 : i32
      %dma_start3A_106 = tpu.memref_slice %arg9[%dma_start3A_98, %dma_start3A_99, %dma_start3A_105] : memref<2x8x128xi32, #tpu.memory_space<vmem>> -> memref<1x1x128xi32, #tpu.memory_space<vmem>>
      %dma_start3A_107 = tpu.memref_squeeze %dma_start3A_106 : memref<1x1x128xi32, #tpu.memory_space<vmem>> -> memref<128xi32, #tpu.memory_space<vmem>>
      %dma_start3A_108 = arith.constant 0 : i32
      %dma_start3A_109 = arith.constant 0 : i32
      %dma_start3A_110 = tpu.memref_slice %arg7[%dma_start3A_108, %dma_start3A_109] : memref<10016x128xf32, #tpu.memory_space<vmem_shared>> -> memref<10016x128xf32, #tpu.memory_space<vmem_shared>>
      tpu.enqueue_indirect_dma source(%dma_start3A_110 : memref<10016x128xf32, #tpu.memory_space<vmem_shared>>) target(%dma_start3A_104 : memref<128x128xf32, #tpu.memory_space<vmem>>) offsets(%dma_start3A_107 : memref<128xi32, #tpu.memory_space<vmem>>) semaphore(%arg12 : memref<!tpu.dma_semaphore, #tpu.memory_space<semaphore_mem>>)
      %dma_wait3A_111 = arith.constant 0 : i32
      %dma_wait3A_112 = arith.constant 1 : i32
      %dma_wait3A_113 = arith.constant 1 : i32
      %dma_wait3A_114 = arith.constant 0 : i32
      %dma_wait3A_115 = arith.constant 0 : i32
      %dma_wait3A_116 = tpu.memref_slice %arg8[%dma_wait3A_113, %dma_wait3A_114, %dma_wait3A_115] : memref<2x128x128xf32, #tpu.memory_space<vmem>> -> memref<1x128x128xf32, #tpu.memory_space<vmem>>
      %dma_wait3A_117 = tpu.memref_squeeze %dma_wait3A_116 : memref<1x128x128xf32, #tpu.memory_space<vmem>> -> memref<128x128xf32, #tpu.memory_space<vmem>>
      %dma_wait3A_118 = arith.constant 0 : i32
      %dma_wait3A_119 = tpu.memref_slice %arg9[%dma_wait3A_111, %dma_wait3A_112, %dma_wait3A_118] : memref<2x8x128xi32, #tpu.memory_space<vmem>> -> memref<1x1x128xi32, #tpu.memory_space<vmem>>
      %dma_wait3A_120 = tpu.memref_squeeze %dma_wait3A_119 : memref<1x1x128xi32, #tpu.memory_space<vmem>> -> memref<128xi32, #tpu.memory_space<vmem>>
      %dma_wait3A_121 = arith.constant 0 : i32
      %dma_wait3A_122 = arith.constant 0 : i32
      %dma_wait3A_123 = tpu.memref_slice %arg7[%dma_wait3A_121, %dma_wait3A_122] : memref<10016x128xf32, #tpu.memory_space<vmem_shared>> -> memref<10016x128xf32, #tpu.memory_space<vmem_shared>>
      tpu.wait_indirect_dma semaphore(%arg12 : memref<!tpu.dma_semaphore, #tpu.memory_space<semaphore_mem>>) src(%dma_wait3A_123 : memref<10016x128xf32, #tpu.memory_space<vmem_shared>>) dst(%dma_wait3A_117 : memref<128x128xf32, #tpu.memory_space<vmem>>)
      %dma_start3A_124 = arith.constant 1 : i32
      %dma_start3A_125 = arith.constant 0 : i32
      %dma_start3A_126 = arith.constant 1 : i32
      %dma_start3A_127 = arith.constant 0 : i32
      %dma_start3A_128 = arith.constant 0 : i32
      %dma_start3A_129 = tpu.memref_slice %arg8[%dma_start3A_124, %dma_start3A_127, %dma_start3A_128] : memref<2x128x128xf32, #tpu.memory_space<vmem>> -> memref<1x128x128xf32, #tpu.memory_space<vmem>>
      %dma_start3A_130 = tpu.memref_squeeze %dma_start3A_129 : memref<1x128x128xf32, #tpu.memory_space<vmem>> -> memref<128x128xf32, #tpu.memory_space<vmem>>
      %dma_start3A_131 = arith.constant 0 : i32
      %dma_start3A_132 = tpu.memref_slice %arg10[%dma_start3A_125, %dma_start3A_126, %dma_start3A_131] : memref<2x8x128xi32, #tpu.memory_space<vmem>> -> memref<1x1x128xi32, #tpu.memory_space<vmem>>
      %dma_start3A_133 = tpu.memref_squeeze %dma_start3A_132 : memref<1x1x128xi32, #tpu.memory_space<vmem>> -> memref<128xi32, #tpu.memory_space<vmem>>
      %dma_start3A_134 = arith.constant 0 : i32
      %dma_start3A_135 = arith.constant 0 : i32
      %dma_start3A_136 = tpu.memref_slice %arg7[%dma_start3A_134, %dma_start3A_135] : memref<10016x128xf32, #tpu.memory_space<vmem_shared>> -> memref<10016x128xf32, #tpu.memory_space<vmem_shared>>
      tpu.enqueue_indirect_dma source(%dma_start3A_130 : memref<128x128xf32, #tpu.memory_space<vmem>>) target(%dma_start3A_136 : memref<10016x128xf32, #tpu.memory_space<vmem_shared>>) offsets(%dma_start3A_133 : memref<128xi32, #tpu.memory_space<vmem>>) semaphore(%arg14 : memref<!tpu.dma_semaphore, #tpu.memory_space<semaphore_mem>>) {add = true}
      %dma_wait3A_137 = arith.constant 0 : i32
      %dma_wait3A_138 = arith.constant 0 : i32
      %dma_wait3A_139 = arith.constant 0 : i32
      %dma_wait3A_140 = arith.constant 0 : i32
      %dma_wait3A_141 = arith.constant 0 : i32
      %dma_wait3A_142 = tpu.memref_slice %arg8[%dma_wait3A_137, %dma_wait3A_140, %dma_wait3A_141] : memref<2x128x128xf32, #tpu.memory_space<vmem>> -> memref<1x128x128xf32, #tpu.memory_space<vmem>>
      %dma_wait3A_143 = tpu.memref_squeeze %dma_wait3A_142 : memref<1x128x128xf32, #tpu.memory_space<vmem>> -> memref<128x128xf32, #tpu.memory_space<vmem>>
      %dma_wait3A_144 = arith.constant 0 : i32
      %dma_wait3A_145 = tpu.memref_slice %arg10[%dma_wait3A_138, %dma_wait3A_139, %dma_wait3A_144] : memref<2x8x128xi32, #tpu.memory_space<vmem>> -> memref<1x1x128xi32, #tpu.memory_space<vmem>>
      %dma_wait3A_146 = tpu.memref_squeeze %dma_wait3A_145 : memref<1x1x128xi32, #tpu.memory_space<vmem>> -> memref<128xi32, #tpu.memory_space<vmem>>
      %dma_wait3A_147 = arith.constant 0 : i32
      %dma_wait3A_148 = arith.constant 0 : i32
      %dma_wait3A_149 = tpu.memref_slice %arg7[%dma_wait3A_147, %dma_wait3A_148] : memref<10016x128xf32, #tpu.memory_space<vmem_shared>> -> memref<10016x128xf32, #tpu.memory_space<vmem_shared>>
      tpu.wait_indirect_dma semaphore(%arg13 : memref<!tpu.dma_semaphore, #tpu.memory_space<semaphore_mem>>) src(%dma_wait3A_143 : memref<128x128xf32, #tpu.memory_space<vmem>>) dst(%dma_wait3A_149 : memref<10016x128xf32, #tpu.memory_space<vmem_shared>>)
      %dma_start3A_150 = arith.constant 0 : i32
      %dma_start3A_151 = arith.constant 2 : i32
      %dma_start3A_152 = arith.constant 0 : i32
      %dma_start3A_153 = arith.constant 0 : i32
      %dma_start3A_154 = arith.constant 0 : i32
      %dma_start3A_155 = tpu.memref_slice %arg8[%dma_start3A_152, %dma_start3A_153, %dma_start3A_154] : memref<2x128x128xf32, #tpu.memory_space<vmem>> -> memref<1x128x128xf32, #tpu.memory_space<vmem>>
      %dma_start3A_156 = tpu.memref_squeeze %dma_start3A_155 : memref<1x128x128xf32, #tpu.memory_space<vmem>> -> memref<128x128xf32, #tpu.memory_space<vmem>>
      %dma_start3A_157 = arith.constant 0 : i32
      %dma_start3A_158 = tpu.memref_slice %arg9[%dma_start3A_150, %dma_start3A_151, %dma_start3A_157] : memref<2x8x128xi32, #tpu.memory_space<vmem>> -> memref<1x1x128xi32, #tpu.memory_space<vmem>>
      %dma_start3A_159 = tpu.memref_squeeze %dma_start3A_158 : memref<1x1x128xi32, #tpu.memory_space<vmem>> -> memref<128xi32, #tpu.memory_space<vmem>>
      %dma_start3A_160 = arith.constant 0 : i32
      %dma_start3A_161 = arith.constant 0 : i32
      %dma_start3A_162 = tpu.memref_slice %arg7[%dma_start3A_160, %dma_start3A_161] : memref<10016x128xf32, #tpu.memory_space<vmem_shared>> -> memref<10016x128xf32, #tpu.memory_space<vmem_shared>>
      tpu.enqueue_indirect_dma source(%dma_start3A_162 : memref<10016x128xf32, #tpu.memory_space<vmem_shared>>) target(%dma_start3A_156 : memref<128x128xf32, #tpu.memory_space<vmem>>) offsets(%dma_start3A_159 : memref<128xi32, #tpu.memory_space<vmem>>) semaphore(%arg11 : memref<!tpu.dma_semaphore, #tpu.memory_space<semaphore_mem>>)
      %dma_wait3A_163 = arith.constant 0 : i32
      %dma_wait3A_164 = arith.constant 2 : i32
      %dma_wait3A_165 = arith.constant 0 : i32
      %dma_wait3A_166 = arith.constant 0 : i32
      %dma_wait3A_167 = arith.constant 0 : i32
      %dma_wait3A_168 = tpu.memref_slice %arg8[%dma_wait3A_165, %dma_wait3A_166, %dma_wait3A_167] : memref<2x128x128xf32, #tpu.memory_space<vmem>> -> memref<1x128x128xf32, #tpu.memory_space<vmem>>
      %dma_wait3A_169 = tpu.memref_squeeze %dma_wait3A_168 : memref<1x128x128xf32, #tpu.memory_space<vmem>> -> memref<128x128xf32, #tpu.memory_space<vmem>>
      %dma_wait3A_170 = arith.constant 0 : i32
      %dma_wait3A_171 = tpu.memref_slice %arg9[%dma_wait3A_163, %dma_wait3A_164, %dma_wait3A_170] : memref<2x8x128xi32, #tpu.memory_space<vmem>> -> memref<1x1x128xi32, #tpu.memory_space<vmem>>
      %dma_wait3A_172 = tpu.memref_squeeze %dma_wait3A_171 : memref<1x1x128xi32, #tpu.memory_space<vmem>> -> memref<128xi32, #tpu.memory_space<vmem>>
      %dma_wait3A_173 = arith.constant 0 : i32
      %dma_wait3A_174 = arith.constant 0 : i32
      %dma_wait3A_175 = tpu.memref_slice %arg7[%dma_wait3A_173, %dma_wait3A_174] : memref<10016x128xf32, #tpu.memory_space<vmem_shared>> -> memref<10016x128xf32, #tpu.memory_space<vmem_shared>>
      tpu.wait_indirect_dma semaphore(%arg11 : memref<!tpu.dma_semaphore, #tpu.memory_space<semaphore_mem>>) src(%dma_wait3A_175 : memref<10016x128xf32, #tpu.memory_space<vmem_shared>>) dst(%dma_wait3A_169 : memref<128x128xf32, #tpu.memory_space<vmem>>)
      %dma_start3A_176 = arith.constant 0 : i32
      %dma_start3A_177 = arith.constant 0 : i32
      %dma_start3A_178 = arith.constant 2 : i32
      %dma_start3A_179 = arith.constant 0 : i32
      %dma_start3A_180 = arith.constant 0 : i32
      %dma_start3A_181 = tpu.memref_slice %arg8[%dma_start3A_176, %dma_start3A_179, %dma_start3A_180] : memref<2x128x128xf32, #tpu.memory_space<vmem>> -> memref<1x128x128xf32, #tpu.memory_space<vmem>>
      %dma_start3A_182 = tpu.memref_squeeze %dma_start3A_181 : memref<1x128x128xf32, #tpu.memory_space<vmem>> -> memref<128x128xf32, #tpu.memory_space<vmem>>
      %dma_start3A_183 = arith.constant 0 : i32
      %dma_start3A_184 = tpu.memref_slice %arg10[%dma_start3A_177, %dma_start3A_178, %dma_start3A_183] : memref<2x8x128xi32, #tpu.memory_space<vmem>> -> memref<1x1x128xi32, #tpu.memory_space<vmem>>
      %dma_start3A_185 = tpu.memref_squeeze %dma_start3A_184 : memref<1x1x128xi32, #tpu.memory_space<vmem>> -> memref<128xi32, #tpu.memory_space<vmem>>
      %dma_start3A_186 = arith.constant 0 : i32
      %dma_start3A_187 = arith.constant 0 : i32
      %dma_start3A_188 = tpu.memref_slice %arg7[%dma_start3A_186, %dma_start3A_187] : memref<10016x128xf32, #tpu.memory_space<vmem_shared>> -> memref<10016x128xf32, #tpu.memory_space<vmem_shared>>
      tpu.enqueue_indirect_dma source(%dma_start3A_182 : memref<128x128xf32, #tpu.memory_space<vmem>>) target(%dma_start3A_188 : memref<10016x128xf32, #tpu.memory_space<vmem_shared>>) offsets(%dma_start3A_185 : memref<128xi32, #tpu.memory_space<vmem>>) semaphore(%arg13 : memref<!tpu.dma_semaphore, #tpu.memory_space<semaphore_mem>>) {add = true}
      %add3A_189 = arith.constant 1 : i32
      %add3A_190 = arith.addi %add3A_67, %add3A_189 : i32
      %mul3A_191 = arith.constant 8 : i32
      %mul3A_192 = arith.muli %add3A_190, %mul3A_191 : i32
      %add3A_193 = arith.addi %mul3A_2, %mul3A_192 : i32
      %dma_start3A_194 = arith.constant 1 : i32
      %dma_start3A_195 = arith.constant 0 : i32
      %dma_start3A_196 = arith.constant 0 : i32
      %dma_start3A_197 = tpu.memref_slice %arg9[%dma_start3A_194, %dma_start3A_195, %dma_start3A_196] : memref<2x8x128xi32, #tpu.memory_space<vmem>> -> memref<1x8x128xi32, #tpu.memory_space<vmem>>
      %dma_start3A_198 = tpu.memref_squeeze %dma_start3A_197 : memref<1x8x128xi32, #tpu.memory_space<vmem>> -> memref<8x128xi32, #tpu.memory_space<vmem>>
      %dma_start3A_199 = arith.constant 0 : i32
      %dma_start3A_200 = tpu.memref_slice %arg4[%add3A_193, %dma_start3A_199] : memref<2560x128xi32, #tpu.memory_space<hbm>> -> memref<8x128xi32, #tpu.memory_space<hbm>>
      %dma_start3A_201 = arith.constant 0 : i32
      %dma_start3A_202 = arith.constant 0 : i32
      %dma_start3A_203 = tpu.memref_slice %arg9[%dma_start3A_194, %dma_start3A_201, %dma_start3A_202] : memref<2x8x128xi32, #tpu.memory_space<vmem>> -> memref<1x8x128xi32, #tpu.memory_space<vmem>>
      %dma_start3A_204 = tpu.memref_squeeze %dma_start3A_203 : memref<1x8x128xi32, #tpu.memory_space<vmem>> -> memref<8x128xi32, #tpu.memory_space<vmem>>
      %dma_start3A_205 = arith.constant 0 : i32
      %dma_start3A_206 = tpu.memref_slice %arg4[%add3A_193, %dma_start3A_205] : memref<2560x128xi32, #tpu.memory_space<hbm>> -> memref<8x128xi32, #tpu.memory_space<hbm>>
      tpu.enqueue_dma source(%dma_start3A_206 : memref<8x128xi32, #tpu.memory_space<hbm>>) target(%dma_start3A_204 : memref<8x128xi32, #tpu.memory_space<vmem>>) target_semaphore(%arg15 : memref<!tpu.dma_semaphore, #tpu.memory_space<semaphore_mem>>)
      %mul3A_207 = arith.constant 8 : i32
      %mul3A_208 = arith.muli %add3A_190, %mul3A_207 : i32
      %add3A_209 = arith.addi %mul3A_2, %mul3A_208 : i32
      %dma_start3A_210 = arith.constant 1 : i32
      %dma_start3A_211 = arith.constant 0 : i32
      %dma_start3A_212 = arith.constant 0 : i32
      %dma_start3A_213 = tpu.memref_slice %arg10[%dma_start3A_210, %dma_start3A_211, %dma_start3A_212] : memref<2x8x128xi32, #tpu.memory_space<vmem>> -> memref<1x8x128xi32, #tpu.memory_space<vmem>>
      %dma_start3A_214 = tpu.memref_squeeze %dma_start3A_213 : memref<1x8x128xi32, #tpu.memory_space<vmem>> -> memref<8x128xi32, #tpu.memory_space<vmem>>
      %dma_start3A_215 = arith.constant 0 : i32
      %dma_start3A_216 = tpu.memref_slice %arg3[%add3A_209, %dma_start3A_215] : memref<2560x128xi32, #tpu.memory_space<hbm>> -> memref<8x128xi32, #tpu.memory_space<hbm>>
      %dma_start3A_217 = arith.constant 0 : i32
      %dma_start3A_218 = arith.constant 0 : i32
      %dma_start3A_219 = tpu.memref_slice %arg10[%dma_start3A_210, %dma_start3A_217, %dma_start3A_218] : memref<2x8x128xi32, #tpu.memory_space<vmem>> -> memref<1x8x128xi32, #tpu.memory_space<vmem>>
      %dma_start3A_220 = tpu.memref_squeeze %dma_start3A_219 : memref<1x8x128xi32, #tpu.memory_space<vmem>> -> memref<8x128xi32, #tpu.memory_space<vmem>>
      %dma_start3A_221 = arith.constant 0 : i32
      %dma_start3A_222 = tpu.memref_slice %arg3[%add3A_209, %dma_start3A_221] : memref<2560x128xi32, #tpu.memory_space<hbm>> -> memref<8x128xi32, #tpu.memory_space<hbm>>
      tpu.enqueue_dma source(%dma_start3A_222 : memref<8x128xi32, #tpu.memory_space<hbm>>) target(%dma_start3A_220 : memref<8x128xi32, #tpu.memory_space<vmem>>) target_semaphore(%arg15 : memref<!tpu.dma_semaphore, #tpu.memory_space<semaphore_mem>>)
      %dma_wait3A_223 = arith.constant 1 : i32
      %dma_wait3A_224 = arith.constant 0 : i32
      %dma_wait3A_225 = arith.constant 1 : i32
      %dma_wait3A_226 = arith.constant 0 : i32
      %dma_wait3A_227 = arith.constant 0 : i32
      %dma_wait3A_228 = tpu.memref_slice %arg8[%dma_wait3A_223, %dma_wait3A_226, %dma_wait3A_227] : memref<2x128x128xf32, #tpu.memory_space<vmem>> -> memref<1x128x128xf32, #tpu.memory_space<vmem>>
      %dma_wait3A_229 = tpu.memref_squeeze %dma_wait3A_228 : memref<1x128x128xf32, #tpu.memory_space<vmem>> -> memref<128x128xf32, #tpu.memory_space<vmem>>
      %dma_wait3A_230 = arith.constant 0 : i32
      %dma_wait3A_231 = tpu.memref_slice %arg10[%dma_wait3A_224, %dma_wait3A_225, %dma_wait3A_230] : memref<2x8x128xi32, #tpu.memory_space<vmem>> -> memref<1x1x128xi32, #tpu.memory_space<vmem>>
      %dma_wait3A_232 = tpu.memref_squeeze %dma_wait3A_231 : memref<1x1x128xi32, #tpu.memory_space<vmem>> -> memref<128xi32, #tpu.memory_space<vmem>>
      %dma_wait3A_233 = arith.constant 0 : i32
      %dma_wait3A_234 = arith.constant 0 : i32
      %dma_wait3A_235 = tpu.memref_slice %arg7[%dma_wait3A_233, %dma_wait3A_234] : memref<10016x128xf32, #tpu.memory_space<vmem_shared>> -> memref<10016x128xf32, #tpu.memory_space<vmem_shared>>
      tpu.wait_indirect_dma semaphore(%arg14 : memref<!tpu.dma_semaphore, #tpu.memory_space<semaphore_mem>>) src(%dma_wait3A_229 : memref<128x128xf32, #tpu.memory_space<vmem>>) dst(%dma_wait3A_235 : memref<10016x128xf32, #tpu.memory_space<vmem_shared>>)
      %dma_start3A_236 = arith.constant 0 : i32
      %dma_start3A_237 = arith.constant 3 : i32
      %dma_start3A_238 = arith.constant 1 : i32
      %dma_start3A_239 = arith.constant 0 : i32
      %dma_start3A_240 = arith.constant 0 : i32
      %dma_start3A_241 = tpu.memref_slice %arg8[%dma_start3A_238, %dma_start3A_239, %dma_start3A_240] : memref<2x128x128xf32, #tpu.memory_space<vmem>> -> memref<1x128x128xf32, #tpu.memory_space<vmem>>
      %dma_start3A_242 = tpu.memref_squeeze %dma_start3A_241 : memref<1x128x128xf32, #tpu.memory_space<vmem>> -> memref<128x128xf32, #tpu.memory_space<vmem>>
      %dma_start3A_243 = arith.constant 0 : i32
      %dma_start3A_244 = tpu.memref_slice %arg9[%dma_start3A_236, %dma_start3A_237, %dma_start3A_243] : memref<2x8x128xi32, #tpu.memory_space<vmem>> -> memref<1x1x128xi32, #tpu.memory_space<vmem>>
      %dma_start3A_245 = tpu.memref_squeeze %dma_start3A_244 : memref<1x1x128xi32, #tpu.memory_space<vmem>> -> memref<128xi32, #tpu.memory_space<vmem>>
      %dma_start3A_246 = arith.constant 0 : i32
      %dma_start3A_247 = arith.constant 0 : i32
      %dma_start3A_248 = tpu.memref_slice %arg7[%dma_start3A_246, %dma_start3A_247] : memref<10016x128xf32, #tpu.memory_space<vmem_shared>> -> memref<10016x128xf32, #tpu.memory_space<vmem_shared>>
      tpu.enqueue_indirect_dma source(%dma_start3A_248 : memref<10016x128xf32, #tpu.memory_space<vmem_shared>>) target(%dma_start3A_242 : memref<128x128xf32, #tpu.memory_space<vmem>>) offsets(%dma_start3A_245 : memref<128xi32, #tpu.memory_space<vmem>>) semaphore(%arg12 : memref<!tpu.dma_semaphore, #tpu.memory_space<semaphore_mem>>)
      %dma_wait3A_249 = arith.constant 0 : i32
      %dma_wait3A_250 = arith.constant 3 : i32
      %dma_wait3A_251 = arith.constant 1 : i32
      %dma_wait3A_252 = arith.constant 0 : i32
      %dma_wait3A_253 = arith.constant 0 : i32
      %dma_wait3A_254 = tpu.memref_slice %arg8[%dma_wait3A_251, %dma_wait3A_252, %dma_wait3A_253] : memref<2x128x128xf32, #tpu.memory_space<vmem>> -> memref<1x128x128xf32, #tpu.memory_space<vmem>>
      %dma_wait3A_255 = tpu.memref_squeeze %dma_wait3A_254 : memref<1x128x128xf32, #tpu.memory_space<vmem>> -> memref<128x128xf32, #tpu.memory_space<vmem>>
      %dma_wait3A_256 = arith.constant 0 : i32
      %dma_wait3A_257 = tpu.memref_slice %arg9[%dma_wait3A_249, %dma_wait3A_250, %dma_wait3A_256] : memref<2x8x128xi32, #tpu.memory_space<vmem>> -> memref<1x1x128xi32, #tpu.memory_space<vmem>>
      %dma_wait3A_258 = tpu.memref_squeeze %dma_wait3A_257 : memref<1x1x128xi32, #tpu.memory_space<vmem>> -> memref<128xi32, #tpu.memory_space<vmem>>
      %dma_wait3A_259 = arith.constant 0 : i32
      %dma_wait3A_260 = arith.constant 0 : i32
      %dma_wait3A_261 = tpu.memref_slice %arg7[%dma_wait3A_259, %dma_wait3A_260] : memref<10016x128xf32, #tpu.memory_space<vmem_shared>> -> memref<10016x128xf32, #tpu.memory_space<vmem_shared>>
      tpu.wait_indirect_dma semaphore(%arg12 : memref<!tpu.dma_semaphore, #tpu.memory_space<semaphore_mem>>) src(%dma_wait3A_261 : memref<10016x128xf32, #tpu.memory_space<vmem_shared>>) dst(%dma_wait3A_255 : memref<128x128xf32, #tpu.memory_space<vmem>>)
      %dma_start3A_262 = arith.constant 1 : i32
      %dma_start3A_263 = arith.constant 0 : i32
      %dma_start3A_264 = arith.constant 3 : i32
      %dma_start3A_265 = arith.constant 0 : i32
      %dma_start3A_266 = arith.constant 0 : i32
      %dma_start3A_267 = tpu.memref_slice %arg8[%dma_start3A_262, %dma_start3A_265, %dma_start3A_266] : memref<2x128x128xf32, #tpu.memory_space<vmem>> -> memref<1x128x128xf32, #tpu.memory_space<vmem>>
      %dma_start3A_268 = tpu.memref_squeeze %dma_start3A_267 : memref<1x128x128xf32, #tpu.memory_space<vmem>> -> memref<128x128xf32, #tpu.memory_space<vmem>>
      %dma_start3A_269 = arith.constant 0 : i32
      %dma_start3A_270 = tpu.memref_slice %arg10[%dma_start3A_263, %dma_start3A_264, %dma_start3A_269] : memref<2x8x128xi32, #tpu.memory_space<vmem>> -> memref<1x1x128xi32, #tpu.memory_space<vmem>>
      %dma_start3A_271 = tpu.memref_squeeze %dma_start3A_270 : memref<1x1x128xi32, #tpu.memory_space<vmem>> -> memref<128xi32, #tpu.memory_space<vmem>>
      %dma_start3A_272 = arith.constant 0 : i32
      %dma_start3A_273 = arith.constant 0 : i32
      %dma_start3A_274 = tpu.memref_slice %arg7[%dma_start3A_272, %dma_start3A_273] : memref<10016x128xf32, #tpu.memory_space<vmem_shared>> -> memref<10016x128xf32, #tpu.memory_space<vmem_shared>>
      tpu.enqueue_indirect_dma source(%dma_start3A_268 : memref<128x128xf32, #tpu.memory_space<vmem>>) target(%dma_start3A_274 : memref<10016x128xf32, #tpu.memory_space<vmem_shared>>) offsets(%dma_start3A_271 : memref<128xi32, #tpu.memory_space<vmem>>) semaphore(%arg14 : memref<!tpu.dma_semaphore, #tpu.memory_space<semaphore_mem>>) {add = true}
      %dma_wait3A_275 = arith.constant 0 : i32
      %dma_wait3A_276 = arith.constant 0 : i32
      %dma_wait3A_277 = arith.constant 2 : i32
      %dma_wait3A_278 = arith.constant 0 : i32
      %dma_wait3A_279 = arith.constant 0 : i32
      %dma_wait3A_280 = tpu.memref_slice %arg8[%dma_wait3A_275, %dma_wait3A_278, %dma_wait3A_279] : memref<2x128x128xf32, #tpu.memory_space<vmem>> -> memref<1x128x128xf32, #tpu.memory_space<vmem>>
      %dma_wait3A_281 = tpu.memref_squeeze %dma_wait3A_280 : memref<1x128x128xf32, #tpu.memory_space<vmem>> -> memref<128x128xf32, #tpu.memory_space<vmem>>
      %dma_wait3A_282 = arith.constant 0 : i32
      %dma_wait3A_283 = tpu.memref_slice %arg10[%dma_wait3A_276, %dma_wait3A_277, %dma_wait3A_282] : memref<2x8x128xi32, #tpu.memory_space<vmem>> -> memref<1x1x128xi32, #tpu.memory_space<vmem>>
      %dma_wait3A_284 = tpu.memref_squeeze %dma_wait3A_283 : memref<1x1x128xi32, #tpu.memory_space<vmem>> -> memref<128xi32, #tpu.memory_space<vmem>>
      %dma_wait3A_285 = arith.constant 0 : i32
      %dma_wait3A_286 = arith.constant 0 : i32
      %dma_wait3A_287 = tpu.memref_slice %arg7[%dma_wait3A_285, %dma_wait3A_286] : memref<10016x128xf32, #tpu.memory_space<vmem_shared>> -> memref<10016x128xf32, #tpu.memory_space<vmem_shared>>
      tpu.wait_indirect_dma semaphore(%arg13 : memref<!tpu.dma_semaphore, #tpu.memory_space<semaphore_mem>>) src(%dma_wait3A_281 : memref<128x128xf32, #tpu.memory_space<vmem>>) dst(%dma_wait3A_287 : memref<10016x128xf32, #tpu.memory_space<vmem_shared>>)
      %dma_start3A_288 = arith.constant 0 : i32
      %dma_start3A_289 = arith.constant 4 : i32
      %dma_start3A_290 = arith.constant 0 : i32
      %dma_start3A_291 = arith.constant 0 : i32
      %dma_start3A_292 = arith.constant 0 : i32
      %dma_start3A_293 = tpu.memref_slice %arg8[%dma_start3A_290, %dma_start3A_291, %dma_start3A_292] : memref<2x128x128xf32, #tpu.memory_space<vmem>> -> memref<1x128x128xf32, #tpu.memory_space<vmem>>
      %dma_start3A_294 = tpu.memref_squeeze %dma_start3A_293 : memref<1x128x128xf32, #tpu.memory_space<vmem>> -> memref<128x128xf32, #tpu.memory_space<vmem>>
      %dma_start3A_295 = arith.constant 0 : i32
      %dma_start3A_296 = tpu.memref_slice %arg9[%dma_start3A_288, %dma_start3A_289, %dma_start3A_295] : memref<2x8x128xi32, #tpu.memory_space<vmem>> -> memref<1x1x128xi32, #tpu.memory_space<vmem>>
      %dma_start3A_297 = tpu.memref_squeeze %dma_start3A_296 : memref<1x1x128xi32, #tpu.memory_space<vmem>> -> memref<128xi32, #tpu.memory_space<vmem>>
      %dma_start3A_298 = arith.constant 0 : i32
      %dma_start3A_299 = arith.constant 0 : i32
      %dma_start3A_300 = tpu.memref_slice %arg7[%dma_start3A_298, %dma_start3A_299] : memref<10016x128xf32, #tpu.memory_space<vmem_shared>> -> memref<10016x128xf32, #tpu.memory_space<vmem_shared>>
      tpu.enqueue_indirect_dma source(%dma_start3A_300 : memref<10016x128xf32, #tpu.memory_space<vmem_shared>>) target(%dma_start3A_294 : memref<128x128xf32, #tpu.memory_space<vmem>>) offsets(%dma_start3A_297 : memref<128xi32, #tpu.memory_space<vmem>>) semaphore(%arg11 : memref<!tpu.dma_semaphore, #tpu.memory_space<semaphore_mem>>)
      %dma_wait3A_301 = arith.constant 0 : i32
      %dma_wait3A_302 = arith.constant 4 : i32
      %dma_wait3A_303 = arith.constant 0 : i32
      %dma_wait3A_304 = arith.constant 0 : i32
      %dma_wait3A_305 = arith.constant 0 : i32
      %dma_wait3A_306 = tpu.memref_slice %arg8[%dma_wait3A_303, %dma_wait3A_304, %dma_wait3A_305] : memref<2x128x128xf32, #tpu.memory_space<vmem>> -> memref<1x128x128xf32, #tpu.memory_space<vmem>>
      %dma_wait3A_307 = tpu.memref_squeeze %dma_wait3A_306 : memref<1x128x128xf32, #tpu.memory_space<vmem>> -> memref<128x128xf32, #tpu.memory_space<vmem>>
      %dma_wait3A_308 = arith.constant 0 : i32
      %dma_wait3A_309 = tpu.memref_slice %arg9[%dma_wait3A_301, %dma_wait3A_302, %dma_wait3A_308] : memref<2x8x128xi32, #tpu.memory_space<vmem>> -> memref<1x1x128xi32, #tpu.memory_space<vmem>>
      %dma_wait3A_310 = tpu.memref_squeeze %dma_wait3A_309 : memref<1x1x128xi32, #tpu.memory_space<vmem>> -> memref<128xi32, #tpu.memory_space<vmem>>
      %dma_wait3A_311 = arith.constant 0 : i32
      %dma_wait3A_312 = arith.constant 0 : i32
      %dma_wait3A_313 = tpu.memref_slice %arg7[%dma_wait3A_311, %dma_wait3A_312] : memref<10016x128xf32, #tpu.memory_space<vmem_shared>> -> memref<10016x128xf32, #tpu.memory_space<vmem_shared>>
      tpu.wait_indirect_dma semaphore(%arg11 : memref<!tpu.dma_semaphore, #tpu.memory_space<semaphore_mem>>) src(%dma_wait3A_313 : memref<10016x128xf32, #tpu.memory_space<vmem_shared>>) dst(%dma_wait3A_307 : memref<128x128xf32, #tpu.memory_space<vmem>>)
      %dma_start3A_314 = arith.constant 0 : i32
      %dma_start3A_315 = arith.constant 0 : i32
      %dma_start3A_316 = arith.constant 4 : i32
      %dma_start3A_317 = arith.constant 0 : i32
      %dma_start3A_318 = arith.constant 0 : i32
      %dma_start3A_319 = tpu.memref_slice %arg8[%dma_start3A_314, %dma_start3A_317, %dma_start3A_318] : memref<2x128x128xf32, #tpu.memory_space<vmem>> -> memref<1x128x128xf32, #tpu.memory_space<vmem>>
      %dma_start3A_320 = tpu.memref_squeeze %dma_start3A_319 : memref<1x128x128xf32, #tpu.memory_space<vmem>> -> memref<128x128xf32, #tpu.memory_space<vmem>>
      %dma_start3A_321 = arith.constant 0 : i32
      %dma_start3A_322 = tpu.memref_slice %arg10[%dma_start3A_315, %dma_start3A_316, %dma_start3A_321] : memref<2x8x128xi32, #tpu.memory_space<vmem>> -> memref<1x1x128xi32, #tpu.memory_space<vmem>>
      %dma_start3A_323 = tpu.memref_squeeze %dma_start3A_322 : memref<1x1x128xi32, #tpu.memory_space<vmem>> -> memref<128xi32, #tpu.memory_space<vmem>>
      %dma_start3A_324 = arith.constant 0 : i32
      %dma_start3A_325 = arith.constant 0 : i32
      %dma_start3A_326 = tpu.memref_slice %arg7[%dma_start3A_324, %dma_start3A_325] : memref<10016x128xf32, #tpu.memory_space<vmem_shared>> -> memref<10016x128xf32, #tpu.memory_space<vmem_shared>>
      tpu.enqueue_indirect_dma source(%dma_start3A_320 : memref<128x128xf32, #tpu.memory_space<vmem>>) target(%dma_start3A_326 : memref<10016x128xf32, #tpu.memory_space<vmem_shared>>) offsets(%dma_start3A_323 : memref<128xi32, #tpu.memory_space<vmem>>) semaphore(%arg13 : memref<!tpu.dma_semaphore, #tpu.memory_space<semaphore_mem>>) {add = true}
      %dma_wait3A_327 = arith.constant 1 : i32
      %dma_wait3A_328 = arith.constant 0 : i32
      %dma_wait3A_329 = arith.constant 3 : i32
      %dma_wait3A_330 = arith.constant 0 : i32
      %dma_wait3A_331 = arith.constant 0 : i32
      %dma_wait3A_332 = tpu.memref_slice %arg8[%dma_wait3A_327, %dma_wait3A_330, %dma_wait3A_331] : memref<2x128x128xf32, #tpu.memory_space<vmem>> -> memref<1x128x128xf32, #tpu.memory_space<vmem>>
      %dma_wait3A_333 = tpu.memref_squeeze %dma_wait3A_332 : memref<1x128x128xf32, #tpu.memory_space<vmem>> -> memref<128x128xf32, #tpu.memory_space<vmem>>
      %dma_wait3A_334 = arith.constant 0 : i32
      %dma_wait3A_335 = tpu.memref_slice %arg10[%dma_wait3A_328, %dma_wait3A_329, %dma_wait3A_334] : memref<2x8x128xi32, #tpu.memory_space<vmem>> -> memref<1x1x128xi32, #tpu.memory_space<vmem>>
      %dma_wait3A_336 = tpu.memref_squeeze %dma_wait3A_335 : memref<1x1x128xi32, #tpu.memory_space<vmem>> -> memref<128xi32, #tpu.memory_space<vmem>>
      %dma_wait3A_337 = arith.constant 0 : i32
      %dma_wait3A_338 = arith.constant 0 : i32
      %dma_wait3A_339 = tpu.memref_slice %arg7[%dma_wait3A_337, %dma_wait3A_338] : memref<10016x128xf32, #tpu.memory_space<vmem_shared>> -> memref<10016x128xf32, #tpu.memory_space<vmem_shared>>
      tpu.wait_indirect_dma semaphore(%arg14 : memref<!tpu.dma_semaphore, #tpu.memory_space<semaphore_mem>>) src(%dma_wait3A_333 : memref<128x128xf32, #tpu.memory_space<vmem>>) dst(%dma_wait3A_339 : memref<10016x128xf32, #tpu.memory_space<vmem_shared>>)
      %dma_start3A_340 = arith.constant 0 : i32
      %dma_start3A_341 = arith.constant 5 : i32
      %dma_start3A_342 = arith.constant 1 : i32
      %dma_start3A_343 = arith.constant 0 : i32
      %dma_start3A_344 = arith.constant 0 : i32
      %dma_start3A_345 = tpu.memref_slice %arg8[%dma_start3A_342, %dma_start3A_343, %dma_start3A_344] : memref<2x128x128xf32, #tpu.memory_space<vmem>> -> memref<1x128x128xf32, #tpu.memory_space<vmem>>
      %dma_start3A_346 = tpu.memref_squeeze %dma_start3A_345 : memref<1x128x128xf32, #tpu.memory_space<vmem>> -> memref<128x128xf32, #tpu.memory_space<vmem>>
      %dma_start3A_347 = arith.constant 0 : i32
      %dma_start3A_348 = tpu.memref_slice %arg9[%dma_start3A_340, %dma_start3A_341, %dma_start3A_347] : memref<2x8x128xi32, #tpu.memory_space<vmem>> -> memref<1x1x128xi32, #tpu.memory_space<vmem>>
      %dma_start3A_349 = tpu.memref_squeeze %dma_start3A_348 : memref<1x1x128xi32, #tpu.memory_space<vmem>> -> memref<128xi32, #tpu.memory_space<vmem>>
      %dma_start3A_350 = arith.constant 0 : i32
      %dma_start3A_351 = arith.constant 0 : i32
      %dma_start3A_352 = tpu.memref_slice %arg7[%dma_start3A_350, %dma_start3A_351] : memref<10016x128xf32, #tpu.memory_space<vmem_shared>> -> memref<10016x128xf32, #tpu.memory_space<vmem_shared>>
      tpu.enqueue_indirect_dma source(%dma_start3A_352 : memref<10016x128xf32, #tpu.memory_space<vmem_shared>>) target(%dma_start3A_346 : memref<128x128xf32, #tpu.memory_space<vmem>>) offsets(%dma_start3A_349 : memref<128xi32, #tpu.memory_space<vmem>>) semaphore(%arg12 : memref<!tpu.dma_semaphore, #tpu.memory_space<semaphore_mem>>)
      %dma_wait3A_353 = arith.constant 0 : i32
      %dma_wait3A_354 = arith.constant 5 : i32
      %dma_wait3A_355 = arith.constant 1 : i32
      %dma_wait3A_356 = arith.constant 0 : i32
      %dma_wait3A_357 = arith.constant 0 : i32
      %dma_wait3A_358 = tpu.memref_slice %arg8[%dma_wait3A_355, %dma_wait3A_356, %dma_wait3A_357] : memref<2x128x128xf32, #tpu.memory_space<vmem>> -> memref<1x128x128xf32, #tpu.memory_space<vmem>>
      %dma_wait3A_359 = tpu.memref_squeeze %dma_wait3A_358 : memref<1x128x128xf32, #tpu.memory_space<vmem>> -> memref<128x128xf32, #tpu.memory_space<vmem>>
      %dma_wait3A_360 = arith.constant 0 : i32
      %dma_wait3A_361 = tpu.memref_slice %arg9[%dma_wait3A_353, %dma_wait3A_354, %dma_wait3A_360] : memref<2x8x128xi32, #tpu.memory_space<vmem>> -> memref<1x1x128xi32, #tpu.memory_space<vmem>>
      %dma_wait3A_362 = tpu.memref_squeeze %dma_wait3A_361 : memref<1x1x128xi32, #tpu.memory_space<vmem>> -> memref<128xi32, #tpu.memory_space<vmem>>
      %dma_wait3A_363 = arith.constant 0 : i32
      %dma_wait3A_364 = arith.constant 0 : i32
      %dma_wait3A_365 = tpu.memref_slice %arg7[%dma_wait3A_363, %dma_wait3A_364] : memref<10016x128xf32, #tpu.memory_space<vmem_shared>> -> memref<10016x128xf32, #tpu.memory_space<vmem_shared>>
      tpu.wait_indirect_dma semaphore(%arg12 : memref<!tpu.dma_semaphore, #tpu.memory_space<semaphore_mem>>) src(%dma_wait3A_365 : memref<10016x128xf32, #tpu.memory_space<vmem_shared>>) dst(%dma_wait3A_359 : memref<128x128xf32, #tpu.memory_space<vmem>>)
      %dma_start3A_366 = arith.constant 1 : i32
      %dma_start3A_367 = arith.constant 0 : i32
      %dma_start3A_368 = arith.constant 5 : i32
      %dma_start3A_369 = arith.constant 0 : i32
      %dma_start3A_370 = arith.constant 0 : i32
      %dma_start3A_371 = tpu.memref_slice %arg8[%dma_start3A_366, %dma_start3A_369, %dma_start3A_370] : memref<2x128x128xf32, #tpu.memory_space<vmem>> -> memref<1x128x128xf32, #tpu.memory_space<vmem>>
      %dma_start3A_372 = tpu.memref_squeeze %dma_start3A_371 : memref<1x128x128xf32, #tpu.memory_space<vmem>> -> memref<128x128xf32, #tpu.memory_space<vmem>>
      %dma_start3A_373 = arith.constant 0 : i32
      %dma_start3A_374 = tpu.memref_slice %arg10[%dma_start3A_367, %dma_start3A_368, %dma_start3A_373] : memref<2x8x128xi32, #tpu.memory_space<vmem>> -> memref<1x1x128xi32, #tpu.memory_space<vmem>>
      %dma_start3A_375 = tpu.memref_squeeze %dma_start3A_374 : memref<1x1x128xi32, #tpu.memory_space<vmem>> -> memref<128xi32, #tpu.memory_space<vmem>>
      %dma_start3A_376 = arith.constant 0 : i32
      %dma_start3A_377 = arith.constant 0 : i32
      %dma_start3A_378 = tpu.memref_slice %arg7[%dma_start3A_376, %dma_start3A_377] : memref<10016x128xf32, #tpu.memory_space<vmem_shared>> -> memref<10016x128xf32, #tpu.memory_space<vmem_shared>>
      tpu.enqueue_indirect_dma source(%dma_start3A_372 : memref<128x128xf32, #tpu.memory_space<vmem>>) target(%dma_start3A_378 : memref<10016x128xf32, #tpu.memory_space<vmem_shared>>) offsets(%dma_start3A_375 : memref<128xi32, #tpu.memory_space<vmem>>) semaphore(%arg14 : memref<!tpu.dma_semaphore, #tpu.memory_space<semaphore_mem>>) {add = true}
      %dma_wait3A_379 = arith.constant 0 : i32
      %dma_wait3A_380 = arith.constant 0 : i32
      %dma_wait3A_381 = arith.constant 4 : i32
      %dma_wait3A_382 = arith.constant 0 : i32
      %dma_wait3A_383 = arith.constant 0 : i32
      %dma_wait3A_384 = tpu.memref_slice %arg8[%dma_wait3A_379, %dma_wait3A_382, %dma_wait3A_383] : memref<2x128x128xf32, #tpu.memory_space<vmem>> -> memref<1x128x128xf32, #tpu.memory_space<vmem>>
      %dma_wait3A_385 = tpu.memref_squeeze %dma_wait3A_384 : memref<1x128x128xf32, #tpu.memory_space<vmem>> -> memref<128x128xf32, #tpu.memory_space<vmem>>
      %dma_wait3A_386 = arith.constant 0 : i32
      %dma_wait3A_387 = tpu.memref_slice %arg10[%dma_wait3A_380, %dma_wait3A_381, %dma_wait3A_386] : memref<2x8x128xi32, #tpu.memory_space<vmem>> -> memref<1x1x128xi32, #tpu.memory_space<vmem>>
      %dma_wait3A_388 = tpu.memref_squeeze %dma_wait3A_387 : memref<1x1x128xi32, #tpu.memory_space<vmem>> -> memref<128xi32, #tpu.memory_space<vmem>>
      %dma_wait3A_389 = arith.constant 0 : i32
      %dma_wait3A_390 = arith.constant 0 : i32
      %dma_wait3A_391 = tpu.memref_slice %arg7[%dma_wait3A_389, %dma_wait3A_390] : memref<10016x128xf32, #tpu.memory_space<vmem_shared>> -> memref<10016x128xf32, #tpu.memory_space<vmem_shared>>
      tpu.wait_indirect_dma semaphore(%arg13 : memref<!tpu.dma_semaphore, #tpu.memory_space<semaphore_mem>>) src(%dma_wait3A_385 : memref<128x128xf32, #tpu.memory_space<vmem>>) dst(%dma_wait3A_391 : memref<10016x128xf32, #tpu.memory_space<vmem_shared>>)
      %dma_start3A_392 = arith.constant 0 : i32
      %dma_start3A_393 = arith.constant 6 : i32
      %dma_start3A_394 = arith.constant 0 : i32
      %dma_start3A_395 = arith.constant 0 : i32
      %dma_start3A_396 = arith.constant 0 : i32
      %dma_start3A_397 = tpu.memref_slice %arg8[%dma_start3A_394, %dma_start3A_395, %dma_start3A_396] : memref<2x128x128xf32, #tpu.memory_space<vmem>> -> memref<1x128x128xf32, #tpu.memory_space<vmem>>
      %dma_start3A_398 = tpu.memref_squeeze %dma_start3A_397 : memref<1x128x128xf32, #tpu.memory_space<vmem>> -> memref<128x128xf32, #tpu.memory_space<vmem>>
      %dma_start3A_399 = arith.constant 0 : i32
      %dma_start3A_400 = tpu.memref_slice %arg9[%dma_start3A_392, %dma_start3A_393, %dma_start3A_399] : memref<2x8x128xi32, #tpu.memory_space<vmem>> -> memref<1x1x128xi32, #tpu.memory_space<vmem>>
      %dma_start3A_401 = tpu.memref_squeeze %dma_start3A_400 : memref<1x1x128xi32, #tpu.memory_space<vmem>> -> memref<128xi32, #tpu.memory_space<vmem>>
      %dma_start3A_402 = arith.constant 0 : i32
      %dma_start3A_403 = arith.constant 0 : i32
      %dma_start3A_404 = tpu.memref_slice %arg7[%dma_start3A_402, %dma_start3A_403] : memref<10016x128xf32, #tpu.memory_space<vmem_shared>> -> memref<10016x128xf32, #tpu.memory_space<vmem_shared>>
      tpu.enqueue_indirect_dma source(%dma_start3A_404 : memref<10016x128xf32, #tpu.memory_space<vmem_shared>>) target(%dma_start3A_398 : memref<128x128xf32, #tpu.memory_space<vmem>>) offsets(%dma_start3A_401 : memref<128xi32, #tpu.memory_space<vmem>>) semaphore(%arg11 : memref<!tpu.dma_semaphore, #tpu.memory_space<semaphore_mem>>)
      %dma_wait3A_405 = arith.constant 0 : i32
      %dma_wait3A_406 = arith.constant 6 : i32
      %dma_wait3A_407 = arith.constant 0 : i32
      %dma_wait3A_408 = arith.constant 0 : i32
      %dma_wait3A_409 = arith.constant 0 : i32
      %dma_wait3A_410 = tpu.memref_slice %arg8[%dma_wait3A_407, %dma_wait3A_408, %dma_wait3A_409] : memref<2x128x128xf32, #tpu.memory_space<vmem>> -> memref<1x128x128xf32, #tpu.memory_space<vmem>>
      %dma_wait3A_411 = tpu.memref_squeeze %dma_wait3A_410 : memref<1x128x128xf32, #tpu.memory_space<vmem>> -> memref<128x128xf32, #tpu.memory_space<vmem>>
      %dma_wait3A_412 = arith.constant 0 : i32
      %dma_wait3A_413 = tpu.memref_slice %arg9[%dma_wait3A_405, %dma_wait3A_406, %dma_wait3A_412] : memref<2x8x128xi32, #tpu.memory_space<vmem>> -> memref<1x1x128xi32, #tpu.memory_space<vmem>>
      %dma_wait3A_414 = tpu.memref_squeeze %dma_wait3A_413 : memref<1x1x128xi32, #tpu.memory_space<vmem>> -> memref<128xi32, #tpu.memory_space<vmem>>
      %dma_wait3A_415 = arith.constant 0 : i32
      %dma_wait3A_416 = arith.constant 0 : i32
      %dma_wait3A_417 = tpu.memref_slice %arg7[%dma_wait3A_415, %dma_wait3A_416] : memref<10016x128xf32, #tpu.memory_space<vmem_shared>> -> memref<10016x128xf32, #tpu.memory_space<vmem_shared>>
      tpu.wait_indirect_dma semaphore(%arg11 : memref<!tpu.dma_semaphore, #tpu.memory_space<semaphore_mem>>) src(%dma_wait3A_417 : memref<10016x128xf32, #tpu.memory_space<vmem_shared>>) dst(%dma_wait3A_411 : memref<128x128xf32, #tpu.memory_space<vmem>>)
      %dma_start3A_418 = arith.constant 0 : i32
      %dma_start3A_419 = arith.constant 0 : i32
      %dma_start3A_420 = arith.constant 6 : i32
      %dma_start3A_421 = arith.constant 0 : i32
      %dma_start3A_422 = arith.constant 0 : i32
      %dma_start3A_423 = tpu.memref_slice %arg8[%dma_start3A_418, %dma_start3A_421, %dma_start3A_422] : memref<2x128x128xf32, #tpu.memory_space<vmem>> -> memref<1x128x128xf32, #tpu.memory_space<vmem>>
      %dma_start3A_424 = tpu.memref_squeeze %dma_start3A_423 : memref<1x128x128xf32, #tpu.memory_space<vmem>> -> memref<128x128xf32, #tpu.memory_space<vmem>>
      %dma_start3A_425 = arith.constant 0 : i32
      %dma_start3A_426 = tpu.memref_slice %arg10[%dma_start3A_419, %dma_start3A_420, %dma_start3A_425] : memref<2x8x128xi32, #tpu.memory_space<vmem>> -> memref<1x1x128xi32, #tpu.memory_space<vmem>>
      %dma_start3A_427 = tpu.memref_squeeze %dma_start3A_426 : memref<1x1x128xi32, #tpu.memory_space<vmem>> -> memref<128xi32, #tpu.memory_space<vmem>>
      %dma_start3A_428 = arith.constant 0 : i32
      %dma_start3A_429 = arith.constant 0 : i32
      %dma_start3A_430 = tpu.memref_slice %arg7[%dma_start3A_428, %dma_start3A_429] : memref<10016x128xf32, #tpu.memory_space<vmem_shared>> -> memref<10016x128xf32, #tpu.memory_space<vmem_shared>>
      tpu.enqueue_indirect_dma source(%dma_start3A_424 : memref<128x128xf32, #tpu.memory_space<vmem>>) target(%dma_start3A_430 : memref<10016x128xf32, #tpu.memory_space<vmem_shared>>) offsets(%dma_start3A_427 : memref<128xi32, #tpu.memory_space<vmem>>) semaphore(%arg13 : memref<!tpu.dma_semaphore, #tpu.memory_space<semaphore_mem>>) {add = true}
      %dma_wait3A_431 = arith.constant 1 : i32
      %dma_wait3A_432 = arith.constant 0 : i32
      %dma_wait3A_433 = arith.constant 5 : i32
      %dma_wait3A_434 = arith.constant 0 : i32
      %dma_wait3A_435 = arith.constant 0 : i32
      %dma_wait3A_436 = tpu.memref_slice %arg8[%dma_wait3A_431, %dma_wait3A_434, %dma_wait3A_435] : memref<2x128x128xf32, #tpu.memory_space<vmem>> -> memref<1x128x128xf32, #tpu.memory_space<vmem>>
      %dma_wait3A_437 = tpu.memref_squeeze %dma_wait3A_436 : memref<1x128x128xf32, #tpu.memory_space<vmem>> -> memref<128x128xf32, #tpu.memory_space<vmem>>
      %dma_wait3A_438 = arith.constant 0 : i32
      %dma_wait3A_439 = tpu.memref_slice %arg10[%dma_wait3A_432, %dma_wait3A_433, %dma_wait3A_438] : memref<2x8x128xi32, #tpu.memory_space<vmem>> -> memref<1x1x128xi32, #tpu.memory_space<vmem>>
      %dma_wait3A_440 = tpu.memref_squeeze %dma_wait3A_439 : memref<1x1x128xi32, #tpu.memory_space<vmem>> -> memref<128xi32, #tpu.memory_space<vmem>>
      %dma_wait3A_441 = arith.constant 0 : i32
      %dma_wait3A_442 = arith.constant 0 : i32
      %dma_wait3A_443 = tpu.memref_slice %arg7[%dma_wait3A_441, %dma_wait3A_442] : memref<10016x128xf32, #tpu.memory_space<vmem_shared>> -> memref<10016x128xf32, #tpu.memory_space<vmem_shared>>
      tpu.wait_indirect_dma semaphore(%arg14 : memref<!tpu.dma_semaphore, #tpu.memory_space<semaphore_mem>>) src(%dma_wait3A_437 : memref<128x128xf32, #tpu.memory_space<vmem>>) dst(%dma_wait3A_443 : memref<10016x128xf32, #tpu.memory_space<vmem_shared>>)
      %dma_start3A_444 = arith.constant 0 : i32
      %dma_start3A_445 = arith.constant 7 : i32
      %dma_start3A_446 = arith.constant 1 : i32
      %dma_start3A_447 = arith.constant 0 : i32
      %dma_start3A_448 = arith.constant 0 : i32
      %dma_start3A_449 = tpu.memref_slice %arg8[%dma_start3A_446, %dma_start3A_447, %dma_start3A_448] : memref<2x128x128xf32, #tpu.memory_space<vmem>> -> memref<1x128x128xf32, #tpu.memory_space<vmem>>
      %dma_start3A_450 = tpu.memref_squeeze %dma_start3A_449 : memref<1x128x128xf32, #tpu.memory_space<vmem>> -> memref<128x128xf32, #tpu.memory_space<vmem>>
      %dma_start3A_451 = arith.constant 0 : i32
      %dma_start3A_452 = tpu.memref_slice %arg9[%dma_start3A_444, %dma_start3A_445, %dma_start3A_451] : memref<2x8x128xi32, #tpu.memory_space<vmem>> -> memref<1x1x128xi32, #tpu.memory_space<vmem>>
      %dma_start3A_453 = tpu.memref_squeeze %dma_start3A_452 : memref<1x1x128xi32, #tpu.memory_space<vmem>> -> memref<128xi32, #tpu.memory_space<vmem>>
      %dma_start3A_454 = arith.constant 0 : i32
      %dma_start3A_455 = arith.constant 0 : i32
      %dma_start3A_456 = tpu.memref_slice %arg7[%dma_start3A_454, %dma_start3A_455] : memref<10016x128xf32, #tpu.memory_space<vmem_shared>> -> memref<10016x128xf32, #tpu.memory_space<vmem_shared>>
      tpu.enqueue_indirect_dma source(%dma_start3A_456 : memref<10016x128xf32, #tpu.memory_space<vmem_shared>>) target(%dma_start3A_450 : memref<128x128xf32, #tpu.memory_space<vmem>>) offsets(%dma_start3A_453 : memref<128xi32, #tpu.memory_space<vmem>>) semaphore(%arg12 : memref<!tpu.dma_semaphore, #tpu.memory_space<semaphore_mem>>)
      %dma_wait3A_457 = arith.constant 0 : i32
      %dma_wait3A_458 = arith.constant 7 : i32
      %dma_wait3A_459 = arith.constant 1 : i32
      %dma_wait3A_460 = arith.constant 0 : i32
      %dma_wait3A_461 = arith.constant 0 : i32
      %dma_wait3A_462 = tpu.memref_slice %arg8[%dma_wait3A_459, %dma_wait3A_460, %dma_wait3A_461] : memref<2x128x128xf32, #tpu.memory_space<vmem>> -> memref<1x128x128xf32, #tpu.memory_space<vmem>>
      %dma_wait3A_463 = tpu.memref_squeeze %dma_wait3A_462 : memref<1x128x128xf32, #tpu.memory_space<vmem>> -> memref<128x128xf32, #tpu.memory_space<vmem>>
      %dma_wait3A_464 = arith.constant 0 : i32
      %dma_wait3A_465 = tpu.memref_slice %arg9[%dma_wait3A_457, %dma_wait3A_458, %dma_wait3A_464] : memref<2x8x128xi32, #tpu.memory_space<vmem>> -> memref<1x1x128xi32, #tpu.memory_space<vmem>>
      %dma_wait3A_466 = tpu.memref_squeeze %dma_wait3A_465 : memref<1x1x128xi32, #tpu.memory_space<vmem>> -> memref<128xi32, #tpu.memory_space<vmem>>
      %dma_wait3A_467 = arith.constant 0 : i32
      %dma_wait3A_468 = arith.constant 0 : i32
      %dma_wait3A_469 = tpu.memref_slice %arg7[%dma_wait3A_467, %dma_wait3A_468] : memref<10016x128xf32, #tpu.memory_space<vmem_shared>> -> memref<10016x128xf32, #tpu.memory_space<vmem_shared>>
      tpu.wait_indirect_dma semaphore(%arg12 : memref<!tpu.dma_semaphore, #tpu.memory_space<semaphore_mem>>) src(%dma_wait3A_469 : memref<10016x128xf32, #tpu.memory_space<vmem_shared>>) dst(%dma_wait3A_463 : memref<128x128xf32, #tpu.memory_space<vmem>>)
      %dma_start3A_470 = arith.constant 1 : i32
      %dma_start3A_471 = arith.constant 0 : i32
      %dma_start3A_472 = arith.constant 7 : i32
      %dma_start3A_473 = arith.constant 0 : i32
      %dma_start3A_474 = arith.constant 0 : i32
      %dma_start3A_475 = tpu.memref_slice %arg8[%dma_start3A_470, %dma_start3A_473, %dma_start3A_474] : memref<2x128x128xf32, #tpu.memory_space<vmem>> -> memref<1x128x128xf32, #tpu.memory_space<vmem>>
      %dma_start3A_476 = tpu.memref_squeeze %dma_start3A_475 : memref<1x128x128xf32, #tpu.memory_space<vmem>> -> memref<128x128xf32, #tpu.memory_space<vmem>>
      %dma_start3A_477 = arith.constant 0 : i32
      %dma_start3A_478 = tpu.memref_slice %arg10[%dma_start3A_471, %dma_start3A_472, %dma_start3A_477] : memref<2x8x128xi32, #tpu.memory_space<vmem>> -> memref<1x1x128xi32, #tpu.memory_space<vmem>>
      %dma_start3A_479 = tpu.memref_squeeze %dma_start3A_478 : memref<1x1x128xi32, #tpu.memory_space<vmem>> -> memref<128xi32, #tpu.memory_space<vmem>>
      %dma_start3A_480 = arith.constant 0 : i32
      %dma_start3A_481 = arith.constant 0 : i32
      %dma_start3A_482 = tpu.memref_slice %arg7[%dma_start3A_480, %dma_start3A_481] : memref<10016x128xf32, #tpu.memory_space<vmem_shared>> -> memref<10016x128xf32, #tpu.memory_space<vmem_shared>>
      tpu.enqueue_indirect_dma source(%dma_start3A_476 : memref<128x128xf32, #tpu.memory_space<vmem>>) target(%dma_start3A_482 : memref<10016x128xf32, #tpu.memory_space<vmem_shared>>) offsets(%dma_start3A_479 : memref<128xi32, #tpu.memory_space<vmem>>) semaphore(%arg14 : memref<!tpu.dma_semaphore, #tpu.memory_space<semaphore_mem>>) {add = true}
      %dma_wait3A_483 = arith.constant 0 : i32
      %dma_wait3A_484 = arith.constant 0 : i32
      %dma_wait3A_485 = arith.constant 6 : i32
      %dma_wait3A_486 = arith.constant 0 : i32
      %dma_wait3A_487 = arith.constant 0 : i32
      %dma_wait3A_488 = tpu.memref_slice %arg8[%dma_wait3A_483, %dma_wait3A_486, %dma_wait3A_487] : memref<2x128x128xf32, #tpu.memory_space<vmem>> -> memref<1x128x128xf32, #tpu.memory_space<vmem>>
      %dma_wait3A_489 = tpu.memref_squeeze %dma_wait3A_488 : memref<1x128x128xf32, #tpu.memory_space<vmem>> -> memref<128x128xf32, #tpu.memory_space<vmem>>
      %dma_wait3A_490 = arith.constant 0 : i32
      %dma_wait3A_491 = tpu.memref_slice %arg10[%dma_wait3A_484, %dma_wait3A_485, %dma_wait3A_490] : memref<2x8x128xi32, #tpu.memory_space<vmem>> -> memref<1x1x128xi32, #tpu.memory_space<vmem>>
      %dma_wait3A_492 = tpu.memref_squeeze %dma_wait3A_491 : memref<1x1x128xi32, #tpu.memory_space<vmem>> -> memref<128xi32, #tpu.memory_space<vmem>>
      %dma_wait3A_493 = arith.constant 0 : i32
      %dma_wait3A_494 = arith.constant 0 : i32
      %dma_wait3A_495 = tpu.memref_slice %arg7[%dma_wait3A_493, %dma_wait3A_494] : memref<10016x128xf32, #tpu.memory_space<vmem_shared>> -> memref<10016x128xf32, #tpu.memory_space<vmem_shared>>
      tpu.wait_indirect_dma semaphore(%arg13 : memref<!tpu.dma_semaphore, #tpu.memory_space<semaphore_mem>>) src(%dma_wait3A_489 : memref<128x128xf32, #tpu.memory_space<vmem>>) dst(%dma_wait3A_495 : memref<10016x128xf32, #tpu.memory_space<vmem_shared>>)
      %add3A_496 = arith.constant 1 : i32
      %add3A_497 = arith.addi %add3A_67, %add3A_496 : i32
      %mul3A_498 = arith.constant 8 : i32
      %mul3A_499 = arith.muli %add3A_497, %mul3A_498 : i32
      %add3A_500 = arith.addi %mul3A_2, %mul3A_499 : i32
      %dma_wait3A_501 = arith.constant 1 : i32
      %dma_wait3A_502 = arith.constant 0 : i32
      %dma_wait3A_503 = arith.constant 0 : i32
      %dma_wait3A_504 = tpu.memref_slice %arg9[%dma_wait3A_501, %dma_wait3A_502, %dma_wait3A_503] : memref<2x8x128xi32, #tpu.memory_space<vmem>> -> memref<1x8x128xi32, #tpu.memory_space<vmem>>
      %dma_wait3A_505 = tpu.memref_squeeze %dma_wait3A_504 : memref<1x8x128xi32, #tpu.memory_space<vmem>> -> memref<8x128xi32, #tpu.memory_space<vmem>>
      %dma_wait3A_506 = arith.constant 0 : i32
      %dma_wait3A_507 = tpu.memref_slice %arg4[%add3A_500, %dma_wait3A_506] : memref<2560x128xi32, #tpu.memory_space<hbm>> -> memref<8x128xi32, #tpu.memory_space<hbm>>
      %dma_wait3A_508 = arith.constant 0 : i32
      %dma_wait3A_509 = arith.constant 0 : i32
      %dma_wait3A_510 = tpu.memref_slice %arg9[%dma_wait3A_501, %dma_wait3A_508, %dma_wait3A_509] : memref<2x8x128xi32, #tpu.memory_space<vmem>> -> memref<1x8x128xi32, #tpu.memory_space<vmem>>
      %dma_wait3A_511 = tpu.memref_squeeze %dma_wait3A_510 : memref<1x8x128xi32, #tpu.memory_space<vmem>> -> memref<8x128xi32, #tpu.memory_space<vmem>>
      %dma_wait3A_512 = arith.constant 0 : i32
      %dma_wait3A_513 = tpu.memref_slice %arg4[%add3A_500, %dma_wait3A_512] : memref<2560x128xi32, #tpu.memory_space<hbm>> -> memref<8x128xi32, #tpu.memory_space<hbm>>
      tpu.wait_dma2 semaphore(%arg15 : memref<!tpu.dma_semaphore, #tpu.memory_space<semaphore_mem>>) src(%dma_wait3A_513 : memref<8x128xi32, #tpu.memory_space<hbm>>) dst(%dma_wait3A_511 : memref<8x128xi32, #tpu.memory_space<vmem>>)
      %mul3A_514 = arith.constant 8 : i32
      %mul3A_515 = arith.muli %add3A_497, %mul3A_514 : i32
      %add3A_516 = arith.addi %mul3A_2, %mul3A_515 : i32
      %dma_wait3A_517 = arith.constant 1 : i32
      %dma_wait3A_518 = arith.constant 0 : i32
      %dma_wait3A_519 = arith.constant 0 : i32
      %dma_wait3A_520 = tpu.memref_slice %arg10[%dma_wait3A_517, %dma_wait3A_518, %dma_wait3A_519] : memref<2x8x128xi32, #tpu.memory_space<vmem>> -> memref<1x8x128xi32, #tpu.memory_space<vmem>>
      %dma_wait3A_521 = tpu.memref_squeeze %dma_wait3A_520 : memref<1x8x128xi32, #tpu.memory_space<vmem>> -> memref<8x128xi32, #tpu.memory_space<vmem>>
      %dma_wait3A_522 = arith.constant 0 : i32
      %dma_wait3A_523 = tpu.memref_slice %arg3[%add3A_516, %dma_wait3A_522] : memref<2560x128xi32, #tpu.memory_space<hbm>> -> memref<8x128xi32, #tpu.memory_space<hbm>>
      %dma_wait3A_524 = arith.constant 0 : i32
      %dma_wait3A_525 = arith.constant 0 : i32
      %dma_wait3A_526 = tpu.memref_slice %arg10[%dma_wait3A_517, %dma_wait3A_524, %dma_wait3A_525] : memref<2x8x128xi32, #tpu.memory_space<vmem>> -> memref<1x8x128xi32, #tpu.memory_space<vmem>>
      %dma_wait3A_527 = tpu.memref_squeeze %dma_wait3A_526 : memref<1x8x128xi32, #tpu.memory_space<vmem>> -> memref<8x128xi32, #tpu.memory_space<vmem>>
      %dma_wait3A_528 = arith.constant 0 : i32
      %dma_wait3A_529 = tpu.memref_slice %arg3[%add3A_516, %dma_wait3A_528] : memref<2560x128xi32, #tpu.memory_space<hbm>> -> memref<8x128xi32, #tpu.memory_space<hbm>>
      tpu.wait_dma2 semaphore(%arg15 : memref<!tpu.dma_semaphore, #tpu.memory_space<semaphore_mem>>) src(%dma_wait3A_529 : memref<8x128xi32, #tpu.memory_space<hbm>>) dst(%dma_wait3A_527 : memref<8x128xi32, #tpu.memory_space<vmem>>)
      %dma_start3A_530 = arith.constant 1 : i32
      %dma_start3A_531 = arith.constant 0 : i32
      %dma_start3A_532 = arith.constant 0 : i32
      %dma_start3A_533 = arith.constant 0 : i32
      %dma_start3A_534 = arith.constant 0 : i32
      %dma_start3A_535 = tpu.memref_slice %arg8[%dma_start3A_532, %dma_start3A_533, %dma_start3A_534] : memref<2x128x128xf32, #tpu.memory_space<vmem>> -> memref<1x128x128xf32, #tpu.memory_space<vmem>>
      %dma_start3A_536 = tpu.memref_squeeze %dma_start3A_535 : memref<1x128x128xf32, #tpu.memory_space<vmem>> -> memref<128x128xf32, #tpu.memory_space<vmem>>
      %dma_start3A_537 = arith.constant 0 : i32
      %dma_start3A_538 = tpu.memref_slice %arg9[%dma_start3A_530, %dma_start3A_531, %dma_start3A_537] : memref<2x8x128xi32, #tpu.memory_space<vmem>> -> memref<1x1x128xi32, #tpu.memory_space<vmem>>
      %dma_start3A_539 = tpu.memref_squeeze %dma_start3A_538 : memref<1x1x128xi32, #tpu.memory_space<vmem>> -> memref<128xi32, #tpu.memory_space<vmem>>
      %dma_start3A_540 = arith.constant 0 : i32
      %dma_start3A_541 = arith.constant 0 : i32
      %dma_start3A_542 = tpu.memref_slice %arg7[%dma_start3A_540, %dma_start3A_541] : memref<10016x128xf32, #tpu.memory_space<vmem_shared>> -> memref<10016x128xf32, #tpu.memory_space<vmem_shared>>
      tpu.enqueue_indirect_dma source(%dma_start3A_542 : memref<10016x128xf32, #tpu.memory_space<vmem_shared>>) target(%dma_start3A_536 : memref<128x128xf32, #tpu.memory_space<vmem>>) offsets(%dma_start3A_539 : memref<128xi32, #tpu.memory_space<vmem>>) semaphore(%arg11 : memref<!tpu.dma_semaphore, #tpu.memory_space<semaphore_mem>>)
      %mul3A_543 = arith.constant 2 : i32
      %mul3A_544 = arith.muli %mul3A_543, %add3A_63 : i32
      %add3A_545 = arith.constant 1 : i32
      %add3A_546 = arith.addi %mul3A_544, %add3A_545 : i32
      %dma_wait3A_547 = arith.constant 1 : i32
      %dma_wait3A_548 = arith.constant 0 : i32
      %dma_wait3A_549 = arith.constant 0 : i32
      %dma_wait3A_550 = arith.constant 0 : i32
      %dma_wait3A_551 = arith.constant 0 : i32
      %dma_wait3A_552 = tpu.memref_slice %arg8[%dma_wait3A_549, %dma_wait3A_550, %dma_wait3A_551] : memref<2x128x128xf32, #tpu.memory_space<vmem>> -> memref<1x128x128xf32, #tpu.memory_space<vmem>>
      %dma_wait3A_553 = tpu.memref_squeeze %dma_wait3A_552 : memref<1x128x128xf32, #tpu.memory_space<vmem>> -> memref<128x128xf32, #tpu.memory_space<vmem>>
      %dma_wait3A_554 = arith.constant 0 : i32
      %dma_wait3A_555 = tpu.memref_slice %arg9[%dma_wait3A_547, %dma_wait3A_548, %dma_wait3A_554] : memref<2x8x128xi32, #tpu.memory_space<vmem>> -> memref<1x1x128xi32, #tpu.memory_space<vmem>>
      %dma_wait3A_556 = tpu.memref_squeeze %dma_wait3A_555 : memref<1x1x128xi32, #tpu.memory_space<vmem>> -> memref<128xi32, #tpu.memory_space<vmem>>
      %dma_wait3A_557 = arith.constant 0 : i32
      %dma_wait3A_558 = arith.constant 0 : i32
      %dma_wait3A_559 = tpu.memref_slice %arg7[%dma_wait3A_557, %dma_wait3A_558] : memref<10016x128xf32, #tpu.memory_space<vmem_shared>> -> memref<10016x128xf32, #tpu.memory_space<vmem_shared>>
      tpu.wait_indirect_dma semaphore(%arg11 : memref<!tpu.dma_semaphore, #tpu.memory_space<semaphore_mem>>) src(%dma_wait3A_559 : memref<10016x128xf32, #tpu.memory_space<vmem_shared>>) dst(%dma_wait3A_553 : memref<128x128xf32, #tpu.memory_space<vmem>>)
      %dma_start3A_560 = arith.constant 0 : i32
      %dma_start3A_561 = arith.constant 1 : i32
      %dma_start3A_562 = arith.constant 0 : i32
      %dma_start3A_563 = arith.constant 0 : i32
      %dma_start3A_564 = arith.constant 0 : i32
      %dma_start3A_565 = tpu.memref_slice %arg8[%dma_start3A_560, %dma_start3A_563, %dma_start3A_564] : memref<2x128x128xf32, #tpu.memory_space<vmem>> -> memref<1x128x128xf32, #tpu.memory_space<vmem>>
      %dma_start3A_566 = tpu.memref_squeeze %dma_start3A_565 : memref<1x128x128xf32, #tpu.memory_space<vmem>> -> memref<128x128xf32, #tpu.memory_space<vmem>>
      %dma_start3A_567 = arith.constant 0 : i32
      %dma_start3A_568 = tpu.memref_slice %arg10[%dma_start3A_561, %dma_start3A_562, %dma_start3A_567] : memref<2x8x128xi32, #tpu.memory_space<vmem>> -> memref<1x1x128xi32, #tpu.memory_space<vmem>>
      %dma_start3A_569 = tpu.memref_squeeze %dma_start3A_568 : memref<1x1x128xi32, #tpu.memory_space<vmem>> -> memref<128xi32, #tpu.memory_space<vmem>>
      %dma_start3A_570 = arith.constant 0 : i32
      %dma_start3A_571 = arith.constant 0 : i32
      %dma_start3A_572 = tpu.memref_slice %arg7[%dma_start3A_570, %dma_start3A_571] : memref<10016x128xf32, #tpu.memory_space<vmem_shared>> -> memref<10016x128xf32, #tpu.memory_space<vmem_shared>>
      tpu.enqueue_indirect_dma source(%dma_start3A_566 : memref<128x128xf32, #tpu.memory_space<vmem>>) target(%dma_start3A_572 : memref<10016x128xf32, #tpu.memory_space<vmem_shared>>) offsets(%dma_start3A_569 : memref<128xi32, #tpu.memory_space<vmem>>) semaphore(%arg13 : memref<!tpu.dma_semaphore, #tpu.memory_space<semaphore_mem>>) {add = true}
      %dma_wait3A_573 = arith.constant 1 : i32
      %dma_wait3A_574 = arith.constant 0 : i32
      %dma_wait3A_575 = arith.constant 7 : i32
      %dma_wait3A_576 = arith.constant 0 : i32
      %dma_wait3A_577 = arith.constant 0 : i32
      %dma_wait3A_578 = tpu.memref_slice %arg8[%dma_wait3A_573, %dma_wait3A_576, %dma_wait3A_577] : memref<2x128x128xf32, #tpu.memory_space<vmem>> -> memref<1x128x128xf32, #tpu.memory_space<vmem>>
      %dma_wait3A_579 = tpu.memref_squeeze %dma_wait3A_578 : memref<1x128x128xf32, #tpu.memory_space<vmem>> -> memref<128x128xf32, #tpu.memory_space<vmem>>
      %dma_wait3A_580 = arith.constant 0 : i32
      %dma_wait3A_581 = tpu.memref_slice %arg10[%dma_wait3A_574, %dma_wait3A_575, %dma_wait3A_580] : memref<2x8x128xi32, #tpu.memory_space<vmem>> -> memref<1x1x128xi32, #tpu.memory_space<vmem>>
      %dma_wait3A_582 = tpu.memref_squeeze %dma_wait3A_581 : memref<1x1x128xi32, #tpu.memory_space<vmem>> -> memref<128xi32, #tpu.memory_space<vmem>>
      %dma_wait3A_583 = arith.constant 0 : i32
      %dma_wait3A_584 = arith.constant 0 : i32
      %dma_wait3A_585 = tpu.memref_slice %arg7[%dma_wait3A_583, %dma_wait3A_584] : memref<10016x128xf32, #tpu.memory_space<vmem_shared>> -> memref<10016x128xf32, #tpu.memory_space<vmem_shared>>
      tpu.wait_indirect_dma semaphore(%arg14 : memref<!tpu.dma_semaphore, #tpu.memory_space<semaphore_mem>>) src(%dma_wait3A_579 : memref<128x128xf32, #tpu.memory_space<vmem>>) dst(%dma_wait3A_585 : memref<10016x128xf32, #tpu.memory_space<vmem_shared>>)
      %dma_start3A_586 = arith.constant 1 : i32
      %dma_start3A_587 = arith.constant 1 : i32
      %dma_start3A_588 = arith.constant 1 : i32
      %dma_start3A_589 = arith.constant 0 : i32
      %dma_start3A_590 = arith.constant 0 : i32
      %dma_start3A_591 = tpu.memref_slice %arg8[%dma_start3A_588, %dma_start3A_589, %dma_start3A_590] : memref<2x128x128xf32, #tpu.memory_space<vmem>> -> memref<1x128x128xf32, #tpu.memory_space<vmem>>
      %dma_start3A_592 = tpu.memref_squeeze %dma_start3A_591 : memref<1x128x128xf32, #tpu.memory_space<vmem>> -> memref<128x128xf32, #tpu.memory_space<vmem>>
      %dma_start3A_593 = arith.constant 0 : i32
      %dma_start3A_594 = tpu.memref_slice %arg9[%dma_start3A_586, %dma_start3A_587, %dma_start3A_593] : memref<2x8x128xi32, #tpu.memory_space<vmem>> -> memref<1x1x128xi32, #tpu.memory_space<vmem>>
      %dma_start3A_595 = tpu.memref_squeeze %dma_start3A_594 : memref<1x1x128xi32, #tpu.memory_space<vmem>> -> memref<128xi32, #tpu.memory_space<vmem>>
      %dma_start3A_596 = arith.constant 0 : i32
      %dma_start3A_597 = arith.constant 0 : i32
      %dma_start3A_598 = tpu.memref_slice %arg7[%dma_start3A_596, %dma_start3A_597] : memref<10016x128xf32, #tpu.memory_space<vmem_shared>> -> memref<10016x128xf32, #tpu.memory_space<vmem_shared>>
      tpu.enqueue_indirect_dma source(%dma_start3A_598 : memref<10016x128xf32, #tpu.memory_space<vmem_shared>>) target(%dma_start3A_592 : memref<128x128xf32, #tpu.memory_space<vmem>>) offsets(%dma_start3A_595 : memref<128xi32, #tpu.memory_space<vmem>>) semaphore(%arg12 : memref<!tpu.dma_semaphore, #tpu.memory_space<semaphore_mem>>)
      %dma_wait3A_599 = arith.constant 1 : i32
      %dma_wait3A_600 = arith.constant 1 : i32
      %dma_wait3A_601 = arith.constant 1 : i32
      %dma_wait3A_602 = arith.constant 0 : i32
      %dma_wait3A_603 = arith.constant 0 : i32
      %dma_wait3A_604 = tpu.memref_slice %arg8[%dma_wait3A_601, %dma_wait3A_602, %dma_wait3A_603] : memref<2x128x128xf32, #tpu.memory_space<vmem>> -> memref<1x128x128xf32, #tpu.memory_space<vmem>>
      %dma_wait3A_605 = tpu.memref_squeeze %dma_wait3A_604 : memref<1x128x128xf32, #tpu.memory_space<vmem>> -> memref<128x128xf32, #tpu.memory_space<vmem>>
      %dma_wait3A_606 = arith.constant 0 : i32
      %dma_wait3A_607 = tpu.memref_slice %arg9[%dma_wait3A_599, %dma_wait3A_600, %dma_wait3A_606] : memref<2x8x128xi32, #tpu.memory_space<vmem>> -> memref<1x1x128xi32, #tpu.memory_space<vmem>>
      %dma_wait3A_608 = tpu.memref_squeeze %dma_wait3A_607 : memref<1x1x128xi32, #tpu.memory_space<vmem>> -> memref<128xi32, #tpu.memory_space<vmem>>
      %dma_wait3A_609 = arith.constant 0 : i32
      %dma_wait3A_610 = arith.constant 0 : i32
      %dma_wait3A_611 = tpu.memref_slice %arg7[%dma_wait3A_609, %dma_wait3A_610] : memref<10016x128xf32, #tpu.memory_space<vmem_shared>> -> memref<10016x128xf32, #tpu.memory_space<vmem_shared>>
      tpu.wait_indirect_dma semaphore(%arg12 : memref<!tpu.dma_semaphore, #tpu.memory_space<semaphore_mem>>) src(%dma_wait3A_611 : memref<10016x128xf32, #tpu.memory_space<vmem_shared>>) dst(%dma_wait3A_605 : memref<128x128xf32, #tpu.memory_space<vmem>>)
      %dma_start3A_612 = arith.constant 1 : i32
      %dma_start3A_613 = arith.constant 1 : i32
      %dma_start3A_614 = arith.constant 1 : i32
      %dma_start3A_615 = arith.constant 0 : i32
      %dma_start3A_616 = arith.constant 0 : i32
      %dma_start3A_617 = tpu.memref_slice %arg8[%dma_start3A_612, %dma_start3A_615, %dma_start3A_616] : memref<2x128x128xf32, #tpu.memory_space<vmem>> -> memref<1x128x128xf32, #tpu.memory_space<vmem>>
      %dma_start3A_618 = tpu.memref_squeeze %dma_start3A_617 : memref<1x128x128xf32, #tpu.memory_space<vmem>> -> memref<128x128xf32, #tpu.memory_space<vmem>>
      %dma_start3A_619 = arith.constant 0 : i32
      %dma_start3A_620 = tpu.memref_slice %arg10[%dma_start3A_613, %dma_start3A_614, %dma_start3A_619] : memref<2x8x128xi32, #tpu.memory_space<vmem>> -> memref<1x1x128xi32, #tpu.memory_space<vmem>>
      %dma_start3A_621 = tpu.memref_squeeze %dma_start3A_620 : memref<1x1x128xi32, #tpu.memory_space<vmem>> -> memref<128xi32, #tpu.memory_space<vmem>>
      %dma_start3A_622 = arith.constant 0 : i32
      %dma_start3A_623 = arith.constant 0 : i32
      %dma_start3A_624 = tpu.memref_slice %arg7[%dma_start3A_622, %dma_start3A_623] : memref<10016x128xf32, #tpu.memory_space<vmem_shared>> -> memref<10016x128xf32, #tpu.memory_space<vmem_shared>>
      tpu.enqueue_indirect_dma source(%dma_start3A_618 : memref<128x128xf32, #tpu.memory_space<vmem>>) target(%dma_start3A_624 : memref<10016x128xf32, #tpu.memory_space<vmem_shared>>) offsets(%dma_start3A_621 : memref<128xi32, #tpu.memory_space<vmem>>) semaphore(%arg14 : memref<!tpu.dma_semaphore, #tpu.memory_space<semaphore_mem>>) {add = true}
      %dma_wait3A_625 = arith.constant 0 : i32
      %dma_wait3A_626 = arith.constant 1 : i32
      %dma_wait3A_627 = arith.constant 0 : i32
      %dma_wait3A_628 = arith.constant 0 : i32
      %dma_wait3A_629 = arith.constant 0 : i32
      %dma_wait3A_630 = tpu.memref_slice %arg8[%dma_wait3A_625, %dma_wait3A_628, %dma_wait3A_629] : memref<2x128x128xf32, #tpu.memory_space<vmem>> -> memref<1x128x128xf32, #tpu.memory_space<vmem>>
      %dma_wait3A_631 = tpu.memref_squeeze %dma_wait3A_630 : memref<1x128x128xf32, #tpu.memory_space<vmem>> -> memref<128x128xf32, #tpu.memory_space<vmem>>
      %dma_wait3A_632 = arith.constant 0 : i32
      %dma_wait3A_633 = tpu.memref_slice %arg10[%dma_wait3A_626, %dma_wait3A_627, %dma_wait3A_632] : memref<2x8x128xi32, #tpu.memory_space<vmem>> -> memref<1x1x128xi32, #tpu.memory_space<vmem>>
      %dma_wait3A_634 = tpu.memref_squeeze %dma_wait3A_633 : memref<1x1x128xi32, #tpu.memory_space<vmem>> -> memref<128xi32, #tpu.memory_space<vmem>>
      %dma_wait3A_635 = arith.constant 0 : i32
      %dma_wait3A_636 = arith.constant 0 : i32
      %dma_wait3A_637 = tpu.memref_slice %arg7[%dma_wait3A_635, %dma_wait3A_636] : memref<10016x128xf32, #tpu.memory_space<vmem_shared>> -> memref<10016x128xf32, #tpu.memory_space<vmem_shared>>
      tpu.wait_indirect_dma semaphore(%arg13 : memref<!tpu.dma_semaphore, #tpu.memory_space<semaphore_mem>>) src(%dma_wait3A_631 : memref<128x128xf32, #tpu.memory_space<vmem>>) dst(%dma_wait3A_637 : memref<10016x128xf32, #tpu.memory_space<vmem_shared>>)
      %dma_start3A_638 = arith.constant 1 : i32
      %dma_start3A_639 = arith.constant 2 : i32
      %dma_start3A_640 = arith.constant 0 : i32
      %dma_start3A_641 = arith.constant 0 : i32
      %dma_start3A_642 = arith.constant 0 : i32
      %dma_start3A_643 = tpu.memref_slice %arg8[%dma_start3A_640, %dma_start3A_641, %dma_start3A_642] : memref<2x128x128xf32, #tpu.memory_space<vmem>> -> memref<1x128x128xf32, #tpu.memory_space<vmem>>
      %dma_start3A_644 = tpu.memref_squeeze %dma_start3A_643 : memref<1x128x128xf32, #tpu.memory_space<vmem>> -> memref<128x128xf32, #tpu.memory_space<vmem>>
      %dma_start3A_645 = arith.constant 0 : i32
      %dma_start3A_646 = tpu.memref_slice %arg9[%dma_start3A_638, %dma_start3A_639, %dma_start3A_645] : memref<2x8x128xi32, #tpu.memory_space<vmem>> -> memref<1x1x128xi32, #tpu.memory_space<vmem>>
      %dma_start3A_647 = tpu.memref_squeeze %dma_start3A_646 : memref<1x1x128xi32, #tpu.memory_space<vmem>> -> memref<128xi32, #tpu.memory_space<vmem>>
      %dma_start3A_648 = arith.constant 0 : i32
      %dma_start3A_649 = arith.constant 0 : i32
      %dma_start3A_650 = tpu.memref_slice %arg7[%dma_start3A_648, %dma_start3A_649] : memref<10016x128xf32, #tpu.memory_space<vmem_shared>> -> memref<10016x128xf32, #tpu.memory_space<vmem_shared>>
      tpu.enqueue_indirect_dma source(%dma_start3A_650 : memref<10016x128xf32, #tpu.memory_space<vmem_shared>>) target(%dma_start3A_644 : memref<128x128xf32, #tpu.memory_space<vmem>>) offsets(%dma_start3A_647 : memref<128xi32, #tpu.memory_space<vmem>>) semaphore(%arg11 : memref<!tpu.dma_semaphore, #tpu.memory_space<semaphore_mem>>)
      %dma_wait3A_651 = arith.constant 1 : i32
      %dma_wait3A_652 = arith.constant 2 : i32
      %dma_wait3A_653 = arith.constant 0 : i32
      %dma_wait3A_654 = arith.constant 0 : i32
      %dma_wait3A_655 = arith.constant 0 : i32
      %dma_wait3A_656 = tpu.memref_slice %arg8[%dma_wait3A_653, %dma_wait3A_654, %dma_wait3A_655] : memref<2x128x128xf32, #tpu.memory_space<vmem>> -> memref<1x128x128xf32, #tpu.memory_space<vmem>>
      %dma_wait3A_657 = tpu.memref_squeeze %dma_wait3A_656 : memref<1x128x128xf32, #tpu.memory_space<vmem>> -> memref<128x128xf32, #tpu.memory_space<vmem>>
      %dma_wait3A_658 = arith.constant 0 : i32
      %dma_wait3A_659 = tpu.memref_slice %arg9[%dma_wait3A_651, %dma_wait3A_652, %dma_wait3A_658] : memref<2x8x128xi32, #tpu.memory_space<vmem>> -> memref<1x1x128xi32, #tpu.memory_space<vmem>>
      %dma_wait3A_660 = tpu.memref_squeeze %dma_wait3A_659 : memref<1x1x128xi32, #tpu.memory_space<vmem>> -> memref<128xi32, #tpu.memory_space<vmem>>
      %dma_wait3A_661 = arith.constant 0 : i32
      %dma_wait3A_662 = arith.constant 0 : i32
      %dma_wait3A_663 = tpu.memref_slice %arg7[%dma_wait3A_661, %dma_wait3A_662] : memref<10016x128xf32, #tpu.memory_space<vmem_shared>> -> memref<10016x128xf32, #tpu.memory_space<vmem_shared>>
      tpu.wait_indirect_dma semaphore(%arg11 : memref<!tpu.dma_semaphore, #tpu.memory_space<semaphore_mem>>) src(%dma_wait3A_663 : memref<10016x128xf32, #tpu.memory_space<vmem_shared>>) dst(%dma_wait3A_657 : memref<128x128xf32, #tpu.memory_space<vmem>>)
      %dma_start3A_664 = arith.constant 0 : i32
      %dma_start3A_665 = arith.constant 1 : i32
      %dma_start3A_666 = arith.constant 2 : i32
      %dma_start3A_667 = arith.constant 0 : i32
      %dma_start3A_668 = arith.constant 0 : i32
      %dma_start3A_669 = tpu.memref_slice %arg8[%dma_start3A_664, %dma_start3A_667, %dma_start3A_668] : memref<2x128x128xf32, #tpu.memory_space<vmem>> -> memref<1x128x128xf32, #tpu.memory_space<vmem>>
      %dma_start3A_670 = tpu.memref_squeeze %dma_start3A_669 : memref<1x128x128xf32, #tpu.memory_space<vmem>> -> memref<128x128xf32, #tpu.memory_space<vmem>>
      %dma_start3A_671 = arith.constant 0 : i32
      %dma_start3A_672 = tpu.memref_slice %arg10[%dma_start3A_665, %dma_start3A_666, %dma_start3A_671] : memref<2x8x128xi32, #tpu.memory_space<vmem>> -> memref<1x1x128xi32, #tpu.memory_space<vmem>>
      %dma_start3A_673 = tpu.memref_squeeze %dma_start3A_672 : memref<1x1x128xi32, #tpu.memory_space<vmem>> -> memref<128xi32, #tpu.memory_space<vmem>>
      %dma_start3A_674 = arith.constant 0 : i32
      %dma_start3A_675 = arith.constant 0 : i32
      %dma_start3A_676 = tpu.memref_slice %arg7[%dma_start3A_674, %dma_start3A_675] : memref<10016x128xf32, #tpu.memory_space<vmem_shared>> -> memref<10016x128xf32, #tpu.memory_space<vmem_shared>>
      tpu.enqueue_indirect_dma source(%dma_start3A_670 : memref<128x128xf32, #tpu.memory_space<vmem>>) target(%dma_start3A_676 : memref<10016x128xf32, #tpu.memory_space<vmem_shared>>) offsets(%dma_start3A_673 : memref<128xi32, #tpu.memory_space<vmem>>) semaphore(%arg13 : memref<!tpu.dma_semaphore, #tpu.memory_space<semaphore_mem>>) {add = true}
      %lt3A = arith.constant 4 : i32
      %lt3A_677 = arith.cmpi slt, %add3A_63, %lt3A : i32
      %convert_element_type3A_678 = arith.extui %lt3A_677 : i1 to i32
      %cond3A_679 = arith.constant 0 : i32
      %cond3A_680 = arith.cmpi ne, %convert_element_type3A_678, %cond3A_679 : i32
      scf.if %cond3A_680 {
        %add3A_946 = arith.constant 1 : i32
        %add3A_947 = arith.addi %add3A_546, %add3A_946 : i32
        %mul3A_948 = arith.constant 8 : i32
        %mul3A_949 = arith.muli %add3A_947, %mul3A_948 : i32
        %add3A_950 = arith.addi %mul3A_2, %mul3A_949 : i32
        %dma_start3A_951 = arith.constant 0 : i32
        %dma_start3A_952 = arith.constant 0 : i32
        %dma_start3A_953 = arith.constant 0 : i32
        %dma_start3A_954 = tpu.memref_slice %arg9[%dma_start3A_951, %dma_start3A_952, %dma_start3A_953] : memref<2x8x128xi32, #tpu.memory_space<vmem>> -> memref<1x8x128xi32, #tpu.memory_space<vmem>>
        %dma_start3A_955 = tpu.memref_squeeze %dma_start3A_954 : memref<1x8x128xi32, #tpu.memory_space<vmem>> -> memref<8x128xi32, #tpu.memory_space<vmem>>
        %dma_start3A_956 = arith.constant 0 : i32
        %dma_start3A_957 = tpu.memref_slice %arg4[%add3A_950, %dma_start3A_956] : memref<2560x128xi32, #tpu.memory_space<hbm>> -> memref<8x128xi32, #tpu.memory_space<hbm>>
        %dma_start3A_958 = arith.constant 0 : i32
        %dma_start3A_959 = arith.constant 0 : i32
        %dma_start3A_960 = tpu.memref_slice %arg9[%dma_start3A_951, %dma_start3A_958, %dma_start3A_959] : memref<2x8x128xi32, #tpu.memory_space<vmem>> -> memref<1x8x128xi32, #tpu.memory_space<vmem>>
        %dma_start3A_961 = tpu.memref_squeeze %dma_start3A_960 : memref<1x8x128xi32, #tpu.memory_space<vmem>> -> memref<8x128xi32, #tpu.memory_space<vmem>>
        %dma_start3A_962 = arith.constant 0 : i32
        %dma_start3A_963 = tpu.memref_slice %arg4[%add3A_950, %dma_start3A_962] : memref<2560x128xi32, #tpu.memory_space<hbm>> -> memref<8x128xi32, #tpu.memory_space<hbm>>
        tpu.enqueue_dma source(%dma_start3A_963 : memref<8x128xi32, #tpu.memory_space<hbm>>) target(%dma_start3A_961 : memref<8x128xi32, #tpu.memory_space<vmem>>) target_semaphore(%arg15 : memref<!tpu.dma_semaphore, #tpu.memory_space<semaphore_mem>>)
        %mul3A_964 = arith.constant 8 : i32
        %mul3A_965 = arith.muli %add3A_947, %mul3A_964 : i32
        %add3A_966 = arith.addi %mul3A_2, %mul3A_965 : i32
        %dma_start3A_967 = arith.constant 0 : i32
        %dma_start3A_968 = arith.constant 0 : i32
        %dma_start3A_969 = arith.constant 0 : i32
        %dma_start3A_970 = tpu.memref_slice %arg10[%dma_start3A_967, %dma_start3A_968, %dma_start3A_969] : memref<2x8x128xi32, #tpu.memory_space<vmem>> -> memref<1x8x128xi32, #tpu.memory_space<vmem>>
        %dma_start3A_971 = tpu.memref_squeeze %dma_start3A_970 : memref<1x8x128xi32, #tpu.memory_space<vmem>> -> memref<8x128xi32, #tpu.memory_space<vmem>>
        %dma_start3A_972 = arith.constant 0 : i32
        %dma_start3A_973 = tpu.memref_slice %arg3[%add3A_966, %dma_start3A_972] : memref<2560x128xi32, #tpu.memory_space<hbm>> -> memref<8x128xi32, #tpu.memory_space<hbm>>
        %dma_start3A_974 = arith.constant 0 : i32
        %dma_start3A_975 = arith.constant 0 : i32
        %dma_start3A_976 = tpu.memref_slice %arg10[%dma_start3A_967, %dma_start3A_974, %dma_start3A_975] : memref<2x8x128xi32, #tpu.memory_space<vmem>> -> memref<1x8x128xi32, #tpu.memory_space<vmem>>
        %dma_start3A_977 = tpu.memref_squeeze %dma_start3A_976 : memref<1x8x128xi32, #tpu.memory_space<vmem>> -> memref<8x128xi32, #tpu.memory_space<vmem>>
        %dma_start3A_978 = arith.constant 0 : i32
        %dma_start3A_979 = tpu.memref_slice %arg3[%add3A_966, %dma_start3A_978] : memref<2560x128xi32, #tpu.memory_space<hbm>> -> memref<8x128xi32, #tpu.memory_space<hbm>>
        tpu.enqueue_dma source(%dma_start3A_979 : memref<8x128xi32, #tpu.memory_space<hbm>>) target(%dma_start3A_977 : memref<8x128xi32, #tpu.memory_space<vmem>>) target_semaphore(%arg15 : memref<!tpu.dma_semaphore, #tpu.memory_space<semaphore_mem>>)
      } else {
      }
      %dma_wait3A_681 = arith.constant 1 : i32
      %dma_wait3A_682 = arith.constant 1 : i32
      %dma_wait3A_683 = arith.constant 1 : i32
      %dma_wait3A_684 = arith.constant 0 : i32
      %dma_wait3A_685 = arith.constant 0 : i32
      %dma_wait3A_686 = tpu.memref_slice %arg8[%dma_wait3A_681, %dma_wait3A_684, %dma_wait3A_685] : memref<2x128x128xf32, #tpu.memory_space<vmem>> -> memref<1x128x128xf32, #tpu.memory_space<vmem>>
      %dma_wait3A_687 = tpu.memref_squeeze %dma_wait3A_686 : memref<1x128x128xf32, #tpu.memory_space<vmem>> -> memref<128x128xf32, #tpu.memory_space<vmem>>
      %dma_wait3A_688 = arith.constant 0 : i32
      %dma_wait3A_689 = tpu.memref_slice %arg10[%dma_wait3A_682, %dma_wait3A_683, %dma_wait3A_688] : memref<2x8x128xi32, #tpu.memory_space<vmem>> -> memref<1x1x128xi32, #tpu.memory_space<vmem>>
      %dma_wait3A_690 = tpu.memref_squeeze %dma_wait3A_689 : memref<1x1x128xi32, #tpu.memory_space<vmem>> -> memref<128xi32, #tpu.memory_space<vmem>>
      %dma_wait3A_691 = arith.constant 0 : i32
      %dma_wait3A_692 = arith.constant 0 : i32
      %dma_wait3A_693 = tpu.memref_slice %arg7[%dma_wait3A_691, %dma_wait3A_692] : memref<10016x128xf32, #tpu.memory_space<vmem_shared>> -> memref<10016x128xf32, #tpu.memory_space<vmem_shared>>
      tpu.wait_indirect_dma semaphore(%arg14 : memref<!tpu.dma_semaphore, #tpu.memory_space<semaphore_mem>>) src(%dma_wait3A_687 : memref<128x128xf32, #tpu.memory_space<vmem>>) dst(%dma_wait3A_693 : memref<10016x128xf32, #tpu.memory_space<vmem_shared>>)
      %dma_start3A_694 = arith.constant 1 : i32
      %dma_start3A_695 = arith.constant 3 : i32
      %dma_start3A_696 = arith.constant 1 : i32
      %dma_start3A_697 = arith.constant 0 : i32
      %dma_start3A_698 = arith.constant 0 : i32
      %dma_start3A_699 = tpu.memref_slice %arg8[%dma_start3A_696, %dma_start3A_697, %dma_start3A_698] : memref<2x128x128xf32, #tpu.memory_space<vmem>> -> memref<1x128x128xf32, #tpu.memory_space<vmem>>
      %dma_start3A_700 = tpu.memref_squeeze %dma_start3A_699 : memref<1x128x128xf32, #tpu.memory_space<vmem>> -> memref<128x128xf32, #tpu.memory_space<vmem>>
      %dma_start3A_701 = arith.constant 0 : i32
      %dma_start3A_702 = tpu.memref_slice %arg9[%dma_start3A_694, %dma_start3A_695, %dma_start3A_701] : memref<2x8x128xi32, #tpu.memory_space<vmem>> -> memref<1x1x128xi32, #tpu.memory_space<vmem>>
      %dma_start3A_703 = tpu.memref_squeeze %dma_start3A_702 : memref<1x1x128xi32, #tpu.memory_space<vmem>> -> memref<128xi32, #tpu.memory_space<vmem>>
      %dma_start3A_704 = arith.constant 0 : i32
      %dma_start3A_705 = arith.constant 0 : i32
      %dma_start3A_706 = tpu.memref_slice %arg7[%dma_start3A_704, %dma_start3A_705] : memref<10016x128xf32, #tpu.memory_space<vmem_shared>> -> memref<10016x128xf32, #tpu.memory_space<vmem_shared>>
      tpu.enqueue_indirect_dma source(%dma_start3A_706 : memref<10016x128xf32, #tpu.memory_space<vmem_shared>>) target(%dma_start3A_700 : memref<128x128xf32, #tpu.memory_space<vmem>>) offsets(%dma_start3A_703 : memref<128xi32, #tpu.memory_space<vmem>>) semaphore(%arg12 : memref<!tpu.dma_semaphore, #tpu.memory_space<semaphore_mem>>)
      %dma_wait3A_707 = arith.constant 1 : i32
      %dma_wait3A_708 = arith.constant 3 : i32
      %dma_wait3A_709 = arith.constant 1 : i32
      %dma_wait3A_710 = arith.constant 0 : i32
      %dma_wait3A_711 = arith.constant 0 : i32
      %dma_wait3A_712 = tpu.memref_slice %arg8[%dma_wait3A_709, %dma_wait3A_710, %dma_wait3A_711] : memref<2x128x128xf32, #tpu.memory_space<vmem>> -> memref<1x128x128xf32, #tpu.memory_space<vmem>>
      %dma_wait3A_713 = tpu.memref_squeeze %dma_wait3A_712 : memref<1x128x128xf32, #tpu.memory_space<vmem>> -> memref<128x128xf32, #tpu.memory_space<vmem>>
      %dma_wait3A_714 = arith.constant 0 : i32
      %dma_wait3A_715 = tpu.memref_slice %arg9[%dma_wait3A_707, %dma_wait3A_708, %dma_wait3A_714] : memref<2x8x128xi32, #tpu.memory_space<vmem>> -> memref<1x1x128xi32, #tpu.memory_space<vmem>>
      %dma_wait3A_716 = tpu.memref_squeeze %dma_wait3A_715 : memref<1x1x128xi32, #tpu.memory_space<vmem>> -> memref<128xi32, #tpu.memory_space<vmem>>
      %dma_wait3A_717 = arith.constant 0 : i32
      %dma_wait3A_718 = arith.constant 0 : i32
      %dma_wait3A_719 = tpu.memref_slice %arg7[%dma_wait3A_717, %dma_wait3A_718] : memref<10016x128xf32, #tpu.memory_space<vmem_shared>> -> memref<10016x128xf32, #tpu.memory_space<vmem_shared>>
      tpu.wait_indirect_dma semaphore(%arg12 : memref<!tpu.dma_semaphore, #tpu.memory_space<semaphore_mem>>) src(%dma_wait3A_719 : memref<10016x128xf32, #tpu.memory_space<vmem_shared>>) dst(%dma_wait3A_713 : memref<128x128xf32, #tpu.memory_space<vmem>>)
      %dma_start3A_720 = arith.constant 1 : i32
      %dma_start3A_721 = arith.constant 1 : i32
      %dma_start3A_722 = arith.constant 3 : i32
      %dma_start3A_723 = arith.constant 0 : i32
      %dma_start3A_724 = arith.constant 0 : i32
      %dma_start3A_725 = tpu.memref_slice %arg8[%dma_start3A_720, %dma_start3A_723, %dma_start3A_724] : memref<2x128x128xf32, #tpu.memory_space<vmem>> -> memref<1x128x128xf32, #tpu.memory_space<vmem>>
      %dma_start3A_726 = tpu.memref_squeeze %dma_start3A_725 : memref<1x128x128xf32, #tpu.memory_space<vmem>> -> memref<128x128xf32, #tpu.memory_space<vmem>>
      %dma_start3A_727 = arith.constant 0 : i32
      %dma_start3A_728 = tpu.memref_slice %arg10[%dma_start3A_721, %dma_start3A_722, %dma_start3A_727] : memref<2x8x128xi32, #tpu.memory_space<vmem>> -> memref<1x1x128xi32, #tpu.memory_space<vmem>>
      %dma_start3A_729 = tpu.memref_squeeze %dma_start3A_728 : memref<1x1x128xi32, #tpu.memory_space<vmem>> -> memref<128xi32, #tpu.memory_space<vmem>>
      %dma_start3A_730 = arith.constant 0 : i32
      %dma_start3A_731 = arith.constant 0 : i32
      %dma_start3A_732 = tpu.memref_slice %arg7[%dma_start3A_730, %dma_start3A_731] : memref<10016x128xf32, #tpu.memory_space<vmem_shared>> -> memref<10016x128xf32, #tpu.memory_space<vmem_shared>>
      tpu.enqueue_indirect_dma source(%dma_start3A_726 : memref<128x128xf32, #tpu.memory_space<vmem>>) target(%dma_start3A_732 : memref<10016x128xf32, #tpu.memory_space<vmem_shared>>) offsets(%dma_start3A_729 : memref<128xi32, #tpu.memory_space<vmem>>) semaphore(%arg14 : memref<!tpu.dma_semaphore, #tpu.memory_space<semaphore_mem>>) {add = true}
      %dma_wait3A_733 = arith.constant 0 : i32
      %dma_wait3A_734 = arith.constant 1 : i32
      %dma_wait3A_735 = arith.constant 2 : i32
      %dma_wait3A_736 = arith.constant 0 : i32
      %dma_wait3A_737 = arith.constant 0 : i32
      %dma_wait3A_738 = tpu.memref_slice %arg8[%dma_wait3A_733, %dma_wait3A_736, %dma_wait3A_737] : memref<2x128x128xf32, #tpu.memory_space<vmem>> -> memref<1x128x128xf32, #tpu.memory_space<vmem>>
      %dma_wait3A_739 = tpu.memref_squeeze %dma_wait3A_738 : memref<1x128x128xf32, #tpu.memory_space<vmem>> -> memref<128x128xf32, #tpu.memory_space<vmem>>
      %dma_wait3A_740 = arith.constant 0 : i32
      %dma_wait3A_741 = tpu.memref_slice %arg10[%dma_wait3A_734, %dma_wait3A_735, %dma_wait3A_740] : memref<2x8x128xi32, #tpu.memory_space<vmem>> -> memref<1x1x128xi32, #tpu.memory_space<vmem>>
      %dma_wait3A_742 = tpu.memref_squeeze %dma_wait3A_741 : memref<1x1x128xi32, #tpu.memory_space<vmem>> -> memref<128xi32, #tpu.memory_space<vmem>>
      %dma_wait3A_743 = arith.constant 0 : i32
      %dma_wait3A_744 = arith.constant 0 : i32
      %dma_wait3A_745 = tpu.memref_slice %arg7[%dma_wait3A_743, %dma_wait3A_744] : memref<10016x128xf32, #tpu.memory_space<vmem_shared>> -> memref<10016x128xf32, #tpu.memory_space<vmem_shared>>
      tpu.wait_indirect_dma semaphore(%arg13 : memref<!tpu.dma_semaphore, #tpu.memory_space<semaphore_mem>>) src(%dma_wait3A_739 : memref<128x128xf32, #tpu.memory_space<vmem>>) dst(%dma_wait3A_745 : memref<10016x128xf32, #tpu.memory_space<vmem_shared>>)
      %dma_start3A_746 = arith.constant 1 : i32
      %dma_start3A_747 = arith.constant 4 : i32
      %dma_start3A_748 = arith.constant 0 : i32
      %dma_start3A_749 = arith.constant 0 : i32
      %dma_start3A_750 = arith.constant 0 : i32
      %dma_start3A_751 = tpu.memref_slice %arg8[%dma_start3A_748, %dma_start3A_749, %dma_start3A_750] : memref<2x128x128xf32, #tpu.memory_space<vmem>> -> memref<1x128x128xf32, #tpu.memory_space<vmem>>
      %dma_start3A_752 = tpu.memref_squeeze %dma_start3A_751 : memref<1x128x128xf32, #tpu.memory_space<vmem>> -> memref<128x128xf32, #tpu.memory_space<vmem>>
      %dma_start3A_753 = arith.constant 0 : i32
      %dma_start3A_754 = tpu.memref_slice %arg9[%dma_start3A_746, %dma_start3A_747, %dma_start3A_753] : memref<2x8x128xi32, #tpu.memory_space<vmem>> -> memref<1x1x128xi32, #tpu.memory_space<vmem>>
      %dma_start3A_755 = tpu.memref_squeeze %dma_start3A_754 : memref<1x1x128xi32, #tpu.memory_space<vmem>> -> memref<128xi32, #tpu.memory_space<vmem>>
      %dma_start3A_756 = arith.constant 0 : i32
      %dma_start3A_757 = arith.constant 0 : i32
      %dma_start3A_758 = tpu.memref_slice %arg7[%dma_start3A_756, %dma_start3A_757] : memref<10016x128xf32, #tpu.memory_space<vmem_shared>> -> memref<10016x128xf32, #tpu.memory_space<vmem_shared>>
      tpu.enqueue_indirect_dma source(%dma_start3A_758 : memref<10016x128xf32, #tpu.memory_space<vmem_shared>>) target(%dma_start3A_752 : memref<128x128xf32, #tpu.memory_space<vmem>>) offsets(%dma_start3A_755 : memref<128xi32, #tpu.memory_space<vmem>>) semaphore(%arg11 : memref<!tpu.dma_semaphore, #tpu.memory_space<semaphore_mem>>)
      %dma_wait3A_759 = arith.constant 1 : i32
      %dma_wait3A_760 = arith.constant 4 : i32
      %dma_wait3A_761 = arith.constant 0 : i32
      %dma_wait3A_762 = arith.constant 0 : i32
      %dma_wait3A_763 = arith.constant 0 : i32
      %dma_wait3A_764 = tpu.memref_slice %arg8[%dma_wait3A_761, %dma_wait3A_762, %dma_wait3A_763] : memref<2x128x128xf32, #tpu.memory_space<vmem>> -> memref<1x128x128xf32, #tpu.memory_space<vmem>>
      %dma_wait3A_765 = tpu.memref_squeeze %dma_wait3A_764 : memref<1x128x128xf32, #tpu.memory_space<vmem>> -> memref<128x128xf32, #tpu.memory_space<vmem>>
      %dma_wait3A_766 = arith.constant 0 : i32
      %dma_wait3A_767 = tpu.memref_slice %arg9[%dma_wait3A_759, %dma_wait3A_760, %dma_wait3A_766] : memref<2x8x128xi32, #tpu.memory_space<vmem>> -> memref<1x1x128xi32, #tpu.memory_space<vmem>>
      %dma_wait3A_768 = tpu.memref_squeeze %dma_wait3A_767 : memref<1x1x128xi32, #tpu.memory_space<vmem>> -> memref<128xi32, #tpu.memory_space<vmem>>
      %dma_wait3A_769 = arith.constant 0 : i32
      %dma_wait3A_770 = arith.constant 0 : i32
      %dma_wait3A_771 = tpu.memref_slice %arg7[%dma_wait3A_769, %dma_wait3A_770] : memref<10016x128xf32, #tpu.memory_space<vmem_shared>> -> memref<10016x128xf32, #tpu.memory_space<vmem_shared>>
      tpu.wait_indirect_dma semaphore(%arg11 : memref<!tpu.dma_semaphore, #tpu.memory_space<semaphore_mem>>) src(%dma_wait3A_771 : memref<10016x128xf32, #tpu.memory_space<vmem_shared>>) dst(%dma_wait3A_765 : memref<128x128xf32, #tpu.memory_space<vmem>>)
      %dma_start3A_772 = arith.constant 0 : i32
      %dma_start3A_773 = arith.constant 1 : i32
      %dma_start3A_774 = arith.constant 4 : i32
      %dma_start3A_775 = arith.constant 0 : i32
      %dma_start3A_776 = arith.constant 0 : i32
      %dma_start3A_777 = tpu.memref_slice %arg8[%dma_start3A_772, %dma_start3A_775, %dma_start3A_776] : memref<2x128x128xf32, #tpu.memory_space<vmem>> -> memref<1x128x128xf32, #tpu.memory_space<vmem>>
      %dma_start3A_778 = tpu.memref_squeeze %dma_start3A_777 : memref<1x128x128xf32, #tpu.memory_space<vmem>> -> memref<128x128xf32, #tpu.memory_space<vmem>>
      %dma_start3A_779 = arith.constant 0 : i32
      %dma_start3A_780 = tpu.memref_slice %arg10[%dma_start3A_773, %dma_start3A_774, %dma_start3A_779] : memref<2x8x128xi32, #tpu.memory_space<vmem>> -> memref<1x1x128xi32, #tpu.memory_space<vmem>>
      %dma_start3A_781 = tpu.memref_squeeze %dma_start3A_780 : memref<1x1x128xi32, #tpu.memory_space<vmem>> -> memref<128xi32, #tpu.memory_space<vmem>>
      %dma_start3A_782 = arith.constant 0 : i32
      %dma_start3A_783 = arith.constant 0 : i32
      %dma_start3A_784 = tpu.memref_slice %arg7[%dma_start3A_782, %dma_start3A_783] : memref<10016x128xf32, #tpu.memory_space<vmem_shared>> -> memref<10016x128xf32, #tpu.memory_space<vmem_shared>>
      tpu.enqueue_indirect_dma source(%dma_start3A_778 : memref<128x128xf32, #tpu.memory_space<vmem>>) target(%dma_start3A_784 : memref<10016x128xf32, #tpu.memory_space<vmem_shared>>) offsets(%dma_start3A_781 : memref<128xi32, #tpu.memory_space<vmem>>) semaphore(%arg13 : memref<!tpu.dma_semaphore, #tpu.memory_space<semaphore_mem>>) {add = true}
      %dma_wait3A_785 = arith.constant 1 : i32
      %dma_wait3A_786 = arith.constant 1 : i32
      %dma_wait3A_787 = arith.constant 3 : i32
      %dma_wait3A_788 = arith.constant 0 : i32
      %dma_wait3A_789 = arith.constant 0 : i32
      %dma_wait3A_790 = tpu.memref_slice %arg8[%dma_wait3A_785, %dma_wait3A_788, %dma_wait3A_789] : memref<2x128x128xf32, #tpu.memory_space<vmem>> -> memref<1x128x128xf32, #tpu.memory_space<vmem>>
      %dma_wait3A_791 = tpu.memref_squeeze %dma_wait3A_790 : memref<1x128x128xf32, #tpu.memory_space<vmem>> -> memref<128x128xf32, #tpu.memory_space<vmem>>
      %dma_wait3A_792 = arith.constant 0 : i32
      %dma_wait3A_793 = tpu.memref_slice %arg10[%dma_wait3A_786, %dma_wait3A_787, %dma_wait3A_792] : memref<2x8x128xi32, #tpu.memory_space<vmem>> -> memref<1x1x128xi32, #tpu.memory_space<vmem>>
      %dma_wait3A_794 = tpu.memref_squeeze %dma_wait3A_793 : memref<1x1x128xi32, #tpu.memory_space<vmem>> -> memref<128xi32, #tpu.memory_space<vmem>>
      %dma_wait3A_795 = arith.constant 0 : i32
      %dma_wait3A_796 = arith.constant 0 : i32
      %dma_wait3A_797 = tpu.memref_slice %arg7[%dma_wait3A_795, %dma_wait3A_796] : memref<10016x128xf32, #tpu.memory_space<vmem_shared>> -> memref<10016x128xf32, #tpu.memory_space<vmem_shared>>
      tpu.wait_indirect_dma semaphore(%arg14 : memref<!tpu.dma_semaphore, #tpu.memory_space<semaphore_mem>>) src(%dma_wait3A_791 : memref<128x128xf32, #tpu.memory_space<vmem>>) dst(%dma_wait3A_797 : memref<10016x128xf32, #tpu.memory_space<vmem_shared>>)
      %dma_start3A_798 = arith.constant 1 : i32
      %dma_start3A_799 = arith.constant 5 : i32
      %dma_start3A_800 = arith.constant 1 : i32
      %dma_start3A_801 = arith.constant 0 : i32
      %dma_start3A_802 = arith.constant 0 : i32
      %dma_start3A_803 = tpu.memref_slice %arg8[%dma_start3A_800, %dma_start3A_801, %dma_start3A_802] : memref<2x128x128xf32, #tpu.memory_space<vmem>> -> memref<1x128x128xf32, #tpu.memory_space<vmem>>
      %dma_start3A_804 = tpu.memref_squeeze %dma_start3A_803 : memref<1x128x128xf32, #tpu.memory_space<vmem>> -> memref<128x128xf32, #tpu.memory_space<vmem>>
      %dma_start3A_805 = arith.constant 0 : i32
      %dma_start3A_806 = tpu.memref_slice %arg9[%dma_start3A_798, %dma_start3A_799, %dma_start3A_805] : memref<2x8x128xi32, #tpu.memory_space<vmem>> -> memref<1x1x128xi32, #tpu.memory_space<vmem>>
      %dma_start3A_807 = tpu.memref_squeeze %dma_start3A_806 : memref<1x1x128xi32, #tpu.memory_space<vmem>> -> memref<128xi32, #tpu.memory_space<vmem>>
      %dma_start3A_808 = arith.constant 0 : i32
      %dma_start3A_809 = arith.constant 0 : i32
      %dma_start3A_810 = tpu.memref_slice %arg7[%dma_start3A_808, %dma_start3A_809] : memref<10016x128xf32, #tpu.memory_space<vmem_shared>> -> memref<10016x128xf32, #tpu.memory_space<vmem_shared>>
      tpu.enqueue_indirect_dma source(%dma_start3A_810 : memref<10016x128xf32, #tpu.memory_space<vmem_shared>>) target(%dma_start3A_804 : memref<128x128xf32, #tpu.memory_space<vmem>>) offsets(%dma_start3A_807 : memref<128xi32, #tpu.memory_space<vmem>>) semaphore(%arg12 : memref<!tpu.dma_semaphore, #tpu.memory_space<semaphore_mem>>)
      %dma_wait3A_811 = arith.constant 1 : i32
      %dma_wait3A_812 = arith.constant 5 : i32
      %dma_wait3A_813 = arith.constant 1 : i32
      %dma_wait3A_814 = arith.constant 0 : i32
      %dma_wait3A_815 = arith.constant 0 : i32
      %dma_wait3A_816 = tpu.memref_slice %arg8[%dma_wait3A_813, %dma_wait3A_814, %dma_wait3A_815] : memref<2x128x128xf32, #tpu.memory_space<vmem>> -> memref<1x128x128xf32, #tpu.memory_space<vmem>>
      %dma_wait3A_817 = tpu.memref_squeeze %dma_wait3A_816 : memref<1x128x128xf32, #tpu.memory_space<vmem>> -> memref<128x128xf32, #tpu.memory_space<vmem>>
      %dma_wait3A_818 = arith.constant 0 : i32
      %dma_wait3A_819 = tpu.memref_slice %arg9[%dma_wait3A_811, %dma_wait3A_812, %dma_wait3A_818] : memref<2x8x128xi32, #tpu.memory_space<vmem>> -> memref<1x1x128xi32, #tpu.memory_space<vmem>>
      %dma_wait3A_820 = tpu.memref_squeeze %dma_wait3A_819 : memref<1x1x128xi32, #tpu.memory_space<vmem>> -> memref<128xi32, #tpu.memory_space<vmem>>
      %dma_wait3A_821 = arith.constant 0 : i32
      %dma_wait3A_822 = arith.constant 0 : i32
      %dma_wait3A_823 = tpu.memref_slice %arg7[%dma_wait3A_821, %dma_wait3A_822] : memref<10016x128xf32, #tpu.memory_space<vmem_shared>> -> memref<10016x128xf32, #tpu.memory_space<vmem_shared>>
      tpu.wait_indirect_dma semaphore(%arg12 : memref<!tpu.dma_semaphore, #tpu.memory_space<semaphore_mem>>) src(%dma_wait3A_823 : memref<10016x128xf32, #tpu.memory_space<vmem_shared>>) dst(%dma_wait3A_817 : memref<128x128xf32, #tpu.memory_space<vmem>>)
      %dma_start3A_824 = arith.constant 1 : i32
      %dma_start3A_825 = arith.constant 1 : i32
      %dma_start3A_826 = arith.constant 5 : i32
      %dma_start3A_827 = arith.constant 0 : i32
      %dma_start3A_828 = arith.constant 0 : i32
      %dma_start3A_829 = tpu.memref_slice %arg8[%dma_start3A_824, %dma_start3A_827, %dma_start3A_828] : memref<2x128x128xf32, #tpu.memory_space<vmem>> -> memref<1x128x128xf32, #tpu.memory_space<vmem>>
      %dma_start3A_830 = tpu.memref_squeeze %dma_start3A_829 : memref<1x128x128xf32, #tpu.memory_space<vmem>> -> memref<128x128xf32, #tpu.memory_space<vmem>>
      %dma_start3A_831 = arith.constant 0 : i32
      %dma_start3A_832 = tpu.memref_slice %arg10[%dma_start3A_825, %dma_start3A_826, %dma_start3A_831] : memref<2x8x128xi32, #tpu.memory_space<vmem>> -> memref<1x1x128xi32, #tpu.memory_space<vmem>>
      %dma_start3A_833 = tpu.memref_squeeze %dma_start3A_832 : memref<1x1x128xi32, #tpu.memory_space<vmem>> -> memref<128xi32, #tpu.memory_space<vmem>>
      %dma_start3A_834 = arith.constant 0 : i32
      %dma_start3A_835 = arith.constant 0 : i32
      %dma_start3A_836 = tpu.memref_slice %arg7[%dma_start3A_834, %dma_start3A_835] : memref<10016x128xf32, #tpu.memory_space<vmem_shared>> -> memref<10016x128xf32, #tpu.memory_space<vmem_shared>>
      tpu.enqueue_indirect_dma source(%dma_start3A_830 : memref<128x128xf32, #tpu.memory_space<vmem>>) target(%dma_start3A_836 : memref<10016x128xf32, #tpu.memory_space<vmem_shared>>) offsets(%dma_start3A_833 : memref<128xi32, #tpu.memory_space<vmem>>) semaphore(%arg14 : memref<!tpu.dma_semaphore, #tpu.memory_space<semaphore_mem>>) {add = true}
      %dma_wait3A_837 = arith.constant 0 : i32
      %dma_wait3A_838 = arith.constant 1 : i32
      %dma_wait3A_839 = arith.constant 4 : i32
      %dma_wait3A_840 = arith.constant 0 : i32
      %dma_wait3A_841 = arith.constant 0 : i32
      %dma_wait3A_842 = tpu.memref_slice %arg8[%dma_wait3A_837, %dma_wait3A_840, %dma_wait3A_841] : memref<2x128x128xf32, #tpu.memory_space<vmem>> -> memref<1x128x128xf32, #tpu.memory_space<vmem>>
      %dma_wait3A_843 = tpu.memref_squeeze %dma_wait3A_842 : memref<1x128x128xf32, #tpu.memory_space<vmem>> -> memref<128x128xf32, #tpu.memory_space<vmem>>
      %dma_wait3A_844 = arith.constant 0 : i32
      %dma_wait3A_845 = tpu.memref_slice %arg10[%dma_wait3A_838, %dma_wait3A_839, %dma_wait3A_844] : memref<2x8x128xi32, #tpu.memory_space<vmem>> -> memref<1x1x128xi32, #tpu.memory_space<vmem>>
      %dma_wait3A_846 = tpu.memref_squeeze %dma_wait3A_845 : memref<1x1x128xi32, #tpu.memory_space<vmem>> -> memref<128xi32, #tpu.memory_space<vmem>>
      %dma_wait3A_847 = arith.constant 0 : i32
      %dma_wait3A_848 = arith.constant 0 : i32
      %dma_wait3A_849 = tpu.memref_slice %arg7[%dma_wait3A_847, %dma_wait3A_848] : memref<10016x128xf32, #tpu.memory_space<vmem_shared>> -> memref<10016x128xf32, #tpu.memory_space<vmem_shared>>
      tpu.wait_indirect_dma semaphore(%arg13 : memref<!tpu.dma_semaphore, #tpu.memory_space<semaphore_mem>>) src(%dma_wait3A_843 : memref<128x128xf32, #tpu.memory_space<vmem>>) dst(%dma_wait3A_849 : memref<10016x128xf32, #tpu.memory_space<vmem_shared>>)
      %dma_start3A_850 = arith.constant 1 : i32
      %dma_start3A_851 = arith.constant 6 : i32
      %dma_start3A_852 = arith.constant 0 : i32
      %dma_start3A_853 = arith.constant 0 : i32
      %dma_start3A_854 = arith.constant 0 : i32
      %dma_start3A_855 = tpu.memref_slice %arg8[%dma_start3A_852, %dma_start3A_853, %dma_start3A_854] : memref<2x128x128xf32, #tpu.memory_space<vmem>> -> memref<1x128x128xf32, #tpu.memory_space<vmem>>
      %dma_start3A_856 = tpu.memref_squeeze %dma_start3A_855 : memref<1x128x128xf32, #tpu.memory_space<vmem>> -> memref<128x128xf32, #tpu.memory_space<vmem>>
      %dma_start3A_857 = arith.constant 0 : i32
      %dma_start3A_858 = tpu.memref_slice %arg9[%dma_start3A_850, %dma_start3A_851, %dma_start3A_857] : memref<2x8x128xi32, #tpu.memory_space<vmem>> -> memref<1x1x128xi32, #tpu.memory_space<vmem>>
      %dma_start3A_859 = tpu.memref_squeeze %dma_start3A_858 : memref<1x1x128xi32, #tpu.memory_space<vmem>> -> memref<128xi32, #tpu.memory_space<vmem>>
      %dma_start3A_860 = arith.constant 0 : i32
      %dma_start3A_861 = arith.constant 0 : i32
      %dma_start3A_862 = tpu.memref_slice %arg7[%dma_start3A_860, %dma_start3A_861] : memref<10016x128xf32, #tpu.memory_space<vmem_shared>> -> memref<10016x128xf32, #tpu.memory_space<vmem_shared>>
      tpu.enqueue_indirect_dma source(%dma_start3A_862 : memref<10016x128xf32, #tpu.memory_space<vmem_shared>>) target(%dma_start3A_856 : memref<128x128xf32, #tpu.memory_space<vmem>>) offsets(%dma_start3A_859 : memref<128xi32, #tpu.memory_space<vmem>>) semaphore(%arg11 : memref<!tpu.dma_semaphore, #tpu.memory_space<semaphore_mem>>)
      %dma_wait3A_863 = arith.constant 1 : i32
      %dma_wait3A_864 = arith.constant 6 : i32
      %dma_wait3A_865 = arith.constant 0 : i32
      %dma_wait3A_866 = arith.constant 0 : i32
      %dma_wait3A_867 = arith.constant 0 : i32
      %dma_wait3A_868 = tpu.memref_slice %arg8[%dma_wait3A_865, %dma_wait3A_866, %dma_wait3A_867] : memref<2x128x128xf32, #tpu.memory_space<vmem>> -> memref<1x128x128xf32, #tpu.memory_space<vmem>>
      %dma_wait3A_869 = tpu.memref_squeeze %dma_wait3A_868 : memref<1x128x128xf32, #tpu.memory_space<vmem>> -> memref<128x128xf32, #tpu.memory_space<vmem>>
      %dma_wait3A_870 = arith.constant 0 : i32
      %dma_wait3A_871 = tpu.memref_slice %arg9[%dma_wait3A_863, %dma_wait3A_864, %dma_wait3A_870] : memref<2x8x128xi32, #tpu.memory_space<vmem>> -> memref<1x1x128xi32, #tpu.memory_space<vmem>>
      %dma_wait3A_872 = tpu.memref_squeeze %dma_wait3A_871 : memref<1x1x128xi32, #tpu.memory_space<vmem>> -> memref<128xi32, #tpu.memory_space<vmem>>
      %dma_wait3A_873 = arith.constant 0 : i32
      %dma_wait3A_874 = arith.constant 0 : i32
      %dma_wait3A_875 = tpu.memref_slice %arg7[%dma_wait3A_873, %dma_wait3A_874] : memref<10016x128xf32, #tpu.memory_space<vmem_shared>> -> memref<10016x128xf32, #tpu.memory_space<vmem_shared>>
      tpu.wait_indirect_dma semaphore(%arg11 : memref<!tpu.dma_semaphore, #tpu.memory_space<semaphore_mem>>) src(%dma_wait3A_875 : memref<10016x128xf32, #tpu.memory_space<vmem_shared>>) dst(%dma_wait3A_869 : memref<128x128xf32, #tpu.memory_space<vmem>>)
      %dma_start3A_876 = arith.constant 0 : i32
      %dma_start3A_877 = arith.constant 1 : i32
      %dma_start3A_878 = arith.constant 6 : i32
      %dma_start3A_879 = arith.constant 0 : i32
      %dma_start3A_880 = arith.constant 0 : i32
      %dma_start3A_881 = tpu.memref_slice %arg8[%dma_start3A_876, %dma_start3A_879, %dma_start3A_880] : memref<2x128x128xf32, #tpu.memory_space<vmem>> -> memref<1x128x128xf32, #tpu.memory_space<vmem>>
      %dma_start3A_882 = tpu.memref_squeeze %dma_start3A_881 : memref<1x128x128xf32, #tpu.memory_space<vmem>> -> memref<128x128xf32, #tpu.memory_space<vmem>>
      %dma_start3A_883 = arith.constant 0 : i32
      %dma_start3A_884 = tpu.memref_slice %arg10[%dma_start3A_877, %dma_start3A_878, %dma_start3A_883] : memref<2x8x128xi32, #tpu.memory_space<vmem>> -> memref<1x1x128xi32, #tpu.memory_space<vmem>>
      %dma_start3A_885 = tpu.memref_squeeze %dma_start3A_884 : memref<1x1x128xi32, #tpu.memory_space<vmem>> -> memref<128xi32, #tpu.memory_space<vmem>>
      %dma_start3A_886 = arith.constant 0 : i32
      %dma_start3A_887 = arith.constant 0 : i32
      %dma_start3A_888 = tpu.memref_slice %arg7[%dma_start3A_886, %dma_start3A_887] : memref<10016x128xf32, #tpu.memory_space<vmem_shared>> -> memref<10016x128xf32, #tpu.memory_space<vmem_shared>>
      tpu.enqueue_indirect_dma source(%dma_start3A_882 : memref<128x128xf32, #tpu.memory_space<vmem>>) target(%dma_start3A_888 : memref<10016x128xf32, #tpu.memory_space<vmem_shared>>) offsets(%dma_start3A_885 : memref<128xi32, #tpu.memory_space<vmem>>) semaphore(%arg13 : memref<!tpu.dma_semaphore, #tpu.memory_space<semaphore_mem>>) {add = true}
      %dma_wait3A_889 = arith.constant 1 : i32
      %dma_wait3A_890 = arith.constant 1 : i32
      %dma_wait3A_891 = arith.constant 5 : i32
      %dma_wait3A_892 = arith.constant 0 : i32
      %dma_wait3A_893 = arith.constant 0 : i32
      %dma_wait3A_894 = tpu.memref_slice %arg8[%dma_wait3A_889, %dma_wait3A_892, %dma_wait3A_893] : memref<2x128x128xf32, #tpu.memory_space<vmem>> -> memref<1x128x128xf32, #tpu.memory_space<vmem>>
      %dma_wait3A_895 = tpu.memref_squeeze %dma_wait3A_894 : memref<1x128x128xf32, #tpu.memory_space<vmem>> -> memref<128x128xf32, #tpu.memory_space<vmem>>
      %dma_wait3A_896 = arith.constant 0 : i32
      %dma_wait3A_897 = tpu.memref_slice %arg10[%dma_wait3A_890, %dma_wait3A_891, %dma_wait3A_896] : memref<2x8x128xi32, #tpu.memory_space<vmem>> -> memref<1x1x128xi32, #tpu.memory_space<vmem>>
      %dma_wait3A_898 = tpu.memref_squeeze %dma_wait3A_897 : memref<1x1x128xi32, #tpu.memory_space<vmem>> -> memref<128xi32, #tpu.memory_space<vmem>>
      %dma_wait3A_899 = arith.constant 0 : i32
      %dma_wait3A_900 = arith.constant 0 : i32
      %dma_wait3A_901 = tpu.memref_slice %arg7[%dma_wait3A_899, %dma_wait3A_900] : memref<10016x128xf32, #tpu.memory_space<vmem_shared>> -> memref<10016x128xf32, #tpu.memory_space<vmem_shared>>
      tpu.wait_indirect_dma semaphore(%arg14 : memref<!tpu.dma_semaphore, #tpu.memory_space<semaphore_mem>>) src(%dma_wait3A_895 : memref<128x128xf32, #tpu.memory_space<vmem>>) dst(%dma_wait3A_901 : memref<10016x128xf32, #tpu.memory_space<vmem_shared>>)
      %dma_start3A_902 = arith.constant 1 : i32
      %dma_start3A_903 = arith.constant 7 : i32
      %dma_start3A_904 = arith.constant 1 : i32
      %dma_start3A_905 = arith.constant 0 : i32
      %dma_start3A_906 = arith.constant 0 : i32
      %dma_start3A_907 = tpu.memref_slice %arg8[%dma_start3A_904, %dma_start3A_905, %dma_start3A_906] : memref<2x128x128xf32, #tpu.memory_space<vmem>> -> memref<1x128x128xf32, #tpu.memory_space<vmem>>
      %dma_start3A_908 = tpu.memref_squeeze %dma_start3A_907 : memref<1x128x128xf32, #tpu.memory_space<vmem>> -> memref<128x128xf32, #tpu.memory_space<vmem>>
      %dma_start3A_909 = arith.constant 0 : i32
      %dma_start3A_910 = tpu.memref_slice %arg9[%dma_start3A_902, %dma_start3A_903, %dma_start3A_909] : memref<2x8x128xi32, #tpu.memory_space<vmem>> -> memref<1x1x128xi32, #tpu.memory_space<vmem>>
      %dma_start3A_911 = tpu.memref_squeeze %dma_start3A_910 : memref<1x1x128xi32, #tpu.memory_space<vmem>> -> memref<128xi32, #tpu.memory_space<vmem>>
      %dma_start3A_912 = arith.constant 0 : i32
      %dma_start3A_913 = arith.constant 0 : i32
      %dma_start3A_914 = tpu.memref_slice %arg7[%dma_start3A_912, %dma_start3A_913] : memref<10016x128xf32, #tpu.memory_space<vmem_shared>> -> memref<10016x128xf32, #tpu.memory_space<vmem_shared>>
      tpu.enqueue_indirect_dma source(%dma_start3A_914 : memref<10016x128xf32, #tpu.memory_space<vmem_shared>>) target(%dma_start3A_908 : memref<128x128xf32, #tpu.memory_space<vmem>>) offsets(%dma_start3A_911 : memref<128xi32, #tpu.memory_space<vmem>>) semaphore(%arg12 : memref<!tpu.dma_semaphore, #tpu.memory_space<semaphore_mem>>)
      %dma_wait3A_915 = arith.constant 1 : i32
      %dma_wait3A_916 = arith.constant 7 : i32
      %dma_wait3A_917 = arith.constant 1 : i32
      %dma_wait3A_918 = arith.constant 0 : i32
      %dma_wait3A_919 = arith.constant 0 : i32
      %dma_wait3A_920 = tpu.memref_slice %arg8[%dma_wait3A_917, %dma_wait3A_918, %dma_wait3A_919] : memref<2x128x128xf32, #tpu.memory_space<vmem>> -> memref<1x128x128xf32, #tpu.memory_space<vmem>>
      %dma_wait3A_921 = tpu.memref_squeeze %dma_wait3A_920 : memref<1x128x128xf32, #tpu.memory_space<vmem>> -> memref<128x128xf32, #tpu.memory_space<vmem>>
      %dma_wait3A_922 = arith.constant 0 : i32
      %dma_wait3A_923 = tpu.memref_slice %arg9[%dma_wait3A_915, %dma_wait3A_916, %dma_wait3A_922] : memref<2x8x128xi32, #tpu.memory_space<vmem>> -> memref<1x1x128xi32, #tpu.memory_space<vmem>>
      %dma_wait3A_924 = tpu.memref_squeeze %dma_wait3A_923 : memref<1x1x128xi32, #tpu.memory_space<vmem>> -> memref<128xi32, #tpu.memory_space<vmem>>
      %dma_wait3A_925 = arith.constant 0 : i32
      %dma_wait3A_926 = arith.constant 0 : i32
      %dma_wait3A_927 = tpu.memref_slice %arg7[%dma_wait3A_925, %dma_wait3A_926] : memref<10016x128xf32, #tpu.memory_space<vmem_shared>> -> memref<10016x128xf32, #tpu.memory_space<vmem_shared>>
      tpu.wait_indirect_dma semaphore(%arg12 : memref<!tpu.dma_semaphore, #tpu.memory_space<semaphore_mem>>) src(%dma_wait3A_927 : memref<10016x128xf32, #tpu.memory_space<vmem_shared>>) dst(%dma_wait3A_921 : memref<128x128xf32, #tpu.memory_space<vmem>>)
      %dma_start3A_928 = arith.constant 1 : i32
      %dma_start3A_929 = arith.constant 1 : i32
      %dma_start3A_930 = arith.constant 7 : i32
      %dma_start3A_931 = arith.constant 0 : i32
      %dma_start3A_932 = arith.constant 0 : i32
      %dma_start3A_933 = tpu.memref_slice %arg8[%dma_start3A_928, %dma_start3A_931, %dma_start3A_932] : memref<2x128x128xf32, #tpu.memory_space<vmem>> -> memref<1x128x128xf32, #tpu.memory_space<vmem>>
      %dma_start3A_934 = tpu.memref_squeeze %dma_start3A_933 : memref<1x128x128xf32, #tpu.memory_space<vmem>> -> memref<128x128xf32, #tpu.memory_space<vmem>>
      %dma_start3A_935 = arith.constant 0 : i32
      %dma_start3A_936 = tpu.memref_slice %arg10[%dma_start3A_929, %dma_start3A_930, %dma_start3A_935] : memref<2x8x128xi32, #tpu.memory_space<vmem>> -> memref<1x1x128xi32, #tpu.memory_space<vmem>>
      %dma_start3A_937 = tpu.memref_squeeze %dma_start3A_936 : memref<1x1x128xi32, #tpu.memory_space<vmem>> -> memref<128xi32, #tpu.memory_space<vmem>>
      %dma_start3A_938 = arith.constant 0 : i32
      %dma_start3A_939 = arith.constant 0 : i32
      %dma_start3A_940 = tpu.memref_slice %arg7[%dma_start3A_938, %dma_start3A_939] : memref<10016x128xf32, #tpu.memory_space<vmem_shared>> -> memref<10016x128xf32, #tpu.memory_space<vmem_shared>>
      tpu.enqueue_indirect_dma source(%dma_start3A_934 : memref<128x128xf32, #tpu.memory_space<vmem>>) target(%dma_start3A_940 : memref<10016x128xf32, #tpu.memory_space<vmem_shared>>) offsets(%dma_start3A_937 : memref<128xi32, #tpu.memory_space<vmem>>) semaphore(%arg14 : memref<!tpu.dma_semaphore, #tpu.memory_space<semaphore_mem>>) {add = true}
      %lt3A_941 = arith.constant 4 : i32
      %lt3A_942 = arith.cmpi slt, %add3A_63, %lt3A_941 : i32
      %convert_element_type3A_943 = arith.extui %lt3A_942 : i1 to i32
      %cond3A_944 = arith.constant 0 : i32
      %cond3A_945 = arith.cmpi ne, %convert_element_type3A_943, %cond3A_944 : i32
      scf.if %cond3A_945 {
        %dma_wait3A_946 = arith.constant 0 : i32
        %dma_wait3A_947 = arith.constant 1 : i32
        %dma_wait3A_948 = arith.constant 6 : i32
        %dma_wait3A_949 = arith.constant 0 : i32
        %dma_wait3A_950 = arith.constant 0 : i32
        %dma_wait3A_951 = tpu.memref_slice %arg8[%dma_wait3A_946, %dma_wait3A_949, %dma_wait3A_950] : memref<2x128x128xf32, #tpu.memory_space<vmem>> -> memref<1x128x128xf32, #tpu.memory_space<vmem>>
        %dma_wait3A_952 = tpu.memref_squeeze %dma_wait3A_951 : memref<1x128x128xf32, #tpu.memory_space<vmem>> -> memref<128x128xf32, #tpu.memory_space<vmem>>
        %dma_wait3A_953 = arith.constant 0 : i32
        %dma_wait3A_954 = tpu.memref_slice %arg10[%dma_wait3A_947, %dma_wait3A_948, %dma_wait3A_953] : memref<2x8x128xi32, #tpu.memory_space<vmem>> -> memref<1x1x128xi32, #tpu.memory_space<vmem>>
        %dma_wait3A_955 = tpu.memref_squeeze %dma_wait3A_954 : memref<1x1x128xi32, #tpu.memory_space<vmem>> -> memref<128xi32, #tpu.memory_space<vmem>>
        %dma_wait3A_956 = arith.constant 0 : i32
        %dma_wait3A_957 = arith.constant 0 : i32
        %dma_wait3A_958 = tpu.memref_slice %arg7[%dma_wait3A_956, %dma_wait3A_957] : memref<10016x128xf32, #tpu.memory_space<vmem_shared>> -> memref<10016x128xf32, #tpu.memory_space<vmem_shared>>
        tpu.wait_indirect_dma semaphore(%arg13 : memref<!tpu.dma_semaphore, #tpu.memory_space<semaphore_mem>>) src(%dma_wait3A_952 : memref<128x128xf32, #tpu.memory_space<vmem>>) dst(%dma_wait3A_958 : memref<10016x128xf32, #tpu.memory_space<vmem_shared>>)
        %add3A_959 = arith.constant 1 : i32
        %add3A_960 = arith.addi %add3A_546, %add3A_959 : i32
        %mul3A_961 = arith.constant 8 : i32
        %mul3A_962 = arith.muli %add3A_960, %mul3A_961 : i32
        %add3A_963 = arith.addi %mul3A_2, %mul3A_962 : i32
        %dma_wait3A_964 = arith.constant 0 : i32
        %dma_wait3A_965 = arith.constant 0 : i32
        %dma_wait3A_966 = arith.constant 0 : i32
        %dma_wait3A_967 = tpu.memref_slice %arg9[%dma_wait3A_964, %dma_wait3A_965, %dma_wait3A_966] : memref<2x8x128xi32, #tpu.memory_space<vmem>> -> memref<1x8x128xi32, #tpu.memory_space<vmem>>
        %dma_wait3A_968 = tpu.memref_squeeze %dma_wait3A_967 : memref<1x8x128xi32, #tpu.memory_space<vmem>> -> memref<8x128xi32, #tpu.memory_space<vmem>>
        %dma_wait3A_969 = arith.constant 0 : i32
        %dma_wait3A_970 = tpu.memref_slice %arg4[%add3A_963, %dma_wait3A_969] : memref<2560x128xi32, #tpu.memory_space<hbm>> -> memref<8x128xi32, #tpu.memory_space<hbm>>
        %dma_wait3A_971 = arith.constant 0 : i32
        %dma_wait3A_972 = arith.constant 0 : i32
        %dma_wait3A_973 = tpu.memref_slice %arg9[%dma_wait3A_964, %dma_wait3A_971, %dma_wait3A_972] : memref<2x8x128xi32, #tpu.memory_space<vmem>> -> memref<1x8x128xi32, #tpu.memory_space<vmem>>
        %dma_wait3A_974 = tpu.memref_squeeze %dma_wait3A_973 : memref<1x8x128xi32, #tpu.memory_space<vmem>> -> memref<8x128xi32, #tpu.memory_space<vmem>>
        %dma_wait3A_975 = arith.constant 0 : i32
        %dma_wait3A_976 = tpu.memref_slice %arg4[%add3A_963, %dma_wait3A_975] : memref<2560x128xi32, #tpu.memory_space<hbm>> -> memref<8x128xi32, #tpu.memory_space<hbm>>
        tpu.wait_dma2 semaphore(%arg15 : memref<!tpu.dma_semaphore, #tpu.memory_space<semaphore_mem>>) src(%dma_wait3A_976 : memref<8x128xi32, #tpu.memory_space<hbm>>) dst(%dma_wait3A_974 : memref<8x128xi32, #tpu.memory_space<vmem>>)
        %mul3A_977 = arith.constant 8 : i32
        %mul3A_978 = arith.muli %add3A_960, %mul3A_977 : i32
        %add3A_979 = arith.addi %mul3A_2, %mul3A_978 : i32
        %dma_wait3A_980 = arith.constant 0 : i32
        %dma_wait3A_981 = arith.constant 0 : i32
        %dma_wait3A_982 = arith.constant 0 : i32
        %dma_wait3A_983 = tpu.memref_slice %arg10[%dma_wait3A_980, %dma_wait3A_981, %dma_wait3A_982] : memref<2x8x128xi32, #tpu.memory_space<vmem>> -> memref<1x8x128xi32, #tpu.memory_space<vmem>>
        %dma_wait3A_984 = tpu.memref_squeeze %dma_wait3A_983 : memref<1x8x128xi32, #tpu.memory_space<vmem>> -> memref<8x128xi32, #tpu.memory_space<vmem>>
        %dma_wait3A_985 = arith.constant 0 : i32
        %dma_wait3A_986 = tpu.memref_slice %arg3[%add3A_979, %dma_wait3A_985] : memref<2560x128xi32, #tpu.memory_space<hbm>> -> memref<8x128xi32, #tpu.memory_space<hbm>>
        %dma_wait3A_987 = arith.constant 0 : i32
        %dma_wait3A_988 = arith.constant 0 : i32
        %dma_wait3A_989 = tpu.memref_slice %arg10[%dma_wait3A_980, %dma_wait3A_987, %dma_wait3A_988] : memref<2x8x128xi32, #tpu.memory_space<vmem>> -> memref<1x8x128xi32, #tpu.memory_space<vmem>>
        %dma_wait3A_990 = tpu.memref_squeeze %dma_wait3A_989 : memref<1x8x128xi32, #tpu.memory_space<vmem>> -> memref<8x128xi32, #tpu.memory_space<vmem>>
        %dma_wait3A_991 = arith.constant 0 : i32
        %dma_wait3A_992 = tpu.memref_slice %arg3[%add3A_979, %dma_wait3A_991] : memref<2560x128xi32, #tpu.memory_space<hbm>> -> memref<8x128xi32, #tpu.memory_space<hbm>>
        tpu.wait_dma2 semaphore(%arg15 : memref<!tpu.dma_semaphore, #tpu.memory_space<semaphore_mem>>) src(%dma_wait3A_992 : memref<8x128xi32, #tpu.memory_space<hbm>>) dst(%dma_wait3A_990 : memref<8x128xi32, #tpu.memory_space<vmem>>)
        %dma_start3A_993 = arith.constant 0 : i32
        %dma_start3A_994 = arith.constant 0 : i32
        %dma_start3A_995 = arith.constant 0 : i32
        %dma_start3A_996 = arith.constant 0 : i32
        %dma_start3A_997 = arith.constant 0 : i32
        %dma_start3A_998 = tpu.memref_slice %arg8[%dma_start3A_995, %dma_start3A_996, %dma_start3A_997] : memref<2x128x128xf32, #tpu.memory_space<vmem>> -> memref<1x128x128xf32, #tpu.memory_space<vmem>>
        %dma_start3A_999 = tpu.memref_squeeze %dma_start3A_998 : memref<1x128x128xf32, #tpu.memory_space<vmem>> -> memref<128x128xf32, #tpu.memory_space<vmem>>
        %dma_start3A_1000 = arith.constant 0 : i32
        %dma_start3A_1001 = tpu.memref_slice %arg9[%dma_start3A_993, %dma_start3A_994, %dma_start3A_1000] : memref<2x8x128xi32, #tpu.memory_space<vmem>> -> memref<1x1x128xi32, #tpu.memory_space<vmem>>
        %dma_start3A_1002 = tpu.memref_squeeze %dma_start3A_1001 : memref<1x1x128xi32, #tpu.memory_space<vmem>> -> memref<128xi32, #tpu.memory_space<vmem>>
        %dma_start3A_1003 = arith.constant 0 : i32
        %dma_start3A_1004 = arith.constant 0 : i32
        %dma_start3A_1005 = tpu.memref_slice %arg7[%dma_start3A_1003, %dma_start3A_1004] : memref<10016x128xf32, #tpu.memory_space<vmem_shared>> -> memref<10016x128xf32, #tpu.memory_space<vmem_shared>>
        tpu.enqueue_indirect_dma source(%dma_start3A_1005 : memref<10016x128xf32, #tpu.memory_space<vmem_shared>>) target(%dma_start3A_999 : memref<128x128xf32, #tpu.memory_space<vmem>>) offsets(%dma_start3A_1002 : memref<128xi32, #tpu.memory_space<vmem>>) semaphore(%arg11 : memref<!tpu.dma_semaphore, #tpu.memory_space<semaphore_mem>>)
      } else {
      }
    }
    %scan3A_27 = arith.constant 5 : i32
    %dma_wait3A = arith.constant 0 : i32
    %dma_wait3A_28 = arith.constant 1 : i32
    %dma_wait3A_29 = arith.constant 6 : i32
    %dma_wait3A_30 = arith.constant 0 : i32
    %dma_wait3A_31 = arith.constant 0 : i32
    %dma_wait3A_32 = tpu.memref_slice %arg8[%dma_wait3A, %dma_wait3A_30, %dma_wait3A_31] : memref<2x128x128xf32, #tpu.memory_space<vmem>> -> memref<1x128x128xf32, #tpu.memory_space<vmem>>
    %dma_wait3A_33 = tpu.memref_squeeze %dma_wait3A_32 : memref<1x128x128xf32, #tpu.memory_space<vmem>> -> memref<128x128xf32, #tpu.memory_space<vmem>>
    %dma_wait3A_34 = arith.constant 0 : i32
    %dma_wait3A_35 = tpu.memref_slice %arg10[%dma_wait3A_28, %dma_wait3A_29, %dma_wait3A_34] : memref<2x8x128xi32, #tpu.memory_space<vmem>> -> memref<1x1x128xi32, #tpu.memory_space<vmem>>
    %dma_wait3A_36 = tpu.memref_squeeze %dma_wait3A_35 : memref<1x1x128xi32, #tpu.memory_space<vmem>> -> memref<128xi32, #tpu.memory_space<vmem>>
    %dma_wait3A_37 = arith.constant 0 : i32
    %dma_wait3A_38 = arith.constant 0 : i32
    %dma_wait3A_39 = tpu.memref_slice %arg7[%dma_wait3A_37, %dma_wait3A_38] : memref<10016x128xf32, #tpu.memory_space<vmem_shared>> -> memref<10016x128xf32, #tpu.memory_space<vmem_shared>>
    tpu.wait_indirect_dma semaphore(%arg13 : memref<!tpu.dma_semaphore, #tpu.memory_space<semaphore_mem>>) src(%dma_wait3A_33 : memref<128x128xf32, #tpu.memory_space<vmem>>) dst(%dma_wait3A_39 : memref<10016x128xf32, #tpu.memory_space<vmem_shared>>)
    %dma_wait3A_40 = arith.constant 1 : i32
    %dma_wait3A_41 = arith.constant 1 : i32
    %dma_wait3A_42 = arith.constant 7 : i32
    %dma_wait3A_43 = arith.constant 0 : i32
    %dma_wait3A_44 = arith.constant 0 : i32
    %dma_wait3A_45 = tpu.memref_slice %arg8[%dma_wait3A_40, %dma_wait3A_43, %dma_wait3A_44] : memref<2x128x128xf32, #tpu.memory_space<vmem>> -> memref<1x128x128xf32, #tpu.memory_space<vmem>>
    %dma_wait3A_46 = tpu.memref_squeeze %dma_wait3A_45 : memref<1x128x128xf32, #tpu.memory_space<vmem>> -> memref<128x128xf32, #tpu.memory_space<vmem>>
    %dma_wait3A_47 = arith.constant 0 : i32
    %dma_wait3A_48 = tpu.memref_slice %arg10[%dma_wait3A_41, %dma_wait3A_42, %dma_wait3A_47] : memref<2x8x128xi32, #tpu.memory_space<vmem>> -> memref<1x1x128xi32, #tpu.memory_space<vmem>>
    %dma_wait3A_49 = tpu.memref_squeeze %dma_wait3A_48 : memref<1x1x128xi32, #tpu.memory_space<vmem>> -> memref<128xi32, #tpu.memory_space<vmem>>
    %dma_wait3A_50 = arith.constant 0 : i32
    %dma_wait3A_51 = arith.constant 0 : i32
    %dma_wait3A_52 = tpu.memref_slice %arg7[%dma_wait3A_50, %dma_wait3A_51] : memref<10016x128xf32, #tpu.memory_space<vmem_shared>> -> memref<10016x128xf32, #tpu.memory_space<vmem_shared>>
    tpu.wait_indirect_dma semaphore(%arg14 : memref<!tpu.dma_semaphore, #tpu.memory_space<semaphore_mem>>) src(%dma_wait3A_46 : memref<128x128xf32, #tpu.memory_space<vmem>>) dst(%dma_wait3A_52 : memref<10016x128xf32, #tpu.memory_space<vmem_shared>>)
    %barrier3A_53 = arith.constant 0 : index
    tpu.barrier barrier_id(%barrier3A_53)
    %scan3A_54 = arith.constant 0 : i32
    %scan3A_55 = arith.constant 8 : i32
    %scan3A_56 = arith.addi %scan3A_54, %scan3A_55 : i32
    %scan3A_57 = arith.constant 1 : i32
    scf.for %scan3A_59 = %scan3A_54 to %scan3A_56 step %scan3A_57  : i32 {
      %mul3A_60 = arith.constant 1 : i32
      %mul3A_61 = arith.muli %scan3A_59, %mul3A_60 : i32
      %add3A_62 = arith.constant 0 : i32
      %add3A_63 = arith.addi %add3A_62, %mul3A_61 : i32
      %mul3A_64 = arith.constant 16 : i32
      %mul3A_65 = arith.muli %add3A_63, %mul3A_64 : i32
      %add3A_66 = arith.addi %arg1, %mul3A_65 : i32
      %lt3A = arith.constant 125 : i32
      %lt3A_67 = arith.cmpi slt, %add3A_66, %lt3A : i32
      %convert_element_type3A_68 = arith.extui %lt3A_67 : i1 to i32
      %cond3A_69 = arith.constant 0 : i32
      %cond3A_70 = arith.cmpi ne, %convert_element_type3A_68, %cond3A_69 : i32
      scf.if %cond3A_70 {
        %mul3A_71 = arith.constant 80 : i32
        %mul3A_72 = arith.muli %add3A_66, %mul3A_71 : i32
        %mul3A_73 = arith.constant 80 : i32
        %mul3A_74 = arith.muli %add3A_66, %mul3A_73 : i32
        "tpu.region"() ({
          %run_scoped3A_75 = tpu.sem_alloc : memref<!tpu.dma_semaphore, #tpu.memory_space<semaphore_mem>>
          %dma_start3A_76 = arith.constant 0 : i32
          %dma_start3A_77 = tpu.memref_slice %arg6[%arg0, %mul3A_74, %dma_start3A_76] : memref<2x10016x128xf32, #tpu.memory_space<hbm>> -> memref<1x80x128xf32, #tpu.memory_space<hbm>>
          %dma_start3A_78 = tpu.memref_squeeze %dma_start3A_77 : memref<1x80x128xf32, #tpu.memory_space<hbm>> -> memref<80x128xf32, #tpu.memory_space<hbm>>
          %dma_start3A_79 = arith.constant 0 : i32
          %dma_start3A_80 = tpu.memref_slice %arg7[%mul3A_72, %dma_start3A_79] : memref<10016x128xf32, #tpu.memory_space<vmem_shared>> -> memref<80x128xf32, #tpu.memory_space<vmem_shared>>
          tpu.enqueue_dma source(%dma_start3A_80 : memref<80x128xf32, #tpu.memory_space<vmem_shared>>) target(%dma_start3A_78 : memref<80x128xf32, #tpu.memory_space<hbm>>) target_semaphore(%run_scoped3A_75 : memref<!tpu.dma_semaphore, #tpu.memory_space<semaphore_mem>>)
          %dma_wait3A_81 = arith.constant 0 : i32
          %dma_wait3A_82 = tpu.memref_slice %arg6[%arg0, %mul3A_74, %dma_wait3A_81] : memref<2x10016x128xf32, #tpu.memory_space<hbm>> -> memref<1x80x128xf32, #tpu.memory_space<hbm>>
          %dma_wait3A_83 = tpu.memref_squeeze %dma_wait3A_82 : memref<1x80x128xf32, #tpu.memory_space<hbm>> -> memref<80x128xf32, #tpu.memory_space<hbm>>
          %dma_wait3A_84 = arith.constant 0 : i32
          %dma_wait3A_85 = tpu.memref_slice %arg7[%mul3A_72, %dma_wait3A_84] : memref<10016x128xf32, #tpu.memory_space<vmem_shared>> -> memref<80x128xf32, #tpu.memory_space<vmem_shared>>
          tpu.wait_dma2 semaphore(%run_scoped3A_75 : memref<!tpu.dma_semaphore, #tpu.memory_space<semaphore_mem>>) src(%dma_wait3A_85 : memref<80x128xf32, #tpu.memory_space<vmem_shared>>) dst(%dma_wait3A_83 : memref<80x128xf32, #tpu.memory_space<hbm>>)
          tpu.yield
        }) : () -> ()
      } else {
      }
    }
    %scan3A_58 = arith.constant 8 : i32
    return
  }
}

#map = affine_map<(d0, d1) -> (0, 0)>
#map1 = affine_map<(d0, d1) -> (0, 0, 0)>
module attributes {stable_mosaic.version = 14 : i64} {
  func.func @_sc_mp(%arg0: i32, %arg1: i32, %arg2: memref<10000x128xf32, #tpu.memory_space<hbm>>, %arg3: memref<2560x128xi32, #tpu.memory_space<hbm>>, %arg4: memref<2560x128xi32, #tpu.memory_space<hbm>>, %arg5: memref<128x128xf32, #tpu.memory_space<hbm>>, %arg6: memref<2x10016x128xf32, #tpu.memory_space<hbm>>, %arg7: memref<10016x128xf32, #tpu.memory_space<vmem_shared>>, %arg8: memref<2x128x128xf32, #tpu.memory_space<vmem>>, %arg9: memref<2x8x128xi32, #tpu.memory_space<vmem>>, %arg10: memref<2x8x128xi32, #tpu.memory_space<vmem>>, %arg11: memref<!tpu.dma_semaphore, #tpu.memory_space<semaphore_mem>>, %arg12: memref<!tpu.dma_semaphore, #tpu.memory_space<semaphore_mem>>, %arg13: memref<!tpu.dma_semaphore, #tpu.memory_space<semaphore_mem>>, %arg14: memref<!tpu.dma_semaphore, #tpu.memory_space<semaphore_mem>>, %arg15: memref<!tpu.dma_semaphore, #tpu.memory_space<semaphore_mem>>) attributes {dimension_semantics = [#tpu.dimension_semantics<core_parallel>, #tpu.dimension_semantics<subcore_parallel>], iteration_bounds = array<i64: 2, 16>, scalar_prefetch = 0 : i64, scratch_operands = 9 : i64, tpu.core_type = #tpu.core_type<sc_vector_subcore>, window_params = [{transform_indices = #map}, {transform_indices = #map}, {transform_indices = #map}, {transform_indices = #map}, {transform_indices = #map1}]} {
    %mul3A = arith.constant 16 : i32
    %mul3A_0 = arith.muli %arg0, %mul3A : i32
    %add3A = arith.addi %mul3A_0, %arg1 : i32
    %mul3A_1 = arith.constant 80 : i32
    %mul3A_2 = arith.muli %add3A, %mul3A_1 : i32
    %run_scoped3A = arith.constant 0 : i32
    "tpu.region"() ({
      %run_scoped3A_59 = tpu.sem_alloc : memref<!tpu.dma_semaphore, #tpu.memory_space<semaphore_mem>>
      %dma_start3A_60 = arith.constant 0 : i32
      %dma_start3A_61 = arith.constant 0 : i32
      %dma_start3A_62 = tpu.memref_slice %arg8[%run_scoped3A, %dma_start3A_60, %dma_start3A_61] : memref<2x128x128xf32, #tpu.memory_space<vmem>> -> memref<1x128x128xf32, #tpu.memory_space<vmem>>
      %dma_start3A_63 = tpu.memref_squeeze %dma_start3A_62 : memref<1x128x128xf32, #tpu.memory_space<vmem>> -> memref<128x128xf32, #tpu.memory_space<vmem>>
      %dma_start3A_64 = arith.constant 0 : i32
      %dma_start3A_65 = arith.constant 0 : i32
      %dma_start3A_66 = tpu.memref_slice %arg8[%run_scoped3A, %dma_start3A_64, %dma_start3A_65] : memref<2x128x128xf32, #tpu.memory_space<vmem>> -> memref<1x128x128xf32, #tpu.memory_space<vmem>>
      %dma_start3A_67 = tpu.memref_squeeze %dma_start3A_66 : memref<1x128x128xf32, #tpu.memory_space<vmem>> -> memref<128x128xf32, #tpu.memory_space<vmem>>
      tpu.enqueue_dma source(%arg5 : memref<128x128xf32, #tpu.memory_space<hbm>>) target(%dma_start3A_67 : memref<128x128xf32, #tpu.memory_space<vmem>>) target_semaphore(%run_scoped3A_59 : memref<!tpu.dma_semaphore, #tpu.memory_space<semaphore_mem>>)
      %dma_wait3A_68 = arith.constant 0 : i32
      %dma_wait3A_69 = arith.constant 0 : i32
      %dma_wait3A_70 = tpu.memref_slice %arg8[%run_scoped3A, %dma_wait3A_68, %dma_wait3A_69] : memref<2x128x128xf32, #tpu.memory_space<vmem>> -> memref<1x128x128xf32, #tpu.memory_space<vmem>>
      %dma_wait3A_71 = tpu.memref_squeeze %dma_wait3A_70 : memref<1x128x128xf32, #tpu.memory_space<vmem>> -> memref<128x128xf32, #tpu.memory_space<vmem>>
      %dma_wait3A_72 = arith.constant 0 : i32
      %dma_wait3A_73 = arith.constant 0 : i32
      %dma_wait3A_74 = tpu.memref_slice %arg8[%run_scoped3A, %dma_wait3A_72, %dma_wait3A_73] : memref<2x128x128xf32, #tpu.memory_space<vmem>> -> memref<1x128x128xf32, #tpu.memory_space<vmem>>
      %dma_wait3A_75 = tpu.memref_squeeze %dma_wait3A_74 : memref<1x128x128xf32, #tpu.memory_space<vmem>> -> memref<128x128xf32, #tpu.memory_space<vmem>>
      tpu.wait_dma2 semaphore(%run_scoped3A_59 : memref<!tpu.dma_semaphore, #tpu.memory_space<semaphore_mem>>) src(%arg5 : memref<128x128xf32, #tpu.memory_space<hbm>>) dst(%dma_wait3A_75 : memref<128x128xf32, #tpu.memory_space<vmem>>)
      tpu.yield
    }) : () -> ()
    %scan3A = arith.constant 0 : i32
    %scan3A_3 = arith.constant 8 : i32
    %scan3A_4 = arith.addi %scan3A, %scan3A_3 : i32
    %scan3A_5 = arith.constant 1 : i32
    scf.for %scan3A_59 = %scan3A to %scan3A_4 step %scan3A_5  : i32 {
      %mul3A_60 = arith.constant 1 : i32
      %mul3A_61 = arith.muli %scan3A_59, %mul3A_60 : i32
      %add3A_62 = arith.constant 0 : i32
      %add3A_63 = arith.addi %add3A_62, %mul3A_61 : i32
      %mul3A_64 = arith.constant 16 : i32
      %mul3A_65 = arith.muli %add3A_63, %mul3A_64 : i32
      %add3A_66 = arith.addi %arg1, %mul3A_65 : i32
      %lt3A = arith.constant 125 : i32
      %lt3A_67 = arith.cmpi slt, %add3A_66, %lt3A : i32
      %convert_element_type3A_68 = arith.extui %lt3A_67 : i1 to i32
      %cond3A_69 = arith.constant 0 : i32
      %cond3A_70 = arith.cmpi ne, %convert_element_type3A_68, %cond3A_69 : i32
      scf.if %cond3A_70 {
        %mul3A_71 = arith.constant 80 : i32
        %mul3A_72 = arith.muli %add3A_66, %mul3A_71 : i32
        %run_scoped3A_73 = arith.constant 0 : i32
        "tpu.region"() ({
          %run_scoped3A_74 = tpu.sem_alloc : memref<!tpu.dma_semaphore, #tpu.memory_space<semaphore_mem>>
          %dma_start3A_75 = arith.constant 0 : i32
          %dma_start3A_76 = arith.constant 0 : i32
          %dma_start3A_77 = tpu.memref_slice %arg8[%run_scoped3A_73, %dma_start3A_75, %dma_start3A_76] : memref<2x128x128xf32, #tpu.memory_space<vmem>> -> memref<1x80x128xf32, #tpu.memory_space<vmem>>
          %dma_start3A_78 = tpu.memref_squeeze %dma_start3A_77 : memref<1x80x128xf32, #tpu.memory_space<vmem>> -> memref<80x128xf32, #tpu.memory_space<vmem>>
          %dma_start3A_79 = arith.constant 0 : i32
          %dma_start3A_80 = tpu.memref_slice %arg7[%mul3A_72, %dma_start3A_79] : memref<10016x128xf32, #tpu.memory_space<vmem_shared>> -> memref<80x128xf32, #tpu.memory_space<vmem_shared>>
          %dma_start3A_81 = arith.constant 0 : i32
          %dma_start3A_82 = tpu.memref_slice %arg7[%mul3A_72, %dma_start3A_81] : memref<10016x128xf32, #tpu.memory_space<vmem_shared>> -> memref<80x128xf32, #tpu.memory_space<vmem_shared>>
          %dma_start3A_83 = arith.constant 0 : i32
          %dma_start3A_84 = arith.constant 0 : i32
          %dma_start3A_85 = tpu.memref_slice %arg8[%run_scoped3A_73, %dma_start3A_83, %dma_start3A_84] : memref<2x128x128xf32, #tpu.memory_space<vmem>> -> memref<1x80x128xf32, #tpu.memory_space<vmem>>
          %dma_start3A_86 = tpu.memref_squeeze %dma_start3A_85 : memref<1x80x128xf32, #tpu.memory_space<vmem>> -> memref<80x128xf32, #tpu.memory_space<vmem>>
          tpu.enqueue_dma source(%dma_start3A_86 : memref<80x128xf32, #tpu.memory_space<vmem>>) target(%dma_start3A_82 : memref<80x128xf32, #tpu.memory_space<vmem_shared>>) target_semaphore(%run_scoped3A_74 : memref<!tpu.dma_semaphore, #tpu.memory_space<semaphore_mem>>)
          %dma_wait3A_87 = arith.constant 0 : i32
          %dma_wait3A_88 = arith.constant 0 : i32
          %dma_wait3A_89 = tpu.memref_slice %arg8[%run_scoped3A_73, %dma_wait3A_87, %dma_wait3A_88] : memref<2x128x128xf32, #tpu.memory_space<vmem>> -> memref<1x80x128xf32, #tpu.memory_space<vmem>>
          %dma_wait3A_90 = tpu.memref_squeeze %dma_wait3A_89 : memref<1x80x128xf32, #tpu.memory_space<vmem>> -> memref<80x128xf32, #tpu.memory_space<vmem>>
          %dma_wait3A_91 = arith.constant 0 : i32
          %dma_wait3A_92 = tpu.memref_slice %arg7[%mul3A_72, %dma_wait3A_91] : memref<10016x128xf32, #tpu.memory_space<vmem_shared>> -> memref<80x128xf32, #tpu.memory_space<vmem_shared>>
          %dma_wait3A_93 = arith.constant 0 : i32
          %dma_wait3A_94 = tpu.memref_slice %arg7[%mul3A_72, %dma_wait3A_93] : memref<10016x128xf32, #tpu.memory_space<vmem_shared>> -> memref<80x128xf32, #tpu.memory_space<vmem_shared>>
          %dma_wait3A_95 = arith.constant 0 : i32
          %dma_wait3A_96 = arith.constant 0 : i32
          %dma_wait3A_97 = tpu.memref_slice %arg8[%run_scoped3A_73, %dma_wait3A_95, %dma_wait3A_96] : memref<2x128x128xf32, #tpu.memory_space<vmem>> -> memref<1x80x128xf32, #tpu.memory_space<vmem>>
          %dma_wait3A_98 = tpu.memref_squeeze %dma_wait3A_97 : memref<1x80x128xf32, #tpu.memory_space<vmem>> -> memref<80x128xf32, #tpu.memory_space<vmem>>
          tpu.wait_dma2 semaphore(%run_scoped3A_74 : memref<!tpu.dma_semaphore, #tpu.memory_space<semaphore_mem>>) src(%dma_wait3A_98 : memref<80x128xf32, #tpu.memory_space<vmem>>) dst(%dma_wait3A_94 : memref<80x128xf32, #tpu.memory_space<vmem_shared>>)
          tpu.yield
        }) : () -> ()
      } else {
      }
    }
    %scan3A_6 = arith.constant 8 : i32
    %eq3A = arith.constant 0 : i32
    %eq3A_7 = arith.cmpi eq, %arg1, %eq3A : i32
    %convert_element_type3A = arith.extui %eq3A_7 : i1 to i32
    %cond3A = arith.constant 0 : i32
    %cond3A_8 = arith.cmpi ne, %convert_element_type3A, %cond3A : i32
    scf.if %cond3A_8 {
      %run_scoped3A_59 = arith.constant 0 : i32
      "tpu.region"() ({
        %run_scoped3A_60 = tpu.sem_alloc : memref<!tpu.dma_semaphore, #tpu.memory_space<semaphore_mem>>
        %dma_start3A_61 = arith.constant 0 : i32
        %dma_start3A_62 = arith.constant 0 : i32
        %dma_start3A_63 = tpu.memref_slice %arg8[%run_scoped3A_59, %dma_start3A_61, %dma_start3A_62] : memref<2x128x128xf32, #tpu.memory_space<vmem>> -> memref<1x16x128xf32, #tpu.memory_space<vmem>>
        %dma_start3A_64 = tpu.memref_squeeze %dma_start3A_63 : memref<1x16x128xf32, #tpu.memory_space<vmem>> -> memref<16x128xf32, #tpu.memory_space<vmem>>
        %dma_start3A_65 = arith.constant 10000 : i32
        %dma_start3A_66 = arith.constant 0 : i32
        %dma_start3A_67 = tpu.memref_slice %arg7[%dma_start3A_65, %dma_start3A_66] : memref<10016x128xf32, #tpu.memory_space<vmem_shared>> -> memref<16x128xf32, #tpu.memory_space<vmem_shared>>
        %dma_start3A_68 = arith.constant 10000 : i32
        %dma_start3A_69 = arith.constant 0 : i32
        %dma_start3A_70 = tpu.memref_slice %arg7[%dma_start3A_68, %dma_start3A_69] : memref<10016x128xf32, #tpu.memory_space<vmem_shared>> -> memref<16x128xf32, #tpu.memory_space<vmem_shared>>
        %dma_start3A_71 = arith.constant 0 : i32
        %dma_start3A_72 = arith.constant 0 : i32
        %dma_start3A_73 = tpu.memref_slice %arg8[%run_scoped3A_59, %dma_start3A_71, %dma_start3A_72] : memref<2x128x128xf32, #tpu.memory_space<vmem>> -> memref<1x16x128xf32, #tpu.memory_space<vmem>>
        %dma_start3A_74 = tpu.memref_squeeze %dma_start3A_73 : memref<1x16x128xf32, #tpu.memory_space<vmem>> -> memref<16x128xf32, #tpu.memory_space<vmem>>
        tpu.enqueue_dma source(%dma_start3A_74 : memref<16x128xf32, #tpu.memory_space<vmem>>) target(%dma_start3A_70 : memref<16x128xf32, #tpu.memory_space<vmem_shared>>) target_semaphore(%run_scoped3A_60 : memref<!tpu.dma_semaphore, #tpu.memory_space<semaphore_mem>>)
        %dma_wait3A_75 = arith.constant 0 : i32
        %dma_wait3A_76 = arith.constant 0 : i32
        %dma_wait3A_77 = tpu.memref_slice %arg8[%run_scoped3A_59, %dma_wait3A_75, %dma_wait3A_76] : memref<2x128x128xf32, #tpu.memory_space<vmem>> -> memref<1x16x128xf32, #tpu.memory_space<vmem>>
        %dma_wait3A_78 = tpu.memref_squeeze %dma_wait3A_77 : memref<1x16x128xf32, #tpu.memory_space<vmem>> -> memref<16x128xf32, #tpu.memory_space<vmem>>
        %dma_wait3A_79 = arith.constant 10000 : i32
        %dma_wait3A_80 = arith.constant 0 : i32
        %dma_wait3A_81 = tpu.memref_slice %arg7[%dma_wait3A_79, %dma_wait3A_80] : memref<10016x128xf32, #tpu.memory_space<vmem_shared>> -> memref<16x128xf32, #tpu.memory_space<vmem_shared>>
        %dma_wait3A_82 = arith.constant 10000 : i32
        %dma_wait3A_83 = arith.constant 0 : i32
        %dma_wait3A_84 = tpu.memref_slice %arg7[%dma_wait3A_82, %dma_wait3A_83] : memref<10016x128xf32, #tpu.memory_space<vmem_shared>> -> memref<16x128xf32, #tpu.memory_space<vmem_shared>>
        %dma_wait3A_85 = arith.constant 0 : i32
        %dma_wait3A_86 = arith.constant 0 : i32
        %dma_wait3A_87 = tpu.memref_slice %arg8[%run_scoped3A_59, %dma_wait3A_85, %dma_wait3A_86] : memref<2x128x128xf32, #tpu.memory_space<vmem>> -> memref<1x16x128xf32, #tpu.memory_space<vmem>>
        %dma_wait3A_88 = tpu.memref_squeeze %dma_wait3A_87 : memref<1x16x128xf32, #tpu.memory_space<vmem>> -> memref<16x128xf32, #tpu.memory_space<vmem>>
        tpu.wait_dma2 semaphore(%run_scoped3A_60 : memref<!tpu.dma_semaphore, #tpu.memory_space<semaphore_mem>>) src(%dma_wait3A_88 : memref<16x128xf32, #tpu.memory_space<vmem>>) dst(%dma_wait3A_84 : memref<16x128xf32, #tpu.memory_space<vmem_shared>>)
        tpu.yield
      }) : () -> ()
    } else {
    }
    %barrier3A = arith.constant 0 : index
    tpu.barrier barrier_id(%barrier3A)
    %run_scoped3A_9 = arith.constant 0 : i32
    "tpu.region"() ({
      %run_scoped3A_59 = tpu.sem_alloc : memref<!tpu.dma_semaphore, #tpu.memory_space<semaphore_mem>>
      %dma_start3A_60 = arith.constant 0 : i32
      %dma_start3A_61 = arith.constant 0 : i32
      %dma_start3A_62 = tpu.memref_slice %arg9[%run_scoped3A_9, %dma_start3A_60, %dma_start3A_61] : memref<2x8x128xi32, #tpu.memory_space<vmem>> -> memref<1x8x128xi32, #tpu.memory_space<vmem>>
      %dma_start3A_63 = tpu.memref_squeeze %dma_start3A_62 : memref<1x8x128xi32, #tpu.memory_space<vmem>> -> memref<8x128xi32, #tpu.memory_space<vmem>>
      %dma_start3A_64 = arith.constant 0 : i32
      %dma_start3A_65 = tpu.memref_slice %arg4[%mul3A_2, %dma_start3A_64] : memref<2560x128xi32, #tpu.memory_space<hbm>> -> memref<8x128xi32, #tpu.memory_space<hbm>>
      %dma_start3A_66 = arith.constant 0 : i32
      %dma_start3A_67 = arith.constant 0 : i32
      %dma_start3A_68 = tpu.memref_slice %arg9[%run_scoped3A_9, %dma_start3A_66, %dma_start3A_67] : memref<2x8x128xi32, #tpu.memory_space<vmem>> -> memref<1x8x128xi32, #tpu.memory_space<vmem>>
      %dma_start3A_69 = tpu.memref_squeeze %dma_start3A_68 : memref<1x8x128xi32, #tpu.memory_space<vmem>> -> memref<8x128xi32, #tpu.memory_space<vmem>>
      %dma_start3A_70 = arith.constant 0 : i32
      %dma_start3A_71 = tpu.memref_slice %arg4[%mul3A_2, %dma_start3A_70] : memref<2560x128xi32, #tpu.memory_space<hbm>> -> memref<8x128xi32, #tpu.memory_space<hbm>>
      tpu.enqueue_dma source(%dma_start3A_71 : memref<8x128xi32, #tpu.memory_space<hbm>>) target(%dma_start3A_69 : memref<8x128xi32, #tpu.memory_space<vmem>>) target_semaphore(%run_scoped3A_59 : memref<!tpu.dma_semaphore, #tpu.memory_space<semaphore_mem>>)
      %dma_wait3A_72 = arith.constant 0 : i32
      %dma_wait3A_73 = arith.constant 0 : i32
      %dma_wait3A_74 = tpu.memref_slice %arg9[%run_scoped3A_9, %dma_wait3A_72, %dma_wait3A_73] : memref<2x8x128xi32, #tpu.memory_space<vmem>> -> memref<1x8x128xi32, #tpu.memory_space<vmem>>
      %dma_wait3A_75 = tpu.memref_squeeze %dma_wait3A_74 : memref<1x8x128xi32, #tpu.memory_space<vmem>> -> memref<8x128xi32, #tpu.memory_space<vmem>>
      %dma_wait3A_76 = arith.constant 0 : i32
      %dma_wait3A_77 = tpu.memref_slice %arg4[%mul3A_2, %dma_wait3A_76] : memref<2560x128xi32, #tpu.memory_space<hbm>> -> memref<8x128xi32, #tpu.memory_space<hbm>>
      %dma_wait3A_78 = arith.constant 0 : i32
      %dma_wait3A_79 = arith.constant 0 : i32
      %dma_wait3A_80 = tpu.memref_slice %arg9[%run_scoped3A_9, %dma_wait3A_78, %dma_wait3A_79] : memref<2x8x128xi32, #tpu.memory_space<vmem>> -> memref<1x8x128xi32, #tpu.memory_space<vmem>>
      %dma_wait3A_81 = tpu.memref_squeeze %dma_wait3A_80 : memref<1x8x128xi32, #tpu.memory_space<vmem>> -> memref<8x128xi32, #tpu.memory_space<vmem>>
      %dma_wait3A_82 = arith.constant 0 : i32
      %dma_wait3A_83 = tpu.memref_slice %arg4[%mul3A_2, %dma_wait3A_82] : memref<2560x128xi32, #tpu.memory_space<hbm>> -> memref<8x128xi32, #tpu.memory_space<hbm>>
      tpu.wait_dma2 semaphore(%run_scoped3A_59 : memref<!tpu.dma_semaphore, #tpu.memory_space<semaphore_mem>>) src(%dma_wait3A_83 : memref<8x128xi32, #tpu.memory_space<hbm>>) dst(%dma_wait3A_81 : memref<8x128xi32, #tpu.memory_space<vmem>>)
      tpu.yield
    }) : () -> ()
    %run_scoped3A_10 = arith.constant 0 : i32
    "tpu.region"() ({
      %run_scoped3A_59 = tpu.sem_alloc : memref<!tpu.dma_semaphore, #tpu.memory_space<semaphore_mem>>
      %dma_start3A_60 = arith.constant 0 : i32
      %dma_start3A_61 = arith.constant 0 : i32
      %dma_start3A_62 = tpu.memref_slice %arg10[%run_scoped3A_10, %dma_start3A_60, %dma_start3A_61] : memref<2x8x128xi32, #tpu.memory_space<vmem>> -> memref<1x8x128xi32, #tpu.memory_space<vmem>>
      %dma_start3A_63 = tpu.memref_squeeze %dma_start3A_62 : memref<1x8x128xi32, #tpu.memory_space<vmem>> -> memref<8x128xi32, #tpu.memory_space<vmem>>
      %dma_start3A_64 = arith.constant 0 : i32
      %dma_start3A_65 = tpu.memref_slice %arg3[%mul3A_2, %dma_start3A_64] : memref<2560x128xi32, #tpu.memory_space<hbm>> -> memref<8x128xi32, #tpu.memory_space<hbm>>
      %dma_start3A_66 = arith.constant 0 : i32
      %dma_start3A_67 = arith.constant 0 : i32
      %dma_start3A_68 = tpu.memref_slice %arg10[%run_scoped3A_10, %dma_start3A_66, %dma_start3A_67] : memref<2x8x128xi32, #tpu.memory_space<vmem>> -> memref<1x8x128xi32, #tpu.memory_space<vmem>>
      %dma_start3A_69 = tpu.memref_squeeze %dma_start3A_68 : memref<1x8x128xi32, #tpu.memory_space<vmem>> -> memref<8x128xi32, #tpu.memory_space<vmem>>
      %dma_start3A_70 = arith.constant 0 : i32
      %dma_start3A_71 = tpu.memref_slice %arg3[%mul3A_2, %dma_start3A_70] : memref<2560x128xi32, #tpu.memory_space<hbm>> -> memref<8x128xi32, #tpu.memory_space<hbm>>
      tpu.enqueue_dma source(%dma_start3A_71 : memref<8x128xi32, #tpu.memory_space<hbm>>) target(%dma_start3A_69 : memref<8x128xi32, #tpu.memory_space<vmem>>) target_semaphore(%run_scoped3A_59 : memref<!tpu.dma_semaphore, #tpu.memory_space<semaphore_mem>>)
      %dma_wait3A_72 = arith.constant 0 : i32
      %dma_wait3A_73 = arith.constant 0 : i32
      %dma_wait3A_74 = tpu.memref_slice %arg10[%run_scoped3A_10, %dma_wait3A_72, %dma_wait3A_73] : memref<2x8x128xi32, #tpu.memory_space<vmem>> -> memref<1x8x128xi32, #tpu.memory_space<vmem>>
      %dma_wait3A_75 = tpu.memref_squeeze %dma_wait3A_74 : memref<1x8x128xi32, #tpu.memory_space<vmem>> -> memref<8x128xi32, #tpu.memory_space<vmem>>
      %dma_wait3A_76 = arith.constant 0 : i32
      %dma_wait3A_77 = tpu.memref_slice %arg3[%mul3A_2, %dma_wait3A_76] : memref<2560x128xi32, #tpu.memory_space<hbm>> -> memref<8x128xi32, #tpu.memory_space<hbm>>
      %dma_wait3A_78 = arith.constant 0 : i32
      %dma_wait3A_79 = arith.constant 0 : i32
      %dma_wait3A_80 = tpu.memref_slice %arg10[%run_scoped3A_10, %dma_wait3A_78, %dma_wait3A_79] : memref<2x8x128xi32, #tpu.memory_space<vmem>> -> memref<1x8x128xi32, #tpu.memory_space<vmem>>
      %dma_wait3A_81 = tpu.memref_squeeze %dma_wait3A_80 : memref<1x8x128xi32, #tpu.memory_space<vmem>> -> memref<8x128xi32, #tpu.memory_space<vmem>>
      %dma_wait3A_82 = arith.constant 0 : i32
      %dma_wait3A_83 = tpu.memref_slice %arg3[%mul3A_2, %dma_wait3A_82] : memref<2560x128xi32, #tpu.memory_space<hbm>> -> memref<8x128xi32, #tpu.memory_space<hbm>>
      tpu.wait_dma2 semaphore(%run_scoped3A_59 : memref<!tpu.dma_semaphore, #tpu.memory_space<semaphore_mem>>) src(%dma_wait3A_83 : memref<8x128xi32, #tpu.memory_space<hbm>>) dst(%dma_wait3A_81 : memref<8x128xi32, #tpu.memory_space<vmem>>)
      tpu.yield
    }) : () -> ()
    %dma_start3A = arith.constant 0 : i32
    %dma_start3A_11 = arith.constant 0 : i32
    %dma_start3A_12 = arith.constant 0 : i32
    %dma_start3A_13 = arith.constant 0 : i32
    %dma_start3A_14 = arith.constant 0 : i32
    %dma_start3A_15 = tpu.memref_slice %arg8[%dma_start3A_12, %dma_start3A_13, %dma_start3A_14] : memref<2x128x128xf32, #tpu.memory_space<vmem>> -> memref<1x128x128xf32, #tpu.memory_space<vmem>>
    %dma_start3A_16 = tpu.memref_squeeze %dma_start3A_15 : memref<1x128x128xf32, #tpu.memory_space<vmem>> -> memref<128x128xf32, #tpu.memory_space<vmem>>
    %dma_start3A_17 = arith.constant 0 : i32
    %dma_start3A_18 = tpu.memref_slice %arg9[%dma_start3A, %dma_start3A_11, %dma_start3A_17] : memref<2x8x128xi32, #tpu.memory_space<vmem>> -> memref<1x1x128xi32, #tpu.memory_space<vmem>>
    %dma_start3A_19 = tpu.memref_squeeze %dma_start3A_18 : memref<1x1x128xi32, #tpu.memory_space<vmem>> -> memref<128xi32, #tpu.memory_space<vmem>>
    %dma_start3A_20 = arith.constant 0 : i32
    %dma_start3A_21 = arith.constant 0 : i32
    %dma_start3A_22 = tpu.memref_slice %arg7[%dma_start3A_20, %dma_start3A_21] : memref<10016x128xf32, #tpu.memory_space<vmem_shared>> -> memref<10016x128xf32, #tpu.memory_space<vmem_shared>>
    tpu.enqueue_indirect_dma source(%dma_start3A_22 : memref<10016x128xf32, #tpu.memory_space<vmem_shared>>) target(%dma_start3A_16 : memref<128x128xf32, #tpu.memory_space<vmem>>) offsets(%dma_start3A_19 : memref<128xi32, #tpu.memory_space<vmem>>) semaphore(%arg11 : memref<!tpu.dma_semaphore, #tpu.memory_space<semaphore_mem>>)
    %scan3A_23 = arith.constant 0 : i32
    %scan3A_24 = arith.constant 5 : i32
    %scan3A_25 = arith.addi %scan3A_23, %scan3A_24 : i32
    %scan3A_26 = arith.constant 1 : i32
    scf.for %scan3A_59 = %scan3A_23 to %scan3A_25 step %scan3A_26  : i32 {
      %mul3A_60 = arith.constant 1 : i32
      %mul3A_61 = arith.muli %scan3A_59, %mul3A_60 : i32
      %add3A_62 = arith.constant 0 : i32
      %add3A_63 = arith.addi %add3A_62, %mul3A_61 : i32
      %mul3A_64 = arith.constant 2 : i32
      %mul3A_65 = arith.muli %mul3A_64, %add3A_63 : i32
      %add3A_66 = arith.constant 0 : i32
      %add3A_67 = arith.addi %mul3A_65, %add3A_66 : i32
      %dma_wait3A_68 = arith.constant 0 : i32
      %dma_wait3A_69 = arith.constant 0 : i32
      %dma_wait3A_70 = arith.constant 0 : i32
      %dma_wait3A_71 = arith.constant 0 : i32
      %dma_wait3A_72 = arith.constant 0 : i32
      %dma_wait3A_73 = tpu.memref_slice %arg8[%dma_wait3A_70, %dma_wait3A_71, %dma_wait3A_72] : memref<2x128x128xf32, #tpu.memory_space<vmem>> -> memref<1x128x128xf32, #tpu.memory_space<vmem>>
      %dma_wait3A_74 = tpu.memref_squeeze %dma_wait3A_73 : memref<1x128x128xf32, #tpu.memory_space<vmem>> -> memref<128x128xf32, #tpu.memory_space<vmem>>
      %dma_wait3A_75 = arith.constant 0 : i32
      %dma_wait3A_76 = tpu.memref_slice %arg9[%dma_wait3A_68, %dma_wait3A_69, %dma_wait3A_75] : memref<2x8x128xi32, #tpu.memory_space<vmem>> -> memref<1x1x128xi32, #tpu.memory_space<vmem>>
      %dma_wait3A_77 = tpu.memref_squeeze %dma_wait3A_76 : memref<1x1x128xi32, #tpu.memory_space<vmem>> -> memref<128xi32, #tpu.memory_space<vmem>>
      %dma_wait3A_78 = arith.constant 0 : i32
      %dma_wait3A_79 = arith.constant 0 : i32
      %dma_wait3A_80 = tpu.memref_slice %arg7[%dma_wait3A_78, %dma_wait3A_79] : memref<10016x128xf32, #tpu.memory_space<vmem_shared>> -> memref<10016x128xf32, #tpu.memory_space<vmem_shared>>
      tpu.wait_indirect_dma semaphore(%arg11 : memref<!tpu.dma_semaphore, #tpu.memory_space<semaphore_mem>>) src(%dma_wait3A_80 : memref<10016x128xf32, #tpu.memory_space<vmem_shared>>) dst(%dma_wait3A_74 : memref<128x128xf32, #tpu.memory_space<vmem>>)
      %dma_start3A_81 = arith.constant 0 : i32
      %dma_start3A_82 = arith.constant 0 : i32
      %dma_start3A_83 = arith.constant 0 : i32
      %dma_start3A_84 = arith.constant 0 : i32
      %dma_start3A_85 = arith.constant 0 : i32
      %dma_start3A_86 = tpu.memref_slice %arg8[%dma_start3A_81, %dma_start3A_84, %dma_start3A_85] : memref<2x128x128xf32, #tpu.memory_space<vmem>> -> memref<1x128x128xf32, #tpu.memory_space<vmem>>
      %dma_start3A_87 = tpu.memref_squeeze %dma_start3A_86 : memref<1x128x128xf32, #tpu.memory_space<vmem>> -> memref<128x128xf32, #tpu.memory_space<vmem>>
      %dma_start3A_88 = arith.constant 0 : i32
      %dma_start3A_89 = tpu.memref_slice %arg10[%dma_start3A_82, %dma_start3A_83, %dma_start3A_88] : memref<2x8x128xi32, #tpu.memory_space<vmem>> -> memref<1x1x128xi32, #tpu.memory_space<vmem>>
      %dma_start3A_90 = tpu.memref_squeeze %dma_start3A_89 : memref<1x1x128xi32, #tpu.memory_space<vmem>> -> memref<128xi32, #tpu.memory_space<vmem>>
      %dma_start3A_91 = arith.constant 0 : i32
      %dma_start3A_92 = arith.constant 0 : i32
      %dma_start3A_93 = tpu.memref_slice %arg7[%dma_start3A_91, %dma_start3A_92] : memref<10016x128xf32, #tpu.memory_space<vmem_shared>> -> memref<10016x128xf32, #tpu.memory_space<vmem_shared>>
      tpu.enqueue_indirect_dma source(%dma_start3A_87 : memref<128x128xf32, #tpu.memory_space<vmem>>) target(%dma_start3A_93 : memref<10016x128xf32, #tpu.memory_space<vmem_shared>>) offsets(%dma_start3A_90 : memref<128xi32, #tpu.memory_space<vmem>>) semaphore(%arg13 : memref<!tpu.dma_semaphore, #tpu.memory_space<semaphore_mem>>) {add = true}
      %gt3A = arith.constant 0 : i32
      %gt3A_94 = arith.cmpi sgt, %add3A_63, %gt3A : i32
      %convert_element_type3A_95 = arith.extui %gt3A_94 : i1 to i32
      %cond3A_96 = arith.constant 0 : i32
      %cond3A_97 = arith.cmpi ne, %convert_element_type3A_95, %cond3A_96 : i32
      scf.if %cond3A_97 {
        %dma_wait3A_946 = arith.constant 1 : i32
        %dma_wait3A_947 = arith.constant 1 : i32
        %dma_wait3A_948 = arith.constant 7 : i32
        %dma_wait3A_949 = arith.constant 0 : i32
        %dma_wait3A_950 = arith.constant 0 : i32
        %dma_wait3A_951 = tpu.memref_slice %arg8[%dma_wait3A_946, %dma_wait3A_949, %dma_wait3A_950] : memref<2x128x128xf32, #tpu.memory_space<vmem>> -> memref<1x128x128xf32, #tpu.memory_space<vmem>>
        %dma_wait3A_952 = tpu.memref_squeeze %dma_wait3A_951 : memref<1x128x128xf32, #tpu.memory_space<vmem>> -> memref<128x128xf32, #tpu.memory_space<vmem>>
        %dma_wait3A_953 = arith.constant 0 : i32
        %dma_wait3A_954 = tpu.memref_slice %arg10[%dma_wait3A_947, %dma_wait3A_948, %dma_wait3A_953] : memref<2x8x128xi32, #tpu.memory_space<vmem>> -> memref<1x1x128xi32, #tpu.memory_space<vmem>>
        %dma_wait3A_955 = tpu.memref_squeeze %dma_wait3A_954 : memref<1x1x128xi32, #tpu.memory_space<vmem>> -> memref<128xi32, #tpu.memory_space<vmem>>
        %dma_wait3A_956 = arith.constant 0 : i32
        %dma_wait3A_957 = arith.constant 0 : i32
        %dma_wait3A_958 = tpu.memref_slice %arg7[%dma_wait3A_956, %dma_wait3A_957] : memref<10016x128xf32, #tpu.memory_space<vmem_shared>> -> memref<10016x128xf32, #tpu.memory_space<vmem_shared>>
        tpu.wait_indirect_dma semaphore(%arg14 : memref<!tpu.dma_semaphore, #tpu.memory_space<semaphore_mem>>) src(%dma_wait3A_952 : memref<128x128xf32, #tpu.memory_space<vmem>>) dst(%dma_wait3A_958 : memref<10016x128xf32, #tpu.memory_space<vmem_shared>>)
      } else {
      }
      %dma_start3A_98 = arith.constant 0 : i32
      %dma_start3A_99 = arith.constant 1 : i32
      %dma_start3A_100 = arith.constant 1 : i32
      %dma_start3A_101 = arith.constant 0 : i32
      %dma_start3A_102 = arith.constant 0 : i32
      %dma_start3A_103 = tpu.memref_slice %arg8[%dma_start3A_100, %dma_start3A_101, %dma_start3A_102] : memref<2x128x128xf32, #tpu.memory_space<vmem>> -> memref<1x128x128xf32, #tpu.memory_space<vmem>>
      %dma_start3A_104 = tpu.memref_squeeze %dma_start3A_103 : memref<1x128x128xf32, #tpu.memory_space<vmem>> -> memref<128x128xf32, #tpu.memory_space<vmem>>
      %dma_start3A_105 = arith.constant 0 : i32
      %dma_start3A_106 = tpu.memref_slice %arg9[%dma_start3A_98, %dma_start3A_99, %dma_start3A_105] : memref<2x8x128xi32, #tpu.memory_space<vmem>> -> memref<1x1x128xi32, #tpu.memory_space<vmem>>
      %dma_start3A_107 = tpu.memref_squeeze %dma_start3A_106 : memref<1x1x128xi32, #tpu.memory_space<vmem>> -> memref<128xi32, #tpu.memory_space<vmem>>
      %dma_start3A_108 = arith.constant 0 : i32
      %dma_start3A_109 = arith.constant 0 : i32
      %dma_start3A_110 = tpu.memref_slice %arg7[%dma_start3A_108, %dma_start3A_109] : memref<10016x128xf32, #tpu.memory_space<vmem_shared>> -> memref<10016x128xf32, #tpu.memory_space<vmem_shared>>
      tpu.enqueue_indirect_dma source(%dma_start3A_110 : memref<10016x128xf32, #tpu.memory_space<vmem_shared>>) target(%dma_start3A_104 : memref<128x128xf32, #tpu.memory_space<vmem>>) offsets(%dma_start3A_107 : memref<128xi32, #tpu.memory_space<vmem>>) semaphore(%arg12 : memref<!tpu.dma_semaphore, #tpu.memory_space<semaphore_mem>>)
      %dma_wait3A_111 = arith.constant 0 : i32
      %dma_wait3A_112 = arith.constant 1 : i32
      %dma_wait3A_113 = arith.constant 1 : i32
      %dma_wait3A_114 = arith.constant 0 : i32
      %dma_wait3A_115 = arith.constant 0 : i32
      %dma_wait3A_116 = tpu.memref_slice %arg8[%dma_wait3A_113, %dma_wait3A_114, %dma_wait3A_115] : memref<2x128x128xf32, #tpu.memory_space<vmem>> -> memref<1x128x128xf32, #tpu.memory_space<vmem>>
      %dma_wait3A_117 = tpu.memref_squeeze %dma_wait3A_116 : memref<1x128x128xf32, #tpu.memory_space<vmem>> -> memref<128x128xf32, #tpu.memory_space<vmem>>
      %dma_wait3A_118 = arith.constant 0 : i32
      %dma_wait3A_119 = tpu.memref_slice %arg9[%dma_wait3A_111, %dma_wait3A_112, %dma_wait3A_118] : memref<2x8x128xi32, #tpu.memory_space<vmem>> -> memref<1x1x128xi32, #tpu.memory_space<vmem>>
      %dma_wait3A_120 = tpu.memref_squeeze %dma_wait3A_119 : memref<1x1x128xi32, #tpu.memory_space<vmem>> -> memref<128xi32, #tpu.memory_space<vmem>>
      %dma_wait3A_121 = arith.constant 0 : i32
      %dma_wait3A_122 = arith.constant 0 : i32
      %dma_wait3A_123 = tpu.memref_slice %arg7[%dma_wait3A_121, %dma_wait3A_122] : memref<10016x128xf32, #tpu.memory_space<vmem_shared>> -> memref<10016x128xf32, #tpu.memory_space<vmem_shared>>
      tpu.wait_indirect_dma semaphore(%arg12 : memref<!tpu.dma_semaphore, #tpu.memory_space<semaphore_mem>>) src(%dma_wait3A_123 : memref<10016x128xf32, #tpu.memory_space<vmem_shared>>) dst(%dma_wait3A_117 : memref<128x128xf32, #tpu.memory_space<vmem>>)
      %dma_start3A_124 = arith.constant 1 : i32
      %dma_start3A_125 = arith.constant 0 : i32
      %dma_start3A_126 = arith.constant 1 : i32
      %dma_start3A_127 = arith.constant 0 : i32
      %dma_start3A_128 = arith.constant 0 : i32
      %dma_start3A_129 = tpu.memref_slice %arg8[%dma_start3A_124, %dma_start3A_127, %dma_start3A_128] : memref<2x128x128xf32, #tpu.memory_space<vmem>> -> memref<1x128x128xf32, #tpu.memory_space<vmem>>
      %dma_start3A_130 = tpu.memref_squeeze %dma_start3A_129 : memref<1x128x128xf32, #tpu.memory_space<vmem>> -> memref<128x128xf32, #tpu.memory_space<vmem>>
      %dma_start3A_131 = arith.constant 0 : i32
      %dma_start3A_132 = tpu.memref_slice %arg10[%dma_start3A_125, %dma_start3A_126, %dma_start3A_131] : memref<2x8x128xi32, #tpu.memory_space<vmem>> -> memref<1x1x128xi32, #tpu.memory_space<vmem>>
      %dma_start3A_133 = tpu.memref_squeeze %dma_start3A_132 : memref<1x1x128xi32, #tpu.memory_space<vmem>> -> memref<128xi32, #tpu.memory_space<vmem>>
      %dma_start3A_134 = arith.constant 0 : i32
      %dma_start3A_135 = arith.constant 0 : i32
      %dma_start3A_136 = tpu.memref_slice %arg7[%dma_start3A_134, %dma_start3A_135] : memref<10016x128xf32, #tpu.memory_space<vmem_shared>> -> memref<10016x128xf32, #tpu.memory_space<vmem_shared>>
      tpu.enqueue_indirect_dma source(%dma_start3A_130 : memref<128x128xf32, #tpu.memory_space<vmem>>) target(%dma_start3A_136 : memref<10016x128xf32, #tpu.memory_space<vmem_shared>>) offsets(%dma_start3A_133 : memref<128xi32, #tpu.memory_space<vmem>>) semaphore(%arg14 : memref<!tpu.dma_semaphore, #tpu.memory_space<semaphore_mem>>) {add = true}
      %dma_wait3A_137 = arith.constant 0 : i32
      %dma_wait3A_138 = arith.constant 0 : i32
      %dma_wait3A_139 = arith.constant 0 : i32
      %dma_wait3A_140 = arith.constant 0 : i32
      %dma_wait3A_141 = arith.constant 0 : i32
      %dma_wait3A_142 = tpu.memref_slice %arg8[%dma_wait3A_137, %dma_wait3A_140, %dma_wait3A_141] : memref<2x128x128xf32, #tpu.memory_space<vmem>> -> memref<1x128x128xf32, #tpu.memory_space<vmem>>
      %dma_wait3A_143 = tpu.memref_squeeze %dma_wait3A_142 : memref<1x128x128xf32, #tpu.memory_space<vmem>> -> memref<128x128xf32, #tpu.memory_space<vmem>>
      %dma_wait3A_144 = arith.constant 0 : i32
      %dma_wait3A_145 = tpu.memref_slice %arg10[%dma_wait3A_138, %dma_wait3A_139, %dma_wait3A_144] : memref<2x8x128xi32, #tpu.memory_space<vmem>> -> memref<1x1x128xi32, #tpu.memory_space<vmem>>
      %dma_wait3A_146 = tpu.memref_squeeze %dma_wait3A_145 : memref<1x1x128xi32, #tpu.memory_space<vmem>> -> memref<128xi32, #tpu.memory_space<vmem>>
      %dma_wait3A_147 = arith.constant 0 : i32
      %dma_wait3A_148 = arith.constant 0 : i32
      %dma_wait3A_149 = tpu.memref_slice %arg7[%dma_wait3A_147, %dma_wait3A_148] : memref<10016x128xf32, #tpu.memory_space<vmem_shared>> -> memref<10016x128xf32, #tpu.memory_space<vmem_shared>>
      tpu.wait_indirect_dma semaphore(%arg13 : memref<!tpu.dma_semaphore, #tpu.memory_space<semaphore_mem>>) src(%dma_wait3A_143 : memref<128x128xf32, #tpu.memory_space<vmem>>) dst(%dma_wait3A_149 : memref<10016x128xf32, #tpu.memory_space<vmem_shared>>)
      %dma_start3A_150 = arith.constant 0 : i32
      %dma_start3A_151 = arith.constant 2 : i32
      %dma_start3A_152 = arith.constant 0 : i32
      %dma_start3A_153 = arith.constant 0 : i32
      %dma_start3A_154 = arith.constant 0 : i32
      %dma_start3A_155 = tpu.memref_slice %arg8[%dma_start3A_152, %dma_start3A_153, %dma_start3A_154] : memref<2x128x128xf32, #tpu.memory_space<vmem>> -> memref<1x128x128xf32, #tpu.memory_space<vmem>>
      %dma_start3A_156 = tpu.memref_squeeze %dma_start3A_155 : memref<1x128x128xf32, #tpu.memory_space<vmem>> -> memref<128x128xf32, #tpu.memory_space<vmem>>
      %dma_start3A_157 = arith.constant 0 : i32
      %dma_start3A_158 = tpu.memref_slice %arg9[%dma_start3A_150, %dma_start3A_151, %dma_start3A_157] : memref<2x8x128xi32, #tpu.memory_space<vmem>> -> memref<1x1x128xi32, #tpu.memory_space<vmem>>
      %dma_start3A_159 = tpu.memref_squeeze %dma_start3A_158 : memref<1x1x128xi32, #tpu.memory_space<vmem>> -> memref<128xi32, #tpu.memory_space<vmem>>
      %dma_start3A_160 = arith.constant 0 : i32
      %dma_start3A_161 = arith.constant 0 : i32
      %dma_start3A_162 = tpu.memref_slice %arg7[%dma_start3A_160, %dma_start3A_161] : memref<10016x128xf32, #tpu.memory_space<vmem_shared>> -> memref<10016x128xf32, #tpu.memory_space<vmem_shared>>
      tpu.enqueue_indirect_dma source(%dma_start3A_162 : memref<10016x128xf32, #tpu.memory_space<vmem_shared>>) target(%dma_start3A_156 : memref<128x128xf32, #tpu.memory_space<vmem>>) offsets(%dma_start3A_159 : memref<128xi32, #tpu.memory_space<vmem>>) semaphore(%arg11 : memref<!tpu.dma_semaphore, #tpu.memory_space<semaphore_mem>>)
      %dma_wait3A_163 = arith.constant 0 : i32
      %dma_wait3A_164 = arith.constant 2 : i32
      %dma_wait3A_165 = arith.constant 0 : i32
      %dma_wait3A_166 = arith.constant 0 : i32
      %dma_wait3A_167 = arith.constant 0 : i32
      %dma_wait3A_168 = tpu.memref_slice %arg8[%dma_wait3A_165, %dma_wait3A_166, %dma_wait3A_167] : memref<2x128x128xf32, #tpu.memory_space<vmem>> -> memref<1x128x128xf32, #tpu.memory_space<vmem>>
      %dma_wait3A_169 = tpu.memref_squeeze %dma_wait3A_168 : memref<1x128x128xf32, #tpu.memory_space<vmem>> -> memref<128x128xf32, #tpu.memory_space<vmem>>
      %dma_wait3A_170 = arith.constant 0 : i32
      %dma_wait3A_171 = tpu.memref_slice %arg9[%dma_wait3A_163, %dma_wait3A_164, %dma_wait3A_170] : memref<2x8x128xi32, #tpu.memory_space<vmem>> -> memref<1x1x128xi32, #tpu.memory_space<vmem>>
      %dma_wait3A_172 = tpu.memref_squeeze %dma_wait3A_171 : memref<1x1x128xi32, #tpu.memory_space<vmem>> -> memref<128xi32, #tpu.memory_space<vmem>>
      %dma_wait3A_173 = arith.constant 0 : i32
      %dma_wait3A_174 = arith.constant 0 : i32
      %dma_wait3A_175 = tpu.memref_slice %arg7[%dma_wait3A_173, %dma_wait3A_174] : memref<10016x128xf32, #tpu.memory_space<vmem_shared>> -> memref<10016x128xf32, #tpu.memory_space<vmem_shared>>
      tpu.wait_indirect_dma semaphore(%arg11 : memref<!tpu.dma_semaphore, #tpu.memory_space<semaphore_mem>>) src(%dma_wait3A_175 : memref<10016x128xf32, #tpu.memory_space<vmem_shared>>) dst(%dma_wait3A_169 : memref<128x128xf32, #tpu.memory_space<vmem>>)
      %dma_start3A_176 = arith.constant 0 : i32
      %dma_start3A_177 = arith.constant 0 : i32
      %dma_start3A_178 = arith.constant 2 : i32
      %dma_start3A_179 = arith.constant 0 : i32
      %dma_start3A_180 = arith.constant 0 : i32
      %dma_start3A_181 = tpu.memref_slice %arg8[%dma_start3A_176, %dma_start3A_179, %dma_start3A_180] : memref<2x128x128xf32, #tpu.memory_space<vmem>> -> memref<1x128x128xf32, #tpu.memory_space<vmem>>
      %dma_start3A_182 = tpu.memref_squeeze %dma_start3A_181 : memref<1x128x128xf32, #tpu.memory_space<vmem>> -> memref<128x128xf32, #tpu.memory_space<vmem>>
      %dma_start3A_183 = arith.constant 0 : i32
      %dma_start3A_184 = tpu.memref_slice %arg10[%dma_start3A_177, %dma_start3A_178, %dma_start3A_183] : memref<2x8x128xi32, #tpu.memory_space<vmem>> -> memref<1x1x128xi32, #tpu.memory_space<vmem>>
      %dma_start3A_185 = tpu.memref_squeeze %dma_start3A_184 : memref<1x1x128xi32, #tpu.memory_space<vmem>> -> memref<128xi32, #tpu.memory_space<vmem>>
      %dma_start3A_186 = arith.constant 0 : i32
      %dma_start3A_187 = arith.constant 0 : i32
      %dma_start3A_188 = tpu.memref_slice %arg7[%dma_start3A_186, %dma_start3A_187] : memref<10016x128xf32, #tpu.memory_space<vmem_shared>> -> memref<10016x128xf32, #tpu.memory_space<vmem_shared>>
      tpu.enqueue_indirect_dma source(%dma_start3A_182 : memref<128x128xf32, #tpu.memory_space<vmem>>) target(%dma_start3A_188 : memref<10016x128xf32, #tpu.memory_space<vmem_shared>>) offsets(%dma_start3A_185 : memref<128xi32, #tpu.memory_space<vmem>>) semaphore(%arg13 : memref<!tpu.dma_semaphore, #tpu.memory_space<semaphore_mem>>) {add = true}
      %add3A_189 = arith.constant 1 : i32
      %add3A_190 = arith.addi %add3A_67, %add3A_189 : i32
      %mul3A_191 = arith.constant 8 : i32
      %mul3A_192 = arith.muli %add3A_190, %mul3A_191 : i32
      %add3A_193 = arith.addi %mul3A_2, %mul3A_192 : i32
      %dma_start3A_194 = arith.constant 1 : i32
      %dma_start3A_195 = arith.constant 0 : i32
      %dma_start3A_196 = arith.constant 0 : i32
      %dma_start3A_197 = tpu.memref_slice %arg9[%dma_start3A_194, %dma_start3A_195, %dma_start3A_196] : memref<2x8x128xi32, #tpu.memory_space<vmem>> -> memref<1x8x128xi32, #tpu.memory_space<vmem>>
      %dma_start3A_198 = tpu.memref_squeeze %dma_start3A_197 : memref<1x8x128xi32, #tpu.memory_space<vmem>> -> memref<8x128xi32, #tpu.memory_space<vmem>>
      %dma_start3A_199 = arith.constant 0 : i32
      %dma_start3A_200 = tpu.memref_slice %arg4[%add3A_193, %dma_start3A_199] : memref<2560x128xi32, #tpu.memory_space<hbm>> -> memref<8x128xi32, #tpu.memory_space<hbm>>
      %dma_start3A_201 = arith.constant 0 : i32
      %dma_start3A_202 = arith.constant 0 : i32
      %dma_start3A_203 = tpu.memref_slice %arg9[%dma_start3A_194, %dma_start3A_201, %dma_start3A_202] : memref<2x8x128xi32, #tpu.memory_space<vmem>> -> memref<1x8x128xi32, #tpu.memory_space<vmem>>
      %dma_start3A_204 = tpu.memref_squeeze %dma_start3A_203 : memref<1x8x128xi32, #tpu.memory_space<vmem>> -> memref<8x128xi32, #tpu.memory_space<vmem>>
      %dma_start3A_205 = arith.constant 0 : i32
      %dma_start3A_206 = tpu.memref_slice %arg4[%add3A_193, %dma_start3A_205] : memref<2560x128xi32, #tpu.memory_space<hbm>> -> memref<8x128xi32, #tpu.memory_space<hbm>>
      tpu.enqueue_dma source(%dma_start3A_206 : memref<8x128xi32, #tpu.memory_space<hbm>>) target(%dma_start3A_204 : memref<8x128xi32, #tpu.memory_space<vmem>>) target_semaphore(%arg15 : memref<!tpu.dma_semaphore, #tpu.memory_space<semaphore_mem>>)
      %mul3A_207 = arith.constant 8 : i32
      %mul3A_208 = arith.muli %add3A_190, %mul3A_207 : i32
      %add3A_209 = arith.addi %mul3A_2, %mul3A_208 : i32
      %dma_start3A_210 = arith.constant 1 : i32
      %dma_start3A_211 = arith.constant 0 : i32
      %dma_start3A_212 = arith.constant 0 : i32
      %dma_start3A_213 = tpu.memref_slice %arg10[%dma_start3A_210, %dma_start3A_211, %dma_start3A_212] : memref<2x8x128xi32, #tpu.memory_space<vmem>> -> memref<1x8x128xi32, #tpu.memory_space<vmem>>
      %dma_start3A_214 = tpu.memref_squeeze %dma_start3A_213 : memref<1x8x128xi32, #tpu.memory_space<vmem>> -> memref<8x128xi32, #tpu.memory_space<vmem>>
      %dma_start3A_215 = arith.constant 0 : i32
      %dma_start3A_216 = tpu.memref_slice %arg3[%add3A_209, %dma_start3A_215] : memref<2560x128xi32, #tpu.memory_space<hbm>> -> memref<8x128xi32, #tpu.memory_space<hbm>>
      %dma_start3A_217 = arith.constant 0 : i32
      %dma_start3A_218 = arith.constant 0 : i32
      %dma_start3A_219 = tpu.memref_slice %arg10[%dma_start3A_210, %dma_start3A_217, %dma_start3A_218] : memref<2x8x128xi32, #tpu.memory_space<vmem>> -> memref<1x8x128xi32, #tpu.memory_space<vmem>>
      %dma_start3A_220 = tpu.memref_squeeze %dma_start3A_219 : memref<1x8x128xi32, #tpu.memory_space<vmem>> -> memref<8x128xi32, #tpu.memory_space<vmem>>
      %dma_start3A_221 = arith.constant 0 : i32
      %dma_start3A_222 = tpu.memref_slice %arg3[%add3A_209, %dma_start3A_221] : memref<2560x128xi32, #tpu.memory_space<hbm>> -> memref<8x128xi32, #tpu.memory_space<hbm>>
      tpu.enqueue_dma source(%dma_start3A_222 : memref<8x128xi32, #tpu.memory_space<hbm>>) target(%dma_start3A_220 : memref<8x128xi32, #tpu.memory_space<vmem>>) target_semaphore(%arg15 : memref<!tpu.dma_semaphore, #tpu.memory_space<semaphore_mem>>)
      %dma_wait3A_223 = arith.constant 1 : i32
      %dma_wait3A_224 = arith.constant 0 : i32
      %dma_wait3A_225 = arith.constant 1 : i32
      %dma_wait3A_226 = arith.constant 0 : i32
      %dma_wait3A_227 = arith.constant 0 : i32
      %dma_wait3A_228 = tpu.memref_slice %arg8[%dma_wait3A_223, %dma_wait3A_226, %dma_wait3A_227] : memref<2x128x128xf32, #tpu.memory_space<vmem>> -> memref<1x128x128xf32, #tpu.memory_space<vmem>>
      %dma_wait3A_229 = tpu.memref_squeeze %dma_wait3A_228 : memref<1x128x128xf32, #tpu.memory_space<vmem>> -> memref<128x128xf32, #tpu.memory_space<vmem>>
      %dma_wait3A_230 = arith.constant 0 : i32
      %dma_wait3A_231 = tpu.memref_slice %arg10[%dma_wait3A_224, %dma_wait3A_225, %dma_wait3A_230] : memref<2x8x128xi32, #tpu.memory_space<vmem>> -> memref<1x1x128xi32, #tpu.memory_space<vmem>>
      %dma_wait3A_232 = tpu.memref_squeeze %dma_wait3A_231 : memref<1x1x128xi32, #tpu.memory_space<vmem>> -> memref<128xi32, #tpu.memory_space<vmem>>
      %dma_wait3A_233 = arith.constant 0 : i32
      %dma_wait3A_234 = arith.constant 0 : i32
      %dma_wait3A_235 = tpu.memref_slice %arg7[%dma_wait3A_233, %dma_wait3A_234] : memref<10016x128xf32, #tpu.memory_space<vmem_shared>> -> memref<10016x128xf32, #tpu.memory_space<vmem_shared>>
      tpu.wait_indirect_dma semaphore(%arg14 : memref<!tpu.dma_semaphore, #tpu.memory_space<semaphore_mem>>) src(%dma_wait3A_229 : memref<128x128xf32, #tpu.memory_space<vmem>>) dst(%dma_wait3A_235 : memref<10016x128xf32, #tpu.memory_space<vmem_shared>>)
      %dma_start3A_236 = arith.constant 0 : i32
      %dma_start3A_237 = arith.constant 3 : i32
      %dma_start3A_238 = arith.constant 1 : i32
      %dma_start3A_239 = arith.constant 0 : i32
      %dma_start3A_240 = arith.constant 0 : i32
      %dma_start3A_241 = tpu.memref_slice %arg8[%dma_start3A_238, %dma_start3A_239, %dma_start3A_240] : memref<2x128x128xf32, #tpu.memory_space<vmem>> -> memref<1x128x128xf32, #tpu.memory_space<vmem>>
      %dma_start3A_242 = tpu.memref_squeeze %dma_start3A_241 : memref<1x128x128xf32, #tpu.memory_space<vmem>> -> memref<128x128xf32, #tpu.memory_space<vmem>>
      %dma_start3A_243 = arith.constant 0 : i32
      %dma_start3A_244 = tpu.memref_slice %arg9[%dma_start3A_236, %dma_start3A_237, %dma_start3A_243] : memref<2x8x128xi32, #tpu.memory_space<vmem>> -> memref<1x1x128xi32, #tpu.memory_space<vmem>>
      %dma_start3A_245 = tpu.memref_squeeze %dma_start3A_244 : memref<1x1x128xi32, #tpu.memory_space<vmem>> -> memref<128xi32, #tpu.memory_space<vmem>>
      %dma_start3A_246 = arith.constant 0 : i32
      %dma_start3A_247 = arith.constant 0 : i32
      %dma_start3A_248 = tpu.memref_slice %arg7[%dma_start3A_246, %dma_start3A_247] : memref<10016x128xf32, #tpu.memory_space<vmem_shared>> -> memref<10016x128xf32, #tpu.memory_space<vmem_shared>>
      tpu.enqueue_indirect_dma source(%dma_start3A_248 : memref<10016x128xf32, #tpu.memory_space<vmem_shared>>) target(%dma_start3A_242 : memref<128x128xf32, #tpu.memory_space<vmem>>) offsets(%dma_start3A_245 : memref<128xi32, #tpu.memory_space<vmem>>) semaphore(%arg12 : memref<!tpu.dma_semaphore, #tpu.memory_space<semaphore_mem>>)
      %dma_wait3A_249 = arith.constant 0 : i32
      %dma_wait3A_250 = arith.constant 3 : i32
      %dma_wait3A_251 = arith.constant 1 : i32
      %dma_wait3A_252 = arith.constant 0 : i32
      %dma_wait3A_253 = arith.constant 0 : i32
      %dma_wait3A_254 = tpu.memref_slice %arg8[%dma_wait3A_251, %dma_wait3A_252, %dma_wait3A_253] : memref<2x128x128xf32, #tpu.memory_space<vmem>> -> memref<1x128x128xf32, #tpu.memory_space<vmem>>
      %dma_wait3A_255 = tpu.memref_squeeze %dma_wait3A_254 : memref<1x128x128xf32, #tpu.memory_space<vmem>> -> memref<128x128xf32, #tpu.memory_space<vmem>>
      %dma_wait3A_256 = arith.constant 0 : i32
      %dma_wait3A_257 = tpu.memref_slice %arg9[%dma_wait3A_249, %dma_wait3A_250, %dma_wait3A_256] : memref<2x8x128xi32, #tpu.memory_space<vmem>> -> memref<1x1x128xi32, #tpu.memory_space<vmem>>
      %dma_wait3A_258 = tpu.memref_squeeze %dma_wait3A_257 : memref<1x1x128xi32, #tpu.memory_space<vmem>> -> memref<128xi32, #tpu.memory_space<vmem>>
      %dma_wait3A_259 = arith.constant 0 : i32
      %dma_wait3A_260 = arith.constant 0 : i32
      %dma_wait3A_261 = tpu.memref_slice %arg7[%dma_wait3A_259, %dma_wait3A_260] : memref<10016x128xf32, #tpu.memory_space<vmem_shared>> -> memref<10016x128xf32, #tpu.memory_space<vmem_shared>>
      tpu.wait_indirect_dma semaphore(%arg12 : memref<!tpu.dma_semaphore, #tpu.memory_space<semaphore_mem>>) src(%dma_wait3A_261 : memref<10016x128xf32, #tpu.memory_space<vmem_shared>>) dst(%dma_wait3A_255 : memref<128x128xf32, #tpu.memory_space<vmem>>)
      %dma_start3A_262 = arith.constant 1 : i32
      %dma_start3A_263 = arith.constant 0 : i32
      %dma_start3A_264 = arith.constant 3 : i32
      %dma_start3A_265 = arith.constant 0 : i32
      %dma_start3A_266 = arith.constant 0 : i32
      %dma_start3A_267 = tpu.memref_slice %arg8[%dma_start3A_262, %dma_start3A_265, %dma_start3A_266] : memref<2x128x128xf32, #tpu.memory_space<vmem>> -> memref<1x128x128xf32, #tpu.memory_space<vmem>>
      %dma_start3A_268 = tpu.memref_squeeze %dma_start3A_267 : memref<1x128x128xf32, #tpu.memory_space<vmem>> -> memref<128x128xf32, #tpu.memory_space<vmem>>
      %dma_start3A_269 = arith.constant 0 : i32
      %dma_start3A_270 = tpu.memref_slice %arg10[%dma_start3A_263, %dma_start3A_264, %dma_start3A_269] : memref<2x8x128xi32, #tpu.memory_space<vmem>> -> memref<1x1x128xi32, #tpu.memory_space<vmem>>
      %dma_start3A_271 = tpu.memref_squeeze %dma_start3A_270 : memref<1x1x128xi32, #tpu.memory_space<vmem>> -> memref<128xi32, #tpu.memory_space<vmem>>
      %dma_start3A_272 = arith.constant 0 : i32
      %dma_start3A_273 = arith.constant 0 : i32
      %dma_start3A_274 = tpu.memref_slice %arg7[%dma_start3A_272, %dma_start3A_273] : memref<10016x128xf32, #tpu.memory_space<vmem_shared>> -> memref<10016x128xf32, #tpu.memory_space<vmem_shared>>
      tpu.enqueue_indirect_dma source(%dma_start3A_268 : memref<128x128xf32, #tpu.memory_space<vmem>>) target(%dma_start3A_274 : memref<10016x128xf32, #tpu.memory_space<vmem_shared>>) offsets(%dma_start3A_271 : memref<128xi32, #tpu.memory_space<vmem>>) semaphore(%arg14 : memref<!tpu.dma_semaphore, #tpu.memory_space<semaphore_mem>>) {add = true}
      %dma_wait3A_275 = arith.constant 0 : i32
      %dma_wait3A_276 = arith.constant 0 : i32
      %dma_wait3A_277 = arith.constant 2 : i32
      %dma_wait3A_278 = arith.constant 0 : i32
      %dma_wait3A_279 = arith.constant 0 : i32
      %dma_wait3A_280 = tpu.memref_slice %arg8[%dma_wait3A_275, %dma_wait3A_278, %dma_wait3A_279] : memref<2x128x128xf32, #tpu.memory_space<vmem>> -> memref<1x128x128xf32, #tpu.memory_space<vmem>>
      %dma_wait3A_281 = tpu.memref_squeeze %dma_wait3A_280 : memref<1x128x128xf32, #tpu.memory_space<vmem>> -> memref<128x128xf32, #tpu.memory_space<vmem>>
      %dma_wait3A_282 = arith.constant 0 : i32
      %dma_wait3A_283 = tpu.memref_slice %arg10[%dma_wait3A_276, %dma_wait3A_277, %dma_wait3A_282] : memref<2x8x128xi32, #tpu.memory_space<vmem>> -> memref<1x1x128xi32, #tpu.memory_space<vmem>>
      %dma_wait3A_284 = tpu.memref_squeeze %dma_wait3A_283 : memref<1x1x128xi32, #tpu.memory_space<vmem>> -> memref<128xi32, #tpu.memory_space<vmem>>
      %dma_wait3A_285 = arith.constant 0 : i32
      %dma_wait3A_286 = arith.constant 0 : i32
      %dma_wait3A_287 = tpu.memref_slice %arg7[%dma_wait3A_285, %dma_wait3A_286] : memref<10016x128xf32, #tpu.memory_space<vmem_shared>> -> memref<10016x128xf32, #tpu.memory_space<vmem_shared>>
      tpu.wait_indirect_dma semaphore(%arg13 : memref<!tpu.dma_semaphore, #tpu.memory_space<semaphore_mem>>) src(%dma_wait3A_281 : memref<128x128xf32, #tpu.memory_space<vmem>>) dst(%dma_wait3A_287 : memref<10016x128xf32, #tpu.memory_space<vmem_shared>>)
      %dma_start3A_288 = arith.constant 0 : i32
      %dma_start3A_289 = arith.constant 4 : i32
      %dma_start3A_290 = arith.constant 0 : i32
      %dma_start3A_291 = arith.constant 0 : i32
      %dma_start3A_292 = arith.constant 0 : i32
      %dma_start3A_293 = tpu.memref_slice %arg8[%dma_start3A_290, %dma_start3A_291, %dma_start3A_292] : memref<2x128x128xf32, #tpu.memory_space<vmem>> -> memref<1x128x128xf32, #tpu.memory_space<vmem>>
      %dma_start3A_294 = tpu.memref_squeeze %dma_start3A_293 : memref<1x128x128xf32, #tpu.memory_space<vmem>> -> memref<128x128xf32, #tpu.memory_space<vmem>>
      %dma_start3A_295 = arith.constant 0 : i32
      %dma_start3A_296 = tpu.memref_slice %arg9[%dma_start3A_288, %dma_start3A_289, %dma_start3A_295] : memref<2x8x128xi32, #tpu.memory_space<vmem>> -> memref<1x1x128xi32, #tpu.memory_space<vmem>>
      %dma_start3A_297 = tpu.memref_squeeze %dma_start3A_296 : memref<1x1x128xi32, #tpu.memory_space<vmem>> -> memref<128xi32, #tpu.memory_space<vmem>>
      %dma_start3A_298 = arith.constant 0 : i32
      %dma_start3A_299 = arith.constant 0 : i32
      %dma_start3A_300 = tpu.memref_slice %arg7[%dma_start3A_298, %dma_start3A_299] : memref<10016x128xf32, #tpu.memory_space<vmem_shared>> -> memref<10016x128xf32, #tpu.memory_space<vmem_shared>>
      tpu.enqueue_indirect_dma source(%dma_start3A_300 : memref<10016x128xf32, #tpu.memory_space<vmem_shared>>) target(%dma_start3A_294 : memref<128x128xf32, #tpu.memory_space<vmem>>) offsets(%dma_start3A_297 : memref<128xi32, #tpu.memory_space<vmem>>) semaphore(%arg11 : memref<!tpu.dma_semaphore, #tpu.memory_space<semaphore_mem>>)
      %dma_wait3A_301 = arith.constant 0 : i32
      %dma_wait3A_302 = arith.constant 4 : i32
      %dma_wait3A_303 = arith.constant 0 : i32
      %dma_wait3A_304 = arith.constant 0 : i32
      %dma_wait3A_305 = arith.constant 0 : i32
      %dma_wait3A_306 = tpu.memref_slice %arg8[%dma_wait3A_303, %dma_wait3A_304, %dma_wait3A_305] : memref<2x128x128xf32, #tpu.memory_space<vmem>> -> memref<1x128x128xf32, #tpu.memory_space<vmem>>
      %dma_wait3A_307 = tpu.memref_squeeze %dma_wait3A_306 : memref<1x128x128xf32, #tpu.memory_space<vmem>> -> memref<128x128xf32, #tpu.memory_space<vmem>>
      %dma_wait3A_308 = arith.constant 0 : i32
      %dma_wait3A_309 = tpu.memref_slice %arg9[%dma_wait3A_301, %dma_wait3A_302, %dma_wait3A_308] : memref<2x8x128xi32, #tpu.memory_space<vmem>> -> memref<1x1x128xi32, #tpu.memory_space<vmem>>
      %dma_wait3A_310 = tpu.memref_squeeze %dma_wait3A_309 : memref<1x1x128xi32, #tpu.memory_space<vmem>> -> memref<128xi32, #tpu.memory_space<vmem>>
      %dma_wait3A_311 = arith.constant 0 : i32
      %dma_wait3A_312 = arith.constant 0 : i32
      %dma_wait3A_313 = tpu.memref_slice %arg7[%dma_wait3A_311, %dma_wait3A_312] : memref<10016x128xf32, #tpu.memory_space<vmem_shared>> -> memref<10016x128xf32, #tpu.memory_space<vmem_shared>>
      tpu.wait_indirect_dma semaphore(%arg11 : memref<!tpu.dma_semaphore, #tpu.memory_space<semaphore_mem>>) src(%dma_wait3A_313 : memref<10016x128xf32, #tpu.memory_space<vmem_shared>>) dst(%dma_wait3A_307 : memref<128x128xf32, #tpu.memory_space<vmem>>)
      %dma_start3A_314 = arith.constant 0 : i32
      %dma_start3A_315 = arith.constant 0 : i32
      %dma_start3A_316 = arith.constant 4 : i32
      %dma_start3A_317 = arith.constant 0 : i32
      %dma_start3A_318 = arith.constant 0 : i32
      %dma_start3A_319 = tpu.memref_slice %arg8[%dma_start3A_314, %dma_start3A_317, %dma_start3A_318] : memref<2x128x128xf32, #tpu.memory_space<vmem>> -> memref<1x128x128xf32, #tpu.memory_space<vmem>>
      %dma_start3A_320 = tpu.memref_squeeze %dma_start3A_319 : memref<1x128x128xf32, #tpu.memory_space<vmem>> -> memref<128x128xf32, #tpu.memory_space<vmem>>
      %dma_start3A_321 = arith.constant 0 : i32
      %dma_start3A_322 = tpu.memref_slice %arg10[%dma_start3A_315, %dma_start3A_316, %dma_start3A_321] : memref<2x8x128xi32, #tpu.memory_space<vmem>> -> memref<1x1x128xi32, #tpu.memory_space<vmem>>
      %dma_start3A_323 = tpu.memref_squeeze %dma_start3A_322 : memref<1x1x128xi32, #tpu.memory_space<vmem>> -> memref<128xi32, #tpu.memory_space<vmem>>
      %dma_start3A_324 = arith.constant 0 : i32
      %dma_start3A_325 = arith.constant 0 : i32
      %dma_start3A_326 = tpu.memref_slice %arg7[%dma_start3A_324, %dma_start3A_325] : memref<10016x128xf32, #tpu.memory_space<vmem_shared>> -> memref<10016x128xf32, #tpu.memory_space<vmem_shared>>
      tpu.enqueue_indirect_dma source(%dma_start3A_320 : memref<128x128xf32, #tpu.memory_space<vmem>>) target(%dma_start3A_326 : memref<10016x128xf32, #tpu.memory_space<vmem_shared>>) offsets(%dma_start3A_323 : memref<128xi32, #tpu.memory_space<vmem>>) semaphore(%arg13 : memref<!tpu.dma_semaphore, #tpu.memory_space<semaphore_mem>>) {add = true}
      %dma_wait3A_327 = arith.constant 1 : i32
      %dma_wait3A_328 = arith.constant 0 : i32
      %dma_wait3A_329 = arith.constant 3 : i32
      %dma_wait3A_330 = arith.constant 0 : i32
      %dma_wait3A_331 = arith.constant 0 : i32
      %dma_wait3A_332 = tpu.memref_slice %arg8[%dma_wait3A_327, %dma_wait3A_330, %dma_wait3A_331] : memref<2x128x128xf32, #tpu.memory_space<vmem>> -> memref<1x128x128xf32, #tpu.memory_space<vmem>>
      %dma_wait3A_333 = tpu.memref_squeeze %dma_wait3A_332 : memref<1x128x128xf32, #tpu.memory_space<vmem>> -> memref<128x128xf32, #tpu.memory_space<vmem>>
      %dma_wait3A_334 = arith.constant 0 : i32
      %dma_wait3A_335 = tpu.memref_slice %arg10[%dma_wait3A_328, %dma_wait3A_329, %dma_wait3A_334] : memref<2x8x128xi32, #tpu.memory_space<vmem>> -> memref<1x1x128xi32, #tpu.memory_space<vmem>>
      %dma_wait3A_336 = tpu.memref_squeeze %dma_wait3A_335 : memref<1x1x128xi32, #tpu.memory_space<vmem>> -> memref<128xi32, #tpu.memory_space<vmem>>
      %dma_wait3A_337 = arith.constant 0 : i32
      %dma_wait3A_338 = arith.constant 0 : i32
      %dma_wait3A_339 = tpu.memref_slice %arg7[%dma_wait3A_337, %dma_wait3A_338] : memref<10016x128xf32, #tpu.memory_space<vmem_shared>> -> memref<10016x128xf32, #tpu.memory_space<vmem_shared>>
      tpu.wait_indirect_dma semaphore(%arg14 : memref<!tpu.dma_semaphore, #tpu.memory_space<semaphore_mem>>) src(%dma_wait3A_333 : memref<128x128xf32, #tpu.memory_space<vmem>>) dst(%dma_wait3A_339 : memref<10016x128xf32, #tpu.memory_space<vmem_shared>>)
      %dma_start3A_340 = arith.constant 0 : i32
      %dma_start3A_341 = arith.constant 5 : i32
      %dma_start3A_342 = arith.constant 1 : i32
      %dma_start3A_343 = arith.constant 0 : i32
      %dma_start3A_344 = arith.constant 0 : i32
      %dma_start3A_345 = tpu.memref_slice %arg8[%dma_start3A_342, %dma_start3A_343, %dma_start3A_344] : memref<2x128x128xf32, #tpu.memory_space<vmem>> -> memref<1x128x128xf32, #tpu.memory_space<vmem>>
      %dma_start3A_346 = tpu.memref_squeeze %dma_start3A_345 : memref<1x128x128xf32, #tpu.memory_space<vmem>> -> memref<128x128xf32, #tpu.memory_space<vmem>>
      %dma_start3A_347 = arith.constant 0 : i32
      %dma_start3A_348 = tpu.memref_slice %arg9[%dma_start3A_340, %dma_start3A_341, %dma_start3A_347] : memref<2x8x128xi32, #tpu.memory_space<vmem>> -> memref<1x1x128xi32, #tpu.memory_space<vmem>>
      %dma_start3A_349 = tpu.memref_squeeze %dma_start3A_348 : memref<1x1x128xi32, #tpu.memory_space<vmem>> -> memref<128xi32, #tpu.memory_space<vmem>>
      %dma_start3A_350 = arith.constant 0 : i32
      %dma_start3A_351 = arith.constant 0 : i32
      %dma_start3A_352 = tpu.memref_slice %arg7[%dma_start3A_350, %dma_start3A_351] : memref<10016x128xf32, #tpu.memory_space<vmem_shared>> -> memref<10016x128xf32, #tpu.memory_space<vmem_shared>>
      tpu.enqueue_indirect_dma source(%dma_start3A_352 : memref<10016x128xf32, #tpu.memory_space<vmem_shared>>) target(%dma_start3A_346 : memref<128x128xf32, #tpu.memory_space<vmem>>) offsets(%dma_start3A_349 : memref<128xi32, #tpu.memory_space<vmem>>) semaphore(%arg12 : memref<!tpu.dma_semaphore, #tpu.memory_space<semaphore_mem>>)
      %dma_wait3A_353 = arith.constant 0 : i32
      %dma_wait3A_354 = arith.constant 5 : i32
      %dma_wait3A_355 = arith.constant 1 : i32
      %dma_wait3A_356 = arith.constant 0 : i32
      %dma_wait3A_357 = arith.constant 0 : i32
      %dma_wait3A_358 = tpu.memref_slice %arg8[%dma_wait3A_355, %dma_wait3A_356, %dma_wait3A_357] : memref<2x128x128xf32, #tpu.memory_space<vmem>> -> memref<1x128x128xf32, #tpu.memory_space<vmem>>
      %dma_wait3A_359 = tpu.memref_squeeze %dma_wait3A_358 : memref<1x128x128xf32, #tpu.memory_space<vmem>> -> memref<128x128xf32, #tpu.memory_space<vmem>>
      %dma_wait3A_360 = arith.constant 0 : i32
      %dma_wait3A_361 = tpu.memref_slice %arg9[%dma_wait3A_353, %dma_wait3A_354, %dma_wait3A_360] : memref<2x8x128xi32, #tpu.memory_space<vmem>> -> memref<1x1x128xi32, #tpu.memory_space<vmem>>
      %dma_wait3A_362 = tpu.memref_squeeze %dma_wait3A_361 : memref<1x1x128xi32, #tpu.memory_space<vmem>> -> memref<128xi32, #tpu.memory_space<vmem>>
      %dma_wait3A_363 = arith.constant 0 : i32
      %dma_wait3A_364 = arith.constant 0 : i32
      %dma_wait3A_365 = tpu.memref_slice %arg7[%dma_wait3A_363, %dma_wait3A_364] : memref<10016x128xf32, #tpu.memory_space<vmem_shared>> -> memref<10016x128xf32, #tpu.memory_space<vmem_shared>>
      tpu.wait_indirect_dma semaphore(%arg12 : memref<!tpu.dma_semaphore, #tpu.memory_space<semaphore_mem>>) src(%dma_wait3A_365 : memref<10016x128xf32, #tpu.memory_space<vmem_shared>>) dst(%dma_wait3A_359 : memref<128x128xf32, #tpu.memory_space<vmem>>)
      %dma_start3A_366 = arith.constant 1 : i32
      %dma_start3A_367 = arith.constant 0 : i32
      %dma_start3A_368 = arith.constant 5 : i32
      %dma_start3A_369 = arith.constant 0 : i32
      %dma_start3A_370 = arith.constant 0 : i32
      %dma_start3A_371 = tpu.memref_slice %arg8[%dma_start3A_366, %dma_start3A_369, %dma_start3A_370] : memref<2x128x128xf32, #tpu.memory_space<vmem>> -> memref<1x128x128xf32, #tpu.memory_space<vmem>>
      %dma_start3A_372 = tpu.memref_squeeze %dma_start3A_371 : memref<1x128x128xf32, #tpu.memory_space<vmem>> -> memref<128x128xf32, #tpu.memory_space<vmem>>
      %dma_start3A_373 = arith.constant 0 : i32
      %dma_start3A_374 = tpu.memref_slice %arg10[%dma_start3A_367, %dma_start3A_368, %dma_start3A_373] : memref<2x8x128xi32, #tpu.memory_space<vmem>> -> memref<1x1x128xi32, #tpu.memory_space<vmem>>
      %dma_start3A_375 = tpu.memref_squeeze %dma_start3A_374 : memref<1x1x128xi32, #tpu.memory_space<vmem>> -> memref<128xi32, #tpu.memory_space<vmem>>
      %dma_start3A_376 = arith.constant 0 : i32
      %dma_start3A_377 = arith.constant 0 : i32
      %dma_start3A_378 = tpu.memref_slice %arg7[%dma_start3A_376, %dma_start3A_377] : memref<10016x128xf32, #tpu.memory_space<vmem_shared>> -> memref<10016x128xf32, #tpu.memory_space<vmem_shared>>
      tpu.enqueue_indirect_dma source(%dma_start3A_372 : memref<128x128xf32, #tpu.memory_space<vmem>>) target(%dma_start3A_378 : memref<10016x128xf32, #tpu.memory_space<vmem_shared>>) offsets(%dma_start3A_375 : memref<128xi32, #tpu.memory_space<vmem>>) semaphore(%arg14 : memref<!tpu.dma_semaphore, #tpu.memory_space<semaphore_mem>>) {add = true}
      %dma_wait3A_379 = arith.constant 0 : i32
      %dma_wait3A_380 = arith.constant 0 : i32
      %dma_wait3A_381 = arith.constant 4 : i32
      %dma_wait3A_382 = arith.constant 0 : i32
      %dma_wait3A_383 = arith.constant 0 : i32
      %dma_wait3A_384 = tpu.memref_slice %arg8[%dma_wait3A_379, %dma_wait3A_382, %dma_wait3A_383] : memref<2x128x128xf32, #tpu.memory_space<vmem>> -> memref<1x128x128xf32, #tpu.memory_space<vmem>>
      %dma_wait3A_385 = tpu.memref_squeeze %dma_wait3A_384 : memref<1x128x128xf32, #tpu.memory_space<vmem>> -> memref<128x128xf32, #tpu.memory_space<vmem>>
      %dma_wait3A_386 = arith.constant 0 : i32
      %dma_wait3A_387 = tpu.memref_slice %arg10[%dma_wait3A_380, %dma_wait3A_381, %dma_wait3A_386] : memref<2x8x128xi32, #tpu.memory_space<vmem>> -> memref<1x1x128xi32, #tpu.memory_space<vmem>>
      %dma_wait3A_388 = tpu.memref_squeeze %dma_wait3A_387 : memref<1x1x128xi32, #tpu.memory_space<vmem>> -> memref<128xi32, #tpu.memory_space<vmem>>
      %dma_wait3A_389 = arith.constant 0 : i32
      %dma_wait3A_390 = arith.constant 0 : i32
      %dma_wait3A_391 = tpu.memref_slice %arg7[%dma_wait3A_389, %dma_wait3A_390] : memref<10016x128xf32, #tpu.memory_space<vmem_shared>> -> memref<10016x128xf32, #tpu.memory_space<vmem_shared>>
      tpu.wait_indirect_dma semaphore(%arg13 : memref<!tpu.dma_semaphore, #tpu.memory_space<semaphore_mem>>) src(%dma_wait3A_385 : memref<128x128xf32, #tpu.memory_space<vmem>>) dst(%dma_wait3A_391 : memref<10016x128xf32, #tpu.memory_space<vmem_shared>>)
      %dma_start3A_392 = arith.constant 0 : i32
      %dma_start3A_393 = arith.constant 6 : i32
      %dma_start3A_394 = arith.constant 0 : i32
      %dma_start3A_395 = arith.constant 0 : i32
      %dma_start3A_396 = arith.constant 0 : i32
      %dma_start3A_397 = tpu.memref_slice %arg8[%dma_start3A_394, %dma_start3A_395, %dma_start3A_396] : memref<2x128x128xf32, #tpu.memory_space<vmem>> -> memref<1x128x128xf32, #tpu.memory_space<vmem>>
      %dma_start3A_398 = tpu.memref_squeeze %dma_start3A_397 : memref<1x128x128xf32, #tpu.memory_space<vmem>> -> memref<128x128xf32, #tpu.memory_space<vmem>>
      %dma_start3A_399 = arith.constant 0 : i32
      %dma_start3A_400 = tpu.memref_slice %arg9[%dma_start3A_392, %dma_start3A_393, %dma_start3A_399] : memref<2x8x128xi32, #tpu.memory_space<vmem>> -> memref<1x1x128xi32, #tpu.memory_space<vmem>>
      %dma_start3A_401 = tpu.memref_squeeze %dma_start3A_400 : memref<1x1x128xi32, #tpu.memory_space<vmem>> -> memref<128xi32, #tpu.memory_space<vmem>>
      %dma_start3A_402 = arith.constant 0 : i32
      %dma_start3A_403 = arith.constant 0 : i32
      %dma_start3A_404 = tpu.memref_slice %arg7[%dma_start3A_402, %dma_start3A_403] : memref<10016x128xf32, #tpu.memory_space<vmem_shared>> -> memref<10016x128xf32, #tpu.memory_space<vmem_shared>>
      tpu.enqueue_indirect_dma source(%dma_start3A_404 : memref<10016x128xf32, #tpu.memory_space<vmem_shared>>) target(%dma_start3A_398 : memref<128x128xf32, #tpu.memory_space<vmem>>) offsets(%dma_start3A_401 : memref<128xi32, #tpu.memory_space<vmem>>) semaphore(%arg11 : memref<!tpu.dma_semaphore, #tpu.memory_space<semaphore_mem>>)
      %dma_wait3A_405 = arith.constant 0 : i32
      %dma_wait3A_406 = arith.constant 6 : i32
      %dma_wait3A_407 = arith.constant 0 : i32
      %dma_wait3A_408 = arith.constant 0 : i32
      %dma_wait3A_409 = arith.constant 0 : i32
      %dma_wait3A_410 = tpu.memref_slice %arg8[%dma_wait3A_407, %dma_wait3A_408, %dma_wait3A_409] : memref<2x128x128xf32, #tpu.memory_space<vmem>> -> memref<1x128x128xf32, #tpu.memory_space<vmem>>
      %dma_wait3A_411 = tpu.memref_squeeze %dma_wait3A_410 : memref<1x128x128xf32, #tpu.memory_space<vmem>> -> memref<128x128xf32, #tpu.memory_space<vmem>>
      %dma_wait3A_412 = arith.constant 0 : i32
      %dma_wait3A_413 = tpu.memref_slice %arg9[%dma_wait3A_405, %dma_wait3A_406, %dma_wait3A_412] : memref<2x8x128xi32, #tpu.memory_space<vmem>> -> memref<1x1x128xi32, #tpu.memory_space<vmem>>
      %dma_wait3A_414 = tpu.memref_squeeze %dma_wait3A_413 : memref<1x1x128xi32, #tpu.memory_space<vmem>> -> memref<128xi32, #tpu.memory_space<vmem>>
      %dma_wait3A_415 = arith.constant 0 : i32
      %dma_wait3A_416 = arith.constant 0 : i32
      %dma_wait3A_417 = tpu.memref_slice %arg7[%dma_wait3A_415, %dma_wait3A_416] : memref<10016x128xf32, #tpu.memory_space<vmem_shared>> -> memref<10016x128xf32, #tpu.memory_space<vmem_shared>>
      tpu.wait_indirect_dma semaphore(%arg11 : memref<!tpu.dma_semaphore, #tpu.memory_space<semaphore_mem>>) src(%dma_wait3A_417 : memref<10016x128xf32, #tpu.memory_space<vmem_shared>>) dst(%dma_wait3A_411 : memref<128x128xf32, #tpu.memory_space<vmem>>)
      %dma_start3A_418 = arith.constant 0 : i32
      %dma_start3A_419 = arith.constant 0 : i32
      %dma_start3A_420 = arith.constant 6 : i32
      %dma_start3A_421 = arith.constant 0 : i32
      %dma_start3A_422 = arith.constant 0 : i32
      %dma_start3A_423 = tpu.memref_slice %arg8[%dma_start3A_418, %dma_start3A_421, %dma_start3A_422] : memref<2x128x128xf32, #tpu.memory_space<vmem>> -> memref<1x128x128xf32, #tpu.memory_space<vmem>>
      %dma_start3A_424 = tpu.memref_squeeze %dma_start3A_423 : memref<1x128x128xf32, #tpu.memory_space<vmem>> -> memref<128x128xf32, #tpu.memory_space<vmem>>
      %dma_start3A_425 = arith.constant 0 : i32
      %dma_start3A_426 = tpu.memref_slice %arg10[%dma_start3A_419, %dma_start3A_420, %dma_start3A_425] : memref<2x8x128xi32, #tpu.memory_space<vmem>> -> memref<1x1x128xi32, #tpu.memory_space<vmem>>
      %dma_start3A_427 = tpu.memref_squeeze %dma_start3A_426 : memref<1x1x128xi32, #tpu.memory_space<vmem>> -> memref<128xi32, #tpu.memory_space<vmem>>
      %dma_start3A_428 = arith.constant 0 : i32
      %dma_start3A_429 = arith.constant 0 : i32
      %dma_start3A_430 = tpu.memref_slice %arg7[%dma_start3A_428, %dma_start3A_429] : memref<10016x128xf32, #tpu.memory_space<vmem_shared>> -> memref<10016x128xf32, #tpu.memory_space<vmem_shared>>
      tpu.enqueue_indirect_dma source(%dma_start3A_424 : memref<128x128xf32, #tpu.memory_space<vmem>>) target(%dma_start3A_430 : memref<10016x128xf32, #tpu.memory_space<vmem_shared>>) offsets(%dma_start3A_427 : memref<128xi32, #tpu.memory_space<vmem>>) semaphore(%arg13 : memref<!tpu.dma_semaphore, #tpu.memory_space<semaphore_mem>>) {add = true}
      %dma_wait3A_431 = arith.constant 1 : i32
      %dma_wait3A_432 = arith.constant 0 : i32
      %dma_wait3A_433 = arith.constant 5 : i32
      %dma_wait3A_434 = arith.constant 0 : i32
      %dma_wait3A_435 = arith.constant 0 : i32
      %dma_wait3A_436 = tpu.memref_slice %arg8[%dma_wait3A_431, %dma_wait3A_434, %dma_wait3A_435] : memref<2x128x128xf32, #tpu.memory_space<vmem>> -> memref<1x128x128xf32, #tpu.memory_space<vmem>>
      %dma_wait3A_437 = tpu.memref_squeeze %dma_wait3A_436 : memref<1x128x128xf32, #tpu.memory_space<vmem>> -> memref<128x128xf32, #tpu.memory_space<vmem>>
      %dma_wait3A_438 = arith.constant 0 : i32
      %dma_wait3A_439 = tpu.memref_slice %arg10[%dma_wait3A_432, %dma_wait3A_433, %dma_wait3A_438] : memref<2x8x128xi32, #tpu.memory_space<vmem>> -> memref<1x1x128xi32, #tpu.memory_space<vmem>>
      %dma_wait3A_440 = tpu.memref_squeeze %dma_wait3A_439 : memref<1x1x128xi32, #tpu.memory_space<vmem>> -> memref<128xi32, #tpu.memory_space<vmem>>
      %dma_wait3A_441 = arith.constant 0 : i32
      %dma_wait3A_442 = arith.constant 0 : i32
      %dma_wait3A_443 = tpu.memref_slice %arg7[%dma_wait3A_441, %dma_wait3A_442] : memref<10016x128xf32, #tpu.memory_space<vmem_shared>> -> memref<10016x128xf32, #tpu.memory_space<vmem_shared>>
      tpu.wait_indirect_dma semaphore(%arg14 : memref<!tpu.dma_semaphore, #tpu.memory_space<semaphore_mem>>) src(%dma_wait3A_437 : memref<128x128xf32, #tpu.memory_space<vmem>>) dst(%dma_wait3A_443 : memref<10016x128xf32, #tpu.memory_space<vmem_shared>>)
      %dma_start3A_444 = arith.constant 0 : i32
      %dma_start3A_445 = arith.constant 7 : i32
      %dma_start3A_446 = arith.constant 1 : i32
      %dma_start3A_447 = arith.constant 0 : i32
      %dma_start3A_448 = arith.constant 0 : i32
      %dma_start3A_449 = tpu.memref_slice %arg8[%dma_start3A_446, %dma_start3A_447, %dma_start3A_448] : memref<2x128x128xf32, #tpu.memory_space<vmem>> -> memref<1x128x128xf32, #tpu.memory_space<vmem>>
      %dma_start3A_450 = tpu.memref_squeeze %dma_start3A_449 : memref<1x128x128xf32, #tpu.memory_space<vmem>> -> memref<128x128xf32, #tpu.memory_space<vmem>>
      %dma_start3A_451 = arith.constant 0 : i32
      %dma_start3A_452 = tpu.memref_slice %arg9[%dma_start3A_444, %dma_start3A_445, %dma_start3A_451] : memref<2x8x128xi32, #tpu.memory_space<vmem>> -> memref<1x1x128xi32, #tpu.memory_space<vmem>>
      %dma_start3A_453 = tpu.memref_squeeze %dma_start3A_452 : memref<1x1x128xi32, #tpu.memory_space<vmem>> -> memref<128xi32, #tpu.memory_space<vmem>>
      %dma_start3A_454 = arith.constant 0 : i32
      %dma_start3A_455 = arith.constant 0 : i32
      %dma_start3A_456 = tpu.memref_slice %arg7[%dma_start3A_454, %dma_start3A_455] : memref<10016x128xf32, #tpu.memory_space<vmem_shared>> -> memref<10016x128xf32, #tpu.memory_space<vmem_shared>>
      tpu.enqueue_indirect_dma source(%dma_start3A_456 : memref<10016x128xf32, #tpu.memory_space<vmem_shared>>) target(%dma_start3A_450 : memref<128x128xf32, #tpu.memory_space<vmem>>) offsets(%dma_start3A_453 : memref<128xi32, #tpu.memory_space<vmem>>) semaphore(%arg12 : memref<!tpu.dma_semaphore, #tpu.memory_space<semaphore_mem>>)
      %dma_wait3A_457 = arith.constant 0 : i32
      %dma_wait3A_458 = arith.constant 7 : i32
      %dma_wait3A_459 = arith.constant 1 : i32
      %dma_wait3A_460 = arith.constant 0 : i32
      %dma_wait3A_461 = arith.constant 0 : i32
      %dma_wait3A_462 = tpu.memref_slice %arg8[%dma_wait3A_459, %dma_wait3A_460, %dma_wait3A_461] : memref<2x128x128xf32, #tpu.memory_space<vmem>> -> memref<1x128x128xf32, #tpu.memory_space<vmem>>
      %dma_wait3A_463 = tpu.memref_squeeze %dma_wait3A_462 : memref<1x128x128xf32, #tpu.memory_space<vmem>> -> memref<128x128xf32, #tpu.memory_space<vmem>>
      %dma_wait3A_464 = arith.constant 0 : i32
      %dma_wait3A_465 = tpu.memref_slice %arg9[%dma_wait3A_457, %dma_wait3A_458, %dma_wait3A_464] : memref<2x8x128xi32, #tpu.memory_space<vmem>> -> memref<1x1x128xi32, #tpu.memory_space<vmem>>
      %dma_wait3A_466 = tpu.memref_squeeze %dma_wait3A_465 : memref<1x1x128xi32, #tpu.memory_space<vmem>> -> memref<128xi32, #tpu.memory_space<vmem>>
      %dma_wait3A_467 = arith.constant 0 : i32
      %dma_wait3A_468 = arith.constant 0 : i32
      %dma_wait3A_469 = tpu.memref_slice %arg7[%dma_wait3A_467, %dma_wait3A_468] : memref<10016x128xf32, #tpu.memory_space<vmem_shared>> -> memref<10016x128xf32, #tpu.memory_space<vmem_shared>>
      tpu.wait_indirect_dma semaphore(%arg12 : memref<!tpu.dma_semaphore, #tpu.memory_space<semaphore_mem>>) src(%dma_wait3A_469 : memref<10016x128xf32, #tpu.memory_space<vmem_shared>>) dst(%dma_wait3A_463 : memref<128x128xf32, #tpu.memory_space<vmem>>)
      %dma_start3A_470 = arith.constant 1 : i32
      %dma_start3A_471 = arith.constant 0 : i32
      %dma_start3A_472 = arith.constant 7 : i32
      %dma_start3A_473 = arith.constant 0 : i32
      %dma_start3A_474 = arith.constant 0 : i32
      %dma_start3A_475 = tpu.memref_slice %arg8[%dma_start3A_470, %dma_start3A_473, %dma_start3A_474] : memref<2x128x128xf32, #tpu.memory_space<vmem>> -> memref<1x128x128xf32, #tpu.memory_space<vmem>>
      %dma_start3A_476 = tpu.memref_squeeze %dma_start3A_475 : memref<1x128x128xf32, #tpu.memory_space<vmem>> -> memref<128x128xf32, #tpu.memory_space<vmem>>
      %dma_start3A_477 = arith.constant 0 : i32
      %dma_start3A_478 = tpu.memref_slice %arg10[%dma_start3A_471, %dma_start3A_472, %dma_start3A_477] : memref<2x8x128xi32, #tpu.memory_space<vmem>> -> memref<1x1x128xi32, #tpu.memory_space<vmem>>
      %dma_start3A_479 = tpu.memref_squeeze %dma_start3A_478 : memref<1x1x128xi32, #tpu.memory_space<vmem>> -> memref<128xi32, #tpu.memory_space<vmem>>
      %dma_start3A_480 = arith.constant 0 : i32
      %dma_start3A_481 = arith.constant 0 : i32
      %dma_start3A_482 = tpu.memref_slice %arg7[%dma_start3A_480, %dma_start3A_481] : memref<10016x128xf32, #tpu.memory_space<vmem_shared>> -> memref<10016x128xf32, #tpu.memory_space<vmem_shared>>
      tpu.enqueue_indirect_dma source(%dma_start3A_476 : memref<128x128xf32, #tpu.memory_space<vmem>>) target(%dma_start3A_482 : memref<10016x128xf32, #tpu.memory_space<vmem_shared>>) offsets(%dma_start3A_479 : memref<128xi32, #tpu.memory_space<vmem>>) semaphore(%arg14 : memref<!tpu.dma_semaphore, #tpu.memory_space<semaphore_mem>>) {add = true}
      %dma_wait3A_483 = arith.constant 0 : i32
      %dma_wait3A_484 = arith.constant 0 : i32
      %dma_wait3A_485 = arith.constant 6 : i32
      %dma_wait3A_486 = arith.constant 0 : i32
      %dma_wait3A_487 = arith.constant 0 : i32
      %dma_wait3A_488 = tpu.memref_slice %arg8[%dma_wait3A_483, %dma_wait3A_486, %dma_wait3A_487] : memref<2x128x128xf32, #tpu.memory_space<vmem>> -> memref<1x128x128xf32, #tpu.memory_space<vmem>>
      %dma_wait3A_489 = tpu.memref_squeeze %dma_wait3A_488 : memref<1x128x128xf32, #tpu.memory_space<vmem>> -> memref<128x128xf32, #tpu.memory_space<vmem>>
      %dma_wait3A_490 = arith.constant 0 : i32
      %dma_wait3A_491 = tpu.memref_slice %arg10[%dma_wait3A_484, %dma_wait3A_485, %dma_wait3A_490] : memref<2x8x128xi32, #tpu.memory_space<vmem>> -> memref<1x1x128xi32, #tpu.memory_space<vmem>>
      %dma_wait3A_492 = tpu.memref_squeeze %dma_wait3A_491 : memref<1x1x128xi32, #tpu.memory_space<vmem>> -> memref<128xi32, #tpu.memory_space<vmem>>
      %dma_wait3A_493 = arith.constant 0 : i32
      %dma_wait3A_494 = arith.constant 0 : i32
      %dma_wait3A_495 = tpu.memref_slice %arg7[%dma_wait3A_493, %dma_wait3A_494] : memref<10016x128xf32, #tpu.memory_space<vmem_shared>> -> memref<10016x128xf32, #tpu.memory_space<vmem_shared>>
      tpu.wait_indirect_dma semaphore(%arg13 : memref<!tpu.dma_semaphore, #tpu.memory_space<semaphore_mem>>) src(%dma_wait3A_489 : memref<128x128xf32, #tpu.memory_space<vmem>>) dst(%dma_wait3A_495 : memref<10016x128xf32, #tpu.memory_space<vmem_shared>>)
      %add3A_496 = arith.constant 1 : i32
      %add3A_497 = arith.addi %add3A_67, %add3A_496 : i32
      %mul3A_498 = arith.constant 8 : i32
      %mul3A_499 = arith.muli %add3A_497, %mul3A_498 : i32
      %add3A_500 = arith.addi %mul3A_2, %mul3A_499 : i32
      %dma_wait3A_501 = arith.constant 1 : i32
      %dma_wait3A_502 = arith.constant 0 : i32
      %dma_wait3A_503 = arith.constant 0 : i32
      %dma_wait3A_504 = tpu.memref_slice %arg9[%dma_wait3A_501, %dma_wait3A_502, %dma_wait3A_503] : memref<2x8x128xi32, #tpu.memory_space<vmem>> -> memref<1x8x128xi32, #tpu.memory_space<vmem>>
      %dma_wait3A_505 = tpu.memref_squeeze %dma_wait3A_504 : memref<1x8x128xi32, #tpu.memory_space<vmem>> -> memref<8x128xi32, #tpu.memory_space<vmem>>
      %dma_wait3A_506 = arith.constant 0 : i32
      %dma_wait3A_507 = tpu.memref_slice %arg4[%add3A_500, %dma_wait3A_506] : memref<2560x128xi32, #tpu.memory_space<hbm>> -> memref<8x128xi32, #tpu.memory_space<hbm>>
      %dma_wait3A_508 = arith.constant 0 : i32
      %dma_wait3A_509 = arith.constant 0 : i32
      %dma_wait3A_510 = tpu.memref_slice %arg9[%dma_wait3A_501, %dma_wait3A_508, %dma_wait3A_509] : memref<2x8x128xi32, #tpu.memory_space<vmem>> -> memref<1x8x128xi32, #tpu.memory_space<vmem>>
      %dma_wait3A_511 = tpu.memref_squeeze %dma_wait3A_510 : memref<1x8x128xi32, #tpu.memory_space<vmem>> -> memref<8x128xi32, #tpu.memory_space<vmem>>
      %dma_wait3A_512 = arith.constant 0 : i32
      %dma_wait3A_513 = tpu.memref_slice %arg4[%add3A_500, %dma_wait3A_512] : memref<2560x128xi32, #tpu.memory_space<hbm>> -> memref<8x128xi32, #tpu.memory_space<hbm>>
      tpu.wait_dma2 semaphore(%arg15 : memref<!tpu.dma_semaphore, #tpu.memory_space<semaphore_mem>>) src(%dma_wait3A_513 : memref<8x128xi32, #tpu.memory_space<hbm>>) dst(%dma_wait3A_511 : memref<8x128xi32, #tpu.memory_space<vmem>>)
      %mul3A_514 = arith.constant 8 : i32
      %mul3A_515 = arith.muli %add3A_497, %mul3A_514 : i32
      %add3A_516 = arith.addi %mul3A_2, %mul3A_515 : i32
      %dma_wait3A_517 = arith.constant 1 : i32
      %dma_wait3A_518 = arith.constant 0 : i32
      %dma_wait3A_519 = arith.constant 0 : i32
      %dma_wait3A_520 = tpu.memref_slice %arg10[%dma_wait3A_517, %dma_wait3A_518, %dma_wait3A_519] : memref<2x8x128xi32, #tpu.memory_space<vmem>> -> memref<1x8x128xi32, #tpu.memory_space<vmem>>
      %dma_wait3A_521 = tpu.memref_squeeze %dma_wait3A_520 : memref<1x8x128xi32, #tpu.memory_space<vmem>> -> memref<8x128xi32, #tpu.memory_space<vmem>>
      %dma_wait3A_522 = arith.constant 0 : i32
      %dma_wait3A_523 = tpu.memref_slice %arg3[%add3A_516, %dma_wait3A_522] : memref<2560x128xi32, #tpu.memory_space<hbm>> -> memref<8x128xi32, #tpu.memory_space<hbm>>
      %dma_wait3A_524 = arith.constant 0 : i32
      %dma_wait3A_525 = arith.constant 0 : i32
      %dma_wait3A_526 = tpu.memref_slice %arg10[%dma_wait3A_517, %dma_wait3A_524, %dma_wait3A_525] : memref<2x8x128xi32, #tpu.memory_space<vmem>> -> memref<1x8x128xi32, #tpu.memory_space<vmem>>
      %dma_wait3A_527 = tpu.memref_squeeze %dma_wait3A_526 : memref<1x8x128xi32, #tpu.memory_space<vmem>> -> memref<8x128xi32, #tpu.memory_space<vmem>>
      %dma_wait3A_528 = arith.constant 0 : i32
      %dma_wait3A_529 = tpu.memref_slice %arg3[%add3A_516, %dma_wait3A_528] : memref<2560x128xi32, #tpu.memory_space<hbm>> -> memref<8x128xi32, #tpu.memory_space<hbm>>
      tpu.wait_dma2 semaphore(%arg15 : memref<!tpu.dma_semaphore, #tpu.memory_space<semaphore_mem>>) src(%dma_wait3A_529 : memref<8x128xi32, #tpu.memory_space<hbm>>) dst(%dma_wait3A_527 : memref<8x128xi32, #tpu.memory_space<vmem>>)
      %dma_start3A_530 = arith.constant 1 : i32
      %dma_start3A_531 = arith.constant 0 : i32
      %dma_start3A_532 = arith.constant 0 : i32
      %dma_start3A_533 = arith.constant 0 : i32
      %dma_start3A_534 = arith.constant 0 : i32
      %dma_start3A_535 = tpu.memref_slice %arg8[%dma_start3A_532, %dma_start3A_533, %dma_start3A_534] : memref<2x128x128xf32, #tpu.memory_space<vmem>> -> memref<1x128x128xf32, #tpu.memory_space<vmem>>
      %dma_start3A_536 = tpu.memref_squeeze %dma_start3A_535 : memref<1x128x128xf32, #tpu.memory_space<vmem>> -> memref<128x128xf32, #tpu.memory_space<vmem>>
      %dma_start3A_537 = arith.constant 0 : i32
      %dma_start3A_538 = tpu.memref_slice %arg9[%dma_start3A_530, %dma_start3A_531, %dma_start3A_537] : memref<2x8x128xi32, #tpu.memory_space<vmem>> -> memref<1x1x128xi32, #tpu.memory_space<vmem>>
      %dma_start3A_539 = tpu.memref_squeeze %dma_start3A_538 : memref<1x1x128xi32, #tpu.memory_space<vmem>> -> memref<128xi32, #tpu.memory_space<vmem>>
      %dma_start3A_540 = arith.constant 0 : i32
      %dma_start3A_541 = arith.constant 0 : i32
      %dma_start3A_542 = tpu.memref_slice %arg7[%dma_start3A_540, %dma_start3A_541] : memref<10016x128xf32, #tpu.memory_space<vmem_shared>> -> memref<10016x128xf32, #tpu.memory_space<vmem_shared>>
      tpu.enqueue_indirect_dma source(%dma_start3A_542 : memref<10016x128xf32, #tpu.memory_space<vmem_shared>>) target(%dma_start3A_536 : memref<128x128xf32, #tpu.memory_space<vmem>>) offsets(%dma_start3A_539 : memref<128xi32, #tpu.memory_space<vmem>>) semaphore(%arg11 : memref<!tpu.dma_semaphore, #tpu.memory_space<semaphore_mem>>)
      %mul3A_543 = arith.constant 2 : i32
      %mul3A_544 = arith.muli %mul3A_543, %add3A_63 : i32
      %add3A_545 = arith.constant 1 : i32
      %add3A_546 = arith.addi %mul3A_544, %add3A_545 : i32
      %dma_wait3A_547 = arith.constant 1 : i32
      %dma_wait3A_548 = arith.constant 0 : i32
      %dma_wait3A_549 = arith.constant 0 : i32
      %dma_wait3A_550 = arith.constant 0 : i32
      %dma_wait3A_551 = arith.constant 0 : i32
      %dma_wait3A_552 = tpu.memref_slice %arg8[%dma_wait3A_549, %dma_wait3A_550, %dma_wait3A_551] : memref<2x128x128xf32, #tpu.memory_space<vmem>> -> memref<1x128x128xf32, #tpu.memory_space<vmem>>
      %dma_wait3A_553 = tpu.memref_squeeze %dma_wait3A_552 : memref<1x128x128xf32, #tpu.memory_space<vmem>> -> memref<128x128xf32, #tpu.memory_space<vmem>>
      %dma_wait3A_554 = arith.constant 0 : i32
      %dma_wait3A_555 = tpu.memref_slice %arg9[%dma_wait3A_547, %dma_wait3A_548, %dma_wait3A_554] : memref<2x8x128xi32, #tpu.memory_space<vmem>> -> memref<1x1x128xi32, #tpu.memory_space<vmem>>
      %dma_wait3A_556 = tpu.memref_squeeze %dma_wait3A_555 : memref<1x1x128xi32, #tpu.memory_space<vmem>> -> memref<128xi32, #tpu.memory_space<vmem>>
      %dma_wait3A_557 = arith.constant 0 : i32
      %dma_wait3A_558 = arith.constant 0 : i32
      %dma_wait3A_559 = tpu.memref_slice %arg7[%dma_wait3A_557, %dma_wait3A_558] : memref<10016x128xf32, #tpu.memory_space<vmem_shared>> -> memref<10016x128xf32, #tpu.memory_space<vmem_shared>>
      tpu.wait_indirect_dma semaphore(%arg11 : memref<!tpu.dma_semaphore, #tpu.memory_space<semaphore_mem>>) src(%dma_wait3A_559 : memref<10016x128xf32, #tpu.memory_space<vmem_shared>>) dst(%dma_wait3A_553 : memref<128x128xf32, #tpu.memory_space<vmem>>)
      %dma_start3A_560 = arith.constant 0 : i32
      %dma_start3A_561 = arith.constant 1 : i32
      %dma_start3A_562 = arith.constant 0 : i32
      %dma_start3A_563 = arith.constant 0 : i32
      %dma_start3A_564 = arith.constant 0 : i32
      %dma_start3A_565 = tpu.memref_slice %arg8[%dma_start3A_560, %dma_start3A_563, %dma_start3A_564] : memref<2x128x128xf32, #tpu.memory_space<vmem>> -> memref<1x128x128xf32, #tpu.memory_space<vmem>>
      %dma_start3A_566 = tpu.memref_squeeze %dma_start3A_565 : memref<1x128x128xf32, #tpu.memory_space<vmem>> -> memref<128x128xf32, #tpu.memory_space<vmem>>
      %dma_start3A_567 = arith.constant 0 : i32
      %dma_start3A_568 = tpu.memref_slice %arg10[%dma_start3A_561, %dma_start3A_562, %dma_start3A_567] : memref<2x8x128xi32, #tpu.memory_space<vmem>> -> memref<1x1x128xi32, #tpu.memory_space<vmem>>
      %dma_start3A_569 = tpu.memref_squeeze %dma_start3A_568 : memref<1x1x128xi32, #tpu.memory_space<vmem>> -> memref<128xi32, #tpu.memory_space<vmem>>
      %dma_start3A_570 = arith.constant 0 : i32
      %dma_start3A_571 = arith.constant 0 : i32
      %dma_start3A_572 = tpu.memref_slice %arg7[%dma_start3A_570, %dma_start3A_571] : memref<10016x128xf32, #tpu.memory_space<vmem_shared>> -> memref<10016x128xf32, #tpu.memory_space<vmem_shared>>
      tpu.enqueue_indirect_dma source(%dma_start3A_566 : memref<128x128xf32, #tpu.memory_space<vmem>>) target(%dma_start3A_572 : memref<10016x128xf32, #tpu.memory_space<vmem_shared>>) offsets(%dma_start3A_569 : memref<128xi32, #tpu.memory_space<vmem>>) semaphore(%arg13 : memref<!tpu.dma_semaphore, #tpu.memory_space<semaphore_mem>>) {add = true}
      %dma_wait3A_573 = arith.constant 1 : i32
      %dma_wait3A_574 = arith.constant 0 : i32
      %dma_wait3A_575 = arith.constant 7 : i32
      %dma_wait3A_576 = arith.constant 0 : i32
      %dma_wait3A_577 = arith.constant 0 : i32
      %dma_wait3A_578 = tpu.memref_slice %arg8[%dma_wait3A_573, %dma_wait3A_576, %dma_wait3A_577] : memref<2x128x128xf32, #tpu.memory_space<vmem>> -> memref<1x128x128xf32, #tpu.memory_space<vmem>>
      %dma_wait3A_579 = tpu.memref_squeeze %dma_wait3A_578 : memref<1x128x128xf32, #tpu.memory_space<vmem>> -> memref<128x128xf32, #tpu.memory_space<vmem>>
      %dma_wait3A_580 = arith.constant 0 : i32
      %dma_wait3A_581 = tpu.memref_slice %arg10[%dma_wait3A_574, %dma_wait3A_575, %dma_wait3A_580] : memref<2x8x128xi32, #tpu.memory_space<vmem>> -> memref<1x1x128xi32, #tpu.memory_space<vmem>>
      %dma_wait3A_582 = tpu.memref_squeeze %dma_wait3A_581 : memref<1x1x128xi32, #tpu.memory_space<vmem>> -> memref<128xi32, #tpu.memory_space<vmem>>
      %dma_wait3A_583 = arith.constant 0 : i32
      %dma_wait3A_584 = arith.constant 0 : i32
      %dma_wait3A_585 = tpu.memref_slice %arg7[%dma_wait3A_583, %dma_wait3A_584] : memref<10016x128xf32, #tpu.memory_space<vmem_shared>> -> memref<10016x128xf32, #tpu.memory_space<vmem_shared>>
      tpu.wait_indirect_dma semaphore(%arg14 : memref<!tpu.dma_semaphore, #tpu.memory_space<semaphore_mem>>) src(%dma_wait3A_579 : memref<128x128xf32, #tpu.memory_space<vmem>>) dst(%dma_wait3A_585 : memref<10016x128xf32, #tpu.memory_space<vmem_shared>>)
      %dma_start3A_586 = arith.constant 1 : i32
      %dma_start3A_587 = arith.constant 1 : i32
      %dma_start3A_588 = arith.constant 1 : i32
      %dma_start3A_589 = arith.constant 0 : i32
      %dma_start3A_590 = arith.constant 0 : i32
      %dma_start3A_591 = tpu.memref_slice %arg8[%dma_start3A_588, %dma_start3A_589, %dma_start3A_590] : memref<2x128x128xf32, #tpu.memory_space<vmem>> -> memref<1x128x128xf32, #tpu.memory_space<vmem>>
      %dma_start3A_592 = tpu.memref_squeeze %dma_start3A_591 : memref<1x128x128xf32, #tpu.memory_space<vmem>> -> memref<128x128xf32, #tpu.memory_space<vmem>>
      %dma_start3A_593 = arith.constant 0 : i32
      %dma_start3A_594 = tpu.memref_slice %arg9[%dma_start3A_586, %dma_start3A_587, %dma_start3A_593] : memref<2x8x128xi32, #tpu.memory_space<vmem>> -> memref<1x1x128xi32, #tpu.memory_space<vmem>>
      %dma_start3A_595 = tpu.memref_squeeze %dma_start3A_594 : memref<1x1x128xi32, #tpu.memory_space<vmem>> -> memref<128xi32, #tpu.memory_space<vmem>>
      %dma_start3A_596 = arith.constant 0 : i32
      %dma_start3A_597 = arith.constant 0 : i32
      %dma_start3A_598 = tpu.memref_slice %arg7[%dma_start3A_596, %dma_start3A_597] : memref<10016x128xf32, #tpu.memory_space<vmem_shared>> -> memref<10016x128xf32, #tpu.memory_space<vmem_shared>>
      tpu.enqueue_indirect_dma source(%dma_start3A_598 : memref<10016x128xf32, #tpu.memory_space<vmem_shared>>) target(%dma_start3A_592 : memref<128x128xf32, #tpu.memory_space<vmem>>) offsets(%dma_start3A_595 : memref<128xi32, #tpu.memory_space<vmem>>) semaphore(%arg12 : memref<!tpu.dma_semaphore, #tpu.memory_space<semaphore_mem>>)
      %dma_wait3A_599 = arith.constant 1 : i32
      %dma_wait3A_600 = arith.constant 1 : i32
      %dma_wait3A_601 = arith.constant 1 : i32
      %dma_wait3A_602 = arith.constant 0 : i32
      %dma_wait3A_603 = arith.constant 0 : i32
      %dma_wait3A_604 = tpu.memref_slice %arg8[%dma_wait3A_601, %dma_wait3A_602, %dma_wait3A_603] : memref<2x128x128xf32, #tpu.memory_space<vmem>> -> memref<1x128x128xf32, #tpu.memory_space<vmem>>
      %dma_wait3A_605 = tpu.memref_squeeze %dma_wait3A_604 : memref<1x128x128xf32, #tpu.memory_space<vmem>> -> memref<128x128xf32, #tpu.memory_space<vmem>>
      %dma_wait3A_606 = arith.constant 0 : i32
      %dma_wait3A_607 = tpu.memref_slice %arg9[%dma_wait3A_599, %dma_wait3A_600, %dma_wait3A_606] : memref<2x8x128xi32, #tpu.memory_space<vmem>> -> memref<1x1x128xi32, #tpu.memory_space<vmem>>
      %dma_wait3A_608 = tpu.memref_squeeze %dma_wait3A_607 : memref<1x1x128xi32, #tpu.memory_space<vmem>> -> memref<128xi32, #tpu.memory_space<vmem>>
      %dma_wait3A_609 = arith.constant 0 : i32
      %dma_wait3A_610 = arith.constant 0 : i32
      %dma_wait3A_611 = tpu.memref_slice %arg7[%dma_wait3A_609, %dma_wait3A_610] : memref<10016x128xf32, #tpu.memory_space<vmem_shared>> -> memref<10016x128xf32, #tpu.memory_space<vmem_shared>>
      tpu.wait_indirect_dma semaphore(%arg12 : memref<!tpu.dma_semaphore, #tpu.memory_space<semaphore_mem>>) src(%dma_wait3A_611 : memref<10016x128xf32, #tpu.memory_space<vmem_shared>>) dst(%dma_wait3A_605 : memref<128x128xf32, #tpu.memory_space<vmem>>)
      %dma_start3A_612 = arith.constant 1 : i32
      %dma_start3A_613 = arith.constant 1 : i32
      %dma_start3A_614 = arith.constant 1 : i32
      %dma_start3A_615 = arith.constant 0 : i32
      %dma_start3A_616 = arith.constant 0 : i32
      %dma_start3A_617 = tpu.memref_slice %arg8[%dma_start3A_612, %dma_start3A_615, %dma_start3A_616] : memref<2x128x128xf32, #tpu.memory_space<vmem>> -> memref<1x128x128xf32, #tpu.memory_space<vmem>>
      %dma_start3A_618 = tpu.memref_squeeze %dma_start3A_617 : memref<1x128x128xf32, #tpu.memory_space<vmem>> -> memref<128x128xf32, #tpu.memory_space<vmem>>
      %dma_start3A_619 = arith.constant 0 : i32
      %dma_start3A_620 = tpu.memref_slice %arg10[%dma_start3A_613, %dma_start3A_614, %dma_start3A_619] : memref<2x8x128xi32, #tpu.memory_space<vmem>> -> memref<1x1x128xi32, #tpu.memory_space<vmem>>
      %dma_start3A_621 = tpu.memref_squeeze %dma_start3A_620 : memref<1x1x128xi32, #tpu.memory_space<vmem>> -> memref<128xi32, #tpu.memory_space<vmem>>
      %dma_start3A_622 = arith.constant 0 : i32
      %dma_start3A_623 = arith.constant 0 : i32
      %dma_start3A_624 = tpu.memref_slice %arg7[%dma_start3A_622, %dma_start3A_623] : memref<10016x128xf32, #tpu.memory_space<vmem_shared>> -> memref<10016x128xf32, #tpu.memory_space<vmem_shared>>
      tpu.enqueue_indirect_dma source(%dma_start3A_618 : memref<128x128xf32, #tpu.memory_space<vmem>>) target(%dma_start3A_624 : memref<10016x128xf32, #tpu.memory_space<vmem_shared>>) offsets(%dma_start3A_621 : memref<128xi32, #tpu.memory_space<vmem>>) semaphore(%arg14 : memref<!tpu.dma_semaphore, #tpu.memory_space<semaphore_mem>>) {add = true}
      %dma_wait3A_625 = arith.constant 0 : i32
      %dma_wait3A_626 = arith.constant 1 : i32
      %dma_wait3A_627 = arith.constant 0 : i32
      %dma_wait3A_628 = arith.constant 0 : i32
      %dma_wait3A_629 = arith.constant 0 : i32
      %dma_wait3A_630 = tpu.memref_slice %arg8[%dma_wait3A_625, %dma_wait3A_628, %dma_wait3A_629] : memref<2x128x128xf32, #tpu.memory_space<vmem>> -> memref<1x128x128xf32, #tpu.memory_space<vmem>>
      %dma_wait3A_631 = tpu.memref_squeeze %dma_wait3A_630 : memref<1x128x128xf32, #tpu.memory_space<vmem>> -> memref<128x128xf32, #tpu.memory_space<vmem>>
      %dma_wait3A_632 = arith.constant 0 : i32
      %dma_wait3A_633 = tpu.memref_slice %arg10[%dma_wait3A_626, %dma_wait3A_627, %dma_wait3A_632] : memref<2x8x128xi32, #tpu.memory_space<vmem>> -> memref<1x1x128xi32, #tpu.memory_space<vmem>>
      %dma_wait3A_634 = tpu.memref_squeeze %dma_wait3A_633 : memref<1x1x128xi32, #tpu.memory_space<vmem>> -> memref<128xi32, #tpu.memory_space<vmem>>
      %dma_wait3A_635 = arith.constant 0 : i32
      %dma_wait3A_636 = arith.constant 0 : i32
      %dma_wait3A_637 = tpu.memref_slice %arg7[%dma_wait3A_635, %dma_wait3A_636] : memref<10016x128xf32, #tpu.memory_space<vmem_shared>> -> memref<10016x128xf32, #tpu.memory_space<vmem_shared>>
      tpu.wait_indirect_dma semaphore(%arg13 : memref<!tpu.dma_semaphore, #tpu.memory_space<semaphore_mem>>) src(%dma_wait3A_631 : memref<128x128xf32, #tpu.memory_space<vmem>>) dst(%dma_wait3A_637 : memref<10016x128xf32, #tpu.memory_space<vmem_shared>>)
      %dma_start3A_638 = arith.constant 1 : i32
      %dma_start3A_639 = arith.constant 2 : i32
      %dma_start3A_640 = arith.constant 0 : i32
      %dma_start3A_641 = arith.constant 0 : i32
      %dma_start3A_642 = arith.constant 0 : i32
      %dma_start3A_643 = tpu.memref_slice %arg8[%dma_start3A_640, %dma_start3A_641, %dma_start3A_642] : memref<2x128x128xf32, #tpu.memory_space<vmem>> -> memref<1x128x128xf32, #tpu.memory_space<vmem>>
      %dma_start3A_644 = tpu.memref_squeeze %dma_start3A_643 : memref<1x128x128xf32, #tpu.memory_space<vmem>> -> memref<128x128xf32, #tpu.memory_space<vmem>>
      %dma_start3A_645 = arith.constant 0 : i32
      %dma_start3A_646 = tpu.memref_slice %arg9[%dma_start3A_638, %dma_start3A_639, %dma_start3A_645] : memref<2x8x128xi32, #tpu.memory_space<vmem>> -> memref<1x1x128xi32, #tpu.memory_space<vmem>>
      %dma_start3A_647 = tpu.memref_squeeze %dma_start3A_646 : memref<1x1x128xi32, #tpu.memory_space<vmem>> -> memref<128xi32, #tpu.memory_space<vmem>>
      %dma_start3A_648 = arith.constant 0 : i32
      %dma_start3A_649 = arith.constant 0 : i32
      %dma_start3A_650 = tpu.memref_slice %arg7[%dma_start3A_648, %dma_start3A_649] : memref<10016x128xf32, #tpu.memory_space<vmem_shared>> -> memref<10016x128xf32, #tpu.memory_space<vmem_shared>>
      tpu.enqueue_indirect_dma source(%dma_start3A_650 : memref<10016x128xf32, #tpu.memory_space<vmem_shared>>) target(%dma_start3A_644 : memref<128x128xf32, #tpu.memory_space<vmem>>) offsets(%dma_start3A_647 : memref<128xi32, #tpu.memory_space<vmem>>) semaphore(%arg11 : memref<!tpu.dma_semaphore, #tpu.memory_space<semaphore_mem>>)
      %dma_wait3A_651 = arith.constant 1 : i32
      %dma_wait3A_652 = arith.constant 2 : i32
      %dma_wait3A_653 = arith.constant 0 : i32
      %dma_wait3A_654 = arith.constant 0 : i32
      %dma_wait3A_655 = arith.constant 0 : i32
      %dma_wait3A_656 = tpu.memref_slice %arg8[%dma_wait3A_653, %dma_wait3A_654, %dma_wait3A_655] : memref<2x128x128xf32, #tpu.memory_space<vmem>> -> memref<1x128x128xf32, #tpu.memory_space<vmem>>
      %dma_wait3A_657 = tpu.memref_squeeze %dma_wait3A_656 : memref<1x128x128xf32, #tpu.memory_space<vmem>> -> memref<128x128xf32, #tpu.memory_space<vmem>>
      %dma_wait3A_658 = arith.constant 0 : i32
      %dma_wait3A_659 = tpu.memref_slice %arg9[%dma_wait3A_651, %dma_wait3A_652, %dma_wait3A_658] : memref<2x8x128xi32, #tpu.memory_space<vmem>> -> memref<1x1x128xi32, #tpu.memory_space<vmem>>
      %dma_wait3A_660 = tpu.memref_squeeze %dma_wait3A_659 : memref<1x1x128xi32, #tpu.memory_space<vmem>> -> memref<128xi32, #tpu.memory_space<vmem>>
      %dma_wait3A_661 = arith.constant 0 : i32
      %dma_wait3A_662 = arith.constant 0 : i32
      %dma_wait3A_663 = tpu.memref_slice %arg7[%dma_wait3A_661, %dma_wait3A_662] : memref<10016x128xf32, #tpu.memory_space<vmem_shared>> -> memref<10016x128xf32, #tpu.memory_space<vmem_shared>>
      tpu.wait_indirect_dma semaphore(%arg11 : memref<!tpu.dma_semaphore, #tpu.memory_space<semaphore_mem>>) src(%dma_wait3A_663 : memref<10016x128xf32, #tpu.memory_space<vmem_shared>>) dst(%dma_wait3A_657 : memref<128x128xf32, #tpu.memory_space<vmem>>)
      %dma_start3A_664 = arith.constant 0 : i32
      %dma_start3A_665 = arith.constant 1 : i32
      %dma_start3A_666 = arith.constant 2 : i32
      %dma_start3A_667 = arith.constant 0 : i32
      %dma_start3A_668 = arith.constant 0 : i32
      %dma_start3A_669 = tpu.memref_slice %arg8[%dma_start3A_664, %dma_start3A_667, %dma_start3A_668] : memref<2x128x128xf32, #tpu.memory_space<vmem>> -> memref<1x128x128xf32, #tpu.memory_space<vmem>>
      %dma_start3A_670 = tpu.memref_squeeze %dma_start3A_669 : memref<1x128x128xf32, #tpu.memory_space<vmem>> -> memref<128x128xf32, #tpu.memory_space<vmem>>
      %dma_start3A_671 = arith.constant 0 : i32
      %dma_start3A_672 = tpu.memref_slice %arg10[%dma_start3A_665, %dma_start3A_666, %dma_start3A_671] : memref<2x8x128xi32, #tpu.memory_space<vmem>> -> memref<1x1x128xi32, #tpu.memory_space<vmem>>
      %dma_start3A_673 = tpu.memref_squeeze %dma_start3A_672 : memref<1x1x128xi32, #tpu.memory_space<vmem>> -> memref<128xi32, #tpu.memory_space<vmem>>
      %dma_start3A_674 = arith.constant 0 : i32
      %dma_start3A_675 = arith.constant 0 : i32
      %dma_start3A_676 = tpu.memref_slice %arg7[%dma_start3A_674, %dma_start3A_675] : memref<10016x128xf32, #tpu.memory_space<vmem_shared>> -> memref<10016x128xf32, #tpu.memory_space<vmem_shared>>
      tpu.enqueue_indirect_dma source(%dma_start3A_670 : memref<128x128xf32, #tpu.memory_space<vmem>>) target(%dma_start3A_676 : memref<10016x128xf32, #tpu.memory_space<vmem_shared>>) offsets(%dma_start3A_673 : memref<128xi32, #tpu.memory_space<vmem>>) semaphore(%arg13 : memref<!tpu.dma_semaphore, #tpu.memory_space<semaphore_mem>>) {add = true}
      %lt3A = arith.constant 4 : i32
      %lt3A_677 = arith.cmpi slt, %add3A_63, %lt3A : i32
      %convert_element_type3A_678 = arith.extui %lt3A_677 : i1 to i32
      %cond3A_679 = arith.constant 0 : i32
      %cond3A_680 = arith.cmpi ne, %convert_element_type3A_678, %cond3A_679 : i32
      scf.if %cond3A_680 {
        %add3A_946 = arith.constant 1 : i32
        %add3A_947 = arith.addi %add3A_546, %add3A_946 : i32
        %mul3A_948 = arith.constant 8 : i32
        %mul3A_949 = arith.muli %add3A_947, %mul3A_948 : i32
        %add3A_950 = arith.addi %mul3A_2, %mul3A_949 : i32
        %dma_start3A_951 = arith.constant 0 : i32
        %dma_start3A_952 = arith.constant 0 : i32
        %dma_start3A_953 = arith.constant 0 : i32
        %dma_start3A_954 = tpu.memref_slice %arg9[%dma_start3A_951, %dma_start3A_952, %dma_start3A_953] : memref<2x8x128xi32, #tpu.memory_space<vmem>> -> memref<1x8x128xi32, #tpu.memory_space<vmem>>
        %dma_start3A_955 = tpu.memref_squeeze %dma_start3A_954 : memref<1x8x128xi32, #tpu.memory_space<vmem>> -> memref<8x128xi32, #tpu.memory_space<vmem>>
        %dma_start3A_956 = arith.constant 0 : i32
        %dma_start3A_957 = tpu.memref_slice %arg4[%add3A_950, %dma_start3A_956] : memref<2560x128xi32, #tpu.memory_space<hbm>> -> memref<8x128xi32, #tpu.memory_space<hbm>>
        %dma_start3A_958 = arith.constant 0 : i32
        %dma_start3A_959 = arith.constant 0 : i32
        %dma_start3A_960 = tpu.memref_slice %arg9[%dma_start3A_951, %dma_start3A_958, %dma_start3A_959] : memref<2x8x128xi32, #tpu.memory_space<vmem>> -> memref<1x8x128xi32, #tpu.memory_space<vmem>>
        %dma_start3A_961 = tpu.memref_squeeze %dma_start3A_960 : memref<1x8x128xi32, #tpu.memory_space<vmem>> -> memref<8x128xi32, #tpu.memory_space<vmem>>
        %dma_start3A_962 = arith.constant 0 : i32
        %dma_start3A_963 = tpu.memref_slice %arg4[%add3A_950, %dma_start3A_962] : memref<2560x128xi32, #tpu.memory_space<hbm>> -> memref<8x128xi32, #tpu.memory_space<hbm>>
        tpu.enqueue_dma source(%dma_start3A_963 : memref<8x128xi32, #tpu.memory_space<hbm>>) target(%dma_start3A_961 : memref<8x128xi32, #tpu.memory_space<vmem>>) target_semaphore(%arg15 : memref<!tpu.dma_semaphore, #tpu.memory_space<semaphore_mem>>)
        %mul3A_964 = arith.constant 8 : i32
        %mul3A_965 = arith.muli %add3A_947, %mul3A_964 : i32
        %add3A_966 = arith.addi %mul3A_2, %mul3A_965 : i32
        %dma_start3A_967 = arith.constant 0 : i32
        %dma_start3A_968 = arith.constant 0 : i32
        %dma_start3A_969 = arith.constant 0 : i32
        %dma_start3A_970 = tpu.memref_slice %arg10[%dma_start3A_967, %dma_start3A_968, %dma_start3A_969] : memref<2x8x128xi32, #tpu.memory_space<vmem>> -> memref<1x8x128xi32, #tpu.memory_space<vmem>>
        %dma_start3A_971 = tpu.memref_squeeze %dma_start3A_970 : memref<1x8x128xi32, #tpu.memory_space<vmem>> -> memref<8x128xi32, #tpu.memory_space<vmem>>
        %dma_start3A_972 = arith.constant 0 : i32
        %dma_start3A_973 = tpu.memref_slice %arg3[%add3A_966, %dma_start3A_972] : memref<2560x128xi32, #tpu.memory_space<hbm>> -> memref<8x128xi32, #tpu.memory_space<hbm>>
        %dma_start3A_974 = arith.constant 0 : i32
        %dma_start3A_975 = arith.constant 0 : i32
        %dma_start3A_976 = tpu.memref_slice %arg10[%dma_start3A_967, %dma_start3A_974, %dma_start3A_975] : memref<2x8x128xi32, #tpu.memory_space<vmem>> -> memref<1x8x128xi32, #tpu.memory_space<vmem>>
        %dma_start3A_977 = tpu.memref_squeeze %dma_start3A_976 : memref<1x8x128xi32, #tpu.memory_space<vmem>> -> memref<8x128xi32, #tpu.memory_space<vmem>>
        %dma_start3A_978 = arith.constant 0 : i32
        %dma_start3A_979 = tpu.memref_slice %arg3[%add3A_966, %dma_start3A_978] : memref<2560x128xi32, #tpu.memory_space<hbm>> -> memref<8x128xi32, #tpu.memory_space<hbm>>
        tpu.enqueue_dma source(%dma_start3A_979 : memref<8x128xi32, #tpu.memory_space<hbm>>) target(%dma_start3A_977 : memref<8x128xi32, #tpu.memory_space<vmem>>) target_semaphore(%arg15 : memref<!tpu.dma_semaphore, #tpu.memory_space<semaphore_mem>>)
      } else {
      }
      %dma_wait3A_681 = arith.constant 1 : i32
      %dma_wait3A_682 = arith.constant 1 : i32
      %dma_wait3A_683 = arith.constant 1 : i32
      %dma_wait3A_684 = arith.constant 0 : i32
      %dma_wait3A_685 = arith.constant 0 : i32
      %dma_wait3A_686 = tpu.memref_slice %arg8[%dma_wait3A_681, %dma_wait3A_684, %dma_wait3A_685] : memref<2x128x128xf32, #tpu.memory_space<vmem>> -> memref<1x128x128xf32, #tpu.memory_space<vmem>>
      %dma_wait3A_687 = tpu.memref_squeeze %dma_wait3A_686 : memref<1x128x128xf32, #tpu.memory_space<vmem>> -> memref<128x128xf32, #tpu.memory_space<vmem>>
      %dma_wait3A_688 = arith.constant 0 : i32
      %dma_wait3A_689 = tpu.memref_slice %arg10[%dma_wait3A_682, %dma_wait3A_683, %dma_wait3A_688] : memref<2x8x128xi32, #tpu.memory_space<vmem>> -> memref<1x1x128xi32, #tpu.memory_space<vmem>>
      %dma_wait3A_690 = tpu.memref_squeeze %dma_wait3A_689 : memref<1x1x128xi32, #tpu.memory_space<vmem>> -> memref<128xi32, #tpu.memory_space<vmem>>
      %dma_wait3A_691 = arith.constant 0 : i32
      %dma_wait3A_692 = arith.constant 0 : i32
      %dma_wait3A_693 = tpu.memref_slice %arg7[%dma_wait3A_691, %dma_wait3A_692] : memref<10016x128xf32, #tpu.memory_space<vmem_shared>> -> memref<10016x128xf32, #tpu.memory_space<vmem_shared>>
      tpu.wait_indirect_dma semaphore(%arg14 : memref<!tpu.dma_semaphore, #tpu.memory_space<semaphore_mem>>) src(%dma_wait3A_687 : memref<128x128xf32, #tpu.memory_space<vmem>>) dst(%dma_wait3A_693 : memref<10016x128xf32, #tpu.memory_space<vmem_shared>>)
      %dma_start3A_694 = arith.constant 1 : i32
      %dma_start3A_695 = arith.constant 3 : i32
      %dma_start3A_696 = arith.constant 1 : i32
      %dma_start3A_697 = arith.constant 0 : i32
      %dma_start3A_698 = arith.constant 0 : i32
      %dma_start3A_699 = tpu.memref_slice %arg8[%dma_start3A_696, %dma_start3A_697, %dma_start3A_698] : memref<2x128x128xf32, #tpu.memory_space<vmem>> -> memref<1x128x128xf32, #tpu.memory_space<vmem>>
      %dma_start3A_700 = tpu.memref_squeeze %dma_start3A_699 : memref<1x128x128xf32, #tpu.memory_space<vmem>> -> memref<128x128xf32, #tpu.memory_space<vmem>>
      %dma_start3A_701 = arith.constant 0 : i32
      %dma_start3A_702 = tpu.memref_slice %arg9[%dma_start3A_694, %dma_start3A_695, %dma_start3A_701] : memref<2x8x128xi32, #tpu.memory_space<vmem>> -> memref<1x1x128xi32, #tpu.memory_space<vmem>>
      %dma_start3A_703 = tpu.memref_squeeze %dma_start3A_702 : memref<1x1x128xi32, #tpu.memory_space<vmem>> -> memref<128xi32, #tpu.memory_space<vmem>>
      %dma_start3A_704 = arith.constant 0 : i32
      %dma_start3A_705 = arith.constant 0 : i32
      %dma_start3A_706 = tpu.memref_slice %arg7[%dma_start3A_704, %dma_start3A_705] : memref<10016x128xf32, #tpu.memory_space<vmem_shared>> -> memref<10016x128xf32, #tpu.memory_space<vmem_shared>>
      tpu.enqueue_indirect_dma source(%dma_start3A_706 : memref<10016x128xf32, #tpu.memory_space<vmem_shared>>) target(%dma_start3A_700 : memref<128x128xf32, #tpu.memory_space<vmem>>) offsets(%dma_start3A_703 : memref<128xi32, #tpu.memory_space<vmem>>) semaphore(%arg12 : memref<!tpu.dma_semaphore, #tpu.memory_space<semaphore_mem>>)
      %dma_wait3A_707 = arith.constant 1 : i32
      %dma_wait3A_708 = arith.constant 3 : i32
      %dma_wait3A_709 = arith.constant 1 : i32
      %dma_wait3A_710 = arith.constant 0 : i32
      %dma_wait3A_711 = arith.constant 0 : i32
      %dma_wait3A_712 = tpu.memref_slice %arg8[%dma_wait3A_709, %dma_wait3A_710, %dma_wait3A_711] : memref<2x128x128xf32, #tpu.memory_space<vmem>> -> memref<1x128x128xf32, #tpu.memory_space<vmem>>
      %dma_wait3A_713 = tpu.memref_squeeze %dma_wait3A_712 : memref<1x128x128xf32, #tpu.memory_space<vmem>> -> memref<128x128xf32, #tpu.memory_space<vmem>>
      %dma_wait3A_714 = arith.constant 0 : i32
      %dma_wait3A_715 = tpu.memref_slice %arg9[%dma_wait3A_707, %dma_wait3A_708, %dma_wait3A_714] : memref<2x8x128xi32, #tpu.memory_space<vmem>> -> memref<1x1x128xi32, #tpu.memory_space<vmem>>
      %dma_wait3A_716 = tpu.memref_squeeze %dma_wait3A_715 : memref<1x1x128xi32, #tpu.memory_space<vmem>> -> memref<128xi32, #tpu.memory_space<vmem>>
      %dma_wait3A_717 = arith.constant 0 : i32
      %dma_wait3A_718 = arith.constant 0 : i32
      %dma_wait3A_719 = tpu.memref_slice %arg7[%dma_wait3A_717, %dma_wait3A_718] : memref<10016x128xf32, #tpu.memory_space<vmem_shared>> -> memref<10016x128xf32, #tpu.memory_space<vmem_shared>>
      tpu.wait_indirect_dma semaphore(%arg12 : memref<!tpu.dma_semaphore, #tpu.memory_space<semaphore_mem>>) src(%dma_wait3A_719 : memref<10016x128xf32, #tpu.memory_space<vmem_shared>>) dst(%dma_wait3A_713 : memref<128x128xf32, #tpu.memory_space<vmem>>)
      %dma_start3A_720 = arith.constant 1 : i32
      %dma_start3A_721 = arith.constant 1 : i32
      %dma_start3A_722 = arith.constant 3 : i32
      %dma_start3A_723 = arith.constant 0 : i32
      %dma_start3A_724 = arith.constant 0 : i32
      %dma_start3A_725 = tpu.memref_slice %arg8[%dma_start3A_720, %dma_start3A_723, %dma_start3A_724] : memref<2x128x128xf32, #tpu.memory_space<vmem>> -> memref<1x128x128xf32, #tpu.memory_space<vmem>>
      %dma_start3A_726 = tpu.memref_squeeze %dma_start3A_725 : memref<1x128x128xf32, #tpu.memory_space<vmem>> -> memref<128x128xf32, #tpu.memory_space<vmem>>
      %dma_start3A_727 = arith.constant 0 : i32
      %dma_start3A_728 = tpu.memref_slice %arg10[%dma_start3A_721, %dma_start3A_722, %dma_start3A_727] : memref<2x8x128xi32, #tpu.memory_space<vmem>> -> memref<1x1x128xi32, #tpu.memory_space<vmem>>
      %dma_start3A_729 = tpu.memref_squeeze %dma_start3A_728 : memref<1x1x128xi32, #tpu.memory_space<vmem>> -> memref<128xi32, #tpu.memory_space<vmem>>
      %dma_start3A_730 = arith.constant 0 : i32
      %dma_start3A_731 = arith.constant 0 : i32
      %dma_start3A_732 = tpu.memref_slice %arg7[%dma_start3A_730, %dma_start3A_731] : memref<10016x128xf32, #tpu.memory_space<vmem_shared>> -> memref<10016x128xf32, #tpu.memory_space<vmem_shared>>
      tpu.enqueue_indirect_dma source(%dma_start3A_726 : memref<128x128xf32, #tpu.memory_space<vmem>>) target(%dma_start3A_732 : memref<10016x128xf32, #tpu.memory_space<vmem_shared>>) offsets(%dma_start3A_729 : memref<128xi32, #tpu.memory_space<vmem>>) semaphore(%arg14 : memref<!tpu.dma_semaphore, #tpu.memory_space<semaphore_mem>>) {add = true}
      %dma_wait3A_733 = arith.constant 0 : i32
      %dma_wait3A_734 = arith.constant 1 : i32
      %dma_wait3A_735 = arith.constant 2 : i32
      %dma_wait3A_736 = arith.constant 0 : i32
      %dma_wait3A_737 = arith.constant 0 : i32
      %dma_wait3A_738 = tpu.memref_slice %arg8[%dma_wait3A_733, %dma_wait3A_736, %dma_wait3A_737] : memref<2x128x128xf32, #tpu.memory_space<vmem>> -> memref<1x128x128xf32, #tpu.memory_space<vmem>>
      %dma_wait3A_739 = tpu.memref_squeeze %dma_wait3A_738 : memref<1x128x128xf32, #tpu.memory_space<vmem>> -> memref<128x128xf32, #tpu.memory_space<vmem>>
      %dma_wait3A_740 = arith.constant 0 : i32
      %dma_wait3A_741 = tpu.memref_slice %arg10[%dma_wait3A_734, %dma_wait3A_735, %dma_wait3A_740] : memref<2x8x128xi32, #tpu.memory_space<vmem>> -> memref<1x1x128xi32, #tpu.memory_space<vmem>>
      %dma_wait3A_742 = tpu.memref_squeeze %dma_wait3A_741 : memref<1x1x128xi32, #tpu.memory_space<vmem>> -> memref<128xi32, #tpu.memory_space<vmem>>
      %dma_wait3A_743 = arith.constant 0 : i32
      %dma_wait3A_744 = arith.constant 0 : i32
      %dma_wait3A_745 = tpu.memref_slice %arg7[%dma_wait3A_743, %dma_wait3A_744] : memref<10016x128xf32, #tpu.memory_space<vmem_shared>> -> memref<10016x128xf32, #tpu.memory_space<vmem_shared>>
      tpu.wait_indirect_dma semaphore(%arg13 : memref<!tpu.dma_semaphore, #tpu.memory_space<semaphore_mem>>) src(%dma_wait3A_739 : memref<128x128xf32, #tpu.memory_space<vmem>>) dst(%dma_wait3A_745 : memref<10016x128xf32, #tpu.memory_space<vmem_shared>>)
      %dma_start3A_746 = arith.constant 1 : i32
      %dma_start3A_747 = arith.constant 4 : i32
      %dma_start3A_748 = arith.constant 0 : i32
      %dma_start3A_749 = arith.constant 0 : i32
      %dma_start3A_750 = arith.constant 0 : i32
      %dma_start3A_751 = tpu.memref_slice %arg8[%dma_start3A_748, %dma_start3A_749, %dma_start3A_750] : memref<2x128x128xf32, #tpu.memory_space<vmem>> -> memref<1x128x128xf32, #tpu.memory_space<vmem>>
      %dma_start3A_752 = tpu.memref_squeeze %dma_start3A_751 : memref<1x128x128xf32, #tpu.memory_space<vmem>> -> memref<128x128xf32, #tpu.memory_space<vmem>>
      %dma_start3A_753 = arith.constant 0 : i32
      %dma_start3A_754 = tpu.memref_slice %arg9[%dma_start3A_746, %dma_start3A_747, %dma_start3A_753] : memref<2x8x128xi32, #tpu.memory_space<vmem>> -> memref<1x1x128xi32, #tpu.memory_space<vmem>>
      %dma_start3A_755 = tpu.memref_squeeze %dma_start3A_754 : memref<1x1x128xi32, #tpu.memory_space<vmem>> -> memref<128xi32, #tpu.memory_space<vmem>>
      %dma_start3A_756 = arith.constant 0 : i32
      %dma_start3A_757 = arith.constant 0 : i32
      %dma_start3A_758 = tpu.memref_slice %arg7[%dma_start3A_756, %dma_start3A_757] : memref<10016x128xf32, #tpu.memory_space<vmem_shared>> -> memref<10016x128xf32, #tpu.memory_space<vmem_shared>>
      tpu.enqueue_indirect_dma source(%dma_start3A_758 : memref<10016x128xf32, #tpu.memory_space<vmem_shared>>) target(%dma_start3A_752 : memref<128x128xf32, #tpu.memory_space<vmem>>) offsets(%dma_start3A_755 : memref<128xi32, #tpu.memory_space<vmem>>) semaphore(%arg11 : memref<!tpu.dma_semaphore, #tpu.memory_space<semaphore_mem>>)
      %dma_wait3A_759 = arith.constant 1 : i32
      %dma_wait3A_760 = arith.constant 4 : i32
      %dma_wait3A_761 = arith.constant 0 : i32
      %dma_wait3A_762 = arith.constant 0 : i32
      %dma_wait3A_763 = arith.constant 0 : i32
      %dma_wait3A_764 = tpu.memref_slice %arg8[%dma_wait3A_761, %dma_wait3A_762, %dma_wait3A_763] : memref<2x128x128xf32, #tpu.memory_space<vmem>> -> memref<1x128x128xf32, #tpu.memory_space<vmem>>
      %dma_wait3A_765 = tpu.memref_squeeze %dma_wait3A_764 : memref<1x128x128xf32, #tpu.memory_space<vmem>> -> memref<128x128xf32, #tpu.memory_space<vmem>>
      %dma_wait3A_766 = arith.constant 0 : i32
      %dma_wait3A_767 = tpu.memref_slice %arg9[%dma_wait3A_759, %dma_wait3A_760, %dma_wait3A_766] : memref<2x8x128xi32, #tpu.memory_space<vmem>> -> memref<1x1x128xi32, #tpu.memory_space<vmem>>
      %dma_wait3A_768 = tpu.memref_squeeze %dma_wait3A_767 : memref<1x1x128xi32, #tpu.memory_space<vmem>> -> memref<128xi32, #tpu.memory_space<vmem>>
      %dma_wait3A_769 = arith.constant 0 : i32
      %dma_wait3A_770 = arith.constant 0 : i32
      %dma_wait3A_771 = tpu.memref_slice %arg7[%dma_wait3A_769, %dma_wait3A_770] : memref<10016x128xf32, #tpu.memory_space<vmem_shared>> -> memref<10016x128xf32, #tpu.memory_space<vmem_shared>>
      tpu.wait_indirect_dma semaphore(%arg11 : memref<!tpu.dma_semaphore, #tpu.memory_space<semaphore_mem>>) src(%dma_wait3A_771 : memref<10016x128xf32, #tpu.memory_space<vmem_shared>>) dst(%dma_wait3A_765 : memref<128x128xf32, #tpu.memory_space<vmem>>)
      %dma_start3A_772 = arith.constant 0 : i32
      %dma_start3A_773 = arith.constant 1 : i32
      %dma_start3A_774 = arith.constant 4 : i32
      %dma_start3A_775 = arith.constant 0 : i32
      %dma_start3A_776 = arith.constant 0 : i32
      %dma_start3A_777 = tpu.memref_slice %arg8[%dma_start3A_772, %dma_start3A_775, %dma_start3A_776] : memref<2x128x128xf32, #tpu.memory_space<vmem>> -> memref<1x128x128xf32, #tpu.memory_space<vmem>>
      %dma_start3A_778 = tpu.memref_squeeze %dma_start3A_777 : memref<1x128x128xf32, #tpu.memory_space<vmem>> -> memref<128x128xf32, #tpu.memory_space<vmem>>
      %dma_start3A_779 = arith.constant 0 : i32
      %dma_start3A_780 = tpu.memref_slice %arg10[%dma_start3A_773, %dma_start3A_774, %dma_start3A_779] : memref<2x8x128xi32, #tpu.memory_space<vmem>> -> memref<1x1x128xi32, #tpu.memory_space<vmem>>
      %dma_start3A_781 = tpu.memref_squeeze %dma_start3A_780 : memref<1x1x128xi32, #tpu.memory_space<vmem>> -> memref<128xi32, #tpu.memory_space<vmem>>
      %dma_start3A_782 = arith.constant 0 : i32
      %dma_start3A_783 = arith.constant 0 : i32
      %dma_start3A_784 = tpu.memref_slice %arg7[%dma_start3A_782, %dma_start3A_783] : memref<10016x128xf32, #tpu.memory_space<vmem_shared>> -> memref<10016x128xf32, #tpu.memory_space<vmem_shared>>
      tpu.enqueue_indirect_dma source(%dma_start3A_778 : memref<128x128xf32, #tpu.memory_space<vmem>>) target(%dma_start3A_784 : memref<10016x128xf32, #tpu.memory_space<vmem_shared>>) offsets(%dma_start3A_781 : memref<128xi32, #tpu.memory_space<vmem>>) semaphore(%arg13 : memref<!tpu.dma_semaphore, #tpu.memory_space<semaphore_mem>>) {add = true}
      %dma_wait3A_785 = arith.constant 1 : i32
      %dma_wait3A_786 = arith.constant 1 : i32
      %dma_wait3A_787 = arith.constant 3 : i32
      %dma_wait3A_788 = arith.constant 0 : i32
      %dma_wait3A_789 = arith.constant 0 : i32
      %dma_wait3A_790 = tpu.memref_slice %arg8[%dma_wait3A_785, %dma_wait3A_788, %dma_wait3A_789] : memref<2x128x128xf32, #tpu.memory_space<vmem>> -> memref<1x128x128xf32, #tpu.memory_space<vmem>>
      %dma_wait3A_791 = tpu.memref_squeeze %dma_wait3A_790 : memref<1x128x128xf32, #tpu.memory_space<vmem>> -> memref<128x128xf32, #tpu.memory_space<vmem>>
      %dma_wait3A_792 = arith.constant 0 : i32
      %dma_wait3A_793 = tpu.memref_slice %arg10[%dma_wait3A_786, %dma_wait3A_787, %dma_wait3A_792] : memref<2x8x128xi32, #tpu.memory_space<vmem>> -> memref<1x1x128xi32, #tpu.memory_space<vmem>>
      %dma_wait3A_794 = tpu.memref_squeeze %dma_wait3A_793 : memref<1x1x128xi32, #tpu.memory_space<vmem>> -> memref<128xi32, #tpu.memory_space<vmem>>
      %dma_wait3A_795 = arith.constant 0 : i32
      %dma_wait3A_796 = arith.constant 0 : i32
      %dma_wait3A_797 = tpu.memref_slice %arg7[%dma_wait3A_795, %dma_wait3A_796] : memref<10016x128xf32, #tpu.memory_space<vmem_shared>> -> memref<10016x128xf32, #tpu.memory_space<vmem_shared>>
      tpu.wait_indirect_dma semaphore(%arg14 : memref<!tpu.dma_semaphore, #tpu.memory_space<semaphore_mem>>) src(%dma_wait3A_791 : memref<128x128xf32, #tpu.memory_space<vmem>>) dst(%dma_wait3A_797 : memref<10016x128xf32, #tpu.memory_space<vmem_shared>>)
      %dma_start3A_798 = arith.constant 1 : i32
      %dma_start3A_799 = arith.constant 5 : i32
      %dma_start3A_800 = arith.constant 1 : i32
      %dma_start3A_801 = arith.constant 0 : i32
      %dma_start3A_802 = arith.constant 0 : i32
      %dma_start3A_803 = tpu.memref_slice %arg8[%dma_start3A_800, %dma_start3A_801, %dma_start3A_802] : memref<2x128x128xf32, #tpu.memory_space<vmem>> -> memref<1x128x128xf32, #tpu.memory_space<vmem>>
      %dma_start3A_804 = tpu.memref_squeeze %dma_start3A_803 : memref<1x128x128xf32, #tpu.memory_space<vmem>> -> memref<128x128xf32, #tpu.memory_space<vmem>>
      %dma_start3A_805 = arith.constant 0 : i32
      %dma_start3A_806 = tpu.memref_slice %arg9[%dma_start3A_798, %dma_start3A_799, %dma_start3A_805] : memref<2x8x128xi32, #tpu.memory_space<vmem>> -> memref<1x1x128xi32, #tpu.memory_space<vmem>>
      %dma_start3A_807 = tpu.memref_squeeze %dma_start3A_806 : memref<1x1x128xi32, #tpu.memory_space<vmem>> -> memref<128xi32, #tpu.memory_space<vmem>>
      %dma_start3A_808 = arith.constant 0 : i32
      %dma_start3A_809 = arith.constant 0 : i32
      %dma_start3A_810 = tpu.memref_slice %arg7[%dma_start3A_808, %dma_start3A_809] : memref<10016x128xf32, #tpu.memory_space<vmem_shared>> -> memref<10016x128xf32, #tpu.memory_space<vmem_shared>>
      tpu.enqueue_indirect_dma source(%dma_start3A_810 : memref<10016x128xf32, #tpu.memory_space<vmem_shared>>) target(%dma_start3A_804 : memref<128x128xf32, #tpu.memory_space<vmem>>) offsets(%dma_start3A_807 : memref<128xi32, #tpu.memory_space<vmem>>) semaphore(%arg12 : memref<!tpu.dma_semaphore, #tpu.memory_space<semaphore_mem>>)
      %dma_wait3A_811 = arith.constant 1 : i32
      %dma_wait3A_812 = arith.constant 5 : i32
      %dma_wait3A_813 = arith.constant 1 : i32
      %dma_wait3A_814 = arith.constant 0 : i32
      %dma_wait3A_815 = arith.constant 0 : i32
      %dma_wait3A_816 = tpu.memref_slice %arg8[%dma_wait3A_813, %dma_wait3A_814, %dma_wait3A_815] : memref<2x128x128xf32, #tpu.memory_space<vmem>> -> memref<1x128x128xf32, #tpu.memory_space<vmem>>
      %dma_wait3A_817 = tpu.memref_squeeze %dma_wait3A_816 : memref<1x128x128xf32, #tpu.memory_space<vmem>> -> memref<128x128xf32, #tpu.memory_space<vmem>>
      %dma_wait3A_818 = arith.constant 0 : i32
      %dma_wait3A_819 = tpu.memref_slice %arg9[%dma_wait3A_811, %dma_wait3A_812, %dma_wait3A_818] : memref<2x8x128xi32, #tpu.memory_space<vmem>> -> memref<1x1x128xi32, #tpu.memory_space<vmem>>
      %dma_wait3A_820 = tpu.memref_squeeze %dma_wait3A_819 : memref<1x1x128xi32, #tpu.memory_space<vmem>> -> memref<128xi32, #tpu.memory_space<vmem>>
      %dma_wait3A_821 = arith.constant 0 : i32
      %dma_wait3A_822 = arith.constant 0 : i32
      %dma_wait3A_823 = tpu.memref_slice %arg7[%dma_wait3A_821, %dma_wait3A_822] : memref<10016x128xf32, #tpu.memory_space<vmem_shared>> -> memref<10016x128xf32, #tpu.memory_space<vmem_shared>>
      tpu.wait_indirect_dma semaphore(%arg12 : memref<!tpu.dma_semaphore, #tpu.memory_space<semaphore_mem>>) src(%dma_wait3A_823 : memref<10016x128xf32, #tpu.memory_space<vmem_shared>>) dst(%dma_wait3A_817 : memref<128x128xf32, #tpu.memory_space<vmem>>)
      %dma_start3A_824 = arith.constant 1 : i32
      %dma_start3A_825 = arith.constant 1 : i32
      %dma_start3A_826 = arith.constant 5 : i32
      %dma_start3A_827 = arith.constant 0 : i32
      %dma_start3A_828 = arith.constant 0 : i32
      %dma_start3A_829 = tpu.memref_slice %arg8[%dma_start3A_824, %dma_start3A_827, %dma_start3A_828] : memref<2x128x128xf32, #tpu.memory_space<vmem>> -> memref<1x128x128xf32, #tpu.memory_space<vmem>>
      %dma_start3A_830 = tpu.memref_squeeze %dma_start3A_829 : memref<1x128x128xf32, #tpu.memory_space<vmem>> -> memref<128x128xf32, #tpu.memory_space<vmem>>
      %dma_start3A_831 = arith.constant 0 : i32
      %dma_start3A_832 = tpu.memref_slice %arg10[%dma_start3A_825, %dma_start3A_826, %dma_start3A_831] : memref<2x8x128xi32, #tpu.memory_space<vmem>> -> memref<1x1x128xi32, #tpu.memory_space<vmem>>
      %dma_start3A_833 = tpu.memref_squeeze %dma_start3A_832 : memref<1x1x128xi32, #tpu.memory_space<vmem>> -> memref<128xi32, #tpu.memory_space<vmem>>
      %dma_start3A_834 = arith.constant 0 : i32
      %dma_start3A_835 = arith.constant 0 : i32
      %dma_start3A_836 = tpu.memref_slice %arg7[%dma_start3A_834, %dma_start3A_835] : memref<10016x128xf32, #tpu.memory_space<vmem_shared>> -> memref<10016x128xf32, #tpu.memory_space<vmem_shared>>
      tpu.enqueue_indirect_dma source(%dma_start3A_830 : memref<128x128xf32, #tpu.memory_space<vmem>>) target(%dma_start3A_836 : memref<10016x128xf32, #tpu.memory_space<vmem_shared>>) offsets(%dma_start3A_833 : memref<128xi32, #tpu.memory_space<vmem>>) semaphore(%arg14 : memref<!tpu.dma_semaphore, #tpu.memory_space<semaphore_mem>>) {add = true}
      %dma_wait3A_837 = arith.constant 0 : i32
      %dma_wait3A_838 = arith.constant 1 : i32
      %dma_wait3A_839 = arith.constant 4 : i32
      %dma_wait3A_840 = arith.constant 0 : i32
      %dma_wait3A_841 = arith.constant 0 : i32
      %dma_wait3A_842 = tpu.memref_slice %arg8[%dma_wait3A_837, %dma_wait3A_840, %dma_wait3A_841] : memref<2x128x128xf32, #tpu.memory_space<vmem>> -> memref<1x128x128xf32, #tpu.memory_space<vmem>>
      %dma_wait3A_843 = tpu.memref_squeeze %dma_wait3A_842 : memref<1x128x128xf32, #tpu.memory_space<vmem>> -> memref<128x128xf32, #tpu.memory_space<vmem>>
      %dma_wait3A_844 = arith.constant 0 : i32
      %dma_wait3A_845 = tpu.memref_slice %arg10[%dma_wait3A_838, %dma_wait3A_839, %dma_wait3A_844] : memref<2x8x128xi32, #tpu.memory_space<vmem>> -> memref<1x1x128xi32, #tpu.memory_space<vmem>>
      %dma_wait3A_846 = tpu.memref_squeeze %dma_wait3A_845 : memref<1x1x128xi32, #tpu.memory_space<vmem>> -> memref<128xi32, #tpu.memory_space<vmem>>
      %dma_wait3A_847 = arith.constant 0 : i32
      %dma_wait3A_848 = arith.constant 0 : i32
      %dma_wait3A_849 = tpu.memref_slice %arg7[%dma_wait3A_847, %dma_wait3A_848] : memref<10016x128xf32, #tpu.memory_space<vmem_shared>> -> memref<10016x128xf32, #tpu.memory_space<vmem_shared>>
      tpu.wait_indirect_dma semaphore(%arg13 : memref<!tpu.dma_semaphore, #tpu.memory_space<semaphore_mem>>) src(%dma_wait3A_843 : memref<128x128xf32, #tpu.memory_space<vmem>>) dst(%dma_wait3A_849 : memref<10016x128xf32, #tpu.memory_space<vmem_shared>>)
      %dma_start3A_850 = arith.constant 1 : i32
      %dma_start3A_851 = arith.constant 6 : i32
      %dma_start3A_852 = arith.constant 0 : i32
      %dma_start3A_853 = arith.constant 0 : i32
      %dma_start3A_854 = arith.constant 0 : i32
      %dma_start3A_855 = tpu.memref_slice %arg8[%dma_start3A_852, %dma_start3A_853, %dma_start3A_854] : memref<2x128x128xf32, #tpu.memory_space<vmem>> -> memref<1x128x128xf32, #tpu.memory_space<vmem>>
      %dma_start3A_856 = tpu.memref_squeeze %dma_start3A_855 : memref<1x128x128xf32, #tpu.memory_space<vmem>> -> memref<128x128xf32, #tpu.memory_space<vmem>>
      %dma_start3A_857 = arith.constant 0 : i32
      %dma_start3A_858 = tpu.memref_slice %arg9[%dma_start3A_850, %dma_start3A_851, %dma_start3A_857] : memref<2x8x128xi32, #tpu.memory_space<vmem>> -> memref<1x1x128xi32, #tpu.memory_space<vmem>>
      %dma_start3A_859 = tpu.memref_squeeze %dma_start3A_858 : memref<1x1x128xi32, #tpu.memory_space<vmem>> -> memref<128xi32, #tpu.memory_space<vmem>>
      %dma_start3A_860 = arith.constant 0 : i32
      %dma_start3A_861 = arith.constant 0 : i32
      %dma_start3A_862 = tpu.memref_slice %arg7[%dma_start3A_860, %dma_start3A_861] : memref<10016x128xf32, #tpu.memory_space<vmem_shared>> -> memref<10016x128xf32, #tpu.memory_space<vmem_shared>>
      tpu.enqueue_indirect_dma source(%dma_start3A_862 : memref<10016x128xf32, #tpu.memory_space<vmem_shared>>) target(%dma_start3A_856 : memref<128x128xf32, #tpu.memory_space<vmem>>) offsets(%dma_start3A_859 : memref<128xi32, #tpu.memory_space<vmem>>) semaphore(%arg11 : memref<!tpu.dma_semaphore, #tpu.memory_space<semaphore_mem>>)
      %dma_wait3A_863 = arith.constant 1 : i32
      %dma_wait3A_864 = arith.constant 6 : i32
      %dma_wait3A_865 = arith.constant 0 : i32
      %dma_wait3A_866 = arith.constant 0 : i32
      %dma_wait3A_867 = arith.constant 0 : i32
      %dma_wait3A_868 = tpu.memref_slice %arg8[%dma_wait3A_865, %dma_wait3A_866, %dma_wait3A_867] : memref<2x128x128xf32, #tpu.memory_space<vmem>> -> memref<1x128x128xf32, #tpu.memory_space<vmem>>
      %dma_wait3A_869 = tpu.memref_squeeze %dma_wait3A_868 : memref<1x128x128xf32, #tpu.memory_space<vmem>> -> memref<128x128xf32, #tpu.memory_space<vmem>>
      %dma_wait3A_870 = arith.constant 0 : i32
      %dma_wait3A_871 = tpu.memref_slice %arg9[%dma_wait3A_863, %dma_wait3A_864, %dma_wait3A_870] : memref<2x8x128xi32, #tpu.memory_space<vmem>> -> memref<1x1x128xi32, #tpu.memory_space<vmem>>
      %dma_wait3A_872 = tpu.memref_squeeze %dma_wait3A_871 : memref<1x1x128xi32, #tpu.memory_space<vmem>> -> memref<128xi32, #tpu.memory_space<vmem>>
      %dma_wait3A_873 = arith.constant 0 : i32
      %dma_wait3A_874 = arith.constant 0 : i32
      %dma_wait3A_875 = tpu.memref_slice %arg7[%dma_wait3A_873, %dma_wait3A_874] : memref<10016x128xf32, #tpu.memory_space<vmem_shared>> -> memref<10016x128xf32, #tpu.memory_space<vmem_shared>>
      tpu.wait_indirect_dma semaphore(%arg11 : memref<!tpu.dma_semaphore, #tpu.memory_space<semaphore_mem>>) src(%dma_wait3A_875 : memref<10016x128xf32, #tpu.memory_space<vmem_shared>>) dst(%dma_wait3A_869 : memref<128x128xf32, #tpu.memory_space<vmem>>)
      %dma_start3A_876 = arith.constant 0 : i32
      %dma_start3A_877 = arith.constant 1 : i32
      %dma_start3A_878 = arith.constant 6 : i32
      %dma_start3A_879 = arith.constant 0 : i32
      %dma_start3A_880 = arith.constant 0 : i32
      %dma_start3A_881 = tpu.memref_slice %arg8[%dma_start3A_876, %dma_start3A_879, %dma_start3A_880] : memref<2x128x128xf32, #tpu.memory_space<vmem>> -> memref<1x128x128xf32, #tpu.memory_space<vmem>>
      %dma_start3A_882 = tpu.memref_squeeze %dma_start3A_881 : memref<1x128x128xf32, #tpu.memory_space<vmem>> -> memref<128x128xf32, #tpu.memory_space<vmem>>
      %dma_start3A_883 = arith.constant 0 : i32
      %dma_start3A_884 = tpu.memref_slice %arg10[%dma_start3A_877, %dma_start3A_878, %dma_start3A_883] : memref<2x8x128xi32, #tpu.memory_space<vmem>> -> memref<1x1x128xi32, #tpu.memory_space<vmem>>
      %dma_start3A_885 = tpu.memref_squeeze %dma_start3A_884 : memref<1x1x128xi32, #tpu.memory_space<vmem>> -> memref<128xi32, #tpu.memory_space<vmem>>
      %dma_start3A_886 = arith.constant 0 : i32
      %dma_start3A_887 = arith.constant 0 : i32
      %dma_start3A_888 = tpu.memref_slice %arg7[%dma_start3A_886, %dma_start3A_887] : memref<10016x128xf32, #tpu.memory_space<vmem_shared>> -> memref<10016x128xf32, #tpu.memory_space<vmem_shared>>
      tpu.enqueue_indirect_dma source(%dma_start3A_882 : memref<128x128xf32, #tpu.memory_space<vmem>>) target(%dma_start3A_888 : memref<10016x128xf32, #tpu.memory_space<vmem_shared>>) offsets(%dma_start3A_885 : memref<128xi32, #tpu.memory_space<vmem>>) semaphore(%arg13 : memref<!tpu.dma_semaphore, #tpu.memory_space<semaphore_mem>>) {add = true}
      %dma_wait3A_889 = arith.constant 1 : i32
      %dma_wait3A_890 = arith.constant 1 : i32
      %dma_wait3A_891 = arith.constant 5 : i32
      %dma_wait3A_892 = arith.constant 0 : i32
      %dma_wait3A_893 = arith.constant 0 : i32
      %dma_wait3A_894 = tpu.memref_slice %arg8[%dma_wait3A_889, %dma_wait3A_892, %dma_wait3A_893] : memref<2x128x128xf32, #tpu.memory_space<vmem>> -> memref<1x128x128xf32, #tpu.memory_space<vmem>>
      %dma_wait3A_895 = tpu.memref_squeeze %dma_wait3A_894 : memref<1x128x128xf32, #tpu.memory_space<vmem>> -> memref<128x128xf32, #tpu.memory_space<vmem>>
      %dma_wait3A_896 = arith.constant 0 : i32
      %dma_wait3A_897 = tpu.memref_slice %arg10[%dma_wait3A_890, %dma_wait3A_891, %dma_wait3A_896] : memref<2x8x128xi32, #tpu.memory_space<vmem>> -> memref<1x1x128xi32, #tpu.memory_space<vmem>>
      %dma_wait3A_898 = tpu.memref_squeeze %dma_wait3A_897 : memref<1x1x128xi32, #tpu.memory_space<vmem>> -> memref<128xi32, #tpu.memory_space<vmem>>
      %dma_wait3A_899 = arith.constant 0 : i32
      %dma_wait3A_900 = arith.constant 0 : i32
      %dma_wait3A_901 = tpu.memref_slice %arg7[%dma_wait3A_899, %dma_wait3A_900] : memref<10016x128xf32, #tpu.memory_space<vmem_shared>> -> memref<10016x128xf32, #tpu.memory_space<vmem_shared>>
      tpu.wait_indirect_dma semaphore(%arg14 : memref<!tpu.dma_semaphore, #tpu.memory_space<semaphore_mem>>) src(%dma_wait3A_895 : memref<128x128xf32, #tpu.memory_space<vmem>>) dst(%dma_wait3A_901 : memref<10016x128xf32, #tpu.memory_space<vmem_shared>>)
      %dma_start3A_902 = arith.constant 1 : i32
      %dma_start3A_903 = arith.constant 7 : i32
      %dma_start3A_904 = arith.constant 1 : i32
      %dma_start3A_905 = arith.constant 0 : i32
      %dma_start3A_906 = arith.constant 0 : i32
      %dma_start3A_907 = tpu.memref_slice %arg8[%dma_start3A_904, %dma_start3A_905, %dma_start3A_906] : memref<2x128x128xf32, #tpu.memory_space<vmem>> -> memref<1x128x128xf32, #tpu.memory_space<vmem>>
      %dma_start3A_908 = tpu.memref_squeeze %dma_start3A_907 : memref<1x128x128xf32, #tpu.memory_space<vmem>> -> memref<128x128xf32, #tpu.memory_space<vmem>>
      %dma_start3A_909 = arith.constant 0 : i32
      %dma_start3A_910 = tpu.memref_slice %arg9[%dma_start3A_902, %dma_start3A_903, %dma_start3A_909] : memref<2x8x128xi32, #tpu.memory_space<vmem>> -> memref<1x1x128xi32, #tpu.memory_space<vmem>>
      %dma_start3A_911 = tpu.memref_squeeze %dma_start3A_910 : memref<1x1x128xi32, #tpu.memory_space<vmem>> -> memref<128xi32, #tpu.memory_space<vmem>>
      %dma_start3A_912 = arith.constant 0 : i32
      %dma_start3A_913 = arith.constant 0 : i32
      %dma_start3A_914 = tpu.memref_slice %arg7[%dma_start3A_912, %dma_start3A_913] : memref<10016x128xf32, #tpu.memory_space<vmem_shared>> -> memref<10016x128xf32, #tpu.memory_space<vmem_shared>>
      tpu.enqueue_indirect_dma source(%dma_start3A_914 : memref<10016x128xf32, #tpu.memory_space<vmem_shared>>) target(%dma_start3A_908 : memref<128x128xf32, #tpu.memory_space<vmem>>) offsets(%dma_start3A_911 : memref<128xi32, #tpu.memory_space<vmem>>) semaphore(%arg12 : memref<!tpu.dma_semaphore, #tpu.memory_space<semaphore_mem>>)
      %dma_wait3A_915 = arith.constant 1 : i32
      %dma_wait3A_916 = arith.constant 7 : i32
      %dma_wait3A_917 = arith.constant 1 : i32
      %dma_wait3A_918 = arith.constant 0 : i32
      %dma_wait3A_919 = arith.constant 0 : i32
      %dma_wait3A_920 = tpu.memref_slice %arg8[%dma_wait3A_917, %dma_wait3A_918, %dma_wait3A_919] : memref<2x128x128xf32, #tpu.memory_space<vmem>> -> memref<1x128x128xf32, #tpu.memory_space<vmem>>
      %dma_wait3A_921 = tpu.memref_squeeze %dma_wait3A_920 : memref<1x128x128xf32, #tpu.memory_space<vmem>> -> memref<128x128xf32, #tpu.memory_space<vmem>>
      %dma_wait3A_922 = arith.constant 0 : i32
      %dma_wait3A_923 = tpu.memref_slice %arg9[%dma_wait3A_915, %dma_wait3A_916, %dma_wait3A_922] : memref<2x8x128xi32, #tpu.memory_space<vmem>> -> memref<1x1x128xi32, #tpu.memory_space<vmem>>
      %dma_wait3A_924 = tpu.memref_squeeze %dma_wait3A_923 : memref<1x1x128xi32, #tpu.memory_space<vmem>> -> memref<128xi32, #tpu.memory_space<vmem>>
      %dma_wait3A_925 = arith.constant 0 : i32
      %dma_wait3A_926 = arith.constant 0 : i32
      %dma_wait3A_927 = tpu.memref_slice %arg7[%dma_wait3A_925, %dma_wait3A_926] : memref<10016x128xf32, #tpu.memory_space<vmem_shared>> -> memref<10016x128xf32, #tpu.memory_space<vmem_shared>>
      tpu.wait_indirect_dma semaphore(%arg12 : memref<!tpu.dma_semaphore, #tpu.memory_space<semaphore_mem>>) src(%dma_wait3A_927 : memref<10016x128xf32, #tpu.memory_space<vmem_shared>>) dst(%dma_wait3A_921 : memref<128x128xf32, #tpu.memory_space<vmem>>)
      %dma_start3A_928 = arith.constant 1 : i32
      %dma_start3A_929 = arith.constant 1 : i32
      %dma_start3A_930 = arith.constant 7 : i32
      %dma_start3A_931 = arith.constant 0 : i32
      %dma_start3A_932 = arith.constant 0 : i32
      %dma_start3A_933 = tpu.memref_slice %arg8[%dma_start3A_928, %dma_start3A_931, %dma_start3A_932] : memref<2x128x128xf32, #tpu.memory_space<vmem>> -> memref<1x128x128xf32, #tpu.memory_space<vmem>>
      %dma_start3A_934 = tpu.memref_squeeze %dma_start3A_933 : memref<1x128x128xf32, #tpu.memory_space<vmem>> -> memref<128x128xf32, #tpu.memory_space<vmem>>
      %dma_start3A_935 = arith.constant 0 : i32
      %dma_start3A_936 = tpu.memref_slice %arg10[%dma_start3A_929, %dma_start3A_930, %dma_start3A_935] : memref<2x8x128xi32, #tpu.memory_space<vmem>> -> memref<1x1x128xi32, #tpu.memory_space<vmem>>
      %dma_start3A_937 = tpu.memref_squeeze %dma_start3A_936 : memref<1x1x128xi32, #tpu.memory_space<vmem>> -> memref<128xi32, #tpu.memory_space<vmem>>
      %dma_start3A_938 = arith.constant 0 : i32
      %dma_start3A_939 = arith.constant 0 : i32
      %dma_start3A_940 = tpu.memref_slice %arg7[%dma_start3A_938, %dma_start3A_939] : memref<10016x128xf32, #tpu.memory_space<vmem_shared>> -> memref<10016x128xf32, #tpu.memory_space<vmem_shared>>
      tpu.enqueue_indirect_dma source(%dma_start3A_934 : memref<128x128xf32, #tpu.memory_space<vmem>>) target(%dma_start3A_940 : memref<10016x128xf32, #tpu.memory_space<vmem_shared>>) offsets(%dma_start3A_937 : memref<128xi32, #tpu.memory_space<vmem>>) semaphore(%arg14 : memref<!tpu.dma_semaphore, #tpu.memory_space<semaphore_mem>>) {add = true}
      %lt3A_941 = arith.constant 4 : i32
      %lt3A_942 = arith.cmpi slt, %add3A_63, %lt3A_941 : i32
      %convert_element_type3A_943 = arith.extui %lt3A_942 : i1 to i32
      %cond3A_944 = arith.constant 0 : i32
      %cond3A_945 = arith.cmpi ne, %convert_element_type3A_943, %cond3A_944 : i32
      scf.if %cond3A_945 {
        %dma_wait3A_946 = arith.constant 0 : i32
        %dma_wait3A_947 = arith.constant 1 : i32
        %dma_wait3A_948 = arith.constant 6 : i32
        %dma_wait3A_949 = arith.constant 0 : i32
        %dma_wait3A_950 = arith.constant 0 : i32
        %dma_wait3A_951 = tpu.memref_slice %arg8[%dma_wait3A_946, %dma_wait3A_949, %dma_wait3A_950] : memref<2x128x128xf32, #tpu.memory_space<vmem>> -> memref<1x128x128xf32, #tpu.memory_space<vmem>>
        %dma_wait3A_952 = tpu.memref_squeeze %dma_wait3A_951 : memref<1x128x128xf32, #tpu.memory_space<vmem>> -> memref<128x128xf32, #tpu.memory_space<vmem>>
        %dma_wait3A_953 = arith.constant 0 : i32
        %dma_wait3A_954 = tpu.memref_slice %arg10[%dma_wait3A_947, %dma_wait3A_948, %dma_wait3A_953] : memref<2x8x128xi32, #tpu.memory_space<vmem>> -> memref<1x1x128xi32, #tpu.memory_space<vmem>>
        %dma_wait3A_955 = tpu.memref_squeeze %dma_wait3A_954 : memref<1x1x128xi32, #tpu.memory_space<vmem>> -> memref<128xi32, #tpu.memory_space<vmem>>
        %dma_wait3A_956 = arith.constant 0 : i32
        %dma_wait3A_957 = arith.constant 0 : i32
        %dma_wait3A_958 = tpu.memref_slice %arg7[%dma_wait3A_956, %dma_wait3A_957] : memref<10016x128xf32, #tpu.memory_space<vmem_shared>> -> memref<10016x128xf32, #tpu.memory_space<vmem_shared>>
        tpu.wait_indirect_dma semaphore(%arg13 : memref<!tpu.dma_semaphore, #tpu.memory_space<semaphore_mem>>) src(%dma_wait3A_952 : memref<128x128xf32, #tpu.memory_space<vmem>>) dst(%dma_wait3A_958 : memref<10016x128xf32, #tpu.memory_space<vmem_shared>>)
        %add3A_959 = arith.constant 1 : i32
        %add3A_960 = arith.addi %add3A_546, %add3A_959 : i32
        %mul3A_961 = arith.constant 8 : i32
        %mul3A_962 = arith.muli %add3A_960, %mul3A_961 : i32
        %add3A_963 = arith.addi %mul3A_2, %mul3A_962 : i32
        %dma_wait3A_964 = arith.constant 0 : i32
        %dma_wait3A_965 = arith.constant 0 : i32
        %dma_wait3A_966 = arith.constant 0 : i32
        %dma_wait3A_967 = tpu.memref_slice %arg9[%dma_wait3A_964, %dma_wait3A_965, %dma_wait3A_966] : memref<2x8x128xi32, #tpu.memory_space<vmem>> -> memref<1x8x128xi32, #tpu.memory_space<vmem>>
        %dma_wait3A_968 = tpu.memref_squeeze %dma_wait3A_967 : memref<1x8x128xi32, #tpu.memory_space<vmem>> -> memref<8x128xi32, #tpu.memory_space<vmem>>
        %dma_wait3A_969 = arith.constant 0 : i32
        %dma_wait3A_970 = tpu.memref_slice %arg4[%add3A_963, %dma_wait3A_969] : memref<2560x128xi32, #tpu.memory_space<hbm>> -> memref<8x128xi32, #tpu.memory_space<hbm>>
        %dma_wait3A_971 = arith.constant 0 : i32
        %dma_wait3A_972 = arith.constant 0 : i32
        %dma_wait3A_973 = tpu.memref_slice %arg9[%dma_wait3A_964, %dma_wait3A_971, %dma_wait3A_972] : memref<2x8x128xi32, #tpu.memory_space<vmem>> -> memref<1x8x128xi32, #tpu.memory_space<vmem>>
        %dma_wait3A_974 = tpu.memref_squeeze %dma_wait3A_973 : memref<1x8x128xi32, #tpu.memory_space<vmem>> -> memref<8x128xi32, #tpu.memory_space<vmem>>
        %dma_wait3A_975 = arith.constant 0 : i32
        %dma_wait3A_976 = tpu.memref_slice %arg4[%add3A_963, %dma_wait3A_975] : memref<2560x128xi32, #tpu.memory_space<hbm>> -> memref<8x128xi32, #tpu.memory_space<hbm>>
        tpu.wait_dma2 semaphore(%arg15 : memref<!tpu.dma_semaphore, #tpu.memory_space<semaphore_mem>>) src(%dma_wait3A_976 : memref<8x128xi32, #tpu.memory_space<hbm>>) dst(%dma_wait3A_974 : memref<8x128xi32, #tpu.memory_space<vmem>>)
        %mul3A_977 = arith.constant 8 : i32
        %mul3A_978 = arith.muli %add3A_960, %mul3A_977 : i32
        %add3A_979 = arith.addi %mul3A_2, %mul3A_978 : i32
        %dma_wait3A_980 = arith.constant 0 : i32
        %dma_wait3A_981 = arith.constant 0 : i32
        %dma_wait3A_982 = arith.constant 0 : i32
        %dma_wait3A_983 = tpu.memref_slice %arg10[%dma_wait3A_980, %dma_wait3A_981, %dma_wait3A_982] : memref<2x8x128xi32, #tpu.memory_space<vmem>> -> memref<1x8x128xi32, #tpu.memory_space<vmem>>
        %dma_wait3A_984 = tpu.memref_squeeze %dma_wait3A_983 : memref<1x8x128xi32, #tpu.memory_space<vmem>> -> memref<8x128xi32, #tpu.memory_space<vmem>>
        %dma_wait3A_985 = arith.constant 0 : i32
        %dma_wait3A_986 = tpu.memref_slice %arg3[%add3A_979, %dma_wait3A_985] : memref<2560x128xi32, #tpu.memory_space<hbm>> -> memref<8x128xi32, #tpu.memory_space<hbm>>
        %dma_wait3A_987 = arith.constant 0 : i32
        %dma_wait3A_988 = arith.constant 0 : i32
        %dma_wait3A_989 = tpu.memref_slice %arg10[%dma_wait3A_980, %dma_wait3A_987, %dma_wait3A_988] : memref<2x8x128xi32, #tpu.memory_space<vmem>> -> memref<1x8x128xi32, #tpu.memory_space<vmem>>
        %dma_wait3A_990 = tpu.memref_squeeze %dma_wait3A_989 : memref<1x8x128xi32, #tpu.memory_space<vmem>> -> memref<8x128xi32, #tpu.memory_space<vmem>>
        %dma_wait3A_991 = arith.constant 0 : i32
        %dma_wait3A_992 = tpu.memref_slice %arg3[%add3A_979, %dma_wait3A_991] : memref<2560x128xi32, #tpu.memory_space<hbm>> -> memref<8x128xi32, #tpu.memory_space<hbm>>
        tpu.wait_dma2 semaphore(%arg15 : memref<!tpu.dma_semaphore, #tpu.memory_space<semaphore_mem>>) src(%dma_wait3A_992 : memref<8x128xi32, #tpu.memory_space<hbm>>) dst(%dma_wait3A_990 : memref<8x128xi32, #tpu.memory_space<vmem>>)
        %dma_start3A_993 = arith.constant 0 : i32
        %dma_start3A_994 = arith.constant 0 : i32
        %dma_start3A_995 = arith.constant 0 : i32
        %dma_start3A_996 = arith.constant 0 : i32
        %dma_start3A_997 = arith.constant 0 : i32
        %dma_start3A_998 = tpu.memref_slice %arg8[%dma_start3A_995, %dma_start3A_996, %dma_start3A_997] : memref<2x128x128xf32, #tpu.memory_space<vmem>> -> memref<1x128x128xf32, #tpu.memory_space<vmem>>
        %dma_start3A_999 = tpu.memref_squeeze %dma_start3A_998 : memref<1x128x128xf32, #tpu.memory_space<vmem>> -> memref<128x128xf32, #tpu.memory_space<vmem>>
        %dma_start3A_1000 = arith.constant 0 : i32
        %dma_start3A_1001 = tpu.memref_slice %arg9[%dma_start3A_993, %dma_start3A_994, %dma_start3A_1000] : memref<2x8x128xi32, #tpu.memory_space<vmem>> -> memref<1x1x128xi32, #tpu.memory_space<vmem>>
        %dma_start3A_1002 = tpu.memref_squeeze %dma_start3A_1001 : memref<1x1x128xi32, #tpu.memory_space<vmem>> -> memref<128xi32, #tpu.memory_space<vmem>>
        %dma_start3A_1003 = arith.constant 0 : i32
        %dma_start3A_1004 = arith.constant 0 : i32
        %dma_start3A_1005 = tpu.memref_slice %arg7[%dma_start3A_1003, %dma_start3A_1004] : memref<10016x128xf32, #tpu.memory_space<vmem_shared>> -> memref<10016x128xf32, #tpu.memory_space<vmem_shared>>
        tpu.enqueue_indirect_dma source(%dma_start3A_1005 : memref<10016x128xf32, #tpu.memory_space<vmem_shared>>) target(%dma_start3A_999 : memref<128x128xf32, #tpu.memory_space<vmem>>) offsets(%dma_start3A_1002 : memref<128xi32, #tpu.memory_space<vmem>>) semaphore(%arg11 : memref<!tpu.dma_semaphore, #tpu.memory_space<semaphore_mem>>)
      } else {
      }
    }
    %scan3A_27 = arith.constant 5 : i32
    %dma_wait3A = arith.constant 0 : i32
    %dma_wait3A_28 = arith.constant 1 : i32
    %dma_wait3A_29 = arith.constant 6 : i32
    %dma_wait3A_30 = arith.constant 0 : i32
    %dma_wait3A_31 = arith.constant 0 : i32
    %dma_wait3A_32 = tpu.memref_slice %arg8[%dma_wait3A, %dma_wait3A_30, %dma_wait3A_31] : memref<2x128x128xf32, #tpu.memory_space<vmem>> -> memref<1x128x128xf32, #tpu.memory_space<vmem>>
    %dma_wait3A_33 = tpu.memref_squeeze %dma_wait3A_32 : memref<1x128x128xf32, #tpu.memory_space<vmem>> -> memref<128x128xf32, #tpu.memory_space<vmem>>
    %dma_wait3A_34 = arith.constant 0 : i32
    %dma_wait3A_35 = tpu.memref_slice %arg10[%dma_wait3A_28, %dma_wait3A_29, %dma_wait3A_34] : memref<2x8x128xi32, #tpu.memory_space<vmem>> -> memref<1x1x128xi32, #tpu.memory_space<vmem>>
    %dma_wait3A_36 = tpu.memref_squeeze %dma_wait3A_35 : memref<1x1x128xi32, #tpu.memory_space<vmem>> -> memref<128xi32, #tpu.memory_space<vmem>>
    %dma_wait3A_37 = arith.constant 0 : i32
    %dma_wait3A_38 = arith.constant 0 : i32
    %dma_wait3A_39 = tpu.memref_slice %arg7[%dma_wait3A_37, %dma_wait3A_38] : memref<10016x128xf32, #tpu.memory_space<vmem_shared>> -> memref<10016x128xf32, #tpu.memory_space<vmem_shared>>
    tpu.wait_indirect_dma semaphore(%arg13 : memref<!tpu.dma_semaphore, #tpu.memory_space<semaphore_mem>>) src(%dma_wait3A_33 : memref<128x128xf32, #tpu.memory_space<vmem>>) dst(%dma_wait3A_39 : memref<10016x128xf32, #tpu.memory_space<vmem_shared>>)
    %dma_wait3A_40 = arith.constant 1 : i32
    %dma_wait3A_41 = arith.constant 1 : i32
    %dma_wait3A_42 = arith.constant 7 : i32
    %dma_wait3A_43 = arith.constant 0 : i32
    %dma_wait3A_44 = arith.constant 0 : i32
    %dma_wait3A_45 = tpu.memref_slice %arg8[%dma_wait3A_40, %dma_wait3A_43, %dma_wait3A_44] : memref<2x128x128xf32, #tpu.memory_space<vmem>> -> memref<1x128x128xf32, #tpu.memory_space<vmem>>
    %dma_wait3A_46 = tpu.memref_squeeze %dma_wait3A_45 : memref<1x128x128xf32, #tpu.memory_space<vmem>> -> memref<128x128xf32, #tpu.memory_space<vmem>>
    %dma_wait3A_47 = arith.constant 0 : i32
    %dma_wait3A_48 = tpu.memref_slice %arg10[%dma_wait3A_41, %dma_wait3A_42, %dma_wait3A_47] : memref<2x8x128xi32, #tpu.memory_space<vmem>> -> memref<1x1x128xi32, #tpu.memory_space<vmem>>
    %dma_wait3A_49 = tpu.memref_squeeze %dma_wait3A_48 : memref<1x1x128xi32, #tpu.memory_space<vmem>> -> memref<128xi32, #tpu.memory_space<vmem>>
    %dma_wait3A_50 = arith.constant 0 : i32
    %dma_wait3A_51 = arith.constant 0 : i32
    %dma_wait3A_52 = tpu.memref_slice %arg7[%dma_wait3A_50, %dma_wait3A_51] : memref<10016x128xf32, #tpu.memory_space<vmem_shared>> -> memref<10016x128xf32, #tpu.memory_space<vmem_shared>>
    tpu.wait_indirect_dma semaphore(%arg14 : memref<!tpu.dma_semaphore, #tpu.memory_space<semaphore_mem>>) src(%dma_wait3A_46 : memref<128x128xf32, #tpu.memory_space<vmem>>) dst(%dma_wait3A_52 : memref<10016x128xf32, #tpu.memory_space<vmem_shared>>)
    %barrier3A_53 = arith.constant 0 : index
    tpu.barrier barrier_id(%barrier3A_53)
    %scan3A_54 = arith.constant 0 : i32
    %scan3A_55 = arith.constant 8 : i32
    %scan3A_56 = arith.addi %scan3A_54, %scan3A_55 : i32
    %scan3A_57 = arith.constant 1 : i32
    scf.for %scan3A_59 = %scan3A_54 to %scan3A_56 step %scan3A_57  : i32 {
      %mul3A_60 = arith.constant 1 : i32
      %mul3A_61 = arith.muli %scan3A_59, %mul3A_60 : i32
      %add3A_62 = arith.constant 0 : i32
      %add3A_63 = arith.addi %add3A_62, %mul3A_61 : i32
      %mul3A_64 = arith.constant 16 : i32
      %mul3A_65 = arith.muli %add3A_63, %mul3A_64 : i32
      %add3A_66 = arith.addi %arg1, %mul3A_65 : i32
      %lt3A = arith.constant 125 : i32
      %lt3A_67 = arith.cmpi slt, %add3A_66, %lt3A : i32
      %convert_element_type3A_68 = arith.extui %lt3A_67 : i1 to i32
      %cond3A_69 = arith.constant 0 : i32
      %cond3A_70 = arith.cmpi ne, %convert_element_type3A_68, %cond3A_69 : i32
      scf.if %cond3A_70 {
        %mul3A_71 = arith.constant 80 : i32
        %mul3A_72 = arith.muli %add3A_66, %mul3A_71 : i32
        %mul3A_73 = arith.constant 80 : i32
        %mul3A_74 = arith.muli %add3A_66, %mul3A_73 : i32
        "tpu.region"() ({
          %run_scoped3A_75 = tpu.sem_alloc : memref<!tpu.dma_semaphore, #tpu.memory_space<semaphore_mem>>
          %dma_start3A_76 = arith.constant 0 : i32
          %dma_start3A_77 = tpu.memref_slice %arg6[%arg0, %mul3A_74, %dma_start3A_76] : memref<2x10016x128xf32, #tpu.memory_space<hbm>> -> memref<1x80x128xf32, #tpu.memory_space<hbm>>
          %dma_start3A_78 = tpu.memref_squeeze %dma_start3A_77 : memref<1x80x128xf32, #tpu.memory_space<hbm>> -> memref<80x128xf32, #tpu.memory_space<hbm>>
          %dma_start3A_79 = arith.constant 0 : i32
          %dma_start3A_80 = tpu.memref_slice %arg7[%mul3A_72, %dma_start3A_79] : memref<10016x128xf32, #tpu.memory_space<vmem_shared>> -> memref<80x128xf32, #tpu.memory_space<vmem_shared>>
          tpu.enqueue_dma source(%dma_start3A_80 : memref<80x128xf32, #tpu.memory_space<vmem_shared>>) target(%dma_start3A_78 : memref<80x128xf32, #tpu.memory_space<hbm>>) target_semaphore(%run_scoped3A_75 : memref<!tpu.dma_semaphore, #tpu.memory_space<semaphore_mem>>)
          %dma_wait3A_81 = arith.constant 0 : i32
          %dma_wait3A_82 = tpu.memref_slice %arg6[%arg0, %mul3A_74, %dma_wait3A_81] : memref<2x10016x128xf32, #tpu.memory_space<hbm>> -> memref<1x80x128xf32, #tpu.memory_space<hbm>>
          %dma_wait3A_83 = tpu.memref_squeeze %dma_wait3A_82 : memref<1x80x128xf32, #tpu.memory_space<hbm>> -> memref<80x128xf32, #tpu.memory_space<hbm>>
          %dma_wait3A_84 = arith.constant 0 : i32
          %dma_wait3A_85 = tpu.memref_slice %arg7[%mul3A_72, %dma_wait3A_84] : memref<10016x128xf32, #tpu.memory_space<vmem_shared>> -> memref<80x128xf32, #tpu.memory_space<vmem_shared>>
          tpu.wait_dma2 semaphore(%run_scoped3A_75 : memref<!tpu.dma_semaphore, #tpu.memory_space<semaphore_mem>>) src(%dma_wait3A_85 : memref<80x128xf32, #tpu.memory_space<vmem_shared>>) dst(%dma_wait3A_83 : memref<80x128xf32, #tpu.memory_space<hbm>>)
          tpu.yield
        }) : () -> ()
      } else {
      }
    }
    %scan3A_58 = arith.constant 8 : i32
    return
  }
}

module attributes {stable_mosaic.version = 14 : i64} {
  func.func @_tc_dense1_body(%arg0: i32, %arg1: memref<2000x128xf32, #tpu.memory_space<vmem>>, %arg2: memref<128x128xf32, #tpu.memory_space<vmem>>, %arg3: memref<1x128xf32, #tpu.memory_space<vmem>>, %arg4: memref<2000x1xf32, #tpu.memory_space<vmem>>, %arg5: memref<2000x1xf32, #tpu.memory_space<vmem>>, %arg6: memref<2000x128xf32, #tpu.memory_space<vmem>>) attributes {dimension_semantics = [#tpu.dimension_semantics<arbitrary>], iteration_bounds = array<i64: 5>, scalar_prefetch = 0 : i64, scratch_operands = 0 : i64, tpu.core_type = #tpu.core_type<tc>, window_params = [{transform_indices = @transform_0, window_bounds = array<i64: 2000, 128>}, {pipeline_mode = #tpu.pipeline_mode<synchronous>, transform_indices = @transform_1, window_bounds = array<i64: 128, 128>}, {pipeline_mode = #tpu.pipeline_mode<synchronous>, transform_indices = @transform_2, window_bounds = array<i64: 1, 128>}, {transform_indices = @transform_3, window_bounds = array<i64: 2000, 1>}, {transform_indices = @transform_4, window_bounds = array<i64: 2000, 1>}, {transform_indices = @transform_5, window_bounds = array<i64: 2000, 128>}]} {
    %get3A = arith.constant 0 : index
    %get3A_0 = arith.constant 0 : index
    %get3A_1 = vector.load %arg1[%get3A, %get3A_0] : memref<2000x128xf32, #tpu.memory_space<vmem>>, vector<2000x128xf32>
    %get3A_2 = arith.constant 0 : index
    %get3A_3 = arith.constant 0 : index
    %get3A_4 = vector.load %arg2[%get3A_2, %get3A_3] : memref<128x128xf32, #tpu.memory_space<vmem>>, vector<128x128xf32>
    %dot_general3A = arith.constant dense<0.000000e+00> : vector<2000x128xf32>
    %dot_general3A_5 = tpu.matmul %get3A_1, %get3A_4, %dot_general3A {dimension_numbers = #tpu.dot_dimension_numbers<[1], [0], [0], [1], [0, 0, 1, 1], [], []>, precision = #tpu.contract_precision<fp32>, transpose_lhs_hint = false} : vector<2000x128xf32>, vector<128x128xf32>, vector<2000x128xf32> -> vector<2000x128xf32>
    %get3A_6 = arith.constant 0 : index
    %get3A_7 = arith.constant 0 : index
    %get3A_8 = vector.load %arg3[%get3A_6, %get3A_7] : memref<1x128xf32, #tpu.memory_space<vmem>>, vector<1x128xf32>
    %add3A = vector.broadcast %get3A_8 : vector<1x128xf32> to vector<2000x128xf32>
    %add3A_9 = arith.addf %dot_general3A_5, %add3A : vector<2000x128xf32>
    %get3A_10 = arith.constant 0 : index
    %get3A_11 = arith.constant 0 : index
    %get3A_12 = vector.load %arg4[%get3A_10, %get3A_11] : memref<2000x1xf32, #tpu.memory_space<vmem>>, vector<2000x1xf32>
    %get3A_13 = arith.constant 0 : index
    %get3A_14 = arith.constant 0 : index
    %get3A_15 = vector.load %arg5[%get3A_13, %get3A_14] : memref<2000x1xf32, #tpu.memory_space<vmem>>, vector<2000x1xf32>
    %reduce_sum3A = arith.constant dense<0.000000e+00> : vector<2000xf32>
    %reduce_sum3A_16 = vector.multi_reduction <add>, %add3A_9, %reduce_sum3A [1] : vector<2000x128xf32> to vector<2000xf32>
    %broadcast_in_dim3A = vector.shape_cast %reduce_sum3A_16 : vector<2000xf32> to vector<2000x1xf32>
    %div3A = arith.constant 1.280000e+02 : f32
    %div3A_17 = vector.broadcast %div3A : f32 to vector<2000x1xf32>
    %div3A_18 = arith.divf %broadcast_in_dim3A, %div3A_17 : vector<2000x1xf32>
    %sub3A = vector.broadcast %div3A_18 : vector<2000x1xf32> to vector<2000x128xf32>
    %sub3A_19 = arith.subf %add3A_9, %sub3A : vector<2000x128xf32>
    %integer_pow3A = arith.mulf %sub3A_19, %sub3A_19 : vector<2000x128xf32>
    %reduce_sum3A_20 = arith.constant dense<0.000000e+00> : vector<2000xf32>
    %reduce_sum3A_21 = vector.multi_reduction <add>, %integer_pow3A, %reduce_sum3A_20 [1] : vector<2000x128xf32> to vector<2000xf32>
    %broadcast_in_dim3A_22 = vector.shape_cast %reduce_sum3A_21 : vector<2000xf32> to vector<2000x1xf32>
    %div3A_23 = arith.constant 1.280000e+02 : f32
    %div3A_24 = vector.broadcast %div3A_23 : f32 to vector<2000x1xf32>
    %div3A_25 = arith.divf %broadcast_in_dim3A_22, %div3A_24 : vector<2000x1xf32>
    %sub3A_26 = vector.broadcast %div3A_18 : vector<2000x1xf32> to vector<2000x128xf32>
    %sub3A_27 = arith.subf %add3A_9, %sub3A_26 : vector<2000x128xf32>
    %add3A_28 = arith.constant 9.99999974E-6 : f32
    %add3A_29 = vector.broadcast %add3A_28 : f32 to vector<2000x1xf32>
    %add3A_30 = arith.addf %div3A_25, %add3A_29 : vector<2000x1xf32>
    %rsqrt3A = math.rsqrt %add3A_30 : vector<2000x1xf32>
    %mul3A = vector.broadcast %rsqrt3A : vector<2000x1xf32> to vector<2000x128xf32>
    %mul3A_31 = arith.mulf %sub3A_27, %mul3A : vector<2000x128xf32>
    %mul3A_32 = vector.broadcast %get3A_12 : vector<2000x1xf32> to vector<2000x128xf32>
    %mul3A_33 = arith.mulf %mul3A_31, %mul3A_32 : vector<2000x128xf32>
    %add3A_34 = vector.broadcast %get3A_15 : vector<2000x1xf32> to vector<2000x128xf32>
    %add3A_35 = arith.addf %mul3A_33, %add3A_34 : vector<2000x128xf32>
    %mul3A_36 = arith.constant 5.000000e-01 : f32
    %mul3A_37 = vector.broadcast %mul3A_36 : f32 to vector<2000x128xf32>
    %mul3A_38 = arith.mulf %mul3A_37, %add3A_35 : vector<2000x128xf32>
    %mul3A_39 = arith.constant 0.707106769 : f32
    %mul3A_40 = vector.broadcast %mul3A_39 : f32 to vector<2000x128xf32>
    %mul3A_41 = arith.mulf %add3A_35, %mul3A_40 : vector<2000x128xf32>
    %erf3A = math.erf %mul3A_41 : vector<2000x128xf32>
    %add3A_42 = arith.constant 1.000000e+00 : f32
    %add3A_43 = vector.broadcast %add3A_42 : f32 to vector<2000x128xf32>
    %add3A_44 = arith.addf %add3A_43, %erf3A : vector<2000x128xf32>
    %mul3A_45 = arith.mulf %mul3A_38, %add3A_44 : vector<2000x128xf32>
    %swap3A = arith.constant 0 : index
    %swap3A_46 = arith.constant 0 : index
    %swap3A_47 = vector.load %arg6[%swap3A, %swap3A_46] : memref<2000x128xf32, #tpu.memory_space<vmem>>, vector<2000x128xf32>
    tpu.vector_store %arg6[%swap3A, %swap3A_46], %mul3A_45 {strides = array<i32>} : memref<2000x128xf32, #tpu.memory_space<vmem>>, vector<2000x128xf32>,
    return
  }
  func.func @transform_0(%arg0: i32) -> (i32, i32) {
    %c0_i32 = arith.constant 0 : i32
    %c0_i32_0 = arith.constant 0 : i32
    return %arg0, %c0_i32 : i32, i32
  }
  func.func @transform_1(%arg0: i32) -> (i32, i32) {
    %c0_i32 = arith.constant 0 : i32
    %c0_i32_0 = arith.constant 0 : i32
    %c0_i32_1 = arith.constant 0 : i32
    return %c0_i32, %c0_i32_0 : i32, i32
  }
  func.func @transform_2(%arg0: i32) -> (i32, i32) {
    %c0_i32 = arith.constant 0 : i32
    %c0_i32_0 = arith.constant 0 : i32
    %c0_i32_1 = arith.constant 0 : i32
    return %c0_i32, %c0_i32_0 : i32, i32
  }
  func.func @transform_3(%arg0: i32) -> (i32, i32) {
    %c0_i32 = arith.constant 0 : i32
    %c0_i32_0 = arith.constant 0 : i32
    return %arg0, %c0_i32 : i32, i32
  }
  func.func @transform_4(%arg0: i32) -> (i32, i32) {
    %c0_i32 = arith.constant 0 : i32
    %c0_i32_0 = arith.constant 0 : i32
    return %arg0, %c0_i32 : i32, i32
  }
  func.func @transform_5(%arg0: i32) -> (i32, i32) {
    %c0_i32 = arith.constant 0 : i32
    %c0_i32_0 = arith.constant 0 : i32
    return %arg0, %c0_i32 : i32, i32
  }
}

module attributes {stable_mosaic.version = 14 : i64} {
  func.func @_tc_scale_body(%arg0: i32, %arg1: memref<2000x128xf32, #tpu.memory_space<vmem>>, %arg2: memref<2x2000x1xf32, #tpu.memory_space<vmem>>, %arg3: memref<2000x128xf32, #tpu.memory_space<vmem>>, %arg4: memref<2000x1xf32, #tpu.memory_space<vmem>>) attributes {dimension_semantics = [#tpu.dimension_semantics<arbitrary>], iteration_bounds = array<i64: 5>, scalar_prefetch = 0 : i64, scratch_operands = 0 : i64, tpu.core_type = #tpu.core_type<tc>, window_params = [{transform_indices = @transform_0, window_bounds = array<i64: 2000, 128>}, {transform_indices = @transform_1, window_bounds = array<i64: 2, 2000, 1>}, {transform_indices = @transform_2, window_bounds = array<i64: 2000, 128>}, {transform_indices = @transform_3, window_bounds = array<i64: 2000, 1>}]} {
    %get3A = arith.constant 0 : index
    %get3A_0 = arith.constant 0 : index
    %get3A_1 = arith.constant 0 : index
    %get3A_2 = vector.load %arg2[%get3A, %get3A_0, %get3A_1] : memref<2x2000x1xf32, #tpu.memory_space<vmem>>, vector<1x2000x1xf32>
    %get3A_3 = vector.shape_cast %get3A_2 : vector<1x2000x1xf32> to vector<2000x1xf32>
    %get3A_4 = arith.constant 1 : index
    %get3A_5 = arith.constant 0 : index
    %get3A_6 = arith.constant 0 : index
    %get3A_7 = vector.load %arg2[%get3A_4, %get3A_5, %get3A_6] : memref<2x2000x1xf32, #tpu.memory_space<vmem>>, vector<1x2000x1xf32>
    %get3A_8 = vector.shape_cast %get3A_7 : vector<1x2000x1xf32> to vector<2000x1xf32>
    %add3A = arith.addf %get3A_3, %get3A_8 : vector<2000x1xf32>
    %rsqrt3A = math.rsqrt %add3A : vector<2000x1xf32>
    %swap3A = arith.constant 0 : index
    %swap3A_9 = arith.constant 0 : index
    %swap3A_10 = vector.load %arg4[%swap3A, %swap3A_9] : memref<2000x1xf32, #tpu.memory_space<vmem>>, vector<2000x1xf32>
    tpu.vector_store %arg4[%swap3A, %swap3A_9], %rsqrt3A {strides = array<i32>} : memref<2000x1xf32, #tpu.memory_space<vmem>>, vector<2000x1xf32>,
    %get3A_11 = arith.constant 0 : index
    %get3A_12 = arith.constant 0 : index
    %get3A_13 = vector.load %arg1[%get3A_11, %get3A_12] : memref<2000x128xf32, #tpu.memory_space<vmem>>, vector<2000x128xf32>
    %mul3A = vector.broadcast %rsqrt3A : vector<2000x1xf32> to vector<2000x128xf32>
    %mul3A_14 = arith.mulf %get3A_13, %mul3A : vector<2000x128xf32>
    %swap3A_15 = arith.constant 0 : index
    %swap3A_16 = arith.constant 0 : index
    %swap3A_17 = vector.load %arg3[%swap3A_15, %swap3A_16] : memref<2000x128xf32, #tpu.memory_space<vmem>>, vector<2000x128xf32>
    tpu.vector_store %arg3[%swap3A_15, %swap3A_16], %mul3A_14 {strides = array<i32>} : memref<2000x128xf32, #tpu.memory_space<vmem>>, vector<2000x128xf32>,
    return
  }
  func.func @transform_0(%arg0: i32) -> (i32, i32) {
    %c0_i32 = arith.constant 0 : i32
    %c0_i32_0 = arith.constant 0 : i32
    return %arg0, %c0_i32 : i32, i32
  }
  func.func @transform_1(%arg0: i32) -> (i32, i32, i32) {
    %c0_i32 = arith.constant 0 : i32
    %c0_i32_0 = arith.constant 0 : i32
    %c0_i32_1 = arith.constant 0 : i32
    return %c0_i32, %arg0, %c0_i32_0 : i32, i32, i32
  }
  func.func @transform_2(%arg0: i32) -> (i32, i32) {
    %c0_i32 = arith.constant 0 : i32
    %c0_i32_0 = arith.constant 0 : i32
    return %arg0, %c0_i32 : i32, i32
  }
  func.func @transform_3(%arg0: i32) -> (i32, i32) {
    %c0_i32 = arith.constant 0 : i32
    %c0_i32_0 = arith.constant 0 : i32
    return %arg0, %c0_i32 : i32, i32
  }
}

module attributes {stable_mosaic.version = 14 : i64} {
  func.func @_tc_layer2_body(%arg0: i32, %arg1: memref<2x2000x128xf32, #tpu.memory_space<vmem>>, %arg2: memref<2000x1xf32, #tpu.memory_space<vmem>>, %arg3: memref<128x128xf32, #tpu.memory_space<vmem>>, %arg4: memref<1x128xf32, #tpu.memory_space<vmem>>, %arg5: memref<2000x1xf32, #tpu.memory_space<vmem>>, %arg6: memref<2000x1xf32, #tpu.memory_space<vmem>>, %arg7: memref<2000x128xf32, #tpu.memory_space<vmem>>) attributes {dimension_semantics = [#tpu.dimension_semantics<arbitrary>], iteration_bounds = array<i64: 5>, scalar_prefetch = 0 : i64, scratch_operands = 0 : i64, tpu.core_type = #tpu.core_type<tc>, window_params = [{transform_indices = @transform_0, window_bounds = array<i64: 2, 2000, 128>}, {transform_indices = @transform_1, window_bounds = array<i64: 2000, 1>}, {pipeline_mode = #tpu.pipeline_mode<synchronous>, transform_indices = @transform_2, window_bounds = array<i64: 128, 128>}, {pipeline_mode = #tpu.pipeline_mode<synchronous>, transform_indices = @transform_3, window_bounds = array<i64: 1, 128>}, {transform_indices = @transform_4, window_bounds = array<i64: 2000, 1>}, {transform_indices = @transform_5, window_bounds = array<i64: 2000, 1>}, {transform_indices = @transform_6, window_bounds = array<i64: 2000, 128>}]} {
    %get3A = arith.constant 0 : index
    %get3A_0 = arith.constant 0 : index
    %get3A_1 = vector.load %arg2[%get3A, %get3A_0] : memref<2000x1xf32, #tpu.memory_space<vmem>>, vector<2000x1xf32>
    %get3A_2 = arith.constant 0 : index
    %get3A_3 = arith.constant 0 : index
    %get3A_4 = arith.constant 0 : index
    %get3A_5 = vector.load %arg1[%get3A_2, %get3A_3, %get3A_4] : memref<2x2000x128xf32, #tpu.memory_space<vmem>>, vector<1x2000x128xf32>
    %get3A_6 = vector.shape_cast %get3A_5 : vector<1x2000x128xf32> to vector<2000x128xf32>
    %get3A_7 = arith.constant 1 : index
    %get3A_8 = arith.constant 0 : index
    %get3A_9 = arith.constant 0 : index
    %get3A_10 = vector.load %arg1[%get3A_7, %get3A_8, %get3A_9] : memref<2x2000x128xf32, #tpu.memory_space<vmem>>, vector<1x2000x128xf32>
    %get3A_11 = vector.shape_cast %get3A_10 : vector<1x2000x128xf32> to vector<2000x128xf32>
    %add3A = arith.addf %get3A_6, %get3A_11 : vector<2000x128xf32>
    %mul3A = vector.broadcast %get3A_1 : vector<2000x1xf32> to vector<2000x128xf32>
    %mul3A_12 = arith.mulf %add3A, %mul3A : vector<2000x128xf32>
    %get3A_13 = arith.constant 0 : index
    %get3A_14 = arith.constant 0 : index
    %get3A_15 = vector.load %arg3[%get3A_13, %get3A_14] : memref<128x128xf32, #tpu.memory_space<vmem>>, vector<128x128xf32>
    %dot_general3A = arith.constant dense<0.000000e+00> : vector<2000x128xf32>
    %dot_general3A_16 = tpu.matmul %mul3A_12, %get3A_15, %dot_general3A {dimension_numbers = #tpu.dot_dimension_numbers<[1], [0], [0], [1], [0, 0, 1, 1], [], []>, precision = #tpu.contract_precision<fp32>, transpose_lhs_hint = false} : vector<2000x128xf32>, vector<128x128xf32>, vector<2000x128xf32> -> vector<2000x128xf32>
    %get3A_17 = arith.constant 0 : index
    %get3A_18 = arith.constant 0 : index
    %get3A_19 = vector.load %arg4[%get3A_17, %get3A_18] : memref<1x128xf32, #tpu.memory_space<vmem>>, vector<1x128xf32>
    %add3A_20 = vector.broadcast %get3A_19 : vector<1x128xf32> to vector<2000x128xf32>
    %add3A_21 = arith.addf %dot_general3A_16, %add3A_20 : vector<2000x128xf32>
    %get3A_22 = arith.constant 0 : index
    %get3A_23 = arith.constant 0 : index
    %get3A_24 = vector.load %arg5[%get3A_22, %get3A_23] : memref<2000x1xf32, #tpu.memory_space<vmem>>, vector<2000x1xf32>
    %get3A_25 = arith.constant 0 : index
    %get3A_26 = arith.constant 0 : index
    %get3A_27 = vector.load %arg6[%get3A_25, %get3A_26] : memref<2000x1xf32, #tpu.memory_space<vmem>>, vector<2000x1xf32>
    %reduce_sum3A = arith.constant dense<0.000000e+00> : vector<2000xf32>
    %reduce_sum3A_28 = vector.multi_reduction <add>, %add3A_21, %reduce_sum3A [1] : vector<2000x128xf32> to vector<2000xf32>
    %broadcast_in_dim3A = vector.shape_cast %reduce_sum3A_28 : vector<2000xf32> to vector<2000x1xf32>
    %div3A = arith.constant 1.280000e+02 : f32
    %div3A_29 = vector.broadcast %div3A : f32 to vector<2000x1xf32>
    %div3A_30 = arith.divf %broadcast_in_dim3A, %div3A_29 : vector<2000x1xf32>
    %sub3A = vector.broadcast %div3A_30 : vector<2000x1xf32> to vector<2000x128xf32>
    %sub3A_31 = arith.subf %add3A_21, %sub3A : vector<2000x128xf32>
    %integer_pow3A = arith.mulf %sub3A_31, %sub3A_31 : vector<2000x128xf32>
    %reduce_sum3A_32 = arith.constant dense<0.000000e+00> : vector<2000xf32>
    %reduce_sum3A_33 = vector.multi_reduction <add>, %integer_pow3A, %reduce_sum3A_32 [1] : vector<2000x128xf32> to vector<2000xf32>
    %broadcast_in_dim3A_34 = vector.shape_cast %reduce_sum3A_33 : vector<2000xf32> to vector<2000x1xf32>
    %div3A_35 = arith.constant 1.280000e+02 : f32
    %div3A_36 = vector.broadcast %div3A_35 : f32 to vector<2000x1xf32>
    %div3A_37 = arith.divf %broadcast_in_dim3A_34, %div3A_36 : vector<2000x1xf32>
    %sub3A_38 = vector.broadcast %div3A_30 : vector<2000x1xf32> to vector<2000x128xf32>
    %sub3A_39 = arith.subf %add3A_21, %sub3A_38 : vector<2000x128xf32>
    %add3A_40 = arith.constant 9.99999974E-6 : f32
    %add3A_41 = vector.broadcast %add3A_40 : f32 to vector<2000x1xf32>
    %add3A_42 = arith.addf %div3A_37, %add3A_41 : vector<2000x1xf32>
    %rsqrt3A = math.rsqrt %add3A_42 : vector<2000x1xf32>
    %mul3A_43 = vector.broadcast %rsqrt3A : vector<2000x1xf32> to vector<2000x128xf32>
    %mul3A_44 = arith.mulf %sub3A_39, %mul3A_43 : vector<2000x128xf32>
    %mul3A_45 = vector.broadcast %get3A_24 : vector<2000x1xf32> to vector<2000x128xf32>
    %mul3A_46 = arith.mulf %mul3A_44, %mul3A_45 : vector<2000x128xf32>
    %add3A_47 = vector.broadcast %get3A_27 : vector<2000x1xf32> to vector<2000x128xf32>
    %add3A_48 = arith.addf %mul3A_46, %add3A_47 : vector<2000x128xf32>
    %mul3A_49 = arith.constant 5.000000e-01 : f32
    %mul3A_50 = vector.broadcast %mul3A_49 : f32 to vector<2000x128xf32>
    %mul3A_51 = arith.mulf %mul3A_50, %add3A_48 : vector<2000x128xf32>
    %mul3A_52 = arith.constant 0.707106769 : f32
    %mul3A_53 = vector.broadcast %mul3A_52 : f32 to vector<2000x128xf32>
    %mul3A_54 = arith.mulf %add3A_48, %mul3A_53 : vector<2000x128xf32>
    %erf3A = math.erf %mul3A_54 : vector<2000x128xf32>
    %add3A_55 = arith.constant 1.000000e+00 : f32
    %add3A_56 = vector.broadcast %add3A_55 : f32 to vector<2000x128xf32>
    %add3A_57 = arith.addf %add3A_56, %erf3A : vector<2000x128xf32>
    %mul3A_58 = arith.mulf %mul3A_51, %add3A_57 : vector<2000x128xf32>
    %mul3A_59 = vector.broadcast %get3A_1 : vector<2000x1xf32> to vector<2000x128xf32>
    %mul3A_60 = arith.mulf %mul3A_58, %mul3A_59 : vector<2000x128xf32>
    %swap3A = arith.constant 0 : index
    %swap3A_61 = arith.constant 0 : index
    %swap3A_62 = vector.load %arg7[%swap3A, %swap3A_61] : memref<2000x128xf32, #tpu.memory_space<vmem>>, vector<2000x128xf32>
    tpu.vector_store %arg7[%swap3A, %swap3A_61], %mul3A_60 {strides = array<i32>} : memref<2000x128xf32, #tpu.memory_space<vmem>>, vector<2000x128xf32>,
    return
  }
  func.func @transform_0(%arg0: i32) -> (i32, i32, i32) {
    %c0_i32 = arith.constant 0 : i32
    %c0_i32_0 = arith.constant 0 : i32
    %c0_i32_1 = arith.constant 0 : i32
    return %c0_i32, %arg0, %c0_i32_0 : i32, i32, i32
  }
  func.func @transform_1(%arg0: i32) -> (i32, i32) {
    %c0_i32 = arith.constant 0 : i32
    %c0_i32_0 = arith.constant 0 : i32
    return %arg0, %c0_i32 : i32, i32
  }
  func.func @transform_2(%arg0: i32) -> (i32, i32) {
    %c0_i32 = arith.constant 0 : i32
    %c0_i32_0 = arith.constant 0 : i32
    %c0_i32_1 = arith.constant 0 : i32
    return %c0_i32, %c0_i32_0 : i32, i32
  }
  func.func @transform_3(%arg0: i32) -> (i32, i32) {
    %c0_i32 = arith.constant 0 : i32
    %c0_i32_0 = arith.constant 0 : i32
    %c0_i32_1 = arith.constant 0 : i32
    return %c0_i32, %c0_i32_0 : i32, i32
  }
  func.func @transform_4(%arg0: i32) -> (i32, i32) {
    %c0_i32 = arith.constant 0 : i32
    %c0_i32_0 = arith.constant 0 : i32
    return %arg0, %c0_i32 : i32, i32
  }
  func.func @transform_5(%arg0: i32) -> (i32, i32) {
    %c0_i32 = arith.constant 0 : i32
    %c0_i32_0 = arith.constant 0 : i32
    return %arg0, %c0_i32 : i32, i32
  }
  func.func @transform_6(%arg0: i32) -> (i32, i32) {
    %c0_i32 = arith.constant 0 : i32
    %c0_i32_0 = arith.constant 0 : i32
    return %arg0, %c0_i32 : i32, i32
  }
}

module attributes {stable_mosaic.version = 14 : i64} {
  func.func @_tc_final_body(%arg0: i32, %arg1: memref<2x2000x128xf32, #tpu.memory_space<vmem>>, %arg2: memref<2000x1xf32, #tpu.memory_space<vmem>>, %arg3: memref<2000x128xf32, #tpu.memory_space<vmem>>) attributes {dimension_semantics = [#tpu.dimension_semantics<arbitrary>], iteration_bounds = array<i64: 5>, scalar_prefetch = 0 : i64, scratch_operands = 0 : i64, tpu.core_type = #tpu.core_type<tc>, window_params = [{transform_indices = @transform_0, window_bounds = array<i64: 2, 2000, 128>}, {transform_indices = @transform_1, window_bounds = array<i64: 2000, 1>}, {transform_indices = @transform_2, window_bounds = array<i64: 2000, 128>}]} {
    %get3A = arith.constant 0 : index
    %get3A_0 = arith.constant 0 : index
    %get3A_1 = arith.constant 0 : index
    %get3A_2 = vector.load %arg1[%get3A, %get3A_0, %get3A_1] : memref<2x2000x128xf32, #tpu.memory_space<vmem>>, vector<1x2000x128xf32>
    %get3A_3 = vector.shape_cast %get3A_2 : vector<1x2000x128xf32> to vector<2000x128xf32>
    %get3A_4 = arith.constant 1 : index
    %get3A_5 = arith.constant 0 : index
    %get3A_6 = arith.constant 0 : index
    %get3A_7 = vector.load %arg1[%get3A_4, %get3A_5, %get3A_6] : memref<2x2000x128xf32, #tpu.memory_space<vmem>>, vector<1x2000x128xf32>
    %get3A_8 = vector.shape_cast %get3A_7 : vector<1x2000x128xf32> to vector<2000x128xf32>
    %add3A = arith.addf %get3A_3, %get3A_8 : vector<2000x128xf32>
    %get3A_9 = arith.constant 0 : index
    %get3A_10 = arith.constant 0 : index
    %get3A_11 = vector.load %arg2[%get3A_9, %get3A_10] : memref<2000x1xf32, #tpu.memory_space<vmem>>, vector<2000x1xf32>
    %mul3A = vector.broadcast %get3A_11 : vector<2000x1xf32> to vector<2000x128xf32>
    %mul3A_12 = arith.mulf %add3A, %mul3A : vector<2000x128xf32>
    %swap3A = arith.constant 0 : index
    %swap3A_13 = arith.constant 0 : index
    %swap3A_14 = vector.load %arg3[%swap3A, %swap3A_13] : memref<2000x128xf32, #tpu.memory_space<vmem>>, vector<2000x128xf32>
    tpu.vector_store %arg3[%swap3A, %swap3A_13], %mul3A_12 {strides = array<i32>} : memref<2000x128xf32, #tpu.memory_space<vmem>>, vector<2000x128xf32>,
    return
  }
  func.func @transform_0(%arg0: i32) -> (i32, i32, i32) {
    %c0_i32 = arith.constant 0 : i32
    %c0_i32_0 = arith.constant 0 : i32
    %c0_i32_1 = arith.constant 0 : i32
    return %c0_i32, %arg0, %c0_i32_0 : i32, i32, i32
  }
  func.func @transform_1(%arg0: i32) -> (i32, i32) {
    %c0_i32 = arith.constant 0 : i32
    %c0_i32_0 = arith.constant 0 : i32
    return %arg0, %c0_i32 : i32, i32
  }
  func.func @transform_2(%arg0: i32) -> (i32, i32) {
    %c0_i32 = arith.constant 0 : i32
    %c0_i32_0 = arith.constant 0 : i32
    return %arg0, %c0_i32 : i32, i32
  }
}

</mosaic_0001>

<sc_bundles>
// kernel: kernel.12.cloned.1.call-start
scs
__scs_entry_jumppad:
0x0: {  	(pc) =	sbr.rel $0x88, $3  }
0x1: {  	(tag) =	ssettag $0x0;
	lr =	simm.s32 $0x1  }
0x2: {  	[smem:$0x3F97] =	sst lr;
	_ =	strace $0xD0000000  }
0x3: {  	_ = 	snop  }
0x4: {  	_ = 	snop  }
0x5: {  	_ = 	snop  }
0x6: {  	_ = 	snop  }
0x7: {  	_ = 	snop  }
__scs_overlays_trampoline_lowered:
0x8: {  	[smem:$0x3FA6] =	sst s0  }
0x9: {  	[smem:$0x3FA7] =	sst s1  }
0xa: {  	[smem:$0x3FA8] =	sst s2  }
0xb: {  	[smem:$0x3FA9] =	sst s3  }
0xc: {  	[smem:$0x3FAA] =	sst s4  }
0xd: {  	[smem:$0x3FAB] =	sst s5  }
0xe: {  	[smem:$0x3FAC] =	sst s6  }
0xf: {  	[smem:$0x3FAD] =	sst s7  }
0x10: {  	[smem:$0x3FAE] =	sst s8  }
0x11: {  	[smem:$0x3FAF] =	sst s9;
	s0 =	simm.s32 @!p0 $0x0  }
0x12: {  	s1 =	sld [smem:$0x3F95];
	s0 =	simm.s32 @p0 $0x1  }
0x13: {  	[smem:$0x3FB0] =	sst s0;
	s0 =	simm.s32 @!p1 $0x0  }
0x14: {  	s2 =	sld [smem:$0x3F94];
	s0 =	simm.s32 @p1 $0x1  }
0x15: {  	[smem:$0x3FB1] =	sst s0;
	s0 =	simm.s32 @!p2 $0x0  }
0x16: {  	s3 =	sld [smem:$0x3FDB];
	s0 =	simm.s32 @p2 $0x1  }
0x17: {  	s4 =	simm.s32 $0x1BF5;
	[smem:$0x3FB3] =	sst s0  }
0x18: {  	s0 =	sld [smem:$0x3F96];
	_ =	swait.ge [sflag:s4], $0x0  }
0x19: {  	s7 =	sld [smem:$0x3F97]  }
0x1a: {  	s8 =	sadd.s32 $0xFFFFE003, lr  }
0x1b: {  	s9 =	sadd.s32 $0xFFFFFEF7, lr;
	s5 =	simm.s32 $0xFFFFFFFF;
	p2 =	slt.u32 s8, $0xFFFFF086  }
0x1c: {  	p1 =	slt.u32 s9, $0xF7A;
	s5 =	simm.s32 @!p2 $0x0  }
0x1d: {  	s5 =	simm.s32 @p1 $0x1;
	p0 =	seq.s32 s7, s2  }
0x1e: {  	s7 =	smul.u32 @!p0 $0xF7A, s2;
	p2 =	seq.s32 @!p0 s5, $0x0  }
0x1f: {  	s9 =	smul.u32 $0xF7A, s1;
	s8 =	simm.s32 @!p0 $0x1BF5;
	p2 =	por !p2, p0  }
0x20: {  	[sflag:s8] =	ssyncset.s32 @!p0 $0xFFFFF086;
	s6 =	sadd.s32 @!p0 s3, s7;
	s7 =	simm.s32 @!p0 $0x108  }
0x21: {  	s3 =	sadd.s32 s3, s9;
	s6 =	sadd.s32 @!p0 $0x88, s6;
	s7 =	simm.s32 @p2 $0x1082  }
0x22: {  	[simem:s7], [sflag:s8] =	dma.local @!p0 [hbm:s6], $0xF7A  }
0x23: {  	s9 =	sor.u32 $0xD0000000, s2;
	s6 =	simm.s32 $0x108;
	_ =	swait.ge @!p0 [sflag:s8], $0x0  }
0x24: {  	s3 =	sadd.s32 $0x88, s3;
	s6 =	simm.s32 @!p1 $0x1082;
	[sflag:s4] =	ssyncset.s32 $0xFFFFF086  }
0x25: {  	[simem:s6], [sflag:s4] =	dma.local [hbm:s3], $0xF7A  }
0x26: {  	[smem:$0x3F97] =	sst s1;
	(tag) =	ssettag s2;
	_ =	strace s9  }
0x27: {  	s1 =	sld [smem:$0x3FA7]  }
0x28: {  	s2 =	sld [smem:$0x3FA8]  }
0x29: {  	s4 =	sld [smem:$0x3FAA]  }
0x2a: {  	p0 =	seq.s32 s5, $0x0;
	s5 =	sld [smem:$0x3FAB]  }
0x2b: {  	s6 =	sld [smem:$0x3FAC]  }
0x2c: {  	s7 =	sld [smem:$0x3FAD]  }
0x2d: {  	s3 =	simm.s32 $0x108;
	s8 =	sld [smem:$0x3FAE]  }
0x2e: {  	s3 =	simm.s32 @!p0 $0x1082;
	s9 =	sld [smem:$0x3FAF]  }
0x2f: {  	lr =	sadd.s32 s0, s3;
	s0 =	sld [smem:$0x3FA6]  }
0x30: {  	s3 =	sld [smem:$0x3FA9]  }
0x31: {  	[smem:$0x3FB2] =	sst s10  }
0x32: {  	s10 =	sld [smem:$0x3FB0];
	_ =	sdelay $0x3  }
0x33: {  	p0 =	seq.s32 s10, $0x1;
	s10 =	sld [smem:$0x3FB2];
	_ =	sdelay $0x3  }
0x34: {  	[smem:$0x3FB2] =	sst s10  }
0x35: {  	s10 =	sld [smem:$0x3FB1];
	_ =	sdelay $0x3  }
0x36: {  	p1 =	seq.s32 s10, $0x1;
	s10 =	sld [smem:$0x3FB2];
	_ =	sdelay $0x3  }
0x37: {  	[smem:$0x3FB2] =	sst s10  }
0x38: {  	s10 =	sld [smem:$0x3FB3]  }
0x39: {  	_ = 	snop;
	(pc) =	sbr.ind lr, $3  }
0x3a: {  	_ = 	snop  }
0x3b: {  	_ = 	snop  }
0x3c: {  	p2 =	seq.s32 s10, $0x1;
	s10 =	sld [smem:$0x3FB2]  }
0x3d: {  	_ =	shalt  }
0x3e: {  	_ =	shalt  }
0x3f: {  	_ =	shalt  }
0x40: {  	_ =	shalt  }
0x41: {  	_ =	shalt  }
0x42: {  	_ =	shalt  }
0x43: {  	_ =	shalt  }
0x44: {  	_ =	shalt  }
0x45: {  	_ =	shalt  }
0x46: {  	_ =	shalt  }
0x47: {  	_ =	shalt  }
0x48: {  	_ =	shalt  }
0x49: {  	_ =	shalt  }
0x4a: {  	_ =	shalt  }
0x4b: {  	_ =	shalt  }
0x4c: {  	_ =	shalt  }
0x4d: {  	_ =	shalt  }
0x4e: {  	_ =	shalt  }
0x4f: {  	_ =	shalt  }
0x50: {  	_ =	shalt  }
0x51: {  	_ =	shalt  }
0x52: {  	_ =	shalt  }
0x53: {  	_ =	shalt  }
0x54: {  	_ =	shalt  }
0x55: {  	_ =	shalt  }
0x56: {  	_ =	shalt  }
0x57: {  	_ =	shalt  }
0x58: {  	_ =	shalt  }
0x59: {  	_ =	shalt  }
0x5a: {  	_ =	shalt  }
0x5b: {  	_ =	shalt  }
0x5c: {  	_ =	shalt  }
0x5d: {  	_ =	shalt  }
0x5e: {  	_ =	shalt  }
0x5f: {  	_ =	shalt  }
0x60: {  	_ =	shalt  }
0x61: {  	_ =	shalt  }
0x62: {  	_ =	shalt  }
0x63: {  	_ =	shalt  }
0x64: {  	_ =	shalt  }
0x65: {  	_ =	shalt  }
0x66: {  	_ =	shalt  }
0x67: {  	_ =	shalt  }
0x68: {  	_ =	shalt  }
0x69: {  	_ =	shalt  }
0x6a: {  	_ =	shalt  }
0x6b: {  	_ =	shalt  }
0x6c: {  	_ =	shalt  }
0x6d: {  	_ =	shalt  }
0x6e: {  	_ =	shalt  }
0x6f: {  	_ =	shalt  }
0x70: {  	_ =	shalt  }
0x71: {  	_ =	shalt  }
0x72: {  	_ =	shalt  }
0x73: {  	_ =	shalt  }
0x74: {  	_ =	shalt  }
0x75: {  	_ =	shalt  }
0x76: {  	_ =	shalt  }
0x77: {  	_ =	shalt  }
0x78: {  	_ =	shalt  }
0x79: {  	_ =	shalt  }
0x7a: {  	_ =	shalt  }
0x7b: {  	_ =	shalt  }
0x7c: {  	_ =	shalt  }
0x7d: {  	_ =	shalt  }
0x7e: {  	_ =	shalt  }
0x7f: {  	_ =	shalt  }
0x80: {  	_ =	shalt  }
0x81: {  	_ =	shalt  }
0x82: {  	_ =	shalt  }
0x83: {  	_ =	shalt  }
0x84: {  	_ =	shalt  }
0x85: {  	_ =	shalt  }
0x86: {  	_ =	shalt  }
0x87: {  	_ =	shalt  }
.Lfunc_end0:
.L_simem_size_0:
called_computation.1_lowered:
.L_overlay_start_0:
0x88: {  	s2 =	sld [smem:$0x3FD9]  }
0x89: {  	s3 =	sld [smem:$0x3FFE];
	_ =	sdelay $0x1  }
0x8a: {  	s1 =	srdreg.scid  }
0x8b: {  	s0 =	sand.u32 $0x1, s1  }
0x8c: {  	s16 =	sshll.u32 s0, $0xA;
	s2 =	sadd.s32 s3, s2  }
0x8d: {  	s2 =	sadd.s32 s2, s16  }
0x8e: {  	[smem:$0x3FBE] =	sst s2  }
0x8f: {  	_ = 	snop  }
0x90: {  	(tm) =	ssettm $0x1  }
0x91: {  	s17 =	sld [smem:$0x3FFB];
	_ =	sdelay $0x3  }
0x92: {  	_ =	strace s17  }
0x93: {  	s2 =	sld [smem:$0x3FFC];
	_ =	sdelay $0x3  }
0x94: {  	_ =	strace s2  }
0x95: {  	s2 =	sld [smem:$0x3FFD];
	_ =	sdelay $0x3  }
0x96: {  	_ =	strace s2  }
0x97: {  	_ =	strace $0x8FFFFFFF  }
0x98: {  	s18 =	sld [smem:$0x3FDB];
	_ =	sdelay $0x1  }
0x99: {  	s19 =	simm.s32 $_scs_section_size  }
0x9a: {  	s4 =	simm.s32 $_size__tile_overlayer_lowered;
	s5 =	simm.s32 $_tile_overlayer_lowered  }
0x9b: {  	s22 =	simm.s32 $0x1BFF;
	s21 =	sshll.u32 s5, $0x1;
	s2 =	sadd.s32 s19, s18  }
0x9c: {  	s6 =	simm.s32 $0x0;
	s20 =	sshll.u32 s4, $0x1;
	s4 =	sadd.s32 s21, s2  }
0x9d: {  	[timem:s6], [sflag:s22] =	dma.local [hbm:s4], s20  }
0x9e: {  	_ =	swait.ge [sflag:s22], s20  }
0x9f: {  	s3 =	ssub.s32 $0x0, s20;
	[sflag:s22] =	ssyncset.done $0x0  }
0xa0: {  	[sflag:s22] =	ssyncadd.s32 s3;
	_ =	sdelay $0x1  }
0xa1: {  	s23 =	simm.s32 $0x1B8B  }
0xa2: {  	_ =	swait.ge [sflag:s23], $0x1  }
0xa3: {  	[sflag:s23] =	ssyncset.done $0x0  }
0xa4: {  	s25 =	simm.s32 $0x1B8E;
	s24 =	sld [smem:$0x3FFE];
	[sflag:s23] =	ssyncadd.s32 $0xFFFFFFFF  }
0xa5: {  	s26 =	simm.s32 $execute0_lowered;
	[smem:$0x3FD2] =	sst s25  }
0xa6: {  	s4 =	sshll.u32 s26, $0x1;
	_ =	strace $0x80000049;
	[dreg:$0x1] =	wrdreg $0xFFFFFFFF  }
0xa7: {  	s28 =	simm.s32 $_size_execute0_lowered;
	s2 =	sadd.s32 s2, s4;
	[dreg:$0x0] =	wrdreg $0x0  }
0xa8: {  	s4 =	sshll.u32 s28, $0x1;
	[dreg:$0x2] =	wrdreg s2  }
0xa9: {  	[dreg:$0x3] =	wrdreg s4  }
0xaa: {  	[dreg:$0x4] =	wrdreg $0xC0  }
0xab: {  	_ =	task [dreg:s6], $0x5FFFF  }
0xac: {  	[dreg:$0x1] =	wrdreg $0xFFFFFFFF  }
0xad: {  	[dreg:$0x0] =	wrdreg $0x60  }
0xae: {  	[dreg:$0x2] =	wrdreg s24  }
0xaf: {  	[dreg:$0x3] =	wrdreg $0x0  }
0xb0: {  	[dreg:$0x4] =	wrdreg $0x9  }
0xb1: {  	_ =	task.clear_ibuf [dreg:s6], $0x5FFFF;
	_ =	strace $0x90000049  }
0xb2: {  	s29 =	simm.s32 $0x9;
	_ =	strace $0x8000004B  }
0xb3: {  	_ =	swait.ge [sflag:s29], $0x1  }
0xb4: {  	[sflag:s29] =	ssyncadd.s32 $0xFFFFFFFF  }
0xb5: {  	_ =	strace $0x9000004B  }
0xb6: {  	_ =	sfence  }
0xb7: {  	s30 =	sld [smem:$0x0];
	_ =	sdelay $0x2  }
0xb8: {  	s31 =	sshll.u32 s1, $0xD;
	s1 =	sshrl.u32 s1, $0x2  }
0xb9: {  	s3 =	sand.u32 $0x4000, s31;
	s1 =	sadd.s32 s1, s30  }
0xba: {  	s0 =	sor.u32 s3, s0;
	s1 =	sshll.u32 s1, $0x11  }
0xbb: {  	s0 =	sor.u32 s1, s0  }
0xbc: {  	s0 =	sadd.s32 $0x8F2B, s0  }
0xbd: {  	[sflag:s0] =	ssyncadd.remote.s32 $0x1  }
0xbe: {  	_ =	sfence.sel $0xFFFF  }
0xbf: {  	[dreg:$0x0] =	wrdreg $0xFFFFFFFF;
	(pc) =	sbr.abs _section_cstart, $3  }
0xc0: {  	[dreg:$0x1] =	wrdreg $0xFFFFFFFF  }
0xc1: {  	_ =	task.clear_ibuf [dreg:s6], $0x2FFFF;
	_ =	strace $0x9FFFFFFF  }
0xc2: {  	(tm) =	ssettm $0x7FFFFFFF  }
0xc3: {  	_ =	shalt  }
tec
execute0_lowered:
.L_overlay_start_1:
0x0: {  	(tag) =	ssettag $0x1  }
0x1: {  	s2 =	srdreg.scid;
	s24 =	stileid.u32  }
0x2: {  	s2 =	sand.u32 $0x1, s2;
	s8 =	smul.u32 $0x2800, s24  }
0x3: {  	s7 =	sor.u32 $0x10, s24;
	s5 =	smul.u32 $0x139000, s2  }
0x4: {  	s0 =	rddreg [dreg:$0x0];
	s10 =	sor.u32 $0x20, s24;
	s11 =	smul.u32 $0x2800, s7  }
0x5: {  	s1 =	rddreg [dreg:$0x1];
	s13 =	sor.u32 $0x30, s24;
	s14 =	smul.u32 $0x2800, s10  }
0x6: {  	s3 =	simm.s32 $0x0;
	s17 =	sor.u32 $0x50, s24;
	s15 =	smul.u32 $0x2800, s13  }
0x7: {  	s28 =	simm.s32 $0x13900;
	s19 =	sor.u32 $0x60, s24;
	s21 =	smul.u32 $0x2800, s17  }
0x8: {  	s29 =	simm.s32 $0x6;
	s20 =	sor.u32 $0x70, s24;
	s22 =	smul.u32 $0x2800, s19  }
0x9: {  	s30 =	simm.s32 $0x1BE80;
	s31 =	simm.s32 $0x1C680;
	s23 =	smul.u32 $0x2800, s20  }
0xa: {  	s9 =	ssub.s32 $0x2, s2;
	s16 =	sshll.u32 s2, $0x4;
	s2 =	smul.u32 $0x5000, s2  }
0xb: {  	s4 =	sadd.s32 $0x2E00, s0;
	s6 =	sadd.s32 $0xCE00, s0;
	s7 =	smul.u32 $0xA000, s7  }
0xc: {  	s25 =	sadd.s32 $0x16E00, s0;
	[smem:$0x7FF] =	sst s3;
	s17 =	smul.u32 $0xA000, s17  }
0xd: {  	s0 =	sadd.s32 $0x1C00, s0;
	s19 =	smul.u32 $0xA000, s19;
	p0 =	sgt.u32 s20, $0x7C  }
0xe: {  	s20 =	smul.u32 $0xA000, s20;
	s12 =	sshrl.u32 s9, $0x1;
	s16 =	sor.u32 s24, s16  }
0xf: {  	p1 =	sne.s32 @!p0 s24, $0x0;
	s9 =	ssub.s32 s9, s12;
	s12 =	sor.u32 $0x40, s24  }
0x10: {  	s8 =	sadd.s32 s5, s8;
	s11 =	sadd.s32 s5, s11;
	s14 =	sadd.s32 s5, s14  }
0x11: {  	s15 =	sadd.s32 s5, s15;
	s21 =	sadd.s32 s5, s21;
	s16 =	smul.u32 $0x500, s16  }
0x12: {  	s22 =	sadd.s32 s5, s22;
	p1 =	por p1, p0;
	s18 =	smul.u32 $0x2800, s12  }
0x13: {  	s8 =	sshrl.u32 s8, $0x3;
	s11 =	sshrl.u32 s11, $0x3;
	s21 =	sshrl.u32 s21, $0x3  }
0x14: {  	s22 =	sshrl.u32 s22, $0x3;
	s8 =	sadd.s32 s25, s8;
	s26 =	sadd.s32 s25, s11  }
0x15: {  	s11 =	sshrl.u32 s14, $0x3;
	s14 =	sshrl.u32 s15, $0x3;
	[dreg:$0x3] =	wrdreg s8  }
0x16: {  	s18 =	sadd.s32 s5, s18;
	s5 =	sadd.s32 s5, s23;
	[dreg:$0x4] =	wrdreg s26  }
0x17: {  	s8 =	sadd.s32 s25, s11;
	s23 =	sadd.s32 s6, s16;
	s26 =	smul.u32 $0x500, s24  }
0x18: {  	s6 =	sadd.s32 s2, s6;
	s2 =	sadd.s32 s2, s4;
	[dreg:$0x5] =	wrdreg s8  }
0x19: {  	s15 =	sshrl.u32 s18, $0x3;
	s8 =	sadd.s32 s25, s14;
	[dreg:$0xb] =	wrdreg s23  }
0x1a: {  	s5 =	sshrl.u32 s5, $0x3;
	[dreg:$0x6] =	wrdreg s8;
	s18 =	sadd.s32 s25, s15  }
0x1b: {  	s8 =	sadd.s32 s25, s21;
	s5 =	sadd.s32 s25, s5;
	s14 =	sadd.s32 s26, s6  }
0x1c: {  	s15 =	sadd.s32 s26, s2;
	s6 =	smul.u32 $0xA000, s24;
	[dreg:$0x7] =	wrdreg s18  }
0x1d: {  	s26 =	sadd.s32 $0x138800, s1;
	[dreg:$0x8] =	wrdreg s8;
	s8 =	sadd.s32 s25, s22  }
0x1e: {  	[dreg:$0xa] =	wrdreg s5;
	s25 =	sadd.s32 s4, s16;
	s22 =	sshrl.u32 s19, $0x2  }
0x1f: {  	s5 =	simm.s32 $0x17900;
	s19 =	simm.s32 $0x1C000;
	s4 =	simm.s32 $0x0  }
0x20: {  	[dreg:$0x9] =	wrdreg s8;
	s8 =	smax.u32 s9, $0x1;
	s9 =	smul.u32 $0xA000, s10  }
0x21: {  	[dreg:$0xc] =	wrdreg s25;
	s2 =	sshrl.u32 s6, $0x2;
	s10 =	smul.u32 $0xA000, s13  }
0x22: {  	s13 =	smul.u32 $0xA000, s12;
	s25 =	sshrl.u32 s20, $0x2;
	s6 =	simm.s32 $0x2  }
0x23: {  	s12 =	simm.s32 $0x1C500;
	_ =	strace $0x8000004A;
	[dreg:$0xd] =	wrdreg s0  }
0x24: {  	s20 =	simm.s32 $0x1C800;
	[dreg:$0xe] =	wrdreg s8;
	s2 =	sadd.s32 s2, s1  }
0x25: {  	s0 =	sshrl.u32 s7, $0x2;
	s24 =	sadd.s32 s25, s1;
	[dreg:$0x17] =	wrdreg s26  }
0x26: {  	s8 =	simm.s32 $0x3;
	s25 =	simm.s32 $0x5;
	[dreg:$0x18] =	wrdreg s4  }
0x27: {  	s26 =	simm.s32 $0x1BF80;
	[dreg:$0xf] =	wrdreg s2;
	s7 =	sadd.s32 s0, s1  }
0x28: {  	s11 =	sshrl.u32 s9, $0x2;
	s16 =	sshrl.u32 s10, $0x2;
	s18 =	sshrl.u32 s13, $0x2  }
0x29: {  	s2 =	sshrl.u32 s17, $0x2;
	s10 =	simm.s32 $0x1B900;
	s13 =	simm.s32 $0x4  }
0x2a: {  	s17 =	simm.s32 $0x1C700;
	[dreg:$0x16] =	wrdreg s24;
	s0 =	sadd.s32 s11, s1  }
0x2b: {  	s23 =	sadd.s32 s16, s1;
	s9 =	sadd.s32 s18, s1;
	[dreg:$0x10] =	wrdreg s7  }
.Ltmp0:
0x2c: {  	s21 =	sadd.s32 s2, s1;
	[dreg:$0x11] =	wrdreg s0;
	(pc) =	sbr.rel .LBB2_1-.Ltmp0, $4  }
0x2d: {  	s2 =	simm.s32 $0x1;
	s11 =	simm.s32 $0x1BD00;
	[dreg:$0x14] =	wrdreg s21  }
0x2e: {  	s16 =	simm.s32 $0x1BF00;
	s18 =	simm.s32 $0x1C780;
	[dreg:$0x12] =	wrdreg s23  }
0x2f: {  	s0 =	sadd.s32 s22, s1;
	s21 =	simm.s32 $0x1C080;
	[dreg:$0x13] =	wrdreg s9  }
0x30: {  	s22 =	simm.s32 $0x1C880;
	[dreg:$0x15] =	wrdreg s0;
	s0 =	simm.s32 $0x80  }
.LBB2_4:
0x31: {  	_ =	swait.ge [sflag:s13], $0x4000  }
0x32: {  	[sflag:s13] =	ssyncset.done $0x0  }
0x33: {  	[sflag:s13] =	ssyncadd.s32 $0xFFFFC000  }
0x34: {  	s4 =	stileid.u32;
	[bflag:$0x0] =	sbarrier.arrive $0xFFFF  }
0x35: {  	s4 =	sshll.u32 s4, $0x6;
	s7 =	rddreg [dreg:$0xf]  }
0x36: {  	s4 =	sor.u32 $0x1C06, s4;
	s23 =	rddreg [dreg:$0x3];
	s7 =	sshrl.u32 s7, $0x3  }
0x37: {  	[hbm:s23], [sflag:s4] =	dma.local [spmem:s7], $0x500  }
0x38: {  	_ =	swait.ge [sflag:s29], $0x500  }
0x39: {  	[sflag:s29] =	ssyncset.done $0x0;
	s9 =	rddreg [dreg:$0x10]  }
0x3a: {  	s10 =	rddreg [dreg:$0x4];
	[sflag:s29] =	ssyncadd.s32 $0xFFFFFB00;
	s7 =	sshrl.u32 s9, $0x3  }
0x3b: {  	[hbm:s10], [sflag:s4] =	dma.local [spmem:s7], $0x500  }
0x3c: {  	_ =	swait.ge [sflag:s29], $0x500  }
0x3d: {  	[sflag:s29] =	ssyncset.done $0x0;
	s23 =	rddreg [dreg:$0x11]  }
0x3e: {  	s24 =	rddreg [dreg:$0x5];
	[sflag:s29] =	ssyncadd.s32 $0xFFFFFB00;
	s7 =	sshrl.u32 s23, $0x3  }
0x3f: {  	[hbm:s24], [sflag:s4] =	dma.local [spmem:s7], $0x500  }
0x40: {  	_ =	swait.ge [sflag:s29], $0x500  }
0x41: {  	[sflag:s29] =	ssyncset.done $0x0;
	s30 =	rddreg [dreg:$0x12]  }
0x42: {  	s10 =	rddreg [dreg:$0x6];
	[sflag:s29] =	ssyncadd.s32 $0xFFFFFB00;
	s9 =	sshrl.u32 s30, $0x3  }
0x43: {  	[hbm:s10], [sflag:s4] =	dma.local [spmem:s9], $0x500  }
0x44: {  	_ =	swait.ge [sflag:s29], $0x500  }
0x45: {  	[sflag:s29] =	ssyncset.done $0x0;
	s9 =	rddreg [dreg:$0x13]  }
0x46: {  	s10 =	rddreg [dreg:$0x7];
	[sflag:s29] =	ssyncadd.s32 $0xFFFFFB00;
	s24 =	sshrl.u32 s9, $0x3  }
0x47: {  	[hbm:s10], [sflag:s4] =	dma.local [spmem:s24], $0x500  }
0x48: {  	_ =	swait.ge [sflag:s29], $0x500  }
0x49: {  	[sflag:s29] =	ssyncset.done $0x0;
	s24 =	rddreg [dreg:$0x14]  }
0x4a: {  	s10 =	rddreg [dreg:$0x8];
	[sflag:s29] =	ssyncadd.s32 $0xFFFFFB00;
	s7 =	sshrl.u32 s24, $0x3  }
0x4b: {  	[hbm:s10], [sflag:s4] =	dma.local [spmem:s7], $0x500  }
0x4c: {  	_ =	swait.ge [sflag:s29], $0x500  }
0x4d: {  	[sflag:s29] =	ssyncset.done $0x0;
	s23 =	rddreg [dreg:$0x15]  }
0x4e: {  	s24 =	rddreg [dreg:$0x9];
	[sflag:s29] =	ssyncadd.s32 $0xFFFFFB00;
	s7 =	sshrl.u32 s23, $0x3  }
0x4f: {  	[hbm:s24], [sflag:s4] =	dma.local [spmem:s7], $0x500  }
0x50: {  	_ =	swait.ge [sflag:s29], $0x500  }
0x51: {  	[sflag:s29] =	ssyncset.done $0x0;
	s24 =	rddreg [dreg:$0x16]  }
0x52: {  	s23 =	rddreg [dreg:$0xa];
	[sflag:s29] =	ssyncadd.s32 $0xFFFFFB00;
	s7 =	sshrl.u32 @!p0 s24, $0x3  }
0x53: {  	[hbm:s23], [sflag:s4] =	dma.local @!p0 [spmem:s7], $0x500  }
0x54: {  	s4 =	simm.s32 @!p0 $0x6  }
0x55: {  	_ =	swait.ge @!p0 [sflag:s4], $0x500  }
0x56: {  	s7 =	rddreg [dreg:$0x18]  }
0x57: {  	s23 =	sadd.s32 $0x1, s7;
	s7 =	rddreg [dreg:$0xe]  }
0x58: {  	p2 =	sne.s32 s23, s7  }
.Ltmp1:
0x59: {  	_ = 	snop;
	(pc) =	sbr.rel @!p2 .LBB2_5-.Ltmp1, $4  }
0x5a: {  	_ = 	snop  }
0x5b: {  	[sflag:s4] =	ssyncset.done @!p0 $0x0  }
0x5c: {  	s10 =	simm.s32 $0x1B900;
	[sflag:s4] =	ssyncadd.s32 @!p0 $0xFFFFFB00;
	[dreg:$0x18] =	wrdreg s23  }
0x5d: {  	s23 =	smov.u32 s30;
	s30 =	simm.s32 $0x1BE80;
	s7 =	rddreg [dreg:$0x10]  }
.LBB2_1:
0x5e: {  	s4 =	rddreg [dreg:$0xd]  }
0x5f: {  	[tilespmem:s28], [sflag:$0x6] =	stream.linear.gather [hbm4b:s4+s3], $0x4000, $0x38;
	[tilespmem:$0x1C900] =	vst v63  }
0x60: {  	_ =	swait.ge [sflag:s29], $0x4000  }
0x61: {  	[sflag:s29] =	ssyncset.done $0x0  }
0x62: {  	s4 =	rddreg [dreg:$0xf];
	[sflag:s29] =	ssyncadd.s32 $0xFFFFC000  }
0x63: {  	[spmem:s4] =	stream.linear.scatter [tilespmem:s28], [sflag:$0x6], $0x2800, $0x38;
	[tilespmem:$0x1C900] =	vst v63  }
0x64: {  	_ =	swait.ge [sflag:s29], $0x2800  }
0x65: {  	[sflag:s29] =	ssyncset.done $0x0  }
0x66: {  	[sflag:s29] =	ssyncadd.s32 $0xFFFFD800  }
0x67: {  	[spmem:s7] =	stream.linear.scatter [tilespmem:s28], [sflag:$0x6], $0x2800, $0x38;
	[tilespmem:$0x1C900] =	vst v63  }
0x68: {  	_ =	swait.ge [sflag:s29], $0x2800  }
0x69: {  	[sflag:s29] =	ssyncset.done $0x0  }
0x6a: {  	s7 =	rddreg [dreg:$0x11];
	[sflag:s29] =	ssyncadd.s32 $0xFFFFD800  }
0x6b: {  	[spmem:s7] =	stream.linear.scatter [tilespmem:s28], [sflag:$0x6], $0x2800, $0x38;
	[tilespmem:$0x1C900] =	vst v63  }
0x6c: {  	_ =	swait.ge [sflag:s29], $0x2800  }
0x6d: {  	[sflag:s29] =	ssyncset.done $0x0  }
0x6e: {  	[sflag:s29] =	ssyncadd.s32 $0xFFFFD800  }
0x6f: {  	[spmem:s23] =	stream.linear.scatter [tilespmem:s28], [sflag:$0x6], $0x2800, $0x38;
	[tilespmem:$0x1C900] =	vst v63  }
0x70: {  	_ =	swait.ge [sflag:s29], $0x2800  }
0x71: {  	[sflag:s29] =	ssyncset.done $0x0  }
0x72: {  	[sflag:s29] =	ssyncadd.s32 $0xFFFFD800  }
0x73: {  	[spmem:s9] =	stream.linear.scatter [tilespmem:s28], [sflag:$0x6], $0x2800, $0x38;
	[tilespmem:$0x1C900] =	vst v63  }
0x74: {  	_ =	swait.ge [sflag:s29], $0x2800  }
0x75: {  	[sflag:s29] =	ssyncset.done $0x0  }
0x76: {  	s7 =	rddreg [dreg:$0x14];
	[sflag:s29] =	ssyncadd.s32 $0xFFFFD800  }
0x77: {  	[spmem:s7] =	stream.linear.scatter [tilespmem:s28], [sflag:$0x6], $0x2800, $0x38;
	[tilespmem:$0x1C900] =	vst v63  }
0x78: {  	_ =	swait.ge [sflag:s29], $0x2800  }
0x79: {  	[sflag:s29] =	ssyncset.done $0x0  }
0x7a: {  	s9 =	rddreg [dreg:$0x15];
	[sflag:s29] =	ssyncadd.s32 $0xFFFFD800  }
0x7b: {  	[spmem:s9] =	stream.linear.scatter [tilespmem:s28], [sflag:$0x6], $0x2800, $0x38;
	[tilespmem:$0x1C900] =	vst v63  }
0x7c: {  	_ =	swait.ge [sflag:s29], $0x2800  }
0x7d: {  	[sflag:s29] =	ssyncset.done $0x0  }
0x7e: {  	s23 =	simm.s32 @!p0 $0x13900;
	[sflag:s29] =	ssyncadd.s32 $0xFFFFD800  }
0x7f: {  	[spmem:s24] =	stream.linear.scatter @!p0 [tilespmem:s23], [sflag:$0x6], $0x2800, $0x38;
	[tilespmem:$0x1C900] =	vst v63  }
0x80: {  	s23 =	simm.s32 @!p0 $0x6  }
0x81: {  	_ =	swait.ge @!p0 [sflag:s23], $0x2800  }
0x82: {  	[sflag:s23] =	ssyncset.done @!p0 $0x0  }
0x83: {  	s4 =	rddreg [dreg:$0x17];
	[sflag:s23] =	ssyncadd.s32 @!p0 $0xFFFFD800;
	s23 =	simm.s32 @!p1 $0x13900  }
0x84: {  	[spmem:s4] =	stream.linear.scatter @!p1 [tilespmem:s23], [sflag:$0x6], $0x800, $0x38;
	[tilespmem:$0x1C900] =	vst v63  }
0x85: {  	s23 =	simm.s32 @!p1 $0x6  }
0x86: {  	_ =	swait.ge @!p1 [sflag:s23], $0x800  }
0x87: {  	[sflag:s23] =	ssyncset.done @!p1 $0x0  }
0x88: {  	[sflag:s23] =	ssyncadd.s32 @!p1 $0xFFFFF800  }
0x89: {  	[bflag:$0x0] =	sbarrier.arrive $0xFFFF  }
0x8a: {  	s23 =	rddreg [dreg:$0xb]  }
0x8b: {  	[tilespmem:s10], [sflag:$0x6] =	stream.linear.gather [hbm4b:s23+s3], $0x400, $0x38;
	[tilespmem:$0x1C900] =	vst v63  }
0x8c: {  	_ =	swait.ge [sflag:s29], $0x400  }
0x8d: {  	[sflag:s29] =	ssyncset.done $0x0  }
0x8e: {  	s9 =	simm.s32 $0x1C100;
	s24 =	rddreg [dreg:$0xc];
	[sflag:s29] =	ssyncadd.s32 $0xFFFFFC00  }
0x8f: {  	[tilespmem:s9], [sflag:$0x6] =	stream.linear.gather [hbm4b:s24+s3], $0x400, $0x38;
	[tilespmem:$0x1C900] =	vst v63  }
0x90: {  	_ =	swait.ge [sflag:s29], $0x400  }
0x91: {  	[sflag:s29] =	ssyncset.done $0x0  }
0x92: {  	s23 =	simm.s32 $0x0;
	[sflag:s29] =	ssyncadd.s32 $0xFFFFFC00  }
0x93: {  	[tilespmem:s28], [sflag:$0x1] =	stream.indirect.gather [spmem:s1], $0x80, s10, s0, $0xb8;
	[tilespmem:$0x1C900] =	vst v63  }
.LBB2_2:
0x94: {  	_ =	swait.ge [sflag:s2], $0x4000  }
0x95: {  	p2 =	seq.s32 s23, $0x0;
	[sflag:s2] =	ssyncset.done $0x0  }
0x96: {  	s24 =	simm.s32 @!p2 $0x4;
	[sflag:s2] =	ssyncadd.s32 $0xFFFFC000  }
0x97: {  	[spmem:s1] =	stream.indirect.scatter.add.f32 [tilespmem:s28], [sflag:$0x3], $0x80, s9, s0, $0xb8;
	[tilespmem:$0x1C900] =	vst v63  }
0x98: {  	_ =	swait.ge @!p2 [sflag:s24], $0x4000  }
0x99: {  	[sflag:s24] =	ssyncset.done @!p2 $0x0  }
0x9a: {  	s4 =	simm.s32 $0x1B980;
	[sflag:s24] =	ssyncadd.s32 @!p2 $0xFFFFC000  }
0x9b: {  	[tilespmem:s5], [sflag:$0x2] =	stream.indirect.gather [spmem:s1], $0x80, s4, s0, $0xb8;
	[tilespmem:$0x1C900] =	vst v63  }
0x9c: {  	_ =	swait.ge [sflag:s6], $0x4000  }
0x9d: {  	[sflag:s6] =	ssyncset.done $0x0  }
0x9e: {  	s24 =	simm.s32 $0x1C180;
	[sflag:s6] =	ssyncadd.s32 $0xFFFFC000  }
0x9f: {  	[spmem:s1] =	stream.indirect.scatter.add.f32 [tilespmem:s5], [sflag:$0x4], $0x80, s24, s0, $0xb8;
	[tilespmem:$0x1C900] =	vst v63  }
0xa0: {  	_ =	swait.ge [sflag:s8], $0x4000  }
0xa1: {  	[sflag:s8] =	ssyncset.done $0x0  }
0xa2: {  	s7 =	simm.s32 $0x1BA00;
	[sflag:s8] =	ssyncadd.s32 $0xFFFFC000  }
0xa3: {  	[tilespmem:s28], [sflag:$0x1] =	stream.indirect.gather [spmem:s1], $0x80, s7, s0, $0xb8;
	[tilespmem:$0x1C900] =	vst v63  }
0xa4: {  	_ =	swait.ge [sflag:s2], $0x4000  }
0xa5: {  	[sflag:s2] =	ssyncset.done $0x0  }
0xa6: {  	s24 =	simm.s32 $0x1C200;
	s7 =	sadd.s32 s23, s14;
	[sflag:s2] =	ssyncadd.s32 $0xFFFFC000  }
0xa7: {  	[spmem:s1] =	stream.indirect.scatter.add.f32 [tilespmem:s28], [sflag:$0x3], $0x80, s24, s0, $0xb8;
	[tilespmem:$0x1C900] =	vst v63  }
0xa8: {  	s4 =	sadd.s32 s23, s15;
	s24 =	sadd.s32 $0x80, s7  }
0xa9: {  	[tilespmem:s11], [sflag:$0x5] =	stream.linear.gather [hbm4b:s24+s3], $0x400, $0x38;
	[tilespmem:$0x1C900] =	vst v63  }
0xaa: {  	s24 =	sadd.s32 $0x80, s4  }
0xab: {  	[tilespmem:s12], [sflag:$0x5] =	stream.linear.gather [hbm4b:s24+s3], $0x400, $0x38;
	[tilespmem:$0x1C900] =	vst v63  }
0xac: {  	_ =	swait.ge [sflag:s13], $0x4000  }
0xad: {  	[sflag:s13] =	ssyncset.done $0x0  }
0xae: {  	s7 =	simm.s32 $0x1BA80;
	[sflag:s13] =	ssyncadd.s32 $0xFFFFC000  }
0xaf: {  	[tilespmem:s5], [sflag:$0x2] =	stream.indirect.gather [spmem:s1], $0x80, s7, s0, $0xb8;
	[tilespmem:$0x1C900] =	vst v63  }
0xb0: {  	_ =	swait.ge [sflag:s6], $0x4000  }
0xb1: {  	[sflag:s6] =	ssyncset.done $0x0  }
0xb2: {  	s24 =	simm.s32 $0x1C280;
	[sflag:s6] =	ssyncadd.s32 $0xFFFFC000  }
0xb3: {  	[spmem:s1] =	stream.indirect.scatter.add.f32 [tilespmem:s5], [sflag:$0x4], $0x80, s24, s0, $0xb8;
	[tilespmem:$0x1C900] =	vst v63  }
0xb4: {  	_ =	swait.ge [sflag:s8], $0x4000  }
0xb5: {  	[sflag:s8] =	ssyncset.done $0x0  }
0xb6: {  	s7 =	simm.s32 $0x1BB00;
	[sflag:s8] =	ssyncadd.s32 $0xFFFFC000  }
0xb7: {  	[tilespmem:s28], [sflag:$0x1] =	stream.indirect.gather [spmem:s1], $0x80, s7, s0, $0xb8;
	[tilespmem:$0x1C900] =	vst v63  }
0xb8: {  	_ =	swait.ge [sflag:s2], $0x4000  }
0xb9: {  	[sflag:s2] =	ssyncset.done $0x0  }
0xba: {  	s24 =	simm.s32 $0x1C300;
	[sflag:s2] =	ssyncadd.s32 $0xFFFFC000  }
0xbb: {  	[spmem:s1] =	stream.indirect.scatter.add.f32 [tilespmem:s28], [sflag:$0x3], $0x80, s24, s0, $0xb8;
	[tilespmem:$0x1C900] =	vst v63  }
0xbc: {  	_ =	swait.ge [sflag:s13], $0x4000  }
0xbd: {  	[sflag:s13] =	ssyncset.done $0x0  }
0xbe: {  	s7 =	simm.s32 $0x1BB80;
	[sflag:s13] =	ssyncadd.s32 $0xFFFFC000  }
0xbf: {  	[tilespmem:s5], [sflag:$0x2] =	stream.indirect.gather [spmem:s1], $0x80, s7, s0, $0xb8;
	[tilespmem:$0x1C900] =	vst v63  }
0xc0: {  	_ =	swait.ge [sflag:s6], $0x4000  }
0xc1: {  	[sflag:s6] =	ssyncset.done $0x0  }
0xc2: {  	s24 =	simm.s32 $0x1C380;
	[sflag:s6] =	ssyncadd.s32 $0xFFFFC000  }
0xc3: {  	[spmem:s1] =	stream.indirect.scatter.add.f32 [tilespmem:s5], [sflag:$0x4], $0x80, s24, s0, $0xb8;
	[tilespmem:$0x1C900] =	vst v63  }
0xc4: {  	_ =	swait.ge [sflag:s8], $0x4000  }
0xc5: {  	[sflag:s8] =	ssyncset.done $0x0  }
0xc6: {  	s7 =	simm.s32 $0x1BC00;
	[sflag:s8] =	ssyncadd.s32 $0xFFFFC000  }
0xc7: {  	[tilespmem:s28], [sflag:$0x1] =	stream.indirect.gather [spmem:s1], $0x80, s7, s0, $0xb8;
	[tilespmem:$0x1C900] =	vst v63  }
0xc8: {  	_ =	swait.ge [sflag:s2], $0x4000  }
0xc9: {  	[sflag:s2] =	ssyncset.done $0x0  }
0xca: {  	s24 =	simm.s32 $0x1C400;
	[sflag:s2] =	ssyncadd.s32 $0xFFFFC000  }
0xcb: {  	[spmem:s1] =	stream.indirect.scatter.add.f32 [tilespmem:s28], [sflag:$0x3], $0x80, s24, s0, $0xb8;
	[tilespmem:$0x1C900] =	vst v63  }
0xcc: {  	_ =	swait.ge [sflag:s13], $0x4000  }
0xcd: {  	[sflag:s13] =	ssyncset.done $0x0  }
0xce: {  	s7 =	simm.s32 $0x1BC80;
	[sflag:s13] =	ssyncadd.s32 $0xFFFFC000  }
0xcf: {  	[tilespmem:s5], [sflag:$0x2] =	stream.indirect.gather [spmem:s1], $0x80, s7, s0, $0xb8;
	[tilespmem:$0x1C900] =	vst v63  }
0xd0: {  	_ =	swait.ge [sflag:s6], $0x4000  }
0xd1: {  	[sflag:s6] =	ssyncset.done $0x0  }
0xd2: {  	s24 =	simm.s32 $0x1C480;
	[sflag:s6] =	ssyncadd.s32 $0xFFFFC000  }
0xd3: {  	[spmem:s1] =	stream.indirect.scatter.add.f32 [tilespmem:s5], [sflag:$0x4], $0x80, s24, s0, $0xb8;
	[tilespmem:$0x1C900] =	vst v63  }
0xd4: {  	_ =	swait.ge [sflag:s8], $0x4000  }
0xd5: {  	[sflag:s8] =	ssyncset.done $0x0  }
0xd6: {  	[sflag:s8] =	ssyncadd.s32 $0xFFFFC000  }
0xd7: {  	_ =	swait.ge [sflag:s25], $0x400  }
0xd8: {  	[sflag:s25] =	ssyncset.done $0x0  }
0xd9: {  	[sflag:s25] =	ssyncadd.s32 $0xFFFFFC00  }
0xda: {  	_ =	swait.ge [sflag:s25], $0x400  }
0xdb: {  	[sflag:s25] =	ssyncset.done $0x0  }
0xdc: {  	[sflag:s25] =	ssyncadd.s32 $0xFFFFFC00  }
0xdd: {  	[tilespmem:s28], [sflag:$0x1] =	stream.indirect.gather [spmem:s1], $0x80, s11, s0, $0xb8;
	[tilespmem:$0x1C900] =	vst v63  }
0xde: {  	_ =	swait.ge [sflag:s2], $0x4000  }
0xdf: {  	[sflag:s2] =	ssyncset.done $0x0  }
0xe0: {  	[sflag:s2] =	ssyncadd.s32 $0xFFFFC000  }
0xe1: {  	[spmem:s1] =	stream.indirect.scatter.add.f32 [tilespmem:s28], [sflag:$0x3], $0x80, s12, s0, $0xb8;
	[tilespmem:$0x1C900] =	vst v63  }
0xe2: {  	_ =	swait.ge [sflag:s13], $0x4000  }
0xe3: {  	[sflag:s13] =	ssyncset.done $0x0  }
0xe4: {  	s7 =	simm.s32 $0x1BD80;
	[sflag:s13] =	ssyncadd.s32 $0xFFFFC000  }
0xe5: {  	[tilespmem:s5], [sflag:$0x2] =	stream.indirect.gather [spmem:s1], $0x80, s7, s0, $0xb8;
	[tilespmem:$0x1C900] =	vst v63  }
0xe6: {  	_ =	swait.ge [sflag:s6], $0x4000  }
0xe7: {  	[sflag:s6] =	ssyncset.done $0x0  }
0xe8: {  	s24 =	simm.s32 $0x1C580;
	[sflag:s6] =	ssyncadd.s32 $0xFFFFC000  }
0xe9: {  	[spmem:s1] =	stream.indirect.scatter.add.f32 [tilespmem:s5], [sflag:$0x4], $0x80, s24, s0, $0xb8;
	[tilespmem:$0x1C900] =	vst v63  }
0xea: {  	_ =	swait.ge [sflag:s8], $0x4000  }
0xeb: {  	[sflag:s8] =	ssyncset.done $0x0  }
0xec: {  	s7 =	simm.s32 $0x1BE00;
	[sflag:s8] =	ssyncadd.s32 $0xFFFFC000  }
0xed: {  	[tilespmem:s28], [sflag:$0x1] =	stream.indirect.gather [spmem:s1], $0x80, s7, s0, $0xb8;
	[tilespmem:$0x1C900] =	vst v63  }
0xee: {  	_ =	swait.ge [sflag:s2], $0x4000  }
0xef: {  	[sflag:s2] =	ssyncset.done $0x0  }
0xf0: {  	p2 =	seq.s32 s23, $0x400;
	s24 =	simm.s32 $0x1C600;
	[sflag:s2] =	ssyncadd.s32 $0xFFFFC000  }
0xf1: {  	[spmem:s1] =	stream.indirect.scatter.add.f32 [tilespmem:s28], [sflag:$0x3], $0x80, s24, s0, $0xb8;
	[tilespmem:$0x1C900] =	vst v63  }
0xf2: {  	s24 =	sadd.s32 @!p2 s23, s14  }
0xf3: {  	s4 =	simm.s32 @!p2 $0x0;
	s7 =	simm.s32 @!p2 $0x1B900;
	s24 =	sadd.s32 @!p2 $0x100, s24  }
0xf4: {  	[tilespmem:s7], [sflag:$0x5] =	stream.linear.gather @!p2 [hbm4b:s24+s4], $0x400, $0x38;
	[tilespmem:$0x1C900] =	vst v63  }
0xf5: {  	s7 =	sadd.s32 @!p2 s23, s15  }
0xf6: {  	s24 =	simm.s32 @!p2 $0x1C100;
	s7 =	sadd.s32 @!p2 $0x100, s7  }
0xf7: {  	[tilespmem:s24], [sflag:$0x5] =	stream.linear.gather @!p2 [hbm4b:s7+s4], $0x400, $0x38;
	[tilespmem:$0x1C900] =	vst v63  }
0xf8: {  	_ =	swait.ge [sflag:s13], $0x4000  }
0xf9: {  	[sflag:s13] =	ssyncset.done $0x0  }
0xfa: {  	[sflag:s13] =	ssyncadd.s32 $0xFFFFC000  }
0xfb: {  	[tilespmem:s5], [sflag:$0x2] =	stream.indirect.gather [spmem:s1], $0x80, s30, s0, $0xb8;
	[tilespmem:$0x1C900] =	vst v63  }
0xfc: {  	_ =	swait.ge [sflag:s6], $0x4000  }
0xfd: {  	[sflag:s6] =	ssyncset.done $0x0  }
0xfe: {  	[sflag:s6] =	ssyncadd.s32 $0xFFFFC000  }
0xff: {  	[spmem:s1] =	stream.indirect.scatter.add.f32 [tilespmem:s5], [sflag:$0x4], $0x80, s31, s0, $0xb8;
	[tilespmem:$0x1C900] =	vst v63  }
0x100: {  	_ =	swait.ge [sflag:s8], $0x4000  }
0x101: {  	[sflag:s8] =	ssyncset.done $0x0  }
0x102: {  	[sflag:s8] =	ssyncadd.s32 $0xFFFFC000  }
0x103: {  	[tilespmem:s28], [sflag:$0x1] =	stream.indirect.gather [spmem:s1], $0x80, s16, s0, $0xb8;
	[tilespmem:$0x1C900] =	vst v63  }
0x104: {  	_ =	swait.ge [sflag:s2], $0x4000  }
0x105: {  	[sflag:s2] =	ssyncset.done $0x0  }
0x106: {  	[sflag:s2] =	ssyncadd.s32 $0xFFFFC000  }
0x107: {  	[spmem:s1] =	stream.indirect.scatter.add.f32 [tilespmem:s28], [sflag:$0x3], $0x80, s17, s0, $0xb8;
	[tilespmem:$0x1C900] =	vst v63  }
0x108: {  	_ =	swait.ge [sflag:s13], $0x4000  }
0x109: {  	[sflag:s13] =	ssyncset.done $0x0  }
0x10a: {  	[sflag:s13] =	ssyncadd.s32 $0xFFFFC000  }
0x10b: {  	[tilespmem:s5], [sflag:$0x2] =	stream.indirect.gather [spmem:s1], $0x80, s26, s0, $0xb8;
	[tilespmem:$0x1C900] =	vst v63  }
0x10c: {  	_ =	swait.ge [sflag:s6], $0x4000  }
0x10d: {  	[sflag:s6] =	ssyncset.done $0x0  }
0x10e: {  	[sflag:s6] =	ssyncadd.s32 $0xFFFFC000  }
0x10f: {  	[spmem:s1] =	stream.indirect.scatter.add.f32 [tilespmem:s5], [sflag:$0x4], $0x80, s18, s0, $0xb8;
	[tilespmem:$0x1C900] =	vst v63  }
0x110: {  	_ =	swait.ge [sflag:s8], $0x4000  }
0x111: {  	[sflag:s8] =	ssyncset.done $0x0  }
0x112: {  	[sflag:s8] =	ssyncadd.s32 $0xFFFFC000  }
0x113: {  	[tilespmem:s28], [sflag:$0x1] =	stream.indirect.gather [spmem:s1], $0x80, s19, s0, $0xb8;
	[tilespmem:$0x1C900] =	vst v63  }
0x114: {  	_ =	swait.ge [sflag:s2], $0x4000  }
0x115: {  	[sflag:s2] =	ssyncset.done $0x0  }
0x116: {  	[sflag:s2] =	ssyncadd.s32 $0xFFFFC000  }
0x117: {  	[spmem:s1] =	stream.indirect.scatter.add.f32 [tilespmem:s28], [sflag:$0x3], $0x80, s20, s0, $0xb8;
	[tilespmem:$0x1C900] =	vst v63  }
0x118: {  	_ =	swait.ge [sflag:s13], $0x4000  }
0x119: {  	[sflag:s13] =	ssyncset.done $0x0  }
0x11a: {  	[sflag:s13] =	ssyncadd.s32 $0xFFFFC000  }
0x11b: {  	[tilespmem:s5], [sflag:$0x2] =	stream.indirect.gather [spmem:s1], $0x80, s21, s0, $0xb8;
	[tilespmem:$0x1C900] =	vst v63  }
0x11c: {  	_ =	swait.ge [sflag:s6], $0x4000  }
0x11d: {  	[sflag:s6] =	ssyncset.done $0x0  }
.Ltmp2:
0x11e: {  	[sflag:s6] =	ssyncadd.s32 $0xFFFFC000;
	(pc) =	sbr.rel @p2 .LBB2_4-.Ltmp2, $4  }
0x11f: {  	[spmem:s1] =	stream.indirect.scatter.add.f32 [tilespmem:s5], [sflag:$0x4], $0x80, s22, s0, $0xb8;
	[tilespmem:$0x1C900] =	vst v63  }
0x120: {  	_ =	swait.ge [sflag:s8], $0x4000  }
0x121: {  	[sflag:s8] =	ssyncset.done $0x0  }
0x122: {  	[sflag:s8] =	ssyncadd.s32 $0xFFFFC000  }
0x123: {  	_ =	swait.ge [sflag:s25], $0x400  }
0x124: {  	[sflag:s25] =	ssyncset.done $0x0  }
.Ltmp3:
0x125: {  	[sflag:s25] =	ssyncadd.s32 $0xFFFFFC00;
	(pc) =	sbr.rel .LBB2_2-.Ltmp3, $4  }
0x126: {  	_ =	swait.ge [sflag:s25], $0x400  }
0x127: {  	[sflag:s25] =	ssyncset.done $0x0  }
0x128: {  	s23 =	sadd.s32 $0x100, s23;
	[sflag:s25] =	ssyncadd.s32 $0xFFFFFC00  }
0x129: {  	[tilespmem:s28], [sflag:$0x1] =	stream.indirect.gather [spmem:s1], $0x80, s10, s0, $0xb8;
	[tilespmem:$0x1C900] =	vst v63  }
.LBB2_5:
0x12a: {  	_ =	sfence.sel $0x180000  }
0x12b: {  	[bflag:$0x0] =	sbarrier.arrive $0xFFFF  }
0x12c: {  	_ =	strace $0x9000004A  }
0x12d: {  	s0 =	stileid.u32;
	[bflag:$0x2] =	sbarrier.arrive $0xFFFF  }
0x12e: {  	p0 =	sne.s32 s0, $0x0;
	s0 =	rddreg [dreg:$0x2]  }
0x12f: {  	s0 =	sadd.s32 @!p0 $0x100000, s0  }
0x130: {  	[sflag:s0] =	ssyncadd.tile.s32 @!p0 $0x1;
	_ =	shalt  }
.Lfunc_end2:
_tile_overlayer_lowered:
.L_overlay_start_2:
0x131: {  	(tag) =	ssettag $0x2  }
0x132: {  	s0 =	rddreg [dreg:$0x0];
	s2 =	stileid.u32  }
0x133: {  	s1 =	rddreg [dreg:$0x1];
	p0 =	sne.s32 s2, $0x0  }
0x134: {  	s3 =	rddreg [dreg:$0x2];
	[bflag:$0x3] =	sbarrier.arrive $0xFFFF;
	s2 =	simm.s32 @!p0 $0x1C06  }
0x135: {  	[timem:s3], [sflag:s2] =	dma.local @!p0 [hbm:s0], s1  }
0x136: {  	s0 =	simm.s32 @!p0 $0x6  }
0x137: {  	_ =	swait.ge @!p0 [sflag:s0], s1  }
0x138: {  	s1 =	ssub.s32 @!p0 $0x0, s1;
	[sflag:s0] =	ssyncset.done @!p0 $0x0  }
0x139: {  	[sflag:s0] =	ssyncadd.s32 @!p0 s1  }
0x13a: {  	[bflag:$0x3] =	sbarrier.arrive $0xFFFF  }
0x13b: {  	_ =	shalt  }

// kernel: kernel.15.cloned.1.call-start
scs
__scs_entry_jumppad:
0x0: {  	(pc) =	sbr.rel $0x88, $3  }
0x1: {  	(tag) =	ssettag $0x0;
	lr =	simm.s32 $0x1  }
0x2: {  	[smem:$0x3F97] =	sst lr;
	_ =	strace $0xD0000000  }
0x3: {  	_ = 	snop  }
0x4: {  	_ = 	snop  }
0x5: {  	_ = 	snop  }
0x6: {  	_ = 	snop  }
0x7: {  	_ = 	snop  }
__scs_overlays_trampoline_lowered:
0x8: {  	[smem:$0x3FA6] =	sst s0  }
0x9: {  	[smem:$0x3FA7] =	sst s1  }
0xa: {  	[smem:$0x3FA8] =	sst s2  }
0xb: {  	[smem:$0x3FA9] =	sst s3  }
0xc: {  	[smem:$0x3FAA] =	sst s4  }
0xd: {  	[smem:$0x3FAB] =	sst s5  }
0xe: {  	[smem:$0x3FAC] =	sst s6  }
0xf: {  	[smem:$0x3FAD] =	sst s7  }
0x10: {  	[smem:$0x3FAE] =	sst s8  }
0x11: {  	[smem:$0x3FAF] =	sst s9;
	s0 =	simm.s32 @!p0 $0x0  }
0x12: {  	s1 =	sld [smem:$0x3F95];
	s0 =	simm.s32 @p0 $0x1  }
0x13: {  	[smem:$0x3FB0] =	sst s0;
	s0 =	simm.s32 @!p1 $0x0  }
0x14: {  	s2 =	sld [smem:$0x3F94];
	s0 =	simm.s32 @p1 $0x1  }
0x15: {  	[smem:$0x3FB1] =	sst s0;
	s0 =	simm.s32 @!p2 $0x0  }
0x16: {  	s3 =	sld [smem:$0x3FDB];
	s0 =	simm.s32 @p2 $0x1  }
0x17: {  	s4 =	simm.s32 $0x1BF5;
	[smem:$0x3FB3] =	sst s0  }
0x18: {  	s0 =	sld [smem:$0x3F96];
	_ =	swait.ge [sflag:s4], $0x0  }
0x19: {  	s7 =	sld [smem:$0x3F97]  }
0x1a: {  	s8 =	sadd.s32 $0xFFFFE003, lr  }
0x1b: {  	s9 =	sadd.s32 $0xFFFFFEF7, lr;
	s5 =	simm.s32 $0xFFFFFFFF;
	p2 =	slt.u32 s8, $0xFFFFF086  }
0x1c: {  	p1 =	slt.u32 s9, $0xF7A;
	s5 =	simm.s32 @!p2 $0x0  }
0x1d: {  	s5 =	simm.s32 @p1 $0x1;
	p0 =	seq.s32 s7, s2  }
0x1e: {  	s7 =	smul.u32 @!p0 $0xF7A, s2;
	p2 =	seq.s32 @!p0 s5, $0x0  }
0x1f: {  	s9 =	smul.u32 $0xF7A, s1;
	s8 =	simm.s32 @!p0 $0x1BF5;
	p2 =	por !p2, p0  }
0x20: {  	[sflag:s8] =	ssyncset.s32 @!p0 $0xFFFFF086;
	s6 =	sadd.s32 @!p0 s3, s7;
	s7 =	simm.s32 @!p0 $0x108  }
0x21: {  	s3 =	sadd.s32 s3, s9;
	s6 =	sadd.s32 @!p0 $0x88, s6;
	s7 =	simm.s32 @p2 $0x1082  }
0x22: {  	[simem:s7], [sflag:s8] =	dma.local @!p0 [hbm:s6], $0xF7A  }
0x23: {  	s9 =	sor.u32 $0xD0000000, s2;
	s6 =	simm.s32 $0x108;
	_ =	swait.ge @!p0 [sflag:s8], $0x0  }
0x24: {  	s3 =	sadd.s32 $0x88, s3;
	s6 =	simm.s32 @!p1 $0x1082;
	[sflag:s4] =	ssyncset.s32 $0xFFFFF086  }
0x25: {  	[simem:s6], [sflag:s4] =	dma.local [hbm:s3], $0xF7A  }
0x26: {  	[smem:$0x3F97] =	sst s1;
	(tag) =	ssettag s2;
	_ =	strace s9  }
0x27: {  	s1 =	sld [smem:$0x3FA7]  }
0x28: {  	s2 =	sld [smem:$0x3FA8]  }
0x29: {  	s4 =	sld [smem:$0x3FAA]  }
0x2a: {  	p0 =	seq.s32 s5, $0x0;
	s5 =	sld [smem:$0x3FAB]  }
0x2b: {  	s6 =	sld [smem:$0x3FAC]  }
0x2c: {  	s7 =	sld [smem:$0x3FAD]  }
0x2d: {  	s3 =	simm.s32 $0x108;
	s8 =	sld [smem:$0x3FAE]  }
0x2e: {  	s3 =	simm.s32 @!p0 $0x1082;
	s9 =	sld [smem:$0x3FAF]  }
0x2f: {  	lr =	sadd.s32 s0, s3;
	s0 =	sld [smem:$0x3FA6]  }
0x30: {  	s3 =	sld [smem:$0x3FA9]  }
0x31: {  	[smem:$0x3FB2] =	sst s10  }
0x32: {  	s10 =	sld [smem:$0x3FB0];
	_ =	sdelay $0x3  }
0x33: {  	p0 =	seq.s32 s10, $0x1;
	s10 =	sld [smem:$0x3FB2];
	_ =	sdelay $0x3  }
0x34: {  	[smem:$0x3FB2] =	sst s10  }
0x35: {  	s10 =	sld [smem:$0x3FB1];
	_ =	sdelay $0x3  }
0x36: {  	p1 =	seq.s32 s10, $0x1;
	s10 =	sld [smem:$0x3FB2];
	_ =	sdelay $0x3  }
0x37: {  	[smem:$0x3FB2] =	sst s10  }
0x38: {  	s10 =	sld [smem:$0x3FB3]  }
0x39: {  	_ = 	snop;
	(pc) =	sbr.ind lr, $3  }
0x3a: {  	_ = 	snop  }
0x3b: {  	_ = 	snop  }
0x3c: {  	p2 =	seq.s32 s10, $0x1;
	s10 =	sld [smem:$0x3FB2]  }
0x3d: {  	_ =	shalt  }
0x3e: {  	_ =	shalt  }
0x3f: {  	_ =	shalt  }
0x40: {  	_ =	shalt  }
0x41: {  	_ =	shalt  }
0x42: {  	_ =	shalt  }
0x43: {  	_ =	shalt  }
0x44: {  	_ =	shalt  }
0x45: {  	_ =	shalt  }
0x46: {  	_ =	shalt  }
0x47: {  	_ =	shalt  }
0x48: {  	_ =	shalt  }
0x49: {  	_ =	shalt  }
0x4a: {  	_ =	shalt  }
0x4b: {  	_ =	shalt  }
0x4c: {  	_ =	shalt  }
0x4d: {  	_ =	shalt  }
0x4e: {  	_ =	shalt  }
0x4f: {  	_ =	shalt  }
0x50: {  	_ =	shalt  }
0x51: {  	_ =	shalt  }
0x52: {  	_ =	shalt  }
0x53: {  	_ =	shalt  }
0x54: {  	_ =	shalt  }
0x55: {  	_ =	shalt  }
0x56: {  	_ =	shalt  }
0x57: {  	_ =	shalt  }
0x58: {  	_ =	shalt  }
0x59: {  	_ =	shalt  }
0x5a: {  	_ =	shalt  }
0x5b: {  	_ =	shalt  }
0x5c: {  	_ =	shalt  }
0x5d: {  	_ =	shalt  }
0x5e: {  	_ =	shalt  }
0x5f: {  	_ =	shalt  }
0x60: {  	_ =	shalt  }
0x61: {  	_ =	shalt  }
0x62: {  	_ =	shalt  }
0x63: {  	_ =	shalt  }
0x64: {  	_ =	shalt  }
0x65: {  	_ =	shalt  }
0x66: {  	_ =	shalt  }
0x67: {  	_ =	shalt  }
0x68: {  	_ =	shalt  }
0x69: {  	_ =	shalt  }
0x6a: {  	_ =	shalt  }
0x6b: {  	_ =	shalt  }
0x6c: {  	_ =	shalt  }
0x6d: {  	_ =	shalt  }
0x6e: {  	_ =	shalt  }
0x6f: {  	_ =	shalt  }
0x70: {  	_ =	shalt  }
0x71: {  	_ =	shalt  }
0x72: {  	_ =	shalt  }
0x73: {  	_ =	shalt  }
0x74: {  	_ =	shalt  }
0x75: {  	_ =	shalt  }
0x76: {  	_ =	shalt  }
0x77: {  	_ =	shalt  }
0x78: {  	_ =	shalt  }
0x79: {  	_ =	shalt  }
0x7a: {  	_ =	shalt  }
0x7b: {  	_ =	shalt  }
0x7c: {  	_ =	shalt  }
0x7d: {  	_ =	shalt  }
0x7e: {  	_ =	shalt  }
0x7f: {  	_ =	shalt  }
0x80: {  	_ =	shalt  }
0x81: {  	_ =	shalt  }
0x82: {  	_ =	shalt  }
0x83: {  	_ =	shalt  }
0x84: {  	_ =	shalt  }
0x85: {  	_ =	shalt  }
0x86: {  	_ =	shalt  }
0x87: {  	_ =	shalt  }
.Lfunc_end0:
.L_simem_size_0:
called_computation.2_lowered:
.L_overlay_start_0:
0x88: {  	s2 =	sld [smem:$0x3FD9]  }
0x89: {  	s3 =	sld [smem:$0x3FFE];
	_ =	sdelay $0x1  }
0x8a: {  	s1 =	srdreg.scid  }
0x8b: {  	s0 =	sand.u32 $0x1, s1  }
0x8c: {  	s16 =	sshll.u32 s0, $0xA;
	s2 =	sadd.s32 s3, s2  }
0x8d: {  	s2 =	sadd.s32 s2, s16  }
0x8e: {  	[smem:$0x3FBE] =	sst s2  }
0x8f: {  	_ = 	snop  }
0x90: {  	(tm) =	ssettm $0x1  }
0x91: {  	s17 =	sld [smem:$0x3FFB];
	_ =	sdelay $0x3  }
0x92: {  	_ =	strace s17  }
0x93: {  	s2 =	sld [smem:$0x3FFC];
	_ =	sdelay $0x3  }
0x94: {  	_ =	strace s2  }
0x95: {  	s2 =	sld [smem:$0x3FFD];
	_ =	sdelay $0x3  }
0x96: {  	_ =	strace s2  }
0x97: {  	_ =	strace $0x8FFFFFFF  }
0x98: {  	s18 =	sld [smem:$0x3FDB];
	_ =	sdelay $0x1  }
0x99: {  	s19 =	simm.s32 $_scs_section_size  }
0x9a: {  	s4 =	simm.s32 $_size__tile_overlayer_lowered;
	s5 =	simm.s32 $_tile_overlayer_lowered  }
0x9b: {  	s22 =	simm.s32 $0x1BFF;
	s21 =	sshll.u32 s5, $0x1;
	s2 =	sadd.s32 s19, s18  }
0x9c: {  	s6 =	simm.s32 $0x0;
	s20 =	sshll.u32 s4, $0x1;
	s4 =	sadd.s32 s21, s2  }
0x9d: {  	[timem:s6], [sflag:s22] =	dma.local [hbm:s4], s20  }
0x9e: {  	_ =	swait.ge [sflag:s22], s20  }
0x9f: {  	s3 =	ssub.s32 $0x0, s20;
	[sflag:s22] =	ssyncset.done $0x0  }
0xa0: {  	[sflag:s22] =	ssyncadd.s32 s3;
	_ =	sdelay $0x1  }
0xa1: {  	s23 =	simm.s32 $0x1B8B  }
0xa2: {  	_ =	swait.ge [sflag:s23], $0x1  }
0xa3: {  	[sflag:s23] =	ssyncset.done $0x0  }
0xa4: {  	s25 =	simm.s32 $0x1B8E;
	s24 =	sld [smem:$0x3FFE];
	[sflag:s23] =	ssyncadd.s32 $0xFFFFFFFF  }
0xa5: {  	s26 =	simm.s32 $execute0_lowered;
	[smem:$0x3FD2] =	sst s25  }
0xa6: {  	s4 =	sshll.u32 s26, $0x1;
	_ =	strace $0x8000004C;
	[dreg:$0x1] =	wrdreg $0xFFFFFFFF  }
0xa7: {  	s28 =	simm.s32 $_size_execute0_lowered;
	s2 =	sadd.s32 s2, s4;
	[dreg:$0x0] =	wrdreg $0x0  }
0xa8: {  	s4 =	sshll.u32 s28, $0x1;
	[dreg:$0x2] =	wrdreg s2  }
0xa9: {  	[dreg:$0x3] =	wrdreg s4  }
0xaa: {  	[dreg:$0x4] =	wrdreg $0xC0  }
0xab: {  	_ =	task [dreg:s6], $0x5FFFF  }
0xac: {  	[dreg:$0x1] =	wrdreg $0xFFFFFFFF  }
0xad: {  	[dreg:$0x0] =	wrdreg $0x60  }
0xae: {  	[dreg:$0x2] =	wrdreg s24  }
0xaf: {  	[dreg:$0x3] =	wrdreg $0x0  }
0xb0: {  	[dreg:$0x4] =	wrdreg $0x9  }
0xb1: {  	_ =	task.clear_ibuf [dreg:s6], $0x5FFFF;
	_ =	strace $0x9000004C  }
0xb2: {  	s29 =	simm.s32 $0x9;
	_ =	strace $0x8000004E  }
0xb3: {  	_ =	swait.ge [sflag:s29], $0x1  }
0xb4: {  	[sflag:s29] =	ssyncadd.s32 $0xFFFFFFFF  }
0xb5: {  	_ =	strace $0x9000004E  }
0xb6: {  	_ =	sfence  }
0xb7: {  	s30 =	sld [smem:$0x0];
	_ =	sdelay $0x2  }
0xb8: {  	s31 =	sshll.u32 s1, $0xD;
	s1 =	sshrl.u32 s1, $0x2  }
0xb9: {  	s3 =	sand.u32 $0x4000, s31;
	s1 =	sadd.s32 s1, s30  }
0xba: {  	s0 =	sor.u32 s3, s0;
	s1 =	sshll.u32 s1, $0x11  }
0xbb: {  	s0 =	sor.u32 s1, s0  }
0xbc: {  	s0 =	sadd.s32 $0x8F2B, s0  }
0xbd: {  	[sflag:s0] =	ssyncadd.remote.s32 $0x1  }
0xbe: {  	_ =	sfence.sel $0xFFFF  }
0xbf: {  	[dreg:$0x0] =	wrdreg $0xFFFFFFFF;
	(pc) =	sbr.abs _section_cstart, $3  }
0xc0: {  	[dreg:$0x1] =	wrdreg $0xFFFFFFFF  }
0xc1: {  	_ =	task.clear_ibuf [dreg:s6], $0x2FFFF;
	_ =	strace $0x9FFFFFFF  }
0xc2: {  	(tm) =	ssettm $0x7FFFFFFF  }
0xc3: {  	_ =	shalt  }
tec
execute0_lowered:
.L_overlay_start_1:
0x0: {  	(tag) =	ssettag $0x1  }
0x1: {  	s2 =	srdreg.scid;
	s24 =	stileid.u32  }
0x2: {  	s2 =	sand.u32 $0x1, s2;
	s8 =	smul.u32 $0x2800, s24  }
0x3: {  	s7 =	sor.u32 $0x10, s24;
	s5 =	smul.u32 $0x139000, s2  }
0x4: {  	s0 =	rddreg [dreg:$0x0];
	s10 =	sor.u32 $0x20, s24;
	s11 =	smul.u32 $0x2800, s7  }
0x5: {  	s1 =	rddreg [dreg:$0x1];
	s13 =	sor.u32 $0x30, s24;
	s14 =	smul.u32 $0x2800, s10  }
0x6: {  	s3 =	simm.s32 $0x0;
	s17 =	sor.u32 $0x50, s24;
	s15 =	smul.u32 $0x2800, s13  }
0x7: {  	s28 =	simm.s32 $0x13900;
	s19 =	sor.u32 $0x60, s24;
	s21 =	smul.u32 $0x2800, s17  }
0x8: {  	s29 =	simm.s32 $0x6;
	s20 =	sor.u32 $0x70, s24;
	s22 =	smul.u32 $0x2800, s19  }
0x9: {  	s30 =	simm.s32 $0x1BE80;
	s31 =	simm.s32 $0x1C680;
	s23 =	smul.u32 $0x2800, s20  }
0xa: {  	s9 =	ssub.s32 $0x2, s2;
	s16 =	sshll.u32 s2, $0x4;
	s2 =	smul.u32 $0x5000, s2  }
0xb: {  	s4 =	sadd.s32 $0x2E00, s0;
	s6 =	sadd.s32 $0xCE00, s0;
	s7 =	smul.u32 $0xA000, s7  }
0xc: {  	s25 =	sadd.s32 $0x16E00, s0;
	[smem:$0x7FF] =	sst s3;
	s17 =	smul.u32 $0xA000, s17  }
0xd: {  	s0 =	sadd.s32 $0x1C00, s0;
	s19 =	smul.u32 $0xA000, s19;
	p0 =	sgt.u32 s20, $0x7C  }
0xe: {  	s20 =	smul.u32 $0xA000, s20;
	s12 =	sshrl.u32 s9, $0x1;
	s16 =	sor.u32 s24, s16  }
0xf: {  	p1 =	sne.s32 @!p0 s24, $0x0;
	s9 =	ssub.s32 s9, s12;
	s12 =	sor.u32 $0x40, s24  }
0x10: {  	s8 =	sadd.s32 s5, s8;
	s11 =	sadd.s32 s5, s11;
	s14 =	sadd.s32 s5, s14  }
0x11: {  	s15 =	sadd.s32 s5, s15;
	s21 =	sadd.s32 s5, s21;
	s16 =	smul.u32 $0x500, s16  }
0x12: {  	s22 =	sadd.s32 s5, s22;
	p1 =	por p1, p0;
	s18 =	smul.u32 $0x2800, s12  }
0x13: {  	s8 =	sshrl.u32 s8, $0x3;
	s11 =	sshrl.u32 s11, $0x3;
	s21 =	sshrl.u32 s21, $0x3  }
0x14: {  	s22 =	sshrl.u32 s22, $0x3;
	s8 =	sadd.s32 s25, s8;
	s26 =	sadd.s32 s25, s11  }
0x15: {  	s11 =	sshrl.u32 s14, $0x3;
	s14 =	sshrl.u32 s15, $0x3;
	[dreg:$0x3] =	wrdreg s8  }
0x16: {  	s18 =	sadd.s32 s5, s18;
	s5 =	sadd.s32 s5, s23;
	[dreg:$0x4] =	wrdreg s26  }
0x17: {  	s8 =	sadd.s32 s25, s11;
	s23 =	sadd.s32 s6, s16;
	s26 =	smul.u32 $0x500, s24  }
0x18: {  	s6 =	sadd.s32 s2, s6;
	s2 =	sadd.s32 s2, s4;
	[dreg:$0x5] =	wrdreg s8  }
0x19: {  	s15 =	sshrl.u32 s18, $0x3;
	s8 =	sadd.s32 s25, s14;
	[dreg:$0xb] =	wrdreg s23  }
0x1a: {  	s5 =	sshrl.u32 s5, $0x3;
	[dreg:$0x6] =	wrdreg s8;
	s18 =	sadd.s32 s25, s15  }
0x1b: {  	s8 =	sadd.s32 s25, s21;
	s5 =	sadd.s32 s25, s5;
	s14 =	sadd.s32 s26, s6  }
0x1c: {  	s15 =	sadd.s32 s26, s2;
	s6 =	smul.u32 $0xA000, s24;
	[dreg:$0x7] =	wrdreg s18  }
0x1d: {  	s26 =	sadd.s32 $0x138800, s1;
	[dreg:$0x8] =	wrdreg s8;
	s8 =	sadd.s32 s25, s22  }
0x1e: {  	[dreg:$0xa] =	wrdreg s5;
	s25 =	sadd.s32 s4, s16;
	s22 =	sshrl.u32 s19, $0x2  }
0x1f: {  	s5 =	simm.s32 $0x17900;
	s19 =	simm.s32 $0x1C000;
	s4 =	simm.s32 $0x0  }
0x20: {  	[dreg:$0x9] =	wrdreg s8;
	s8 =	smax.u32 s9, $0x1;
	s9 =	smul.u32 $0xA000, s10  }
0x21: {  	[dreg:$0xc] =	wrdreg s25;
	s2 =	sshrl.u32 s6, $0x2;
	s10 =	smul.u32 $0xA000, s13  }
0x22: {  	s13 =	smul.u32 $0xA000, s12;
	s25 =	sshrl.u32 s20, $0x2;
	s6 =	simm.s32 $0x2  }
0x23: {  	s12 =	simm.s32 $0x1C500;
	_ =	strace $0x8000004D;
	[dreg:$0xd] =	wrdreg s0  }
0x24: {  	s20 =	simm.s32 $0x1C800;
	[dreg:$0xe] =	wrdreg s8;
	s2 =	sadd.s32 s2, s1  }
0x25: {  	s0 =	sshrl.u32 s7, $0x2;
	s24 =	sadd.s32 s25, s1;
	[dreg:$0x17] =	wrdreg s26  }
0x26: {  	s8 =	simm.s32 $0x3;
	s25 =	simm.s32 $0x5;
	[dreg:$0x18] =	wrdreg s4  }
0x27: {  	s26 =	simm.s32 $0x1BF80;
	[dreg:$0xf] =	wrdreg s2;
	s7 =	sadd.s32 s0, s1  }
0x28: {  	s11 =	sshrl.u32 s9, $0x2;
	s16 =	sshrl.u32 s10, $0x2;
	s18 =	sshrl.u32 s13, $0x2  }
0x29: {  	s2 =	sshrl.u32 s17, $0x2;
	s10 =	simm.s32 $0x1B900;
	s13 =	simm.s32 $0x4  }
0x2a: {  	s17 =	simm.s32 $0x1C700;
	[dreg:$0x16] =	wrdreg s24;
	s0 =	sadd.s32 s11, s1  }
0x2b: {  	s23 =	sadd.s32 s16, s1;
	s9 =	sadd.s32 s18, s1;
	[dreg:$0x10] =	wrdreg s7  }
.Ltmp0:
0x2c: {  	s21 =	sadd.s32 s2, s1;
	[dreg:$0x11] =	wrdreg s0;
	(pc) =	sbr.rel .LBB2_1-.Ltmp0, $4  }
0x2d: {  	s2 =	simm.s32 $0x1;
	s11 =	simm.s32 $0x1BD00;
	[dreg:$0x14] =	wrdreg s21  }
0x2e: {  	s16 =	simm.s32 $0x1BF00;
	s18 =	simm.s32 $0x1C780;
	[dreg:$0x12] =	wrdreg s23  }
0x2f: {  	s0 =	sadd.s32 s22, s1;
	s21 =	simm.s32 $0x1C080;
	[dreg:$0x13] =	wrdreg s9  }
0x30: {  	s22 =	simm.s32 $0x1C880;
	[dreg:$0x15] =	wrdreg s0;
	s0 =	simm.s32 $0x80  }
.LBB2_4:
0x31: {  	_ =	swait.ge [sflag:s13], $0x4000  }
0x32: {  	[sflag:s13] =	ssyncset.done $0x0  }
0x33: {  	[sflag:s13] =	ssyncadd.s32 $0xFFFFC000  }
0x34: {  	s4 =	stileid.u32;
	[bflag:$0x0] =	sbarrier.arrive $0xFFFF  }
0x35: {  	s4 =	sshll.u32 s4, $0x6;
	s7 =	rddreg [dreg:$0xf]  }
0x36: {  	s4 =	sor.u32 $0x1C06, s4;
	s23 =	rddreg [dreg:$0x3];
	s7 =	sshrl.u32 s7, $0x3  }
0x37: {  	[hbm:s23], [sflag:s4] =	dma.local [spmem:s7], $0x500  }
0x38: {  	_ =	swait.ge [sflag:s29], $0x500  }
0x39: {  	[sflag:s29] =	ssyncset.done $0x0;
	s9 =	rddreg [dreg:$0x10]  }
0x3a: {  	s10 =	rddreg [dreg:$0x4];
	[sflag:s29] =	ssyncadd.s32 $0xFFFFFB00;
	s7 =	sshrl.u32 s9, $0x3  }
0x3b: {  	[hbm:s10], [sflag:s4] =	dma.local [spmem:s7], $0x500  }
0x3c: {  	_ =	swait.ge [sflag:s29], $0x500  }
0x3d: {  	[sflag:s29] =	ssyncset.done $0x0;
	s23 =	rddreg [dreg:$0x11]  }
0x3e: {  	s24 =	rddreg [dreg:$0x5];
	[sflag:s29] =	ssyncadd.s32 $0xFFFFFB00;
	s7 =	sshrl.u32 s23, $0x3  }
0x3f: {  	[hbm:s24], [sflag:s4] =	dma.local [spmem:s7], $0x500  }
0x40: {  	_ =	swait.ge [sflag:s29], $0x500  }
0x41: {  	[sflag:s29] =	ssyncset.done $0x0;
	s30 =	rddreg [dreg:$0x12]  }
0x42: {  	s10 =	rddreg [dreg:$0x6];
	[sflag:s29] =	ssyncadd.s32 $0xFFFFFB00;
	s9 =	sshrl.u32 s30, $0x3  }
0x43: {  	[hbm:s10], [sflag:s4] =	dma.local [spmem:s9], $0x500  }
0x44: {  	_ =	swait.ge [sflag:s29], $0x500  }
0x45: {  	[sflag:s29] =	ssyncset.done $0x0;
	s9 =	rddreg [dreg:$0x13]  }
0x46: {  	s10 =	rddreg [dreg:$0x7];
	[sflag:s29] =	ssyncadd.s32 $0xFFFFFB00;
	s24 =	sshrl.u32 s9, $0x3  }
0x47: {  	[hbm:s10], [sflag:s4] =	dma.local [spmem:s24], $0x500  }
0x48: {  	_ =	swait.ge [sflag:s29], $0x500  }
0x49: {  	[sflag:s29] =	ssyncset.done $0x0;
	s24 =	rddreg [dreg:$0x14]  }
0x4a: {  	s10 =	rddreg [dreg:$0x8];
	[sflag:s29] =	ssyncadd.s32 $0xFFFFFB00;
	s7 =	sshrl.u32 s24, $0x3  }
0x4b: {  	[hbm:s10], [sflag:s4] =	dma.local [spmem:s7], $0x500  }
0x4c: {  	_ =	swait.ge [sflag:s29], $0x500  }
0x4d: {  	[sflag:s29] =	ssyncset.done $0x0;
	s23 =	rddreg [dreg:$0x15]  }
0x4e: {  	s24 =	rddreg [dreg:$0x9];
	[sflag:s29] =	ssyncadd.s32 $0xFFFFFB00;
	s7 =	sshrl.u32 s23, $0x3  }
0x4f: {  	[hbm:s24], [sflag:s4] =	dma.local [spmem:s7], $0x500  }
0x50: {  	_ =	swait.ge [sflag:s29], $0x500  }
0x51: {  	[sflag:s29] =	ssyncset.done $0x0;
	s24 =	rddreg [dreg:$0x16]  }
0x52: {  	s23 =	rddreg [dreg:$0xa];
	[sflag:s29] =	ssyncadd.s32 $0xFFFFFB00;
	s7 =	sshrl.u32 @!p0 s24, $0x3  }
0x53: {  	[hbm:s23], [sflag:s4] =	dma.local @!p0 [spmem:s7], $0x500  }
0x54: {  	s4 =	simm.s32 @!p0 $0x6  }
0x55: {  	_ =	swait.ge @!p0 [sflag:s4], $0x500  }
0x56: {  	s7 =	rddreg [dreg:$0x18]  }
0x57: {  	s23 =	sadd.s32 $0x1, s7;
	s7 =	rddreg [dreg:$0xe]  }
0x58: {  	p2 =	sne.s32 s23, s7  }
.Ltmp1:
0x59: {  	_ = 	snop;
	(pc) =	sbr.rel @!p2 .LBB2_5-.Ltmp1, $4  }
0x5a: {  	_ = 	snop  }
0x5b: {  	[sflag:s4] =	ssyncset.done @!p0 $0x0  }
0x5c: {  	s10 =	simm.s32 $0x1B900;
	[sflag:s4] =	ssyncadd.s32 @!p0 $0xFFFFFB00;
	[dreg:$0x18] =	wrdreg s23  }
0x5d: {  	s23 =	smov.u32 s30;
	s30 =	simm.s32 $0x1BE80;
	s7 =	rddreg [dreg:$0x10]  }
.LBB2_1:
0x5e: {  	s4 =	rddreg [dreg:$0xd]  }
0x5f: {  	[tilespmem:s28], [sflag:$0x6] =	stream.linear.gather [hbm4b:s4+s3], $0x4000, $0x38;
	[tilespmem:$0x1C900] =	vst v63  }
0x60: {  	_ =	swait.ge [sflag:s29], $0x4000  }
0x61: {  	[sflag:s29] =	ssyncset.done $0x0  }
0x62: {  	s4 =	rddreg [dreg:$0xf];
	[sflag:s29] =	ssyncadd.s32 $0xFFFFC000  }
0x63: {  	[spmem:s4] =	stream.linear.scatter [tilespmem:s28], [sflag:$0x6], $0x2800, $0x38;
	[tilespmem:$0x1C900] =	vst v63  }
0x64: {  	_ =	swait.ge [sflag:s29], $0x2800  }
0x65: {  	[sflag:s29] =	ssyncset.done $0x0  }
0x66: {  	[sflag:s29] =	ssyncadd.s32 $0xFFFFD800  }
0x67: {  	[spmem:s7] =	stream.linear.scatter [tilespmem:s28], [sflag:$0x6], $0x2800, $0x38;
	[tilespmem:$0x1C900] =	vst v63  }
0x68: {  	_ =	swait.ge [sflag:s29], $0x2800  }
0x69: {  	[sflag:s29] =	ssyncset.done $0x0  }
0x6a: {  	s7 =	rddreg [dreg:$0x11];
	[sflag:s29] =	ssyncadd.s32 $0xFFFFD800  }
0x6b: {  	[spmem:s7] =	stream.linear.scatter [tilespmem:s28], [sflag:$0x6], $0x2800, $0x38;
	[tilespmem:$0x1C900] =	vst v63  }
0x6c: {  	_ =	swait.ge [sflag:s29], $0x2800  }
0x6d: {  	[sflag:s29] =	ssyncset.done $0x0  }
0x6e: {  	[sflag:s29] =	ssyncadd.s32 $0xFFFFD800  }
0x6f: {  	[spmem:s23] =	stream.linear.scatter [tilespmem:s28], [sflag:$0x6], $0x2800, $0x38;
	[tilespmem:$0x1C900] =	vst v63  }
0x70: {  	_ =	swait.ge [sflag:s29], $0x2800  }
0x71: {  	[sflag:s29] =	ssyncset.done $0x0  }
0x72: {  	[sflag:s29] =	ssyncadd.s32 $0xFFFFD800  }
0x73: {  	[spmem:s9] =	stream.linear.scatter [tilespmem:s28], [sflag:$0x6], $0x2800, $0x38;
	[tilespmem:$0x1C900] =	vst v63  }
0x74: {  	_ =	swait.ge [sflag:s29], $0x2800  }
0x75: {  	[sflag:s29] =	ssyncset.done $0x0  }
0x76: {  	s7 =	rddreg [dreg:$0x14];
	[sflag:s29] =	ssyncadd.s32 $0xFFFFD800  }
0x77: {  	[spmem:s7] =	stream.linear.scatter [tilespmem:s28], [sflag:$0x6], $0x2800, $0x38;
	[tilespmem:$0x1C900] =	vst v63  }
0x78: {  	_ =	swait.ge [sflag:s29], $0x2800  }
0x79: {  	[sflag:s29] =	ssyncset.done $0x0  }
0x7a: {  	s9 =	rddreg [dreg:$0x15];
	[sflag:s29] =	ssyncadd.s32 $0xFFFFD800  }
0x7b: {  	[spmem:s9] =	stream.linear.scatter [tilespmem:s28], [sflag:$0x6], $0x2800, $0x38;
	[tilespmem:$0x1C900] =	vst v63  }
0x7c: {  	_ =	swait.ge [sflag:s29], $0x2800  }
0x7d: {  	[sflag:s29] =	ssyncset.done $0x0  }
0x7e: {  	s23 =	simm.s32 @!p0 $0x13900;
	[sflag:s29] =	ssyncadd.s32 $0xFFFFD800  }
0x7f: {  	[spmem:s24] =	stream.linear.scatter @!p0 [tilespmem:s23], [sflag:$0x6], $0x2800, $0x38;
	[tilespmem:$0x1C900] =	vst v63  }
0x80: {  	s23 =	simm.s32 @!p0 $0x6  }
0x81: {  	_ =	swait.ge @!p0 [sflag:s23], $0x2800  }
0x82: {  	[sflag:s23] =	ssyncset.done @!p0 $0x0  }
0x83: {  	s4 =	rddreg [dreg:$0x17];
	[sflag:s23] =	ssyncadd.s32 @!p0 $0xFFFFD800;
	s23 =	simm.s32 @!p1 $0x13900  }
0x84: {  	[spmem:s4] =	stream.linear.scatter @!p1 [tilespmem:s23], [sflag:$0x6], $0x800, $0x38;
	[tilespmem:$0x1C900] =	vst v63  }
0x85: {  	s23 =	simm.s32 @!p1 $0x6  }
0x86: {  	_ =	swait.ge @!p1 [sflag:s23], $0x800  }
0x87: {  	[sflag:s23] =	ssyncset.done @!p1 $0x0  }
0x88: {  	[sflag:s23] =	ssyncadd.s32 @!p1 $0xFFFFF800  }
0x89: {  	[bflag:$0x0] =	sbarrier.arrive $0xFFFF  }
0x8a: {  	s23 =	rddreg [dreg:$0xb]  }
0x8b: {  	[tilespmem:s10], [sflag:$0x6] =	stream.linear.gather [hbm4b:s23+s3], $0x400, $0x38;
	[tilespmem:$0x1C900] =	vst v63  }
0x8c: {  	_ =	swait.ge [sflag:s29], $0x400  }
0x8d: {  	[sflag:s29] =	ssyncset.done $0x0  }
0x8e: {  	s9 =	simm.s32 $0x1C100;
	s24 =	rddreg [dreg:$0xc];
	[sflag:s29] =	ssyncadd.s32 $0xFFFFFC00  }
0x8f: {  	[tilespmem:s9], [sflag:$0x6] =	stream.linear.gather [hbm4b:s24+s3], $0x400, $0x38;
	[tilespmem:$0x1C900] =	vst v63  }
0x90: {  	_ =	swait.ge [sflag:s29], $0x400  }
0x91: {  	[sflag:s29] =	ssyncset.done $0x0  }
0x92: {  	s23 =	simm.s32 $0x0;
	[sflag:s29] =	ssyncadd.s32 $0xFFFFFC00  }
0x93: {  	[tilespmem:s28], [sflag:$0x1] =	stream.indirect.gather [spmem:s1], $0x80, s10, s0, $0xb8;
	[tilespmem:$0x1C900] =	vst v63  }
.LBB2_2:
0x94: {  	_ =	swait.ge [sflag:s2], $0x4000  }
0x95: {  	p2 =	seq.s32 s23, $0x0;
	[sflag:s2] =	ssyncset.done $0x0  }
0x96: {  	s24 =	simm.s32 @!p2 $0x4;
	[sflag:s2] =	ssyncadd.s32 $0xFFFFC000  }
0x97: {  	[spmem:s1] =	stream.indirect.scatter.add.f32 [tilespmem:s28], [sflag:$0x3], $0x80, s9, s0, $0xb8;
	[tilespmem:$0x1C900] =	vst v63  }
0x98: {  	_ =	swait.ge @!p2 [sflag:s24], $0x4000  }
0x99: {  	[sflag:s24] =	ssyncset.done @!p2 $0x0  }
0x9a: {  	s4 =	simm.s32 $0x1B980;
	[sflag:s24] =	ssyncadd.s32 @!p2 $0xFFFFC000  }
0x9b: {  	[tilespmem:s5], [sflag:$0x2] =	stream.indirect.gather [spmem:s1], $0x80, s4, s0, $0xb8;
	[tilespmem:$0x1C900] =	vst v63  }
0x9c: {  	_ =	swait.ge [sflag:s6], $0x4000  }
0x9d: {  	[sflag:s6] =	ssyncset.done $0x0  }
0x9e: {  	s24 =	simm.s32 $0x1C180;
	[sflag:s6] =	ssyncadd.s32 $0xFFFFC000  }
0x9f: {  	[spmem:s1] =	stream.indirect.scatter.add.f32 [tilespmem:s5], [sflag:$0x4], $0x80, s24, s0, $0xb8;
	[tilespmem:$0x1C900] =	vst v63  }
0xa0: {  	_ =	swait.ge [sflag:s8], $0x4000  }
0xa1: {  	[sflag:s8] =	ssyncset.done $0x0  }
0xa2: {  	s7 =	simm.s32 $0x1BA00;
	[sflag:s8] =	ssyncadd.s32 $0xFFFFC000  }
0xa3: {  	[tilespmem:s28], [sflag:$0x1] =	stream.indirect.gather [spmem:s1], $0x80, s7, s0, $0xb8;
	[tilespmem:$0x1C900] =	vst v63  }
0xa4: {  	_ =	swait.ge [sflag:s2], $0x4000  }
0xa5: {  	[sflag:s2] =	ssyncset.done $0x0  }
0xa6: {  	s24 =	simm.s32 $0x1C200;
	s7 =	sadd.s32 s23, s14;
	[sflag:s2] =	ssyncadd.s32 $0xFFFFC000  }
0xa7: {  	[spmem:s1] =	stream.indirect.scatter.add.f32 [tilespmem:s28], [sflag:$0x3], $0x80, s24, s0, $0xb8;
	[tilespmem:$0x1C900] =	vst v63  }
0xa8: {  	s4 =	sadd.s32 s23, s15;
	s24 =	sadd.s32 $0x80, s7  }
0xa9: {  	[tilespmem:s11], [sflag:$0x5] =	stream.linear.gather [hbm4b:s24+s3], $0x400, $0x38;
	[tilespmem:$0x1C900] =	vst v63  }
0xaa: {  	s24 =	sadd.s32 $0x80, s4  }
0xab: {  	[tilespmem:s12], [sflag:$0x5] =	stream.linear.gather [hbm4b:s24+s3], $0x400, $0x38;
	[tilespmem:$0x1C900] =	vst v63  }
0xac: {  	_ =	swait.ge [sflag:s13], $0x4000  }
0xad: {  	[sflag:s13] =	ssyncset.done $0x0  }
0xae: {  	s7 =	simm.s32 $0x1BA80;
	[sflag:s13] =	ssyncadd.s32 $0xFFFFC000  }
0xaf: {  	[tilespmem:s5], [sflag:$0x2] =	stream.indirect.gather [spmem:s1], $0x80, s7, s0, $0xb8;
	[tilespmem:$0x1C900] =	vst v63  }
0xb0: {  	_ =	swait.ge [sflag:s6], $0x4000  }
0xb1: {  	[sflag:s6] =	ssyncset.done $0x0  }
0xb2: {  	s24 =	simm.s32 $0x1C280;
	[sflag:s6] =	ssyncadd.s32 $0xFFFFC000  }
0xb3: {  	[spmem:s1] =	stream.indirect.scatter.add.f32 [tilespmem:s5], [sflag:$0x4], $0x80, s24, s0, $0xb8;
	[tilespmem:$0x1C900] =	vst v63  }
0xb4: {  	_ =	swait.ge [sflag:s8], $0x4000  }
0xb5: {  	[sflag:s8] =	ssyncset.done $0x0  }
0xb6: {  	s7 =	simm.s32 $0x1BB00;
	[sflag:s8] =	ssyncadd.s32 $0xFFFFC000  }
0xb7: {  	[tilespmem:s28], [sflag:$0x1] =	stream.indirect.gather [spmem:s1], $0x80, s7, s0, $0xb8;
	[tilespmem:$0x1C900] =	vst v63  }
0xb8: {  	_ =	swait.ge [sflag:s2], $0x4000  }
0xb9: {  	[sflag:s2] =	ssyncset.done $0x0  }
0xba: {  	s24 =	simm.s32 $0x1C300;
	[sflag:s2] =	ssyncadd.s32 $0xFFFFC000  }
0xbb: {  	[spmem:s1] =	stream.indirect.scatter.add.f32 [tilespmem:s28], [sflag:$0x3], $0x80, s24, s0, $0xb8;
	[tilespmem:$0x1C900] =	vst v63  }
0xbc: {  	_ =	swait.ge [sflag:s13], $0x4000  }
0xbd: {  	[sflag:s13] =	ssyncset.done $0x0  }
0xbe: {  	s7 =	simm.s32 $0x1BB80;
	[sflag:s13] =	ssyncadd.s32 $0xFFFFC000  }
0xbf: {  	[tilespmem:s5], [sflag:$0x2] =	stream.indirect.gather [spmem:s1], $0x80, s7, s0, $0xb8;
	[tilespmem:$0x1C900] =	vst v63  }
0xc0: {  	_ =	swait.ge [sflag:s6], $0x4000  }
0xc1: {  	[sflag:s6] =	ssyncset.done $0x0  }
0xc2: {  	s24 =	simm.s32 $0x1C380;
	[sflag:s6] =	ssyncadd.s32 $0xFFFFC000  }
0xc3: {  	[spmem:s1] =	stream.indirect.scatter.add.f32 [tilespmem:s5], [sflag:$0x4], $0x80, s24, s0, $0xb8;
	[tilespmem:$0x1C900] =	vst v63  }
0xc4: {  	_ =	swait.ge [sflag:s8], $0x4000  }
0xc5: {  	[sflag:s8] =	ssyncset.done $0x0  }
0xc6: {  	s7 =	simm.s32 $0x1BC00;
	[sflag:s8] =	ssyncadd.s32 $0xFFFFC000  }
0xc7: {  	[tilespmem:s28], [sflag:$0x1] =	stream.indirect.gather [spmem:s1], $0x80, s7, s0, $0xb8;
	[tilespmem:$0x1C900] =	vst v63  }
0xc8: {  	_ =	swait.ge [sflag:s2], $0x4000  }
0xc9: {  	[sflag:s2] =	ssyncset.done $0x0  }
0xca: {  	s24 =	simm.s32 $0x1C400;
	[sflag:s2] =	ssyncadd.s32 $0xFFFFC000  }
0xcb: {  	[spmem:s1] =	stream.indirect.scatter.add.f32 [tilespmem:s28], [sflag:$0x3], $0x80, s24, s0, $0xb8;
	[tilespmem:$0x1C900] =	vst v63  }
0xcc: {  	_ =	swait.ge [sflag:s13], $0x4000  }
0xcd: {  	[sflag:s13] =	ssyncset.done $0x0  }
0xce: {  	s7 =	simm.s32 $0x1BC80;
	[sflag:s13] =	ssyncadd.s32 $0xFFFFC000  }
0xcf: {  	[tilespmem:s5], [sflag:$0x2] =	stream.indirect.gather [spmem:s1], $0x80, s7, s0, $0xb8;
	[tilespmem:$0x1C900] =	vst v63  }
0xd0: {  	_ =	swait.ge [sflag:s6], $0x4000  }
0xd1: {  	[sflag:s6] =	ssyncset.done $0x0  }
0xd2: {  	s24 =	simm.s32 $0x1C480;
	[sflag:s6] =	ssyncadd.s32 $0xFFFFC000  }
0xd3: {  	[spmem:s1] =	stream.indirect.scatter.add.f32 [tilespmem:s5], [sflag:$0x4], $0x80, s24, s0, $0xb8;
	[tilespmem:$0x1C900] =	vst v63  }
0xd4: {  	_ =	swait.ge [sflag:s8], $0x4000  }
0xd5: {  	[sflag:s8] =	ssyncset.done $0x0  }
0xd6: {  	[sflag:s8] =	ssyncadd.s32 $0xFFFFC000  }
0xd7: {  	_ =	swait.ge [sflag:s25], $0x400  }
0xd8: {  	[sflag:s25] =	ssyncset.done $0x0  }
0xd9: {  	[sflag:s25] =	ssyncadd.s32 $0xFFFFFC00  }
0xda: {  	_ =	swait.ge [sflag:s25], $0x400  }
0xdb: {  	[sflag:s25] =	ssyncset.done $0x0  }
0xdc: {  	[sflag:s25] =	ssyncadd.s32 $0xFFFFFC00  }
0xdd: {  	[tilespmem:s28], [sflag:$0x1] =	stream.indirect.gather [spmem:s1], $0x80, s11, s0, $0xb8;
	[tilespmem:$0x1C900] =	vst v63  }
0xde: {  	_ =	swait.ge [sflag:s2], $0x4000  }
0xdf: {  	[sflag:s2] =	ssyncset.done $0x0  }
0xe0: {  	[sflag:s2] =	ssyncadd.s32 $0xFFFFC000  }
0xe1: {  	[spmem:s1] =	stream.indirect.scatter.add.f32 [tilespmem:s28], [sflag:$0x3], $0x80, s12, s0, $0xb8;
	[tilespmem:$0x1C900] =	vst v63  }
0xe2: {  	_ =	swait.ge [sflag:s13], $0x4000  }
0xe3: {  	[sflag:s13] =	ssyncset.done $0x0  }
0xe4: {  	s7 =	simm.s32 $0x1BD80;
	[sflag:s13] =	ssyncadd.s32 $0xFFFFC000  }
0xe5: {  	[tilespmem:s5], [sflag:$0x2] =	stream.indirect.gather [spmem:s1], $0x80, s7, s0, $0xb8;
	[tilespmem:$0x1C900] =	vst v63  }
0xe6: {  	_ =	swait.ge [sflag:s6], $0x4000  }
0xe7: {  	[sflag:s6] =	ssyncset.done $0x0  }
0xe8: {  	s24 =	simm.s32 $0x1C580;
	[sflag:s6] =	ssyncadd.s32 $0xFFFFC000  }
0xe9: {  	[spmem:s1] =	stream.indirect.scatter.add.f32 [tilespmem:s5], [sflag:$0x4], $0x80, s24, s0, $0xb8;
	[tilespmem:$0x1C900] =	vst v63  }
0xea: {  	_ =	swait.ge [sflag:s8], $0x4000  }
0xeb: {  	[sflag:s8] =	ssyncset.done $0x0  }
0xec: {  	s7 =	simm.s32 $0x1BE00;
	[sflag:s8] =	ssyncadd.s32 $0xFFFFC000  }
0xed: {  	[tilespmem:s28], [sflag:$0x1] =	stream.indirect.gather [spmem:s1], $0x80, s7, s0, $0xb8;
	[tilespmem:$0x1C900] =	vst v63  }
0xee: {  	_ =	swait.ge [sflag:s2], $0x4000  }
0xef: {  	[sflag:s2] =	ssyncset.done $0x0  }
0xf0: {  	p2 =	seq.s32 s23, $0x400;
	s24 =	simm.s32 $0x1C600;
	[sflag:s2] =	ssyncadd.s32 $0xFFFFC000  }
0xf1: {  	[spmem:s1] =	stream.indirect.scatter.add.f32 [tilespmem:s28], [sflag:$0x3], $0x80, s24, s0, $0xb8;
	[tilespmem:$0x1C900] =	vst v63  }
0xf2: {  	s24 =	sadd.s32 @!p2 s23, s14  }
0xf3: {  	s4 =	simm.s32 @!p2 $0x0;
	s7 =	simm.s32 @!p2 $0x1B900;
	s24 =	sadd.s32 @!p2 $0x100, s24  }
0xf4: {  	[tilespmem:s7], [sflag:$0x5] =	stream.linear.gather @!p2 [hbm4b:s24+s4], $0x400, $0x38;
	[tilespmem:$0x1C900] =	vst v63  }
0xf5: {  	s7 =	sadd.s32 @!p2 s23, s15  }
0xf6: {  	s24 =	simm.s32 @!p2 $0x1C100;
	s7 =	sadd.s32 @!p2 $0x100, s7  }
0xf7: {  	[tilespmem:s24], [sflag:$0x5] =	stream.linear.gather @!p2 [hbm4b:s7+s4], $0x400, $0x38;
	[tilespmem:$0x1C900] =	vst v63  }
0xf8: {  	_ =	swait.ge [sflag:s13], $0x4000  }
0xf9: {  	[sflag:s13] =	ssyncset.done $0x0  }
0xfa: {  	[sflag:s13] =	ssyncadd.s32 $0xFFFFC000  }
0xfb: {  	[tilespmem:s5], [sflag:$0x2] =	stream.indirect.gather [spmem:s1], $0x80, s30, s0, $0xb8;
	[tilespmem:$0x1C900] =	vst v63  }
0xfc: {  	_ =	swait.ge [sflag:s6], $0x4000  }
0xfd: {  	[sflag:s6] =	ssyncset.done $0x0  }
0xfe: {  	[sflag:s6] =	ssyncadd.s32 $0xFFFFC000  }
0xff: {  	[spmem:s1] =	stream.indirect.scatter.add.f32 [tilespmem:s5], [sflag:$0x4], $0x80, s31, s0, $0xb8;
	[tilespmem:$0x1C900] =	vst v63  }
0x100: {  	_ =	swait.ge [sflag:s8], $0x4000  }
0x101: {  	[sflag:s8] =	ssyncset.done $0x0  }
0x102: {  	[sflag:s8] =	ssyncadd.s32 $0xFFFFC000  }
0x103: {  	[tilespmem:s28], [sflag:$0x1] =	stream.indirect.gather [spmem:s1], $0x80, s16, s0, $0xb8;
	[tilespmem:$0x1C900] =	vst v63  }
0x104: {  	_ =	swait.ge [sflag:s2], $0x4000  }
0x105: {  	[sflag:s2] =	ssyncset.done $0x0  }
0x106: {  	[sflag:s2] =	ssyncadd.s32 $0xFFFFC000  }
0x107: {  	[spmem:s1] =	stream.indirect.scatter.add.f32 [tilespmem:s28], [sflag:$0x3], $0x80, s17, s0, $0xb8;
	[tilespmem:$0x1C900] =	vst v63  }
0x108: {  	_ =	swait.ge [sflag:s13], $0x4000  }
0x109: {  	[sflag:s13] =	ssyncset.done $0x0  }
0x10a: {  	[sflag:s13] =	ssyncadd.s32 $0xFFFFC000  }
0x10b: {  	[tilespmem:s5], [sflag:$0x2] =	stream.indirect.gather [spmem:s1], $0x80, s26, s0, $0xb8;
	[tilespmem:$0x1C900] =	vst v63  }
0x10c: {  	_ =	swait.ge [sflag:s6], $0x4000  }
0x10d: {  	[sflag:s6] =	ssyncset.done $0x0  }
0x10e: {  	[sflag:s6] =	ssyncadd.s32 $0xFFFFC000  }
0x10f: {  	[spmem:s1] =	stream.indirect.scatter.add.f32 [tilespmem:s5], [sflag:$0x4], $0x80, s18, s0, $0xb8;
	[tilespmem:$0x1C900] =	vst v63  }
0x110: {  	_ =	swait.ge [sflag:s8], $0x4000  }
0x111: {  	[sflag:s8] =	ssyncset.done $0x0  }
0x112: {  	[sflag:s8] =	ssyncadd.s32 $0xFFFFC000  }
0x113: {  	[tilespmem:s28], [sflag:$0x1] =	stream.indirect.gather [spmem:s1], $0x80, s19, s0, $0xb8;
	[tilespmem:$0x1C900] =	vst v63  }
0x114: {  	_ =	swait.ge [sflag:s2], $0x4000  }
0x115: {  	[sflag:s2] =	ssyncset.done $0x0  }
0x116: {  	[sflag:s2] =	ssyncadd.s32 $0xFFFFC000  }
0x117: {  	[spmem:s1] =	stream.indirect.scatter.add.f32 [tilespmem:s28], [sflag:$0x3], $0x80, s20, s0, $0xb8;
	[tilespmem:$0x1C900] =	vst v63  }
0x118: {  	_ =	swait.ge [sflag:s13], $0x4000  }
0x119: {  	[sflag:s13] =	ssyncset.done $0x0  }
0x11a: {  	[sflag:s13] =	ssyncadd.s32 $0xFFFFC000  }
0x11b: {  	[tilespmem:s5], [sflag:$0x2] =	stream.indirect.gather [spmem:s1], $0x80, s21, s0, $0xb8;
	[tilespmem:$0x1C900] =	vst v63  }
0x11c: {  	_ =	swait.ge [sflag:s6], $0x4000  }
0x11d: {  	[sflag:s6] =	ssyncset.done $0x0  }
.Ltmp2:
0x11e: {  	[sflag:s6] =	ssyncadd.s32 $0xFFFFC000;
	(pc) =	sbr.rel @p2 .LBB2_4-.Ltmp2, $4  }
0x11f: {  	[spmem:s1] =	stream.indirect.scatter.add.f32 [tilespmem:s5], [sflag:$0x4], $0x80, s22, s0, $0xb8;
	[tilespmem:$0x1C900] =	vst v63  }
0x120: {  	_ =	swait.ge [sflag:s8], $0x4000  }
0x121: {  	[sflag:s8] =	ssyncset.done $0x0  }
0x122: {  	[sflag:s8] =	ssyncadd.s32 $0xFFFFC000  }
0x123: {  	_ =	swait.ge [sflag:s25], $0x400  }
0x124: {  	[sflag:s25] =	ssyncset.done $0x0  }
.Ltmp3:
0x125: {  	[sflag:s25] =	ssyncadd.s32 $0xFFFFFC00;
	(pc) =	sbr.rel .LBB2_2-.Ltmp3, $4  }
0x126: {  	_ =	swait.ge [sflag:s25], $0x400  }
0x127: {  	[sflag:s25] =	ssyncset.done $0x0  }
0x128: {  	s23 =	sadd.s32 $0x100, s23;
	[sflag:s25] =	ssyncadd.s32 $0xFFFFFC00  }
0x129: {  	[tilespmem:s28], [sflag:$0x1] =	stream.indirect.gather [spmem:s1], $0x80, s10, s0, $0xb8;
	[tilespmem:$0x1C900] =	vst v63  }
.LBB2_5:
0x12a: {  	_ =	sfence.sel $0x180000  }
0x12b: {  	[bflag:$0x0] =	sbarrier.arrive $0xFFFF  }
0x12c: {  	_ =	strace $0x9000004D  }
0x12d: {  	s0 =	stileid.u32;
	[bflag:$0x2] =	sbarrier.arrive $0xFFFF  }
0x12e: {  	p0 =	sne.s32 s0, $0x0;
	s0 =	rddreg [dreg:$0x2]  }
0x12f: {  	s0 =	sadd.s32 @!p0 $0x100000, s0  }
0x130: {  	[sflag:s0] =	ssyncadd.tile.s32 @!p0 $0x1;
	_ =	shalt  }
.Lfunc_end2:
_tile_overlayer_lowered:
.L_overlay_start_2:
0x131: {  	(tag) =	ssettag $0x2  }
0x132: {  	s0 =	rddreg [dreg:$0x0];
	s2 =	stileid.u32  }
0x133: {  	s1 =	rddreg [dreg:$0x1];
	p0 =	sne.s32 s2, $0x0  }
0x134: {  	s3 =	rddreg [dreg:$0x2];
	[bflag:$0x3] =	sbarrier.arrive $0xFFFF;
	s2 =	simm.s32 @!p0 $0x1C06  }
0x135: {  	[timem:s3], [sflag:s2] =	dma.local @!p0 [hbm:s0], s1  }
0x136: {  	s0 =	simm.s32 @!p0 $0x6  }
0x137: {  	_ =	swait.ge @!p0 [sflag:s0], s1  }
0x138: {  	s1 =	ssub.s32 @!p0 $0x0, s1;
	[sflag:s0] =	ssyncset.done @!p0 $0x0  }
0x139: {  	[sflag:s0] =	ssyncadd.s32 @!p0 s1  }
0x13a: {  	[bflag:$0x3] =	sbarrier.arrive $0xFFFF  }
0x13b: {  	_ =	shalt  }

// kernel: kernel.9.cloned.1.call-start
scs
__scs_entry_jumppad:
0x0: {  	(pc) =	sbr.rel $0x88, $3  }
0x1: {  	(tag) =	ssettag $0x0;
	lr =	simm.s32 $0x1  }
0x2: {  	[smem:$0x3F97] =	sst lr;
	_ =	strace $0xD0000000  }
0x3: {  	_ = 	snop  }
0x4: {  	_ = 	snop  }
0x5: {  	_ = 	snop  }
0x6: {  	_ = 	snop  }
0x7: {  	_ = 	snop  }
__scs_overlays_trampoline_lowered:
0x8: {  	[smem:$0x3FA6] =	sst s0  }
0x9: {  	[smem:$0x3FA7] =	sst s1  }
0xa: {  	[smem:$0x3FA8] =	sst s2  }
0xb: {  	[smem:$0x3FA9] =	sst s3  }
0xc: {  	[smem:$0x3FAA] =	sst s4  }
0xd: {  	[smem:$0x3FAB] =	sst s5  }
0xe: {  	[smem:$0x3FAC] =	sst s6  }
0xf: {  	[smem:$0x3FAD] =	sst s7  }
0x10: {  	[smem:$0x3FAE] =	sst s8  }
0x11: {  	[smem:$0x3FAF] =	sst s9;
	s0 =	simm.s32 @!p0 $0x0  }
0x12: {  	s1 =	sld [smem:$0x3F95];
	s0 =	simm.s32 @p0 $0x1  }
0x13: {  	[smem:$0x3FB0] =	sst s0;
	s0 =	simm.s32 @!p1 $0x0  }
0x14: {  	s2 =	sld [smem:$0x3F94];
	s0 =	simm.s32 @p1 $0x1  }
0x15: {  	[smem:$0x3FB1] =	sst s0;
	s0 =	simm.s32 @!p2 $0x0  }
0x16: {  	s3 =	sld [smem:$0x3FDB];
	s0 =	simm.s32 @p2 $0x1  }
0x17: {  	s4 =	simm.s32 $0x1BF5;
	[smem:$0x3FB3] =	sst s0  }
0x18: {  	s0 =	sld [smem:$0x3F96];
	_ =	swait.ge [sflag:s4], $0x0  }
0x19: {  	s7 =	sld [smem:$0x3F97]  }
0x1a: {  	s8 =	sadd.s32 $0xFFFFE003, lr  }
0x1b: {  	s9 =	sadd.s32 $0xFFFFFEF7, lr;
	s5 =	simm.s32 $0xFFFFFFFF;
	p2 =	slt.u32 s8, $0xFFFFF086  }
0x1c: {  	p1 =	slt.u32 s9, $0xF7A;
	s5 =	simm.s32 @!p2 $0x0  }
0x1d: {  	s5 =	simm.s32 @p1 $0x1;
	p0 =	seq.s32 s7, s2  }
0x1e: {  	s7 =	smul.u32 @!p0 $0xF7A, s2;
	p2 =	seq.s32 @!p0 s5, $0x0  }
0x1f: {  	s9 =	smul.u32 $0xF7A, s1;
	s8 =	simm.s32 @!p0 $0x1BF5;
	p2 =	por !p2, p0  }
0x20: {  	[sflag:s8] =	ssyncset.s32 @!p0 $0xFFFFF086;
	s6 =	sadd.s32 @!p0 s3, s7;
	s7 =	simm.s32 @!p0 $0x108  }
0x21: {  	s3 =	sadd.s32 s3, s9;
	s6 =	sadd.s32 @!p0 $0x88, s6;
	s7 =	simm.s32 @p2 $0x1082  }
0x22: {  	[simem:s7], [sflag:s8] =	dma.local @!p0 [hbm:s6], $0xF7A  }
0x23: {  	s9 =	sor.u32 $0xD0000000, s2;
	s6 =	simm.s32 $0x108;
	_ =	swait.ge @!p0 [sflag:s8], $0x0  }
0x24: {  	s3 =	sadd.s32 $0x88, s3;
	s6 =	simm.s32 @!p1 $0x1082;
	[sflag:s4] =	ssyncset.s32 $0xFFFFF086  }
0x25: {  	[simem:s6], [sflag:s4] =	dma.local [hbm:s3], $0xF7A  }
0x26: {  	[smem:$0x3F97] =	sst s1;
	(tag) =	ssettag s2;
	_ =	strace s9  }
0x27: {  	s1 =	sld [smem:$0x3FA7]  }
0x28: {  	s2 =	sld [smem:$0x3FA8]  }
0x29: {  	s4 =	sld [smem:$0x3FAA]  }
0x2a: {  	p0 =	seq.s32 s5, $0x0;
	s5 =	sld [smem:$0x3FAB]  }
0x2b: {  	s6 =	sld [smem:$0x3FAC]  }
0x2c: {  	s7 =	sld [smem:$0x3FAD]  }
0x2d: {  	s3 =	simm.s32 $0x108;
	s8 =	sld [smem:$0x3FAE]  }
0x2e: {  	s3 =	simm.s32 @!p0 $0x1082;
	s9 =	sld [smem:$0x3FAF]  }
0x2f: {  	lr =	sadd.s32 s0, s3;
	s0 =	sld [smem:$0x3FA6]  }
0x30: {  	s3 =	sld [smem:$0x3FA9]  }
0x31: {  	[smem:$0x3FB2] =	sst s10  }
0x32: {  	s10 =	sld [smem:$0x3FB0];
	_ =	sdelay $0x3  }
0x33: {  	p0 =	seq.s32 s10, $0x1;
	s10 =	sld [smem:$0x3FB2];
	_ =	sdelay $0x3  }
0x34: {  	[smem:$0x3FB2] =	sst s10  }
0x35: {  	s10 =	sld [smem:$0x3FB1];
	_ =	sdelay $0x3  }
0x36: {  	p1 =	seq.s32 s10, $0x1;
	s10 =	sld [smem:$0x3FB2];
	_ =	sdelay $0x3  }
0x37: {  	[smem:$0x3FB2] =	sst s10  }
0x38: {  	s10 =	sld [smem:$0x3FB3]  }
0x39: {  	_ = 	snop;
	(pc) =	sbr.ind lr, $3  }
0x3a: {  	_ = 	snop  }
0x3b: {  	_ = 	snop  }
0x3c: {  	p2 =	seq.s32 s10, $0x1;
	s10 =	sld [smem:$0x3FB2]  }
0x3d: {  	_ =	shalt  }
0x3e: {  	_ =	shalt  }
0x3f: {  	_ =	shalt  }
0x40: {  	_ =	shalt  }
0x41: {  	_ =	shalt  }
0x42: {  	_ =	shalt  }
0x43: {  	_ =	shalt  }
0x44: {  	_ =	shalt  }
0x45: {  	_ =	shalt  }
0x46: {  	_ =	shalt  }
0x47: {  	_ =	shalt  }
0x48: {  	_ =	shalt  }
0x49: {  	_ =	shalt  }
0x4a: {  	_ =	shalt  }
0x4b: {  	_ =	shalt  }
0x4c: {  	_ =	shalt  }
0x4d: {  	_ =	shalt  }
0x4e: {  	_ =	shalt  }
0x4f: {  	_ =	shalt  }
0x50: {  	_ =	shalt  }
0x51: {  	_ =	shalt  }
0x52: {  	_ =	shalt  }
0x53: {  	_ =	shalt  }
0x54: {  	_ =	shalt  }
0x55: {  	_ =	shalt  }
0x56: {  	_ =	shalt  }
0x57: {  	_ =	shalt  }
0x58: {  	_ =	shalt  }
0x59: {  	_ =	shalt  }
0x5a: {  	_ =	shalt  }
0x5b: {  	_ =	shalt  }
0x5c: {  	_ =	shalt  }
0x5d: {  	_ =	shalt  }
0x5e: {  	_ =	shalt  }
0x5f: {  	_ =	shalt  }
0x60: {  	_ =	shalt  }
0x61: {  	_ =	shalt  }
0x62: {  	_ =	shalt  }
0x63: {  	_ =	shalt  }
0x64: {  	_ =	shalt  }
0x65: {  	_ =	shalt  }
0x66: {  	_ =	shalt  }
0x67: {  	_ =	shalt  }
0x68: {  	_ =	shalt  }
0x69: {  	_ =	shalt  }
0x6a: {  	_ =	shalt  }
0x6b: {  	_ =	shalt  }
0x6c: {  	_ =	shalt  }
0x6d: {  	_ =	shalt  }
0x6e: {  	_ =	shalt  }
0x6f: {  	_ =	shalt  }
0x70: {  	_ =	shalt  }
0x71: {  	_ =	shalt  }
0x72: {  	_ =	shalt  }
0x73: {  	_ =	shalt  }
0x74: {  	_ =	shalt  }
0x75: {  	_ =	shalt  }
0x76: {  	_ =	shalt  }
0x77: {  	_ =	shalt  }
0x78: {  	_ =	shalt  }
0x79: {  	_ =	shalt  }
0x7a: {  	_ =	shalt  }
0x7b: {  	_ =	shalt  }
0x7c: {  	_ =	shalt  }
0x7d: {  	_ =	shalt  }
0x7e: {  	_ =	shalt  }
0x7f: {  	_ =	shalt  }
0x80: {  	_ =	shalt  }
0x81: {  	_ =	shalt  }
0x82: {  	_ =	shalt  }
0x83: {  	_ =	shalt  }
0x84: {  	_ =	shalt  }
0x85: {  	_ =	shalt  }
0x86: {  	_ =	shalt  }
0x87: {  	_ =	shalt  }
.Lfunc_end0:
.L_simem_size_0:
called_computation_lowered:
.L_overlay_start_0:
0x88: {  	s2 =	sld [smem:$0x3FD9]  }
0x89: {  	s3 =	sld [smem:$0x3FFE];
	_ =	sdelay $0x1  }
0x8a: {  	s1 =	srdreg.scid  }
0x8b: {  	s0 =	sand.u32 $0x1, s1  }
0x8c: {  	s17 =	sshll.u32 s0, $0xA;
	s2 =	sadd.s32 s3, s2  }
0x8d: {  	s2 =	sadd.s32 s2, s17  }
0x8e: {  	[smem:$0x3FBE] =	sst s2  }
0x8f: {  	_ = 	snop  }
0x90: {  	s2 =	sld [smem:$0x3FD0];
	(tm) =	ssettm $0x1  }
0x91: {  	s18 =	sld [smem:$0x3FFB];
	_ =	sdelay $0x3  }
0x92: {  	_ =	strace s18  }
0x93: {  	s3 =	sld [smem:$0x3FFC];
	_ =	sdelay $0x3  }
0x94: {  	_ =	strace s3  }
0x95: {  	s3 =	sld [smem:$0x3FFD];
	_ =	sdelay $0x3  }
0x96: {  	_ =	strace s3  }
0x97: {  	_ =	strace $0x8FFFFFFF  }
0x98: {  	s19 =	sld [smem:$0x3FDB];
	_ =	sdelay $0x1  }
0x99: {  	s4 =	simm.s32 $_scs_section_size  }
0x9a: {  	s5 =	simm.s32 $_size__tile_overlayer_lowered;
	s6 =	simm.s32 $_tile_overlayer_lowered  }
0x9b: {  	s22 =	simm.s32 $0x1BFF;
	s21 =	sshll.u32 s6, $0x1;
	s3 =	sadd.s32 s4, s19  }
0x9c: {  	s7 =	simm.s32 $0x0;
	s20 =	sshll.u32 s5, $0x1;
	s5 =	sadd.s32 s21, s3  }
0x9d: {  	[timem:s7], [sflag:s22] =	dma.local [hbm:s5], s20  }
0x9e: {  	_ =	swait.ge [sflag:s22], s20  }
0x9f: {  	s4 =	ssub.s32 $0x0, s20;
	[sflag:s22] =	ssyncset.done $0x0  }
0xa0: {  	[sflag:s22] =	ssyncadd.s32 s4;
	_ =	sdelay $0x1  }
0xa1: {  	s23 =	simm.s32 $0x1B8B  }
0xa2: {  	_ =	swait.ge [sflag:s23], $0x1  }
0xa3: {  	[sflag:s23] =	ssyncset.done $0x0  }
0xa4: {  	s25 =	simm.s32 $0x1B8E;
	s24 =	sld [smem:$0x3FFE];
	[sflag:s23] =	ssyncadd.s32 $0xFFFFFFFF  }
0xa5: {  	s26 =	simm.s32 $execute0_lowered;
	[smem:$0x3FD2] =	sst s25  }
0xa6: {  	s5 =	sshll.u32 s26, $0x1;
	_ =	strace $0x80000046;
	[dreg:$0x1] =	wrdreg $0xFFFFFFFF  }
0xa7: {  	s28 =	simm.s32 $_size_execute0_lowered;
	s3 =	sadd.s32 s3, s5;
	[dreg:$0x0] =	wrdreg $0x0  }
0xa8: {  	s5 =	sshll.u32 s28, $0x1;
	[dreg:$0x2] =	wrdreg s3  }
0xa9: {  	[dreg:$0x3] =	wrdreg s5  }
0xaa: {  	[dreg:$0x4] =	wrdreg $0xC0  }
0xab: {  	_ =	task [dreg:s7], $0x5FFFF  }
0xac: {  	[dreg:$0x1] =	wrdreg $0xFFFFFFFF  }
0xad: {  	[dreg:$0x0] =	wrdreg $0x60  }
0xae: {  	[dreg:$0x2] =	wrdreg s2  }
0xaf: {  	[dreg:$0x3] =	wrdreg s24  }
0xb0: {  	[dreg:$0x4] =	wrdreg $0x0  }
0xb1: {  	[dreg:$0x5] =	wrdreg $0x9  }
0xb2: {  	_ =	task.clear_ibuf [dreg:s7], $0x6FFFF;
	_ =	strace $0x90000046  }
0xb3: {  	s29 =	simm.s32 $0x9;
	_ =	strace $0x80000048  }
0xb4: {  	_ =	swait.ge [sflag:s29], $0x1  }
0xb5: {  	[sflag:s29] =	ssyncadd.s32 $0xFFFFFFFF  }
0xb6: {  	_ =	strace $0x90000048  }
0xb7: {  	_ =	sfence  }
0xb8: {  	s30 =	sld [smem:$0x0];
	_ =	sdelay $0x2  }
0xb9: {  	s31 =	sshll.u32 s1, $0xD;
	s1 =	sshrl.u32 s1, $0x2  }
0xba: {  	s3 =	sand.u32 $0x4000, s31;
	s1 =	sadd.s32 s1, s30  }
0xbb: {  	s0 =	sor.u32 s3, s0;
	s1 =	sshll.u32 s1, $0x11  }
0xbc: {  	s0 =	sor.u32 s1, s0  }
0xbd: {  	s0 =	sadd.s32 $0x8F2B, s0  }
0xbe: {  	[sflag:s0] =	ssyncadd.remote.s32 $0x1  }
0xbf: {  	_ =	sfence.sel $0xFFFF  }
0xc0: {  	[dreg:$0x0] =	wrdreg $0xFFFFFFFF;
	(pc) =	sbr.abs _section_cstart, $3  }
0xc1: {  	[dreg:$0x1] =	wrdreg $0xFFFFFFFF  }
0xc2: {  	_ =	task.clear_ibuf [dreg:s7], $0x2FFFF;
	_ =	strace $0x9FFFFFFF  }
0xc3: {  	(tm) =	ssettm $0x7FFFFFFF  }
tec
execute0_lowered:
.L_overlay_start_1:
0x0: {  	(tag) =	ssettag $0x1  }
0x1: {  	s5 =	rddreg [dreg:$0x0]  }
0x2: {  	s6 =	rddreg [dreg:$0x1]  }
0x3: {  	s1 =	rddreg [dreg:$0x2]  }
0x4: {  	s0 =	rddreg [dreg:$0x3];
	s2 =	simm.s32 $0x0;
	s3 =	srdreg.scid  }
0x5: {  	s11 =	stileid.u32;
	s13 =	simm.s32 $0x2A78;
	s14 =	simm.s32 $0x2AF8  }
0x6: {  	s15 =	simm.s32 $0x80;
	s16 =	simm.s32 $0x2;
	s17 =	simm.s32 $0x1  }
0x7: {  	s19 =	simm.s32 $0x0;
	[smem:$0x7FF] =	sst s2;
	s10 =	sand.u32 $0x1, s3  }
0x8: {  	s3 =	sadd.s32 $0x1C00, s6;
	s4 =	sadd.s32 $0x2200, s6;
	s30 =	sshll.u32 s11, $0x4  }
0x9: {  	p0 =	sne.s32 s11, $0x0;
	_ =	strace $0x80000047;
	s7 =	sshll.u32 s10, $0x4  }
0xa: {  	s29 =	ssub.s32 $0x2, s10;
	s12 =	sadd.s32 s30, s5;
	s10 =	sshll.u32 s10, $0x8  }
0xb: {  	s8 =	sadd.s32 s7, s6;
	s9 =	sshrl.u32 s29, $0x1;
	s18 =	sor.u32 s11, s7  }
0xc: {  	s6 =	sadd.s32 $0x9C00, s12;
	s10 =	sadd.s32 s10, s12;
	s11 =	simm.s32 $0x29F8  }
0xd: {  	s12 =	simm.s32 $0x3;
	s9 =	ssub.s32 s29, s9;
	s31 =	sshll.u32 s18, $0x4  }
0xe: {  	s7 =	sadd.s32 $0x2400, s8;
	p1 =	sgt.u32 s18, $0x3;
	s5 =	sadd.s32 s5, s31  }
0xf: {  	s18 =	sshrl.u32 @!p0 s1, $0x3;
	s8 =	smax.u32 s9, $0x1;
	s9 =	sadd.s32 $0x9A00, s5  }
.LBB2_1:
0x10: {  	s20 =	simm.s32 @!p0 $0x0;
	s21 =	simm.s32 @!p0 $0x278  }
0x11: {  	[tilespmem:s21], [sflag:$0x3] =	stream.linear.gather @!p0 [hbm4b:s3+s20], $0x2780, $0x38;
	[tilespmem:$0x2B78] =	vst v63  }
0x12: {  	s20 =	simm.s32 @!p0 $0x3  }
0x13: {  	_ =	swait.ge @!p0 [sflag:s20], $0x2780  }
0x14: {  	[sflag:s20] =	ssyncset.done @!p0 $0x0  }
0x15: {  	[sflag:s20] =	ssyncadd.s32 @!p0 $0xFFFFD880  }
0x16: {  	[spmem:s1] =	stream.linear.scatter @!p0 [tilespmem:s21], [sflag:$0x3], $0x2780, $0x38;
	[tilespmem:$0x2B78] =	vst v63  }
0x17: {  	_ =	swait.ge @!p0 [sflag:s20], $0x2780  }
0x18: {  	[sflag:s20] =	ssyncset.done @!p0 $0x0  }
0x19: {  	[sflag:s20] =	ssyncadd.s32 @!p0 $0xFFFFD880  }
0x1a: {  	[tilespmem:s11], [sflag:$0x3] =	stream.linear.gather [hbm4b:s4+s2], $0x80, $0x38;
	[tilespmem:$0x2B78] =	vst v63  }
0x1b: {  	_ =	swait.ge [sflag:s12], $0x80  }
0x1c: {  	[sflag:s12] =	ssyncset.done $0x0  }
0x1d: {  	[sflag:s12] =	ssyncadd.s32 $0xFFFFFF80  }
0x1e: {  	[bflag:$0x0] =	sbarrier.arrive $0xFFFF  }
0x1f: {  	[tilespmem:s13], [sflag:$0x3] =	stream.linear.gather [hbm4b:s5+s2], $0x80, $0x38;
	[tilespmem:$0x2B78] =	vst v63  }
0x20: {  	_ =	swait.ge [sflag:s12], $0x80  }
0x21: {  	s30 =	sadd.s32 $0xFFFF6800, s10;
	[sflag:s12] =	ssyncset.done $0x0  }
0x22: {  	s31 =	sadd.s32 $0x9A00, s30;
	[sflag:s12] =	ssyncadd.s32 $0xFFFFFF80  }
0x23: {  	[tilespmem:s14], [sflag:$0x2] =	stream.linear.gather [hbm4b:s31+s2], $0x80, $0x38;
	[tilespmem:$0x2B78] =	vst v63  }
0x24: {  	_ = 	snop  }
0x25: {  	[spmem:s1] =	stream.indirect.scatter.add.f32 [tilespmem:s11], [sflag:$0x3], $0x1, s13, s15, $0xb8;
	[tilespmem:$0x2B78] =	vst v63  }
0x26: {  	_ =	swait.ge [sflag:s12], $0x80  }
0x27: {  	[sflag:s12] =	ssyncset.done $0x0  }
0x28: {  	s20 =	sadd.s32 $0x9C00, s30;
	[sflag:s12] =	ssyncadd.s32 $0xFFFFFF80  }
0x29: {  	[tilespmem:s13], [sflag:$0x1] =	stream.linear.gather [hbm4b:s20+s2], $0x80, $0x38;
	[tilespmem:$0x2B78] =	vst v63  }
0x2a: {  	_ =	swait.ge [sflag:s16], $0x80  }
0x2b: {  	[sflag:s16] =	ssyncset.done $0x0  }
0x2c: {  	[sflag:s16] =	ssyncadd.s32 $0xFFFFFF80  }
0x2d: {  	[spmem:s1] =	stream.indirect.scatter.add.f32 [tilespmem:s11], [sflag:$0x3], $0x1, s14, s15, $0xb8;
	[tilespmem:$0x2B78] =	vst v63  }
0x2e: {  	_ =	swait.ge [sflag:s12], $0x80  }
0x2f: {  	[sflag:s12] =	ssyncset.done $0x0  }
0x30: {  	[sflag:s12] =	ssyncadd.s32 $0xFFFFFF80  }
0x31: {  	_ =	swait.ge [sflag:s17], $0x80  }
0x32: {  	s21 =	simm.s32 $0xFFFF7000;
	s20 =	sadd.s32 $0xFFFF6C00, s10;
	[sflag:s17] =	ssyncset.done $0x0  }
.LBB2_2:
0x33: {  	s22 =	sadd.s32 $0x9A00, s20  }
0x34: {  	[sflag:s17] =	ssyncadd.s32 $0xFFFFFF80;
	s23 =	smov.u32 s21;
	s24 =	sadd.s32 $0x400, s21  }
0x35: {  	[tilespmem:s14], [sflag:$0x2] =	stream.linear.gather [hbm4b:s22+s2], $0x80, $0x38;
	[tilespmem:$0x2B78] =	vst v63  }
0x36: {  	p2 =	sne.s32 s21, $0xFFFFFC00  }
0x37: {  	[spmem:s1] =	stream.indirect.scatter.add.f32 [tilespmem:s11], [sflag:$0x3], $0x1, s13, s15, $0xb8;
	[tilespmem:$0x2B78] =	vst v63  }
0x38: {  	_ =	swait.ge [sflag:s12], $0x80  }
0x39: {  	[sflag:s12] =	ssyncset.done $0x0  }
0x3a: {  	s20 =	sadd.s32 $0x9C00, s20;
	[sflag:s12] =	ssyncadd.s32 $0xFFFFFF80  }
0x3b: {  	[tilespmem:s13], [sflag:$0x1] =	stream.linear.gather [hbm4b:s20+s2], $0x80, $0x38;
	[tilespmem:$0x2B78] =	vst v63  }
0x3c: {  	_ =	swait.ge [sflag:s16], $0x80  }
0x3d: {  	[sflag:s16] =	ssyncset.done $0x0  }
0x3e: {  	[sflag:s16] =	ssyncadd.s32 $0xFFFFFF80  }
0x3f: {  	[spmem:s1] =	stream.indirect.scatter.add.f32 [tilespmem:s11], [sflag:$0x3], $0x1, s14, s15, $0xb8;
	[tilespmem:$0x2B78] =	vst v63  }
.Ltmp0:
0x40: {  	_ =	swait.ge [sflag:s12], $0x80;
	(pc) =	sbr.rel @p2 .LBB2_2-.Ltmp0, $4  }
0x41: {  	[sflag:s12] =	ssyncset.done $0x0  }
0x42: {  	[sflag:s12] =	ssyncadd.s32 $0xFFFFFF80  }
0x43: {  	_ =	swait.ge [sflag:s17], $0x80  }
0x44: {  	s21 =	smov.u32 s24;
	s20 =	sadd.s32 s23, s10;
	[sflag:s17] =	ssyncset.done $0x0  }
0x45: {  	s21 =	sadd.s32 $0x9A00, s20;
	[sflag:s17] =	ssyncadd.s32 $0xFFFFFF80  }
0x46: {  	[tilespmem:s14], [sflag:$0x2] =	stream.linear.gather [hbm4b:s21+s2], $0x80, $0x38;
	[tilespmem:$0x2B78] =	vst v63  }
0x47: {  	_ = 	snop  }
0x48: {  	[spmem:s1] =	stream.indirect.scatter.add.f32 [tilespmem:s11], [sflag:$0x3], $0x1, s13, s15, $0xb8;
	[tilespmem:$0x2B78] =	vst v63  }
0x49: {  	_ =	swait.ge [sflag:s12], $0x80  }
0x4a: {  	[sflag:s12] =	ssyncset.done $0x0  }
0x4b: {  	s31 =	sadd.s32 $0x9C00, s20;
	[sflag:s12] =	ssyncadd.s32 $0xFFFFFF80  }
0x4c: {  	[tilespmem:s13], [sflag:$0x1] =	stream.linear.gather [hbm4b:s31+s2], $0x80, $0x38;
	[tilespmem:$0x2B78] =	vst v63  }
0x4d: {  	_ =	swait.ge [sflag:s16], $0x80  }
0x4e: {  	[sflag:s16] =	ssyncset.done $0x0  }
0x4f: {  	[sflag:s16] =	ssyncadd.s32 $0xFFFFFF80  }
0x50: {  	[spmem:s1] =	stream.indirect.scatter.add.f32 [tilespmem:s11], [sflag:$0x3], $0x1, s14, s15, $0xb8;
	[tilespmem:$0x2B78] =	vst v63  }
0x51: {  	_ =	swait.ge [sflag:s12], $0x80  }
0x52: {  	[sflag:s12] =	ssyncset.done $0x0  }
0x53: {  	[sflag:s12] =	ssyncadd.s32 $0xFFFFFF80  }
0x54: {  	_ =	swait.ge [sflag:s17], $0x80  }
0x55: {  	[sflag:s17] =	ssyncset.done $0x0  }
0x56: {  	[sflag:s17] =	ssyncadd.s32 $0xFFFFFF80  }
0x57: {  	[tilespmem:s14], [sflag:$0x2] =	stream.linear.gather [hbm4b:s9+s2], $0x80, $0x38;
	[tilespmem:$0x2B78] =	vst v63  }
0x58: {  	_ = 	snop  }
0x59: {  	[spmem:s1] =	stream.indirect.scatter.add.f32 [tilespmem:s11], [sflag:$0x3], $0x1, s13, s15, $0xb8;
	[tilespmem:$0x2B78] =	vst v63  }
0x5a: {  	_ =	swait.ge [sflag:s12], $0x80  }
0x5b: {  	[sflag:s12] =	ssyncset.done $0x0  }
0x5c: {  	[sflag:s12] =	ssyncadd.s32 $0xFFFFFF80  }
0x5d: {  	_ =	swait.ge [sflag:s16], $0x80  }
0x5e: {  	[sflag:s16] =	ssyncset.done $0x0  }
0x5f: {  	[sflag:s16] =	ssyncadd.s32 $0xFFFFFF80  }
0x60: {  	[spmem:s1] =	stream.indirect.scatter.add.f32 [tilespmem:s11], [sflag:$0x3], $0x1, s14, s15, $0xb8;
	[tilespmem:$0x2B78] =	vst v63  }
0x61: {  	_ =	swait.ge [sflag:s12], $0x80  }
0x62: {  	[sflag:s12] =	ssyncset.done $0x0  }
0x63: {  	s20 =	simm.s32 @!p1 $0x0;
	s21 =	simm.s32 @!p1 $0x2A78;
	[sflag:s12] =	ssyncadd.s32 $0xFFFFFF80  }
0x64: {  	[tilespmem:s21], [sflag:$0x3] =	stream.linear.gather @!p1 [hbm4b:s6+s20], $0x80, $0x38;
	[tilespmem:$0x2B78] =	vst v63  }
0x65: {  	s20 =	simm.s32 @!p1 $0x3  }
0x66: {  	_ =	swait.ge @!p1 [sflag:s20], $0x80  }
0x67: {  	[sflag:s20] =	ssyncset.done @!p1 $0x0  }
0x68: {  	s22 =	simm.s32 @!p1 $0x80;
	s23 =	simm.s32 @!p1 $0x29F8;
	[sflag:s20] =	ssyncadd.s32 @!p1 $0xFFFFFF80  }
0x69: {  	[spmem:s1] =	stream.indirect.scatter.add.f32 @!p1 [tilespmem:s23], [sflag:$0x3], $0x1, s21, s22, $0xb8;
	[tilespmem:$0x2B78] =	vst v63  }
0x6a: {  	s19 =	sadd.s32 $0x1, s19;
	_ =	swait.ge @!p1 [sflag:s20], $0x80  }
0x6b: {  	p2 =	sne.s32 s19, s8;
	[sflag:s20] =	ssyncset.done @!p1 $0x0  }
0x6c: {  	s21 =	simm.s32 @!p0 $0x20;
	s22 =	simm.s32 @!p0 $0x10;
	[sflag:s20] =	ssyncadd.s32 @!p1 $0xFFFFFF80  }
0x6d: {  	s23 =	simm.s32 @!p0 $0x1C03;
	s20 =	simm.s32 @!p0 $0x1;
	[bflag:$0x0] =	sbarrier.arrive $0xFFFF  }
0x6e: {  	[hbm:s7@s21], [sflag:s23] =	dma.strided @!p0 [spmem:s18@s22], $0x4F0, s20, $0x10   }
.Ltmp1:
0x6f: {  	_ = 	snop;
	(pc) =	sbr.rel @p2 .LBB2_1-.Ltmp1, $4  }
0x70: {  	s20 =	simm.s32 @!p0 $0x3  }
0x71: {  	_ =	swait.ge @!p0 [sflag:s20], $0x4F0  }
0x72: {  	[sflag:s20] =	ssyncset.done @!p0 $0x0  }
0x73: {  	[sflag:s20] =	ssyncadd.s32 @!p0 $0xFFFFFB10  }
0x74: {  	_ =	sfence.sel $0x180000  }
0x75: {  	[bflag:$0x0] =	sbarrier.arrive $0xFFFF  }
0x76: {  	_ =	strace $0x90000047  }
0x77: {  	s0 =	sadd.s32 @!p0 $0x100000, s0;
	[bflag:$0x2] =	sbarrier.arrive $0xFFFF  }
0x78: {  	[sflag:s0] =	ssyncadd.tile.s32 @!p0 $0x1;
	_ =	shalt  }
.Lfunc_end2:
_tile_overlayer_lowered:
.L_overlay_start_2:
0x79: {  	(tag) =	ssettag $0x2  }
0x7a: {  	s0 =	rddreg [dreg:$0x0];
	s2 =	stileid.u32  }
0x7b: {  	s1 =	rddreg [dreg:$0x1];
	p0 =	sne.s32 s2, $0x0  }
0x7c: {  	s3 =	rddreg [dreg:$0x2];
	[bflag:$0x3] =	sbarrier.arrive $0xFFFF;
	s2 =	simm.s32 @!p0 $0x1C03  }
0x7d: {  	[timem:s3], [sflag:s2] =	dma.local @!p0 [hbm:s0], s1  }
0x7e: {  	s0 =	simm.s32 @!p0 $0x3  }
0x7f: {  	_ =	swait.ge @!p0 [sflag:s0], s1  }
0x80: {  	s1 =	ssub.s32 @!p0 $0x0, s1;
	[sflag:s0] =	ssyncset.done @!p0 $0x0  }
0x81: {  	[sflag:s0] =	ssyncadd.s32 @!p0 s1  }
0x82: {  	[bflag:$0x3] =	sbarrier.arrive $0xFFFF  }
0x83: {  	_ =	shalt  }

</sc_bundles>
